<compile_context>
chip_gen: v7x
topology: tpu7x:2x2x1
jax: 0.10.2.dev20260603
libtpu: 0.0.44.dev20260713+nightly
codegen_flags: <defaults>
</compile_context>

<pallas_src>
import functools

import jax
import jax.numpy as jnp
from jax import lax
from jax.experimental import pallas as pl
from jax.experimental.pallas import tpu as pltpu
from jax.experimental.pallas import tpu_sc as plsc

N_NODES = 10000
N_EDGES = 320000
NODE_DIM = 128
EDGE_DIM = 64
HIDDEN = 128

NC = 2
NS = 16
NW = NC * NS

GWIN = 128
HALVES = 2
E_HALF = N_EDGES // HALVES



def _proj_body(n_ref, ws_ref, wd_ref, b1_ref, ps_ref, pd_ref):
    n = n_ref[...]
    ps_ref[...] = jnp.dot(n, ws_ref[...], preferred_element_type=jnp.float32) + b1_ref[...]
    pd_ref[...] = jnp.dot(n, wd_ref[...], preferred_element_type=jnp.float32)


def _proj(n, ws, wd, b1):
    R = 2000
    return pl.pallas_call(
        _proj_body,
        grid=(N_NODES // R,),
        in_specs=[
            pl.BlockSpec((R, NODE_DIM), lambda i: (i, 0)),
            pl.BlockSpec((NODE_DIM, HIDDEN), lambda i: (0, 0)),
            pl.BlockSpec((NODE_DIM, HIDDEN), lambda i: (0, 0)),
            pl.BlockSpec((1, HIDDEN), lambda i: (0, 0)),
        ],
        out_specs=[
            pl.BlockSpec((R, HIDDEN), lambda i: (i, 0)),
            pl.BlockSpec((R, HIDDEN), lambda i: (i, 0)),
        ],
        out_shape=[
            jax.ShapeDtypeStruct((N_NODES, HIDDEN), jnp.float32),
            jax.ShapeDtypeStruct((N_NODES, HIDDEN), jnp.float32),
        ],
    )(n, ws, wd, b1)


def _edge_body(e_ref, gs_ref, gd_ref, w1_ref, w2_ref, b2_ref, o_ref):
    e = e_ref[...][:, :EDGE_DIM]
    h = jnp.dot(e, w1_ref[...], preferred_element_type=jnp.float32)
    h = jnp.maximum(h + gs_ref[...] + gd_ref[...], 0.0)
    o = e + jnp.dot(h, w2_ref[...], preferred_element_type=jnp.float32) + b2_ref[...]
    o_ref[...] = jnp.concatenate([o, jnp.zeros_like(o)], axis=1)


def _edge_mlp(e, gs, gd, w1e, w2, b2, e_row_base):
    R = 3200
    ew = e.shape[1]
    eb = e_row_base // R
    return pl.pallas_call(
        _edge_body,
        grid=(E_HALF // R,),
        in_specs=[
            pl.BlockSpec((R, ew), lambda i: (i + eb, 0)),
            pl.BlockSpec((R, HIDDEN), lambda i: (i, 0)),
            pl.BlockSpec((R, HIDDEN), lambda i: (i, 0)),
            pl.BlockSpec((EDGE_DIM, HIDDEN), lambda i: (0, 0)),
            pl.BlockSpec((HIDDEN, EDGE_DIM), lambda i: (0, 0)),
            pl.BlockSpec((1, EDGE_DIM), lambda i: (0, 0)),
        ],
        out_specs=pl.BlockSpec((R, 2 * EDGE_DIM), lambda i: (i, 0)),
        out_shape=jax.ShapeDtypeStruct((E_HALF, 2 * EDGE_DIM), jnp.float32),
    )(e, gs, gd, w1e, w2, b2)


def _node_mlp(n, aggs, w1n, w1a, b1, w2, b2):
    R = 2000
    na = len(aggs)

    def body(*refs):
        n_ref = refs[0]
        a_refs = refs[1:1 + na]
        w1n_ref, w1a_ref, b1_ref, w2_ref, b2_ref, o_ref = refs[1 + na:]
        n = n_ref[...]
        agg = a_refs[0][...]
        for a in a_refs[1:]:
            agg = agg + a[...]
        h = (jnp.dot(n, w1n_ref[...], preferred_element_type=jnp.float32)
             + jnp.dot(agg, w1a_ref[...], preferred_element_type=jnp.float32)
             + b1_ref[...])
        h = jnp.maximum(h, 0.0)
        o_ref[...] = n + jnp.dot(h, w2_ref[...], preferred_element_type=jnp.float32) + b2_ref[...]

    return pl.pallas_call(
        body,
        grid=(N_NODES // R,),
        in_specs=[pl.BlockSpec((R, NODE_DIM), lambda i: (i, 0))]
        + [pl.BlockSpec((R, 2 * EDGE_DIM), lambda i: (i, 0))] * na
        + [
            pl.BlockSpec((NODE_DIM, HIDDEN), lambda i: (0, 0)),
            pl.BlockSpec((2 * EDGE_DIM, HIDDEN), lambda i: (0, 0)),
            pl.BlockSpec((1, HIDDEN), lambda i: (0, 0)),
            pl.BlockSpec((HIDDEN, NODE_DIM), lambda i: (0, 0)),
            pl.BlockSpec((1, NODE_DIM), lambda i: (0, 0)),
        ],
        out_specs=pl.BlockSpec((R, NODE_DIM), lambda i: (i, 0)),
        out_shape=jax.ShapeDtypeStruct((N_NODES, NODE_DIM), jnp.float32),
    )(n, *aggs, w1n, w1a, b1, w2, b2)



@functools.cache
def _sc_kernels(base_row):
    mesh = plsc.VectorSubcoreMesh(core_axis_name="c", subcore_axis_name="s")
    grid = E_HALF // GWIN

    gather_scratch = []
    for _ in range(2):
        gather_scratch += [
            pltpu.VMEM((GWIN,), jnp.int32),
            pltpu.VMEM((GWIN,), jnp.int32),
            pltpu.VMEM((GWIN, HIDDEN), jnp.float32),
            pltpu.VMEM((GWIN, HIDDEN), jnp.float32),
        ] + [pltpu.SemaphoreType.DMA] * 6

    S = grid // NW
    REM = grid - S * NW

    @functools.partial(
        pl.kernel,
        out_type=(
            jax.ShapeDtypeStruct((E_HALF, HIDDEN), jnp.float32),
            jax.ShapeDtypeStruct((E_HALF, HIDDEN), jnp.float32),
        ),
        mesh=mesh,
        scratch_types=gather_scratch,
    )
    def sc_gather2(ps_hbm, pd_hbm, src_hbm, dst_hbm, gs_hbm, gd_hbm, *scr):
        c = lax.axis_index("c")
        s = lax.axis_index("s")
        wid = s * NC + c
        bufs = (scr[:10], scr[10:])

        def row(j):
            return (j * NW + wid) * GWIN

        def issue_idx(j, buf):
            si_v, di_v = buf[0], buf[1]
            ssi, sdi = buf[4], buf[5]
            pltpu.async_copy(src_hbm.at[pl.ds(base_row + row(j), GWIN)], si_v, ssi)
            pltpu.async_copy(dst_hbm.at[pl.ds(base_row + row(j), GWIN)], di_v, sdi)

        def wait_idx(j, buf):
            pltpu.make_async_copy(
                src_hbm.at[pl.ds(base_row + row(j), GWIN)], buf[0], buf[4]).wait()
            pltpu.make_async_copy(
                dst_hbm.at[pl.ds(base_row + row(j), GWIN)], buf[1], buf[5]).wait()

        def issue_gather(buf):
            pltpu.async_copy(ps_hbm.at[buf[0]], buf[2], buf[6])
            pltpu.async_copy(pd_hbm.at[buf[1]], buf[3], buf[7])

        def wait_gather(buf):
            pltpu.make_async_copy(ps_hbm.at[buf[0]], buf[2], buf[6]).wait()
            pltpu.make_async_copy(pd_hbm.at[buf[1]], buf[3], buf[7]).wait()

        def issue_wb(j, buf):
            pltpu.async_copy(buf[2], gs_hbm.at[pl.ds(row(j), GWIN)], buf[8])
            pltpu.async_copy(buf[3], gd_hbm.at[pl.ds(row(j), GWIN)], buf[9])

        def wait_wb(j, buf):
            pltpu.make_async_copy(buf[2], gs_hbm.at[pl.ds(row(j), GWIN)], buf[8]).wait()
            pltpu.make_async_copy(buf[3], gd_hbm.at[pl.ds(row(j), GWIN)], buf[9]).wait()

        issue_idx(0, bufs[0])
        issue_idx(1, bufs[1])

        @pl.loop(0, (S + 1) // 2)
        def _(i):
            for b in range(2):
                j = 2 * i + b
                buf = bufs[b]

                @pl.when(j < S)
                def _():
                    wait_idx(j, buf)

                    @pl.when(j >= 2)
                    def _():
                        wait_wb(j - 2, buf)

                    issue_gather(buf)
                    wait_gather(buf)
                    issue_wb(j, buf)

                    @pl.when(j + 2 < S)
                    def _():
                        issue_idx(j + 2, buf)

        wait_wb(S - 2, bufs[(S - 2) % 2])
        wait_wb(S - 1, bufs[(S - 1) % 2])

        if REM:
            @pl.when(wid < REM)
            def _():
                k = (S * NW + wid) * GWIN
                buf = bufs[0]
                pltpu.sync_copy(src_hbm.at[pl.ds(base_row + k, GWIN)], buf[0])
                pltpu.sync_copy(dst_hbm.at[pl.ds(base_row + k, GWIN)], buf[1])
                pltpu.sync_copy(ps_hbm.at[buf[0]], buf[2])
                pltpu.sync_copy(pd_hbm.at[buf[1]], buf[3])
                pltpu.sync_copy(buf[2], gs_hbm.at[pl.ds(k, GWIN)])
                pltpu.sync_copy(buf[3], gd_hbm.at[pl.ds(k, GWIN)])

    @functools.partial(
        pl.kernel,
        out_type=jax.ShapeDtypeStruct((NC, N_NODES, 2 * EDGE_DIM), jnp.float32),
        mesh=mesh,
        scratch_types=[
            pltpu.VMEM_SHARED((N_NODES, 2 * EDGE_DIM), jnp.float32),
            pltpu.VMEM((GWIN,), jnp.int32),
            pltpu.VMEM((GWIN, 2 * EDGE_DIM), jnp.float32),
            pltpu.VMEM((GWIN,), jnp.int32),
            pltpu.VMEM((GWIN, 2 * EDGE_DIM), jnp.float32),
            pltpu.SemaphoreType.DMA,
            pltpu.SemaphoreType.DMA,
            pltpu.SemaphoreType.DMA,
            pltpu.SemaphoreType.DMA,
        ],
    )
    def sc_scatter_add(e_hbm, dst_hbm, zero_hbm, out_hbm, acc_sh,
                       idx0_v, rows0_v, idx1_v, rows1_v,
                       si0, sr0, si1, sr1):
        c = lax.axis_index("c")
        s = lax.axis_index("s")
        wid = s * NC + c
        rows = 624
        tail_off = NS * rows
        tail = N_NODES - tail_off

        pltpu.sync_copy(zero_hbm.at[pl.ds(s * rows, rows)],
                        acc_sh.at[pl.ds(s * rows, rows)])

        @pl.when(s == 0)
        def _():
            pltpu.sync_copy(zero_hbm.at[pl.ds(tail_off, tail)],
                            acc_sh.at[pl.ds(tail_off, tail)])

        plsc.subcore_barrier()

        bufs = ((idx0_v, rows0_v, si0, sr0), (idx1_v, rows1_v, si1, sr1))

        def row(j):
            return (j * NW + wid) * GWIN

        def issue_loads(j, buf):
            pltpu.async_copy(dst_hbm.at[pl.ds(base_row + row(j), GWIN)], buf[0], buf[2])
            pltpu.async_copy(e_hbm.at[pl.ds(row(j), GWIN)], buf[1], buf[3])

        def wait_loads(j, buf):
            pltpu.make_async_copy(
                dst_hbm.at[pl.ds(base_row + row(j), GWIN)], buf[0], buf[2]).wait()
            pltpu.make_async_copy(
                e_hbm.at[pl.ds(row(j), GWIN)], buf[1], buf[3]).wait()

        issue_loads(0, bufs[0])
        issue_loads(1, bufs[1])

        @pl.loop(0, (S + 1) // 2)
        def _(i):
            for b in range(2):
                j = 2 * i + b
                buf = bufs[b]

                @pl.when(j < S)
                def _():
                    wait_loads(j, buf)
                    pltpu.sync_copy(buf[1], acc_sh.at[buf[0]], add=True)

                    @pl.when(j + 2 < S)
                    def _():
                        issue_loads(j + 2, buf)

        if REM:
            @pl.when(wid < REM)
            def _():
                k = (S * NW + wid) * GWIN
                buf = bufs[0]
                pltpu.sync_copy(dst_hbm.at[pl.ds(base_row + k, GWIN)], buf[0])
                pltpu.sync_copy(e_hbm.at[pl.ds(k, GWIN)], buf[1])
                pltpu.sync_copy(buf[1], acc_sh.at[buf[0]], add=True)

        plsc.subcore_barrier()
        pltpu.sync_copy(acc_sh.at[pl.ds(s * rows, rows)],
                        out_hbm.at[c].at[pl.ds(s * rows, rows)])

        @pl.when(s == 0)
        def _():
            pltpu.sync_copy(acc_sh.at[pl.ds(tail_off, tail)],
                            out_hbm.at[c].at[pl.ds(tail_off, tail)])

    return sc_gather2, sc_scatter_add



def kernel(node_features, edge_features, edge_index, We1, be1, We2, be2,
           Wn1, bn1, Wn2, bn2):
    n = node_features
    src = edge_index[0].astype(jnp.int32)
    dst = edge_index[1].astype(jnp.int32)
    zero = jnp.zeros((N_NODES, 2 * EDGE_DIM), jnp.float32)
    e_halves = [edge_features] * HALVES
    e_bases = [h * E_HALF for h in range(HALVES)]
    L = We1.shape[0]
    for l in range(L):
        w1e = We1[l, :EDGE_DIM]
        w1s = We1[l, EDGE_DIM:EDGE_DIM + NODE_DIM]
        w1d = We1[l, EDGE_DIM + NODE_DIM:]
        b1 = be1[l].reshape(1, HIDDEN)
        w2 = We2[l]
        b2 = be2[l].reshape(1, EDGE_DIM)
        w1a = jnp.pad(Wn1[l, NODE_DIM:], ((0, EDGE_DIM), (0, 0)))

        ps, pd = _proj(n, w1s, w1d, b1)
        new_e, aggs = [], []
        for h in range(HALVES):
            sc_gather2, sc_scatter_add = _sc_kernels(h * E_HALF)
            gs, gd = sc_gather2(ps, pd, src, dst)
            eh = _edge_mlp(e_halves[h], gs, gd, w1e, w2, b2, e_bases[h])
            agg = sc_scatter_add(eh, dst, zero)
            new_e.append(eh)
            aggs += [agg[0], agg[1]]
        e_halves = new_e
        e_bases = [0] * HALVES
        n = _node_mlp(n, aggs, Wn1[l, :NODE_DIM], w1a,
                      bn1[l].reshape(1, HIDDEN), Wn2[l],
                      bn2[l].reshape(1, NODE_DIM))
    return n

# --- scband reference (transcript-rebuilt; emitter-appended) ---
"""Pipeline reference for scband-graph-cast-model-69621419868958 (READ-ONLY COPY).

The authoritative reference and input builder live on the scoring server;
editing this copy changes nothing except your own understanding.
"""

import jax, jax.numpy as jnp
import numpy as np

N_NODES = 10000
N_EDGES = 320000
NODE_DIM = 128
EDGE_DIM = 64
HIDDEN = 128
N_LAYERS = 2


def setup_inputs(seed: int = 0) -> dict:
    key = jax.random.key(seed)
    ks = jax.random.split(key, 16)
    node_features = jax.random.normal(ks[0], (N_NODES, NODE_DIM), dtype=jnp.float32)
    edge_features = jax.random.normal(ks[1], (N_EDGES, EDGE_DIM), dtype=jnp.float32)
    edge_index = jax.random.randint(ks[2], (2, N_EDGES), 0, N_NODES, dtype=jnp.int64)
    s = 0.02
    # Per-layer interaction-network MLP params, stacked over layers.
    We1 = jax.random.normal(ks[3], (N_LAYERS, EDGE_DIM + 2 * NODE_DIM, HIDDEN), dtype=jnp.float32) * s
    be1 = jnp.zeros((N_LAYERS, HIDDEN), dtype=jnp.float32)
    We2 = jax.random.normal(ks[4], (N_LAYERS, HIDDEN, EDGE_DIM), dtype=jnp.float32) * s
    be2 = jnp.zeros((N_LAYERS, EDGE_DIM), dtype=jnp.float32)
    Wn1 = jax.random.normal(ks[5], (N_LAYERS, NODE_DIM + EDGE_DIM, HIDDEN), dtype=jnp.float32) * s
    bn1 = jnp.zeros((N_LAYERS, HIDDEN), dtype=jnp.float32)
    Wn2 = jax.random.normal(ks[6], (N_LAYERS, HIDDEN, NODE_DIM), dtype=jnp.float32) * s
    bn2 = jnp.zeros((N_LAYERS, NODE_DIM), dtype=jnp.float32)
    return {
        "node_features": node_features,
        "edge_features": edge_features,
        "edge_index": edge_index,
        "We1": We1, "be1": be1, "We2": We2, "be2": be2,
        "Wn1": Wn1, "bn1": bn1, "Wn2": Wn2, "bn2": bn2,
    }


def reference(node_features, edge_features, edge_index, We1, be1, We2, be2, Wn1, bn1, Wn2, bn2):
    # GraphCastProcessor: n_layers of interaction-network message passing with
    # residual edge and node updates (GraphCast GraphNetwork core).
    n = node_features
    e = edge_features
    src = edge_index[0]
    dst = edge_index[1]
    N = n.shape[0]
    L = We1.shape[0]
    for l in range(L):
        # Edge update: MLP(edge, src_node, dst_node) with residual
        s_feat = jnp.take(n, src, axis=0)
        d_feat = jnp.take(n, dst, axis=0)
        ein = jnp.concatenate([e, s_feat, d_feat], axis=-1)
        h = jax.nn.relu(ein @ We1[l] + be1[l])
        e = e + (h @ We2[l] + be2[l])
        # Aggregate incoming edge messages per destination node (scatter-add)
        agg = jax.ops.segment_sum(e, dst, num_segments=N)
        # Node update: MLP(node, aggregated_messages) with residual
        nin = jnp.concatenate([n, agg], axis=-1)
        h2 = jax.nn.relu(nin @ Wn1[l] + bn1[l])
        n = n + (h2 @ Wn2[l] + bn2[l])
    return n

if __name__ == "__main__":
    import jax
    _d = setup_inputs()
    print(jax.jit(kernel)(*tuple(_d.values())))

</pallas_src>

<mosaic_0001>
#map = affine_map<(d0, d1) -> (0, 0)>
#map1 = affine_map<(d0, d1) -> (0)>
module attributes {stable_mosaic.version = 14 : i64} {
  func.func @sc_gather2(%arg0: i32, %arg1: i32, %arg2: memref<10000x128xf32, #tpu.memory_space<hbm>>, %arg3: memref<10000x128xf32, #tpu.memory_space<hbm>>, %arg4: memref<320000xi32, #tpu.memory_space<hbm>>, %arg5: memref<320000xi32, #tpu.memory_space<hbm>>, %arg6: memref<160000x128xf32, #tpu.memory_space<hbm>>, %arg7: memref<160000x128xf32, #tpu.memory_space<hbm>>, %arg8: memref<128xi32, #tpu.memory_space<vmem>>, %arg9: memref<128xi32, #tpu.memory_space<vmem>>, %arg10: memref<128x128xf32, #tpu.memory_space<vmem>>, %arg11: memref<128x128xf32, #tpu.memory_space<vmem>>, %arg12: memref<!tpu.dma_semaphore, #tpu.memory_space<semaphore_mem>>, %arg13: memref<!tpu.dma_semaphore, #tpu.memory_space<semaphore_mem>>, %arg14: memref<!tpu.dma_semaphore, #tpu.memory_space<semaphore_mem>>, %arg15: memref<!tpu.dma_semaphore, #tpu.memory_space<semaphore_mem>>, %arg16: memref<!tpu.dma_semaphore, #tpu.memory_space<semaphore_mem>>, %arg17: memref<!tpu.dma_semaphore, #tpu.memory_space<semaphore_mem>>, %arg18: memref<128xi32, #tpu.memory_space<vmem>>, %arg19: memref<128xi32, #tpu.memory_space<vmem>>, %arg20: memref<128x128xf32, #tpu.memory_space<vmem>>, %arg21: memref<128x128xf32, #tpu.memory_space<vmem>>, %arg22: memref<!tpu.dma_semaphore, #tpu.memory_space<semaphore_mem>>, %arg23: memref<!tpu.dma_semaphore, #tpu.memory_space<semaphore_mem>>, %arg24: memref<!tpu.dma_semaphore, #tpu.memory_space<semaphore_mem>>, %arg25: memref<!tpu.dma_semaphore, #tpu.memory_space<semaphore_mem>>, %arg26: memref<!tpu.dma_semaphore, #tpu.memory_space<semaphore_mem>>, %arg27: memref<!tpu.dma_semaphore, #tpu.memory_space<semaphore_mem>>) attributes {dimension_semantics = [#tpu.dimension_semantics<core_parallel>, #tpu.dimension_semantics<subcore_parallel>], iteration_bounds = array<i64: 2, 16>, scalar_prefetch = 0 : i64, scratch_operands = 20 : i64, tpu.core_type = #tpu.core_type<sc_vector_subcore>, window_params = [{transform_indices = #map}, {transform_indices = #map}, {transform_indices = #map1}, {transform_indices = #map1}, {transform_indices = #map}, {transform_indices = #map}]} {
    %mul3A = arith.constant 2 : i32
    %mul3A_0 = arith.muli %arg1, %mul3A : i32
    %add3A = arith.addi %mul3A_0, %arg0 : i32
    %add3A_1 = arith.constant 0 : i32
    %add3A_2 = arith.addi %add3A_1, %add3A : i32
    %mul3A_3 = arith.constant 128 : i32
    %mul3A_4 = arith.muli %add3A_2, %mul3A_3 : i32
    %add3A_5 = arith.constant 160000 : i32
    %add3A_6 = arith.addi %add3A_5, %mul3A_4 : i32
    %dma_start3A = tpu.memref_slice %arg4[%add3A_6] : memref<320000xi32, #tpu.memory_space<hbm>> -> memref<128xi32, #tpu.memory_space<hbm>>
    %dma_start3A_7 = tpu.memref_slice %arg4[%add3A_6] : memref<320000xi32, #tpu.memory_space<hbm>> -> memref<128xi32, #tpu.memory_space<hbm>>
    tpu.enqueue_dma source(%dma_start3A_7 : memref<128xi32, #tpu.memory_space<hbm>>) target(%arg8 : memref<128xi32, #tpu.memory_space<vmem>>) target_semaphore(%arg12 : memref<!tpu.dma_semaphore, #tpu.memory_space<semaphore_mem>>)
    %add3A_8 = arith.constant 0 : i32
    %add3A_9 = arith.addi %add3A_8, %add3A : i32
    %mul3A_10 = arith.constant 128 : i32
    %mul3A_11 = arith.muli %add3A_9, %mul3A_10 : i32
    %add3A_12 = arith.constant 160000 : i32
    %add3A_13 = arith.addi %add3A_12, %mul3A_11 : i32
    %dma_start3A_14 = tpu.memref_slice %arg5[%add3A_13] : memref<320000xi32, #tpu.memory_space<hbm>> -> memref<128xi32, #tpu.memory_space<hbm>>
    %dma_start3A_15 = tpu.memref_slice %arg5[%add3A_13] : memref<320000xi32, #tpu.memory_space<hbm>> -> memref<128xi32, #tpu.memory_space<hbm>>
    tpu.enqueue_dma source(%dma_start3A_15 : memref<128xi32, #tpu.memory_space<hbm>>) target(%arg9 : memref<128xi32, #tpu.memory_space<vmem>>) target_semaphore(%arg13 : memref<!tpu.dma_semaphore, #tpu.memory_space<semaphore_mem>>)
    %add3A_16 = arith.constant 32 : i32
    %add3A_17 = arith.addi %add3A_16, %add3A : i32
    %mul3A_18 = arith.constant 128 : i32
    %mul3A_19 = arith.muli %add3A_17, %mul3A_18 : i32
    %add3A_20 = arith.constant 160000 : i32
    %add3A_21 = arith.addi %add3A_20, %mul3A_19 : i32
    %dma_start3A_22 = tpu.memref_slice %arg4[%add3A_21] : memref<320000xi32, #tpu.memory_space<hbm>> -> memref<128xi32, #tpu.memory_space<hbm>>
    %dma_start3A_23 = tpu.memref_slice %arg4[%add3A_21] : memref<320000xi32, #tpu.memory_space<hbm>> -> memref<128xi32, #tpu.memory_space<hbm>>
    tpu.enqueue_dma source(%dma_start3A_23 : memref<128xi32, #tpu.memory_space<hbm>>) target(%arg18 : memref<128xi32, #tpu.memory_space<vmem>>) target_semaphore(%arg22 : memref<!tpu.dma_semaphore, #tpu.memory_space<semaphore_mem>>)
    %add3A_24 = arith.constant 32 : i32
    %add3A_25 = arith.addi %add3A_24, %add3A : i32
    %mul3A_26 = arith.constant 128 : i32
    %mul3A_27 = arith.muli %add3A_25, %mul3A_26 : i32
    %add3A_28 = arith.constant 160000 : i32
    %add3A_29 = arith.addi %add3A_28, %mul3A_27 : i32
    %dma_start3A_30 = tpu.memref_slice %arg5[%add3A_29] : memref<320000xi32, #tpu.memory_space<hbm>> -> memref<128xi32, #tpu.memory_space<hbm>>
    %dma_start3A_31 = tpu.memref_slice %arg5[%add3A_29] : memref<320000xi32, #tpu.memory_space<hbm>> -> memref<128xi32, #tpu.memory_space<hbm>>
    tpu.enqueue_dma source(%dma_start3A_31 : memref<128xi32, #tpu.memory_space<hbm>>) target(%arg19 : memref<128xi32, #tpu.memory_space<vmem>>) target_semaphore(%arg23 : memref<!tpu.dma_semaphore, #tpu.memory_space<semaphore_mem>>)
    %scan3A = arith.constant 0 : i32
    %scan3A_32 = arith.constant 20 : i32
    %scan3A_33 = arith.addi %scan3A, %scan3A_32 : i32
    %scan3A_34 = arith.constant 1 : i32
    scf.for %scan3A_69 = %scan3A to %scan3A_33 step %scan3A_34  : i32 {
      %mul3A_70 = arith.constant 1 : i32
      %mul3A_71 = arith.muli %scan3A_69, %mul3A_70 : i32
      %add3A_72 = arith.constant 0 : i32
      %add3A_73 = arith.addi %add3A_72, %mul3A_71 : i32
      %mul3A_74 = arith.constant 2 : i32
      %mul3A_75 = arith.muli %mul3A_74, %add3A_73 : i32
      %add3A_76 = arith.constant 0 : i32
      %add3A_77 = arith.addi %mul3A_75, %add3A_76 : i32
      %lt3A_78 = arith.constant 39 : i32
      %lt3A_79 = arith.cmpi slt, %add3A_77, %lt3A_78 : i32
      %convert_element_type3A_80 = arith.extui %lt3A_79 : i1 to i32
      %cond3A_81 = arith.constant 0 : i32
      %cond3A_82 = arith.cmpi ne, %convert_element_type3A_80, %cond3A_81 : i32
      scf.if %cond3A_82 {
        %mul3A_92 = arith.constant 32 : i32
        %mul3A_93 = arith.muli %add3A_77, %mul3A_92 : i32
        %add3A_94 = arith.addi %mul3A_93, %add3A : i32
        %mul3A_95 = arith.constant 128 : i32
        %mul3A_96 = arith.muli %add3A_94, %mul3A_95 : i32
        %add3A_97 = arith.constant 160000 : i32
        %add3A_98 = arith.addi %add3A_97, %mul3A_96 : i32
        %dma_wait3A_99 = tpu.memref_slice %arg4[%add3A_98] : memref<320000xi32, #tpu.memory_space<hbm>> -> memref<128xi32, #tpu.memory_space<hbm>>
        %dma_wait3A_100 = tpu.memref_slice %arg4[%add3A_98] : memref<320000xi32, #tpu.memory_space<hbm>> -> memref<128xi32, #tpu.memory_space<hbm>>
        tpu.wait_dma2 semaphore(%arg12 : memref<!tpu.dma_semaphore, #tpu.memory_space<semaphore_mem>>) src(%dma_wait3A_100 : memref<128xi32, #tpu.memory_space<hbm>>) dst(%arg8 : memref<128xi32, #tpu.memory_space<vmem>>)
        %mul3A_101 = arith.constant 32 : i32
        %mul3A_102 = arith.muli %add3A_77, %mul3A_101 : i32
        %add3A_103 = arith.addi %mul3A_102, %add3A : i32
        %mul3A_104 = arith.constant 128 : i32
        %mul3A_105 = arith.muli %add3A_103, %mul3A_104 : i32
        %add3A_106 = arith.constant 160000 : i32
        %add3A_107 = arith.addi %add3A_106, %mul3A_105 : i32
        %dma_wait3A_108 = tpu.memref_slice %arg5[%add3A_107] : memref<320000xi32, #tpu.memory_space<hbm>> -> memref<128xi32, #tpu.memory_space<hbm>>
        %dma_wait3A_109 = tpu.memref_slice %arg5[%add3A_107] : memref<320000xi32, #tpu.memory_space<hbm>> -> memref<128xi32, #tpu.memory_space<hbm>>
        tpu.wait_dma2 semaphore(%arg13 : memref<!tpu.dma_semaphore, #tpu.memory_space<semaphore_mem>>) src(%dma_wait3A_109 : memref<128xi32, #tpu.memory_space<hbm>>) dst(%arg9 : memref<128xi32, #tpu.memory_space<vmem>>)
        %ge3A = arith.constant 2 : i32
        %ge3A_110 = arith.cmpi sge, %add3A_77, %ge3A : i32
        %convert_element_type3A_111 = arith.extui %ge3A_110 : i1 to i32
        %cond3A_112 = arith.constant 0 : i32
        %cond3A_113 = arith.cmpi ne, %convert_element_type3A_111, %cond3A_112 : i32
        scf.if %cond3A_113 {
          %sub3A = arith.constant 2 : i32
          %sub3A_151 = arith.subi %add3A_77, %sub3A : i32
          %mul3A_152 = arith.constant 32 : i32
          %mul3A_153 = arith.muli %sub3A_151, %mul3A_152 : i32
          %add3A_154 = arith.addi %mul3A_153, %add3A : i32
          %mul3A_155 = arith.constant 128 : i32
          %mul3A_156 = arith.muli %add3A_154, %mul3A_155 : i32
          %dma_wait3A_157 = arith.constant 0 : i32
          %dma_wait3A_158 = tpu.memref_slice %arg6[%mul3A_156, %dma_wait3A_157] : memref<160000x128xf32, #tpu.memory_space<hbm>> -> memref<128x128xf32, #tpu.memory_space<hbm>>
          %dma_wait3A_159 = arith.constant 0 : i32
          %dma_wait3A_160 = tpu.memref_slice %arg6[%mul3A_156, %dma_wait3A_159] : memref<160000x128xf32, #tpu.memory_space<hbm>> -> memref<128x128xf32, #tpu.memory_space<hbm>>
          tpu.wait_dma2 semaphore(%arg16 : memref<!tpu.dma_semaphore, #tpu.memory_space<semaphore_mem>>) src(%arg10 : memref<128x128xf32, #tpu.memory_space<vmem>>) dst(%dma_wait3A_160 : memref<128x128xf32, #tpu.memory_space<hbm>>)
          %mul3A_161 = arith.constant 32 : i32
          %mul3A_162 = arith.muli %sub3A_151, %mul3A_161 : i32
          %add3A_163 = arith.addi %mul3A_162, %add3A : i32
          %mul3A_164 = arith.constant 128 : i32
          %mul3A_165 = arith.muli %add3A_163, %mul3A_164 : i32
          %dma_wait3A_166 = arith.constant 0 : i32
          %dma_wait3A_167 = tpu.memref_slice %arg7[%mul3A_165, %dma_wait3A_166] : memref<160000x128xf32, #tpu.memory_space<hbm>> -> memref<128x128xf32, #tpu.memory_space<hbm>>
          %dma_wait3A_168 = arith.constant 0 : i32
          %dma_wait3A_169 = tpu.memref_slice %arg7[%mul3A_165, %dma_wait3A_168] : memref<160000x128xf32, #tpu.memory_space<hbm>> -> memref<128x128xf32, #tpu.memory_space<hbm>>
          tpu.wait_dma2 semaphore(%arg17 : memref<!tpu.dma_semaphore, #tpu.memory_space<semaphore_mem>>) src(%arg11 : memref<128x128xf32, #tpu.memory_space<vmem>>) dst(%dma_wait3A_169 : memref<128x128xf32, #tpu.memory_space<hbm>>)
        } else {
        }
        %dma_start3A_114 = arith.constant 0 : i32
        %dma_start3A_115 = arith.constant 0 : i32
        %dma_start3A_116 = tpu.memref_slice %arg2[%dma_start3A_114, %dma_start3A_115] : memref<10000x128xf32, #tpu.memory_space<hbm>> -> memref<10000x128xf32, #tpu.memory_space<hbm>>
        tpu.enqueue_indirect_dma source(%dma_start3A_116 : memref<10000x128xf32, #tpu.memory_space<hbm>>) target(%arg10 : memref<128x128xf32, #tpu.memory_space<vmem>>) offsets(%arg8 : memref<128xi32, #tpu.memory_space<vmem>>) semaphore(%arg14 : memref<!tpu.dma_semaphore, #tpu.memory_space<semaphore_mem>>)
        %dma_start3A_117 = arith.constant 0 : i32
        %dma_start3A_118 = arith.constant 0 : i32
        %dma_start3A_119 = tpu.memref_slice %arg3[%dma_start3A_117, %dma_start3A_118] : memref<10000x128xf32, #tpu.memory_space<hbm>> -> memref<10000x128xf32, #tpu.memory_space<hbm>>
        tpu.enqueue_indirect_dma source(%dma_start3A_119 : memref<10000x128xf32, #tpu.memory_space<hbm>>) target(%arg11 : memref<128x128xf32, #tpu.memory_space<vmem>>) offsets(%arg9 : memref<128xi32, #tpu.memory_space<vmem>>) semaphore(%arg15 : memref<!tpu.dma_semaphore, #tpu.memory_space<semaphore_mem>>)
        %dma_wait3A_120 = arith.constant 0 : i32
        %dma_wait3A_121 = arith.constant 0 : i32
        %dma_wait3A_122 = tpu.memref_slice %arg2[%dma_wait3A_120, %dma_wait3A_121] : memref<10000x128xf32, #tpu.memory_space<hbm>> -> memref<10000x128xf32, #tpu.memory_space<hbm>>
        tpu.wait_indirect_dma semaphore(%arg14 : memref<!tpu.dma_semaphore, #tpu.memory_space<semaphore_mem>>) src(%dma_wait3A_122 : memref<10000x128xf32, #tpu.memory_space<hbm>>) dst(%arg10 : memref<128x128xf32, #tpu.memory_space<vmem>>)
        %dma_wait3A_123 = arith.constant 0 : i32
        %dma_wait3A_124 = arith.constant 0 : i32
        %dma_wait3A_125 = tpu.memref_slice %arg3[%dma_wait3A_123, %dma_wait3A_124] : memref<10000x128xf32, #tpu.memory_space<hbm>> -> memref<10000x128xf32, #tpu.memory_space<hbm>>
        tpu.wait_indirect_dma semaphore(%arg15 : memref<!tpu.dma_semaphore, #tpu.memory_space<semaphore_mem>>) src(%dma_wait3A_125 : memref<10000x128xf32, #tpu.memory_space<hbm>>) dst(%arg11 : memref<128x128xf32, #tpu.memory_space<vmem>>)
        %mul3A_126 = arith.constant 32 : i32
        %mul3A_127 = arith.muli %add3A_77, %mul3A_126 : i32
        %add3A_128 = arith.addi %mul3A_127, %add3A : i32
        %mul3A_129 = arith.constant 128 : i32
        %mul3A_130 = arith.muli %add3A_128, %mul3A_129 : i32
        %dma_start3A_131 = arith.constant 0 : i32
        %dma_start3A_132 = tpu.memref_slice %arg6[%mul3A_130, %dma_start3A_131] : memref<160000x128xf32, #tpu.memory_space<hbm>> -> memref<128x128xf32, #tpu.memory_space<hbm>>
        %dma_start3A_133 = arith.constant 0 : i32
        %dma_start3A_134 = tpu.memref_slice %arg6[%mul3A_130, %dma_start3A_133] : memref<160000x128xf32, #tpu.memory_space<hbm>> -> memref<128x128xf32, #tpu.memory_space<hbm>>
        tpu.enqueue_dma source(%arg10 : memref<128x128xf32, #tpu.memory_space<vmem>>) target(%dma_start3A_134 : memref<128x128xf32, #tpu.memory_space<hbm>>) target_semaphore(%arg16 : memref<!tpu.dma_semaphore, #tpu.memory_space<semaphore_mem>>)
        %mul3A_135 = arith.constant 32 : i32
        %mul3A_136 = arith.muli %add3A_77, %mul3A_135 : i32
        %add3A_137 = arith.addi %mul3A_136, %add3A : i32
        %mul3A_138 = arith.constant 128 : i32
        %mul3A_139 = arith.muli %add3A_137, %mul3A_138 : i32
        %dma_start3A_140 = arith.constant 0 : i32
        %dma_start3A_141 = tpu.memref_slice %arg7[%mul3A_139, %dma_start3A_140] : memref<160000x128xf32, #tpu.memory_space<hbm>> -> memref<128x128xf32, #tpu.memory_space<hbm>>
        %dma_start3A_142 = arith.constant 0 : i32
        %dma_start3A_143 = tpu.memref_slice %arg7[%mul3A_139, %dma_start3A_142] : memref<160000x128xf32, #tpu.memory_space<hbm>> -> memref<128x128xf32, #tpu.memory_space<hbm>>
        tpu.enqueue_dma source(%arg11 : memref<128x128xf32, #tpu.memory_space<vmem>>) target(%dma_start3A_143 : memref<128x128xf32, #tpu.memory_space<hbm>>) target_semaphore(%arg17 : memref<!tpu.dma_semaphore, #tpu.memory_space<semaphore_mem>>)
        %add3A_144 = arith.constant 2 : i32
        %add3A_145 = arith.addi %add3A_77, %add3A_144 : i32
        %lt3A_146 = arith.constant 39 : i32
        %lt3A_147 = arith.cmpi slt, %add3A_145, %lt3A_146 : i32
        %convert_element_type3A_148 = arith.extui %lt3A_147 : i1 to i32
        %cond3A_149 = arith.constant 0 : i32
        %cond3A_150 = arith.cmpi ne, %convert_element_type3A_148, %cond3A_149 : i32
        scf.if %cond3A_150 {
          %add3A_151 = arith.constant 2 : i32
          %add3A_152 = arith.addi %add3A_77, %add3A_151 : i32
          %mul3A_153 = arith.constant 32 : i32
          %mul3A_154 = arith.muli %add3A_152, %mul3A_153 : i32
          %add3A_155 = arith.addi %mul3A_154, %add3A : i32
          %mul3A_156 = arith.constant 128 : i32
          %mul3A_157 = arith.muli %add3A_155, %mul3A_156 : i32
          %add3A_158 = arith.constant 160000 : i32
          %add3A_159 = arith.addi %add3A_158, %mul3A_157 : i32
          %dma_start3A_160 = tpu.memref_slice %arg4[%add3A_159] : memref<320000xi32, #tpu.memory_space<hbm>> -> memref<128xi32, #tpu.memory_space<hbm>>
          %dma_start3A_161 = tpu.memref_slice %arg4[%add3A_159] : memref<320000xi32, #tpu.memory_space<hbm>> -> memref<128xi32, #tpu.memory_space<hbm>>
          tpu.enqueue_dma source(%dma_start3A_161 : memref<128xi32, #tpu.memory_space<hbm>>) target(%arg8 : memref<128xi32, #tpu.memory_space<vmem>>) target_semaphore(%arg12 : memref<!tpu.dma_semaphore, #tpu.memory_space<semaphore_mem>>)
          %mul3A_162 = arith.constant 32 : i32
          %mul3A_163 = arith.muli %add3A_152, %mul3A_162 : i32
          %add3A_164 = arith.addi %mul3A_163, %add3A : i32
          %mul3A_165 = arith.constant 128 : i32
          %mul3A_166 = arith.muli %add3A_164, %mul3A_165 : i32
          %add3A_167 = arith.constant 160000 : i32
          %add3A_168 = arith.addi %add3A_167, %mul3A_166 : i32
          %dma_start3A_169 = tpu.memref_slice %arg5[%add3A_168] : memref<320000xi32, #tpu.memory_space<hbm>> -> memref<128xi32, #tpu.memory_space<hbm>>
          %dma_start3A_170 = tpu.memref_slice %arg5[%add3A_168] : memref<320000xi32, #tpu.memory_space<hbm>> -> memref<128xi32, #tpu.memory_space<hbm>>
          tpu.enqueue_dma source(%dma_start3A_170 : memref<128xi32, #tpu.memory_space<hbm>>) target(%arg9 : memref<128xi32, #tpu.memory_space<vmem>>) target_semaphore(%arg13 : memref<!tpu.dma_semaphore, #tpu.memory_space<semaphore_mem>>)
        } else {
        }
      } else {
      }
      %mul3A_83 = arith.constant 2 : i32
      %mul3A_84 = arith.muli %mul3A_83, %add3A_73 : i32
      %add3A_85 = arith.constant 1 : i32
      %add3A_86 = arith.addi %mul3A_84, %add3A_85 : i32
      %lt3A_87 = arith.constant 39 : i32
      %lt3A_88 = arith.cmpi slt, %add3A_86, %lt3A_87 : i32
      %convert_element_type3A_89 = arith.extui %lt3A_88 : i1 to i32
      %cond3A_90 = arith.constant 0 : i32
      %cond3A_91 = arith.cmpi ne, %convert_element_type3A_89, %cond3A_90 : i32
      scf.if %cond3A_91 {
        %mul3A_92 = arith.constant 32 : i32
        %mul3A_93 = arith.muli %add3A_86, %mul3A_92 : i32
        %add3A_94 = arith.addi %mul3A_93, %add3A : i32
        %mul3A_95 = arith.constant 128 : i32
        %mul3A_96 = arith.muli %add3A_94, %mul3A_95 : i32
        %add3A_97 = arith.constant 160000 : i32
        %add3A_98 = arith.addi %add3A_97, %mul3A_96 : i32
        %dma_wait3A_99 = tpu.memref_slice %arg4[%add3A_98] : memref<320000xi32, #tpu.memory_space<hbm>> -> memref<128xi32, #tpu.memory_space<hbm>>
        %dma_wait3A_100 = tpu.memref_slice %arg4[%add3A_98] : memref<320000xi32, #tpu.memory_space<hbm>> -> memref<128xi32, #tpu.memory_space<hbm>>
        tpu.wait_dma2 semaphore(%arg22 : memref<!tpu.dma_semaphore, #tpu.memory_space<semaphore_mem>>) src(%dma_wait3A_100 : memref<128xi32, #tpu.memory_space<hbm>>) dst(%arg18 : memref<128xi32, #tpu.memory_space<vmem>>)
        %mul3A_101 = arith.constant 32 : i32
        %mul3A_102 = arith.muli %add3A_86, %mul3A_101 : i32
        %add3A_103 = arith.addi %mul3A_102, %add3A : i32
        %mul3A_104 = arith.constant 128 : i32
        %mul3A_105 = arith.muli %add3A_103, %mul3A_104 : i32
        %add3A_106 = arith.constant 160000 : i32
        %add3A_107 = arith.addi %add3A_106, %mul3A_105 : i32
        %dma_wait3A_108 = tpu.memref_slice %arg5[%add3A_107] : memref<320000xi32, #tpu.memory_space<hbm>> -> memref<128xi32, #tpu.memory_space<hbm>>
        %dma_wait3A_109 = tpu.memref_slice %arg5[%add3A_107] : memref<320000xi32, #tpu.memory_space<hbm>> -> memref<128xi32, #tpu.memory_space<hbm>>
        tpu.wait_dma2 semaphore(%arg23 : memref<!tpu.dma_semaphore, #tpu.memory_space<semaphore_mem>>) src(%dma_wait3A_109 : memref<128xi32, #tpu.memory_space<hbm>>) dst(%arg19 : memref<128xi32, #tpu.memory_space<vmem>>)
        %ge3A = arith.constant 2 : i32
        %ge3A_110 = arith.cmpi sge, %add3A_86, %ge3A : i32
        %convert_element_type3A_111 = arith.extui %ge3A_110 : i1 to i32
        %cond3A_112 = arith.constant 0 : i32
        %cond3A_113 = arith.cmpi ne, %convert_element_type3A_111, %cond3A_112 : i32
        scf.if %cond3A_113 {
          %sub3A = arith.constant 2 : i32
          %sub3A_151 = arith.subi %add3A_86, %sub3A : i32
          %mul3A_152 = arith.constant 32 : i32
          %mul3A_153 = arith.muli %sub3A_151, %mul3A_152 : i32
          %add3A_154 = arith.addi %mul3A_153, %add3A : i32
          %mul3A_155 = arith.constant 128 : i32
          %mul3A_156 = arith.muli %add3A_154, %mul3A_155 : i32
          %dma_wait3A_157 = arith.constant 0 : i32
          %dma_wait3A_158 = tpu.memref_slice %arg6[%mul3A_156, %dma_wait3A_157] : memref<160000x128xf32, #tpu.memory_space<hbm>> -> memref<128x128xf32, #tpu.memory_space<hbm>>
          %dma_wait3A_159 = arith.constant 0 : i32
          %dma_wait3A_160 = tpu.memref_slice %arg6[%mul3A_156, %dma_wait3A_159] : memref<160000x128xf32, #tpu.memory_space<hbm>> -> memref<128x128xf32, #tpu.memory_space<hbm>>
          tpu.wait_dma2 semaphore(%arg26 : memref<!tpu.dma_semaphore, #tpu.memory_space<semaphore_mem>>) src(%arg20 : memref<128x128xf32, #tpu.memory_space<vmem>>) dst(%dma_wait3A_160 : memref<128x128xf32, #tpu.memory_space<hbm>>)
          %mul3A_161 = arith.constant 32 : i32
          %mul3A_162 = arith.muli %sub3A_151, %mul3A_161 : i32
          %add3A_163 = arith.addi %mul3A_162, %add3A : i32
          %mul3A_164 = arith.constant 128 : i32
          %mul3A_165 = arith.muli %add3A_163, %mul3A_164 : i32
          %dma_wait3A_166 = arith.constant 0 : i32
          %dma_wait3A_167 = tpu.memref_slice %arg7[%mul3A_165, %dma_wait3A_166] : memref<160000x128xf32, #tpu.memory_space<hbm>> -> memref<128x128xf32, #tpu.memory_space<hbm>>
          %dma_wait3A_168 = arith.constant 0 : i32
          %dma_wait3A_169 = tpu.memref_slice %arg7[%mul3A_165, %dma_wait3A_168] : memref<160000x128xf32, #tpu.memory_space<hbm>> -> memref<128x128xf32, #tpu.memory_space<hbm>>
          tpu.wait_dma2 semaphore(%arg27 : memref<!tpu.dma_semaphore, #tpu.memory_space<semaphore_mem>>) src(%arg21 : memref<128x128xf32, #tpu.memory_space<vmem>>) dst(%dma_wait3A_169 : memref<128x128xf32, #tpu.memory_space<hbm>>)
        } else {
        }
        %dma_start3A_114 = arith.constant 0 : i32
        %dma_start3A_115 = arith.constant 0 : i32
        %dma_start3A_116 = tpu.memref_slice %arg2[%dma_start3A_114, %dma_start3A_115] : memref<10000x128xf32, #tpu.memory_space<hbm>> -> memref<10000x128xf32, #tpu.memory_space<hbm>>
        tpu.enqueue_indirect_dma source(%dma_start3A_116 : memref<10000x128xf32, #tpu.memory_space<hbm>>) target(%arg20 : memref<128x128xf32, #tpu.memory_space<vmem>>) offsets(%arg18 : memref<128xi32, #tpu.memory_space<vmem>>) semaphore(%arg24 : memref<!tpu.dma_semaphore, #tpu.memory_space<semaphore_mem>>)
        %dma_start3A_117 = arith.constant 0 : i32
        %dma_start3A_118 = arith.constant 0 : i32
        %dma_start3A_119 = tpu.memref_slice %arg3[%dma_start3A_117, %dma_start3A_118] : memref<10000x128xf32, #tpu.memory_space<hbm>> -> memref<10000x128xf32, #tpu.memory_space<hbm>>
        tpu.enqueue_indirect_dma source(%dma_start3A_119 : memref<10000x128xf32, #tpu.memory_space<hbm>>) target(%arg21 : memref<128x128xf32, #tpu.memory_space<vmem>>) offsets(%arg19 : memref<128xi32, #tpu.memory_space<vmem>>) semaphore(%arg25 : memref<!tpu.dma_semaphore, #tpu.memory_space<semaphore_mem>>)
        %dma_wait3A_120 = arith.constant 0 : i32
        %dma_wait3A_121 = arith.constant 0 : i32
        %dma_wait3A_122 = tpu.memref_slice %arg2[%dma_wait3A_120, %dma_wait3A_121] : memref<10000x128xf32, #tpu.memory_space<hbm>> -> memref<10000x128xf32, #tpu.memory_space<hbm>>
        tpu.wait_indirect_dma semaphore(%arg24 : memref<!tpu.dma_semaphore, #tpu.memory_space<semaphore_mem>>) src(%dma_wait3A_122 : memref<10000x128xf32, #tpu.memory_space<hbm>>) dst(%arg20 : memref<128x128xf32, #tpu.memory_space<vmem>>)
        %dma_wait3A_123 = arith.constant 0 : i32
        %dma_wait3A_124 = arith.constant 0 : i32
        %dma_wait3A_125 = tpu.memref_slice %arg3[%dma_wait3A_123, %dma_wait3A_124] : memref<10000x128xf32, #tpu.memory_space<hbm>> -> memref<10000x128xf32, #tpu.memory_space<hbm>>
        tpu.wait_indirect_dma semaphore(%arg25 : memref<!tpu.dma_semaphore, #tpu.memory_space<semaphore_mem>>) src(%dma_wait3A_125 : memref<10000x128xf32, #tpu.memory_space<hbm>>) dst(%arg21 : memref<128x128xf32, #tpu.memory_space<vmem>>)
        %mul3A_126 = arith.constant 32 : i32
        %mul3A_127 = arith.muli %add3A_86, %mul3A_126 : i32
        %add3A_128 = arith.addi %mul3A_127, %add3A : i32
        %mul3A_129 = arith.constant 128 : i32
        %mul3A_130 = arith.muli %add3A_128, %mul3A_129 : i32
        %dma_start3A_131 = arith.constant 0 : i32
        %dma_start3A_132 = tpu.memref_slice %arg6[%mul3A_130, %dma_start3A_131] : memref<160000x128xf32, #tpu.memory_space<hbm>> -> memref<128x128xf32, #tpu.memory_space<hbm>>
        %dma_start3A_133 = arith.constant 0 : i32
        %dma_start3A_134 = tpu.memref_slice %arg6[%mul3A_130, %dma_start3A_133] : memref<160000x128xf32, #tpu.memory_space<hbm>> -> memref<128x128xf32, #tpu.memory_space<hbm>>
        tpu.enqueue_dma source(%arg20 : memref<128x128xf32, #tpu.memory_space<vmem>>) target(%dma_start3A_134 : memref<128x128xf32, #tpu.memory_space<hbm>>) target_semaphore(%arg26 : memref<!tpu.dma_semaphore, #tpu.memory_space<semaphore_mem>>)
        %mul3A_135 = arith.constant 32 : i32
        %mul3A_136 = arith.muli %add3A_86, %mul3A_135 : i32
        %add3A_137 = arith.addi %mul3A_136, %add3A : i32
        %mul3A_138 = arith.constant 128 : i32
        %mul3A_139 = arith.muli %add3A_137, %mul3A_138 : i32
        %dma_start3A_140 = arith.constant 0 : i32
        %dma_start3A_141 = tpu.memref_slice %arg7[%mul3A_139, %dma_start3A_140] : memref<160000x128xf32, #tpu.memory_space<hbm>> -> memref<128x128xf32, #tpu.memory_space<hbm>>
        %dma_start3A_142 = arith.constant 0 : i32
        %dma_start3A_143 = tpu.memref_slice %arg7[%mul3A_139, %dma_start3A_142] : memref<160000x128xf32, #tpu.memory_space<hbm>> -> memref<128x128xf32, #tpu.memory_space<hbm>>
        tpu.enqueue_dma source(%arg21 : memref<128x128xf32, #tpu.memory_space<vmem>>) target(%dma_start3A_143 : memref<128x128xf32, #tpu.memory_space<hbm>>) target_semaphore(%arg27 : memref<!tpu.dma_semaphore, #tpu.memory_space<semaphore_mem>>)
        %add3A_144 = arith.constant 2 : i32
        %add3A_145 = arith.addi %add3A_86, %add3A_144 : i32
        %lt3A_146 = arith.constant 39 : i32
        %lt3A_147 = arith.cmpi slt, %add3A_145, %lt3A_146 : i32
        %convert_element_type3A_148 = arith.extui %lt3A_147 : i1 to i32
        %cond3A_149 = arith.constant 0 : i32
        %cond3A_150 = arith.cmpi ne, %convert_element_type3A_148, %cond3A_149 : i32
        scf.if %cond3A_150 {
          %add3A_151 = arith.constant 2 : i32
          %add3A_152 = arith.addi %add3A_86, %add3A_151 : i32
          %mul3A_153 = arith.constant 32 : i32
          %mul3A_154 = arith.muli %add3A_152, %mul3A_153 : i32
          %add3A_155 = arith.addi %mul3A_154, %add3A : i32
          %mul3A_156 = arith.constant 128 : i32
          %mul3A_157 = arith.muli %add3A_155, %mul3A_156 : i32
          %add3A_158 = arith.constant 160000 : i32
          %add3A_159 = arith.addi %add3A_158, %mul3A_157 : i32
          %dma_start3A_160 = tpu.memref_slice %arg4[%add3A_159] : memref<320000xi32, #tpu.memory_space<hbm>> -> memref<128xi32, #tpu.memory_space<hbm>>
          %dma_start3A_161 = tpu.memref_slice %arg4[%add3A_159] : memref<320000xi32, #tpu.memory_space<hbm>> -> memref<128xi32, #tpu.memory_space<hbm>>
          tpu.enqueue_dma source(%dma_start3A_161 : memref<128xi32, #tpu.memory_space<hbm>>) target(%arg18 : memref<128xi32, #tpu.memory_space<vmem>>) target_semaphore(%arg22 : memref<!tpu.dma_semaphore, #tpu.memory_space<semaphore_mem>>)
          %mul3A_162 = arith.constant 32 : i32
          %mul3A_163 = arith.muli %add3A_152, %mul3A_162 : i32
          %add3A_164 = arith.addi %mul3A_163, %add3A : i32
          %mul3A_165 = arith.constant 128 : i32
          %mul3A_166 = arith.muli %add3A_164, %mul3A_165 : i32
          %add3A_167 = arith.constant 160000 : i32
          %add3A_168 = arith.addi %add3A_167, %mul3A_166 : i32
          %dma_start3A_169 = tpu.memref_slice %arg5[%add3A_168] : memref<320000xi32, #tpu.memory_space<hbm>> -> memref<128xi32, #tpu.memory_space<hbm>>
          %dma_start3A_170 = tpu.memref_slice %arg5[%add3A_168] : memref<320000xi32, #tpu.memory_space<hbm>> -> memref<128xi32, #tpu.memory_space<hbm>>
          tpu.enqueue_dma source(%dma_start3A_170 : memref<128xi32, #tpu.memory_space<hbm>>) target(%arg19 : memref<128xi32, #tpu.memory_space<vmem>>) target_semaphore(%arg23 : memref<!tpu.dma_semaphore, #tpu.memory_space<semaphore_mem>>)
        } else {
        }
      } else {
      }
    }
    %scan3A_35 = arith.constant 20 : i32
    %add3A_36 = arith.constant 1184 : i32
    %add3A_37 = arith.addi %add3A_36, %add3A : i32
    %mul3A_38 = arith.constant 128 : i32
    %mul3A_39 = arith.muli %add3A_37, %mul3A_38 : i32
    %dma_wait3A = arith.constant 0 : i32
    %dma_wait3A_40 = tpu.memref_slice %arg6[%mul3A_39, %dma_wait3A] : memref<160000x128xf32, #tpu.memory_space<hbm>> -> memref<128x128xf32, #tpu.memory_space<hbm>>
    %dma_wait3A_41 = arith.constant 0 : i32
    %dma_wait3A_42 = tpu.memref_slice %arg6[%mul3A_39, %dma_wait3A_41] : memref<160000x128xf32, #tpu.memory_space<hbm>> -> memref<128x128xf32, #tpu.memory_space<hbm>>
    tpu.wait_dma2 semaphore(%arg26 : memref<!tpu.dma_semaphore, #tpu.memory_space<semaphore_mem>>) src(%arg20 : memref<128x128xf32, #tpu.memory_space<vmem>>) dst(%dma_wait3A_42 : memref<128x128xf32, #tpu.memory_space<hbm>>)
    %add3A_43 = arith.constant 1184 : i32
    %add3A_44 = arith.addi %add3A_43, %add3A : i32
    %mul3A_45 = arith.constant 128 : i32
    %mul3A_46 = arith.muli %add3A_44, %mul3A_45 : i32
    %dma_wait3A_47 = arith.constant 0 : i32
    %dma_wait3A_48 = tpu.memref_slice %arg7[%mul3A_46, %dma_wait3A_47] : memref<160000x128xf32, #tpu.memory_space<hbm>> -> memref<128x128xf32, #tpu.memory_space<hbm>>
    %dma_wait3A_49 = arith.constant 0 : i32
    %dma_wait3A_50 = tpu.memref_slice %arg7[%mul3A_46, %dma_wait3A_49] : memref<160000x128xf32, #tpu.memory_space<hbm>> -> memref<128x128xf32, #tpu.memory_space<hbm>>
    tpu.wait_dma2 semaphore(%arg27 : memref<!tpu.dma_semaphore, #tpu.memory_space<semaphore_mem>>) src(%arg21 : memref<128x128xf32, #tpu.memory_space<vmem>>) dst(%dma_wait3A_50 : memref<128x128xf32, #tpu.memory_space<hbm>>)
    %add3A_51 = arith.constant 1216 : i32
    %add3A_52 = arith.addi %add3A_51, %add3A : i32
    %mul3A_53 = arith.constant 128 : i32
    %mul3A_54 = arith.muli %add3A_52, %mul3A_53 : i32
    %dma_wait3A_55 = arith.constant 0 : i32
    %dma_wait3A_56 = tpu.memref_slice %arg6[%mul3A_54, %dma_wait3A_55] : memref<160000x128xf32, #tpu.memory_space<hbm>> -> memref<128x128xf32, #tpu.memory_space<hbm>>
    %dma_wait3A_57 = arith.constant 0 : i32
    %dma_wait3A_58 = tpu.memref_slice %arg6[%mul3A_54, %dma_wait3A_57] : memref<160000x128xf32, #tpu.memory_space<hbm>> -> memref<128x128xf32, #tpu.memory_space<hbm>>
    tpu.wait_dma2 semaphore(%arg16 : memref<!tpu.dma_semaphore, #tpu.memory_space<semaphore_mem>>) src(%arg10 : memref<128x128xf32, #tpu.memory_space<vmem>>) dst(%dma_wait3A_58 : memref<128x128xf32, #tpu.memory_space<hbm>>)
    %add3A_59 = arith.constant 1216 : i32
    %add3A_60 = arith.addi %add3A_59, %add3A : i32
    %mul3A_61 = arith.constant 128 : i32
    %mul3A_62 = arith.muli %add3A_60, %mul3A_61 : i32
    %dma_wait3A_63 = arith.constant 0 : i32
    %dma_wait3A_64 = tpu.memref_slice %arg7[%mul3A_62, %dma_wait3A_63] : memref<160000x128xf32, #tpu.memory_space<hbm>> -> memref<128x128xf32, #tpu.memory_space<hbm>>
    %dma_wait3A_65 = arith.constant 0 : i32
    %dma_wait3A_66 = tpu.memref_slice %arg7[%mul3A_62, %dma_wait3A_65] : memref<160000x128xf32, #tpu.memory_space<hbm>> -> memref<128x128xf32, #tpu.memory_space<hbm>>
    tpu.wait_dma2 semaphore(%arg17 : memref<!tpu.dma_semaphore, #tpu.memory_space<semaphore_mem>>) src(%arg11 : memref<128x128xf32, #tpu.memory_space<vmem>>) dst(%dma_wait3A_66 : memref<128x128xf32, #tpu.memory_space<hbm>>)
    %lt3A = arith.constant 2 : i32
    %lt3A_67 = arith.cmpi slt, %add3A, %lt3A : i32
    %convert_element_type3A = arith.extui %lt3A_67 : i1 to i32
    %cond3A = arith.constant 0 : i32
    %cond3A_68 = arith.cmpi ne, %convert_element_type3A, %cond3A : i32
    scf.if %cond3A_68 {
      %add3A_69 = arith.constant 1248 : i32
      %add3A_70 = arith.addi %add3A_69, %add3A : i32
      %mul3A_71 = arith.constant 128 : i32
      %mul3A_72 = arith.muli %add3A_70, %mul3A_71 : i32
      %add3A_73 = arith.constant 160000 : i32
      %add3A_74 = arith.addi %add3A_73, %mul3A_72 : i32
      "tpu.region"() ({
        %run_scoped3A = tpu.sem_alloc : memref<!tpu.dma_semaphore, #tpu.memory_space<semaphore_mem>>
        %dma_start3A_77 = tpu.memref_slice %arg4[%add3A_74] : memref<320000xi32, #tpu.memory_space<hbm>> -> memref<128xi32, #tpu.memory_space<hbm>>
        %dma_start3A_78 = tpu.memref_slice %arg4[%add3A_74] : memref<320000xi32, #tpu.memory_space<hbm>> -> memref<128xi32, #tpu.memory_space<hbm>>
        tpu.enqueue_dma source(%dma_start3A_78 : memref<128xi32, #tpu.memory_space<hbm>>) target(%arg8 : memref<128xi32, #tpu.memory_space<vmem>>) target_semaphore(%run_scoped3A : memref<!tpu.dma_semaphore, #tpu.memory_space<semaphore_mem>>)
        %dma_wait3A_79 = tpu.memref_slice %arg4[%add3A_74] : memref<320000xi32, #tpu.memory_space<hbm>> -> memref<128xi32, #tpu.memory_space<hbm>>
        %dma_wait3A_80 = tpu.memref_slice %arg4[%add3A_74] : memref<320000xi32, #tpu.memory_space<hbm>> -> memref<128xi32, #tpu.memory_space<hbm>>
        tpu.wait_dma2 semaphore(%run_scoped3A : memref<!tpu.dma_semaphore, #tpu.memory_space<semaphore_mem>>) src(%dma_wait3A_80 : memref<128xi32, #tpu.memory_space<hbm>>) dst(%arg8 : memref<128xi32, #tpu.memory_space<vmem>>)
        tpu.yield
      }) : () -> ()
      %add3A_75 = arith.constant 160000 : i32
      %add3A_76 = arith.addi %add3A_75, %mul3A_72 : i32
      "tpu.region"() ({
        %run_scoped3A = tpu.sem_alloc : memref<!tpu.dma_semaphore, #tpu.memory_space<semaphore_mem>>
        %dma_start3A_77 = tpu.memref_slice %arg5[%add3A_76] : memref<320000xi32, #tpu.memory_space<hbm>> -> memref<128xi32, #tpu.memory_space<hbm>>
        %dma_start3A_78 = tpu.memref_slice %arg5[%add3A_76] : memref<320000xi32, #tpu.memory_space<hbm>> -> memref<128xi32, #tpu.memory_space<hbm>>
        tpu.enqueue_dma source(%dma_start3A_78 : memref<128xi32, #tpu.memory_space<hbm>>) target(%arg9 : memref<128xi32, #tpu.memory_space<vmem>>) target_semaphore(%run_scoped3A : memref<!tpu.dma_semaphore, #tpu.memory_space<semaphore_mem>>)
        %dma_wait3A_79 = tpu.memref_slice %arg5[%add3A_76] : memref<320000xi32, #tpu.memory_space<hbm>> -> memref<128xi32, #tpu.memory_space<hbm>>
        %dma_wait3A_80 = tpu.memref_slice %arg5[%add3A_76] : memref<320000xi32, #tpu.memory_space<hbm>> -> memref<128xi32, #tpu.memory_space<hbm>>
        tpu.wait_dma2 semaphore(%run_scoped3A : memref<!tpu.dma_semaphore, #tpu.memory_space<semaphore_mem>>) src(%dma_wait3A_80 : memref<128xi32, #tpu.memory_space<hbm>>) dst(%arg9 : memref<128xi32, #tpu.memory_space<vmem>>)
        tpu.yield
      }) : () -> ()
      "tpu.region"() ({
        %run_scoped3A = tpu.sem_alloc : memref<!tpu.dma_semaphore, #tpu.memory_space<semaphore_mem>>
        %dma_start3A_77 = arith.constant 0 : i32
        %dma_start3A_78 = arith.constant 0 : i32
        %dma_start3A_79 = tpu.memref_slice %arg2[%dma_start3A_77, %dma_start3A_78] : memref<10000x128xf32, #tpu.memory_space<hbm>> -> memref<10000x128xf32, #tpu.memory_space<hbm>>
        tpu.enqueue_indirect_dma source(%dma_start3A_79 : memref<10000x128xf32, #tpu.memory_space<hbm>>) target(%arg10 : memref<128x128xf32, #tpu.memory_space<vmem>>) offsets(%arg8 : memref<128xi32, #tpu.memory_space<vmem>>) semaphore(%run_scoped3A : memref<!tpu.dma_semaphore, #tpu.memory_space<semaphore_mem>>)
        %dma_wait3A_80 = arith.constant 0 : i32
        %dma_wait3A_81 = arith.constant 0 : i32
        %dma_wait3A_82 = tpu.memref_slice %arg2[%dma_wait3A_80, %dma_wait3A_81] : memref<10000x128xf32, #tpu.memory_space<hbm>> -> memref<10000x128xf32, #tpu.memory_space<hbm>>
        tpu.wait_indirect_dma semaphore(%run_scoped3A : memref<!tpu.dma_semaphore, #tpu.memory_space<semaphore_mem>>) src(%dma_wait3A_82 : memref<10000x128xf32, #tpu.memory_space<hbm>>) dst(%arg10 : memref<128x128xf32, #tpu.memory_space<vmem>>)
        tpu.yield
      }) : () -> ()
      "tpu.region"() ({
        %run_scoped3A = tpu.sem_alloc : memref<!tpu.dma_semaphore, #tpu.memory_space<semaphore_mem>>
        %dma_start3A_77 = arith.constant 0 : i32
        %dma_start3A_78 = arith.constant 0 : i32
        %dma_start3A_79 = tpu.memref_slice %arg3[%dma_start3A_77, %dma_start3A_78] : memref<10000x128xf32, #tpu.memory_space<hbm>> -> memref<10000x128xf32, #tpu.memory_space<hbm>>
        tpu.enqueue_indirect_dma source(%dma_start3A_79 : memref<10000x128xf32, #tpu.memory_space<hbm>>) target(%arg11 : memref<128x128xf32, #tpu.memory_space<vmem>>) offsets(%arg9 : memref<128xi32, #tpu.memory_space<vmem>>) semaphore(%run_scoped3A : memref<!tpu.dma_semaphore, #tpu.memory_space<semaphore_mem>>)
        %dma_wait3A_80 = arith.constant 0 : i32
        %dma_wait3A_81 = arith.constant 0 : i32
        %dma_wait3A_82 = tpu.memref_slice %arg3[%dma_wait3A_80, %dma_wait3A_81] : memref<10000x128xf32, #tpu.memory_space<hbm>> -> memref<10000x128xf32, #tpu.memory_space<hbm>>
        tpu.wait_indirect_dma semaphore(%run_scoped3A : memref<!tpu.dma_semaphore, #tpu.memory_space<semaphore_mem>>) src(%dma_wait3A_82 : memref<10000x128xf32, #tpu.memory_space<hbm>>) dst(%arg11 : memref<128x128xf32, #tpu.memory_space<vmem>>)
        tpu.yield
      }) : () -> ()
      "tpu.region"() ({
        %run_scoped3A = tpu.sem_alloc : memref<!tpu.dma_semaphore, #tpu.memory_space<semaphore_mem>>
        %dma_start3A_77 = arith.constant 0 : i32
        %dma_start3A_78 = tpu.memref_slice %arg6[%mul3A_72, %dma_start3A_77] : memref<160000x128xf32, #tpu.memory_space<hbm>> -> memref<128x128xf32, #tpu.memory_space<hbm>>
        %dma_start3A_79 = arith.constant 0 : i32
        %dma_start3A_80 = tpu.memref_slice %arg6[%mul3A_72, %dma_start3A_79] : memref<160000x128xf32, #tpu.memory_space<hbm>> -> memref<128x128xf32, #tpu.memory_space<hbm>>
        tpu.enqueue_dma source(%arg10 : memref<128x128xf32, #tpu.memory_space<vmem>>) target(%dma_start3A_80 : memref<128x128xf32, #tpu.memory_space<hbm>>) target_semaphore(%run_scoped3A : memref<!tpu.dma_semaphore, #tpu.memory_space<semaphore_mem>>)
        %dma_wait3A_81 = arith.constant 0 : i32
        %dma_wait3A_82 = tpu.memref_slice %arg6[%mul3A_72, %dma_wait3A_81] : memref<160000x128xf32, #tpu.memory_space<hbm>> -> memref<128x128xf32, #tpu.memory_space<hbm>>
        %dma_wait3A_83 = arith.constant 0 : i32
        %dma_wait3A_84 = tpu.memref_slice %arg6[%mul3A_72, %dma_wait3A_83] : memref<160000x128xf32, #tpu.memory_space<hbm>> -> memref<128x128xf32, #tpu.memory_space<hbm>>
        tpu.wait_dma2 semaphore(%run_scoped3A : memref<!tpu.dma_semaphore, #tpu.memory_space<semaphore_mem>>) src(%arg10 : memref<128x128xf32, #tpu.memory_space<vmem>>) dst(%dma_wait3A_84 : memref<128x128xf32, #tpu.memory_space<hbm>>)
        tpu.yield
      }) : () -> ()
      "tpu.region"() ({
        %run_scoped3A = tpu.sem_alloc : memref<!tpu.dma_semaphore, #tpu.memory_space<semaphore_mem>>
        %dma_start3A_77 = arith.constant 0 : i32
        %dma_start3A_78 = tpu.memref_slice %arg7[%mul3A_72, %dma_start3A_77] : memref<160000x128xf32, #tpu.memory_space<hbm>> -> memref<128x128xf32, #tpu.memory_space<hbm>>
        %dma_start3A_79 = arith.constant 0 : i32
        %dma_start3A_80 = tpu.memref_slice %arg7[%mul3A_72, %dma_start3A_79] : memref<160000x128xf32, #tpu.memory_space<hbm>> -> memref<128x128xf32, #tpu.memory_space<hbm>>
        tpu.enqueue_dma source(%arg11 : memref<128x128xf32, #tpu.memory_space<vmem>>) target(%dma_start3A_80 : memref<128x128xf32, #tpu.memory_space<hbm>>) target_semaphore(%run_scoped3A : memref<!tpu.dma_semaphore, #tpu.memory_space<semaphore_mem>>)
        %dma_wait3A_81 = arith.constant 0 : i32
        %dma_wait3A_82 = tpu.memref_slice %arg7[%mul3A_72, %dma_wait3A_81] : memref<160000x128xf32, #tpu.memory_space<hbm>> -> memref<128x128xf32, #tpu.memory_space<hbm>>
        %dma_wait3A_83 = arith.constant 0 : i32
        %dma_wait3A_84 = tpu.memref_slice %arg7[%mul3A_72, %dma_wait3A_83] : memref<160000x128xf32, #tpu.memory_space<hbm>> -> memref<128x128xf32, #tpu.memory_space<hbm>>
        tpu.wait_dma2 semaphore(%run_scoped3A : memref<!tpu.dma_semaphore, #tpu.memory_space<semaphore_mem>>) src(%arg11 : memref<128x128xf32, #tpu.memory_space<vmem>>) dst(%dma_wait3A_84 : memref<128x128xf32, #tpu.memory_space<hbm>>)
        tpu.yield
      }) : () -> ()
    } else {
    }
    return
  }
}

#map = affine_map<(d0, d1) -> (0, 0)>
#map1 = affine_map<(d0, d1) -> (0)>
module attributes {stable_mosaic.version = 14 : i64} {
  func.func @sc_gather2(%arg0: i32, %arg1: i32, %arg2: memref<10000x128xf32, #tpu.memory_space<hbm>>, %arg3: memref<10000x128xf32, #tpu.memory_space<hbm>>, %arg4: memref<320000xi32, #tpu.memory_space<hbm>>, %arg5: memref<320000xi32, #tpu.memory_space<hbm>>, %arg6: memref<160000x128xf32, #tpu.memory_space<hbm>>, %arg7: memref<160000x128xf32, #tpu.memory_space<hbm>>, %arg8: memref<128xi32, #tpu.memory_space<vmem>>, %arg9: memref<128xi32, #tpu.memory_space<vmem>>, %arg10: memref<128x128xf32, #tpu.memory_space<vmem>>, %arg11: memref<128x128xf32, #tpu.memory_space<vmem>>, %arg12: memref<!tpu.dma_semaphore, #tpu.memory_space<semaphore_mem>>, %arg13: memref<!tpu.dma_semaphore, #tpu.memory_space<semaphore_mem>>, %arg14: memref<!tpu.dma_semaphore, #tpu.memory_space<semaphore_mem>>, %arg15: memref<!tpu.dma_semaphore, #tpu.memory_space<semaphore_mem>>, %arg16: memref<!tpu.dma_semaphore, #tpu.memory_space<semaphore_mem>>, %arg17: memref<!tpu.dma_semaphore, #tpu.memory_space<semaphore_mem>>, %arg18: memref<128xi32, #tpu.memory_space<vmem>>, %arg19: memref<128xi32, #tpu.memory_space<vmem>>, %arg20: memref<128x128xf32, #tpu.memory_space<vmem>>, %arg21: memref<128x128xf32, #tpu.memory_space<vmem>>, %arg22: memref<!tpu.dma_semaphore, #tpu.memory_space<semaphore_mem>>, %arg23: memref<!tpu.dma_semaphore, #tpu.memory_space<semaphore_mem>>, %arg24: memref<!tpu.dma_semaphore, #tpu.memory_space<semaphore_mem>>, %arg25: memref<!tpu.dma_semaphore, #tpu.memory_space<semaphore_mem>>, %arg26: memref<!tpu.dma_semaphore, #tpu.memory_space<semaphore_mem>>, %arg27: memref<!tpu.dma_semaphore, #tpu.memory_space<semaphore_mem>>) attributes {dimension_semantics = [#tpu.dimension_semantics<core_parallel>, #tpu.dimension_semantics<subcore_parallel>], iteration_bounds = array<i64: 2, 16>, scalar_prefetch = 0 : i64, scratch_operands = 20 : i64, tpu.core_type = #tpu.core_type<sc_vector_subcore>, window_params = [{transform_indices = #map}, {transform_indices = #map}, {transform_indices = #map1}, {transform_indices = #map1}, {transform_indices = #map}, {transform_indices = #map}]} {
    %mul3A = arith.constant 2 : i32
    %mul3A_0 = arith.muli %arg1, %mul3A : i32
    %add3A = arith.addi %mul3A_0, %arg0 : i32
    %add3A_1 = arith.constant 0 : i32
    %add3A_2 = arith.addi %add3A_1, %add3A : i32
    %mul3A_3 = arith.constant 128 : i32
    %mul3A_4 = arith.muli %add3A_2, %mul3A_3 : i32
    %add3A_5 = arith.constant 0 : i32
    %add3A_6 = arith.addi %add3A_5, %mul3A_4 : i32
    %dma_start3A = tpu.memref_slice %arg4[%add3A_6] : memref<320000xi32, #tpu.memory_space<hbm>> -> memref<128xi32, #tpu.memory_space<hbm>>
    %dma_start3A_7 = tpu.memref_slice %arg4[%add3A_6] : memref<320000xi32, #tpu.memory_space<hbm>> -> memref<128xi32, #tpu.memory_space<hbm>>
    tpu.enqueue_dma source(%dma_start3A_7 : memref<128xi32, #tpu.memory_space<hbm>>) target(%arg8 : memref<128xi32, #tpu.memory_space<vmem>>) target_semaphore(%arg12 : memref<!tpu.dma_semaphore, #tpu.memory_space<semaphore_mem>>)
    %add3A_8 = arith.constant 0 : i32
    %add3A_9 = arith.addi %add3A_8, %add3A : i32
    %mul3A_10 = arith.constant 128 : i32
    %mul3A_11 = arith.muli %add3A_9, %mul3A_10 : i32
    %add3A_12 = arith.constant 0 : i32
    %add3A_13 = arith.addi %add3A_12, %mul3A_11 : i32
    %dma_start3A_14 = tpu.memref_slice %arg5[%add3A_13] : memref<320000xi32, #tpu.memory_space<hbm>> -> memref<128xi32, #tpu.memory_space<hbm>>
    %dma_start3A_15 = tpu.memref_slice %arg5[%add3A_13] : memref<320000xi32, #tpu.memory_space<hbm>> -> memref<128xi32, #tpu.memory_space<hbm>>
    tpu.enqueue_dma source(%dma_start3A_15 : memref<128xi32, #tpu.memory_space<hbm>>) target(%arg9 : memref<128xi32, #tpu.memory_space<vmem>>) target_semaphore(%arg13 : memref<!tpu.dma_semaphore, #tpu.memory_space<semaphore_mem>>)
    %add3A_16 = arith.constant 32 : i32
    %add3A_17 = arith.addi %add3A_16, %add3A : i32
    %mul3A_18 = arith.constant 128 : i32
    %mul3A_19 = arith.muli %add3A_17, %mul3A_18 : i32
    %add3A_20 = arith.constant 0 : i32
    %add3A_21 = arith.addi %add3A_20, %mul3A_19 : i32
    %dma_start3A_22 = tpu.memref_slice %arg4[%add3A_21] : memref<320000xi32, #tpu.memory_space<hbm>> -> memref<128xi32, #tpu.memory_space<hbm>>
    %dma_start3A_23 = tpu.memref_slice %arg4[%add3A_21] : memref<320000xi32, #tpu.memory_space<hbm>> -> memref<128xi32, #tpu.memory_space<hbm>>
    tpu.enqueue_dma source(%dma_start3A_23 : memref<128xi32, #tpu.memory_space<hbm>>) target(%arg18 : memref<128xi32, #tpu.memory_space<vmem>>) target_semaphore(%arg22 : memref<!tpu.dma_semaphore, #tpu.memory_space<semaphore_mem>>)
    %add3A_24 = arith.constant 32 : i32
    %add3A_25 = arith.addi %add3A_24, %add3A : i32
    %mul3A_26 = arith.constant 128 : i32
    %mul3A_27 = arith.muli %add3A_25, %mul3A_26 : i32
    %add3A_28 = arith.constant 0 : i32
    %add3A_29 = arith.addi %add3A_28, %mul3A_27 : i32
    %dma_start3A_30 = tpu.memref_slice %arg5[%add3A_29] : memref<320000xi32, #tpu.memory_space<hbm>> -> memref<128xi32, #tpu.memory_space<hbm>>
    %dma_start3A_31 = tpu.memref_slice %arg5[%add3A_29] : memref<320000xi32, #tpu.memory_space<hbm>> -> memref<128xi32, #tpu.memory_space<hbm>>
    tpu.enqueue_dma source(%dma_start3A_31 : memref<128xi32, #tpu.memory_space<hbm>>) target(%arg19 : memref<128xi32, #tpu.memory_space<vmem>>) target_semaphore(%arg23 : memref<!tpu.dma_semaphore, #tpu.memory_space<semaphore_mem>>)
    %scan3A = arith.constant 0 : i32
    %scan3A_32 = arith.constant 20 : i32
    %scan3A_33 = arith.addi %scan3A, %scan3A_32 : i32
    %scan3A_34 = arith.constant 1 : i32
    scf.for %scan3A_69 = %scan3A to %scan3A_33 step %scan3A_34  : i32 {
      %mul3A_70 = arith.constant 1 : i32
      %mul3A_71 = arith.muli %scan3A_69, %mul3A_70 : i32
      %add3A_72 = arith.constant 0 : i32
      %add3A_73 = arith.addi %add3A_72, %mul3A_71 : i32
      %mul3A_74 = arith.constant 2 : i32
      %mul3A_75 = arith.muli %mul3A_74, %add3A_73 : i32
      %add3A_76 = arith.constant 0 : i32
      %add3A_77 = arith.addi %mul3A_75, %add3A_76 : i32
      %lt3A_78 = arith.constant 39 : i32
      %lt3A_79 = arith.cmpi slt, %add3A_77, %lt3A_78 : i32
      %convert_element_type3A_80 = arith.extui %lt3A_79 : i1 to i32
      %cond3A_81 = arith.constant 0 : i32
      %cond3A_82 = arith.cmpi ne, %convert_element_type3A_80, %cond3A_81 : i32
      scf.if %cond3A_82 {
        %mul3A_92 = arith.constant 32 : i32
        %mul3A_93 = arith.muli %add3A_77, %mul3A_92 : i32
        %add3A_94 = arith.addi %mul3A_93, %add3A : i32
        %mul3A_95 = arith.constant 128 : i32
        %mul3A_96 = arith.muli %add3A_94, %mul3A_95 : i32
        %add3A_97 = arith.constant 0 : i32
        %add3A_98 = arith.addi %add3A_97, %mul3A_96 : i32
        %dma_wait3A_99 = tpu.memref_slice %arg4[%add3A_98] : memref<320000xi32, #tpu.memory_space<hbm>> -> memref<128xi32, #tpu.memory_space<hbm>>
        %dma_wait3A_100 = tpu.memref_slice %arg4[%add3A_98] : memref<320000xi32, #tpu.memory_space<hbm>> -> memref<128xi32, #tpu.memory_space<hbm>>
        tpu.wait_dma2 semaphore(%arg12 : memref<!tpu.dma_semaphore, #tpu.memory_space<semaphore_mem>>) src(%dma_wait3A_100 : memref<128xi32, #tpu.memory_space<hbm>>) dst(%arg8 : memref<128xi32, #tpu.memory_space<vmem>>)
        %mul3A_101 = arith.constant 32 : i32
        %mul3A_102 = arith.muli %add3A_77, %mul3A_101 : i32
        %add3A_103 = arith.addi %mul3A_102, %add3A : i32
        %mul3A_104 = arith.constant 128 : i32
        %mul3A_105 = arith.muli %add3A_103, %mul3A_104 : i32
        %add3A_106 = arith.constant 0 : i32
        %add3A_107 = arith.addi %add3A_106, %mul3A_105 : i32
        %dma_wait3A_108 = tpu.memref_slice %arg5[%add3A_107] : memref<320000xi32, #tpu.memory_space<hbm>> -> memref<128xi32, #tpu.memory_space<hbm>>
        %dma_wait3A_109 = tpu.memref_slice %arg5[%add3A_107] : memref<320000xi32, #tpu.memory_space<hbm>> -> memref<128xi32, #tpu.memory_space<hbm>>
        tpu.wait_dma2 semaphore(%arg13 : memref<!tpu.dma_semaphore, #tpu.memory_space<semaphore_mem>>) src(%dma_wait3A_109 : memref<128xi32, #tpu.memory_space<hbm>>) dst(%arg9 : memref<128xi32, #tpu.memory_space<vmem>>)
        %ge3A = arith.constant 2 : i32
        %ge3A_110 = arith.cmpi sge, %add3A_77, %ge3A : i32
        %convert_element_type3A_111 = arith.extui %ge3A_110 : i1 to i32
        %cond3A_112 = arith.constant 0 : i32
        %cond3A_113 = arith.cmpi ne, %convert_element_type3A_111, %cond3A_112 : i32
        scf.if %cond3A_113 {
          %sub3A = arith.constant 2 : i32
          %sub3A_151 = arith.subi %add3A_77, %sub3A : i32
          %mul3A_152 = arith.constant 32 : i32
          %mul3A_153 = arith.muli %sub3A_151, %mul3A_152 : i32
          %add3A_154 = arith.addi %mul3A_153, %add3A : i32
          %mul3A_155 = arith.constant 128 : i32
          %mul3A_156 = arith.muli %add3A_154, %mul3A_155 : i32
          %dma_wait3A_157 = arith.constant 0 : i32
          %dma_wait3A_158 = tpu.memref_slice %arg6[%mul3A_156, %dma_wait3A_157] : memref<160000x128xf32, #tpu.memory_space<hbm>> -> memref<128x128xf32, #tpu.memory_space<hbm>>
          %dma_wait3A_159 = arith.constant 0 : i32
          %dma_wait3A_160 = tpu.memref_slice %arg6[%mul3A_156, %dma_wait3A_159] : memref<160000x128xf32, #tpu.memory_space<hbm>> -> memref<128x128xf32, #tpu.memory_space<hbm>>
          tpu.wait_dma2 semaphore(%arg16 : memref<!tpu.dma_semaphore, #tpu.memory_space<semaphore_mem>>) src(%arg10 : memref<128x128xf32, #tpu.memory_space<vmem>>) dst(%dma_wait3A_160 : memref<128x128xf32, #tpu.memory_space<hbm>>)
          %mul3A_161 = arith.constant 32 : i32
          %mul3A_162 = arith.muli %sub3A_151, %mul3A_161 : i32
          %add3A_163 = arith.addi %mul3A_162, %add3A : i32
          %mul3A_164 = arith.constant 128 : i32
          %mul3A_165 = arith.muli %add3A_163, %mul3A_164 : i32
          %dma_wait3A_166 = arith.constant 0 : i32
          %dma_wait3A_167 = tpu.memref_slice %arg7[%mul3A_165, %dma_wait3A_166] : memref<160000x128xf32, #tpu.memory_space<hbm>> -> memref<128x128xf32, #tpu.memory_space<hbm>>
          %dma_wait3A_168 = arith.constant 0 : i32
          %dma_wait3A_169 = tpu.memref_slice %arg7[%mul3A_165, %dma_wait3A_168] : memref<160000x128xf32, #tpu.memory_space<hbm>> -> memref<128x128xf32, #tpu.memory_space<hbm>>
          tpu.wait_dma2 semaphore(%arg17 : memref<!tpu.dma_semaphore, #tpu.memory_space<semaphore_mem>>) src(%arg11 : memref<128x128xf32, #tpu.memory_space<vmem>>) dst(%dma_wait3A_169 : memref<128x128xf32, #tpu.memory_space<hbm>>)
        } else {
        }
        %dma_start3A_114 = arith.constant 0 : i32
        %dma_start3A_115 = arith.constant 0 : i32
        %dma_start3A_116 = tpu.memref_slice %arg2[%dma_start3A_114, %dma_start3A_115] : memref<10000x128xf32, #tpu.memory_space<hbm>> -> memref<10000x128xf32, #tpu.memory_space<hbm>>
        tpu.enqueue_indirect_dma source(%dma_start3A_116 : memref<10000x128xf32, #tpu.memory_space<hbm>>) target(%arg10 : memref<128x128xf32, #tpu.memory_space<vmem>>) offsets(%arg8 : memref<128xi32, #tpu.memory_space<vmem>>) semaphore(%arg14 : memref<!tpu.dma_semaphore, #tpu.memory_space<semaphore_mem>>)
        %dma_start3A_117 = arith.constant 0 : i32
        %dma_start3A_118 = arith.constant 0 : i32
        %dma_start3A_119 = tpu.memref_slice %arg3[%dma_start3A_117, %dma_start3A_118] : memref<10000x128xf32, #tpu.memory_space<hbm>> -> memref<10000x128xf32, #tpu.memory_space<hbm>>
        tpu.enqueue_indirect_dma source(%dma_start3A_119 : memref<10000x128xf32, #tpu.memory_space<hbm>>) target(%arg11 : memref<128x128xf32, #tpu.memory_space<vmem>>) offsets(%arg9 : memref<128xi32, #tpu.memory_space<vmem>>) semaphore(%arg15 : memref<!tpu.dma_semaphore, #tpu.memory_space<semaphore_mem>>)
        %dma_wait3A_120 = arith.constant 0 : i32
        %dma_wait3A_121 = arith.constant 0 : i32
        %dma_wait3A_122 = tpu.memref_slice %arg2[%dma_wait3A_120, %dma_wait3A_121] : memref<10000x128xf32, #tpu.memory_space<hbm>> -> memref<10000x128xf32, #tpu.memory_space<hbm>>
        tpu.wait_indirect_dma semaphore(%arg14 : memref<!tpu.dma_semaphore, #tpu.memory_space<semaphore_mem>>) src(%dma_wait3A_122 : memref<10000x128xf32, #tpu.memory_space<hbm>>) dst(%arg10 : memref<128x128xf32, #tpu.memory_space<vmem>>)
        %dma_wait3A_123 = arith.constant 0 : i32
        %dma_wait3A_124 = arith.constant 0 : i32
        %dma_wait3A_125 = tpu.memref_slice %arg3[%dma_wait3A_123, %dma_wait3A_124] : memref<10000x128xf32, #tpu.memory_space<hbm>> -> memref<10000x128xf32, #tpu.memory_space<hbm>>
        tpu.wait_indirect_dma semaphore(%arg15 : memref<!tpu.dma_semaphore, #tpu.memory_space<semaphore_mem>>) src(%dma_wait3A_125 : memref<10000x128xf32, #tpu.memory_space<hbm>>) dst(%arg11 : memref<128x128xf32, #tpu.memory_space<vmem>>)
        %mul3A_126 = arith.constant 32 : i32
        %mul3A_127 = arith.muli %add3A_77, %mul3A_126 : i32
        %add3A_128 = arith.addi %mul3A_127, %add3A : i32
        %mul3A_129 = arith.constant 128 : i32
        %mul3A_130 = arith.muli %add3A_128, %mul3A_129 : i32
        %dma_start3A_131 = arith.constant 0 : i32
        %dma_start3A_132 = tpu.memref_slice %arg6[%mul3A_130, %dma_start3A_131] : memref<160000x128xf32, #tpu.memory_space<hbm>> -> memref<128x128xf32, #tpu.memory_space<hbm>>
        %dma_start3A_133 = arith.constant 0 : i32
        %dma_start3A_134 = tpu.memref_slice %arg6[%mul3A_130, %dma_start3A_133] : memref<160000x128xf32, #tpu.memory_space<hbm>> -> memref<128x128xf32, #tpu.memory_space<hbm>>
        tpu.enqueue_dma source(%arg10 : memref<128x128xf32, #tpu.memory_space<vmem>>) target(%dma_start3A_134 : memref<128x128xf32, #tpu.memory_space<hbm>>) target_semaphore(%arg16 : memref<!tpu.dma_semaphore, #tpu.memory_space<semaphore_mem>>)
        %mul3A_135 = arith.constant 32 : i32
        %mul3A_136 = arith.muli %add3A_77, %mul3A_135 : i32
        %add3A_137 = arith.addi %mul3A_136, %add3A : i32
        %mul3A_138 = arith.constant 128 : i32
        %mul3A_139 = arith.muli %add3A_137, %mul3A_138 : i32
        %dma_start3A_140 = arith.constant 0 : i32
        %dma_start3A_141 = tpu.memref_slice %arg7[%mul3A_139, %dma_start3A_140] : memref<160000x128xf32, #tpu.memory_space<hbm>> -> memref<128x128xf32, #tpu.memory_space<hbm>>
        %dma_start3A_142 = arith.constant 0 : i32
        %dma_start3A_143 = tpu.memref_slice %arg7[%mul3A_139, %dma_start3A_142] : memref<160000x128xf32, #tpu.memory_space<hbm>> -> memref<128x128xf32, #tpu.memory_space<hbm>>
        tpu.enqueue_dma source(%arg11 : memref<128x128xf32, #tpu.memory_space<vmem>>) target(%dma_start3A_143 : memref<128x128xf32, #tpu.memory_space<hbm>>) target_semaphore(%arg17 : memref<!tpu.dma_semaphore, #tpu.memory_space<semaphore_mem>>)
        %add3A_144 = arith.constant 2 : i32
        %add3A_145 = arith.addi %add3A_77, %add3A_144 : i32
        %lt3A_146 = arith.constant 39 : i32
        %lt3A_147 = arith.cmpi slt, %add3A_145, %lt3A_146 : i32
        %convert_element_type3A_148 = arith.extui %lt3A_147 : i1 to i32
        %cond3A_149 = arith.constant 0 : i32
        %cond3A_150 = arith.cmpi ne, %convert_element_type3A_148, %cond3A_149 : i32
        scf.if %cond3A_150 {
          %add3A_151 = arith.constant 2 : i32
          %add3A_152 = arith.addi %add3A_77, %add3A_151 : i32
          %mul3A_153 = arith.constant 32 : i32
          %mul3A_154 = arith.muli %add3A_152, %mul3A_153 : i32
          %add3A_155 = arith.addi %mul3A_154, %add3A : i32
          %mul3A_156 = arith.constant 128 : i32
          %mul3A_157 = arith.muli %add3A_155, %mul3A_156 : i32
          %add3A_158 = arith.constant 0 : i32
          %add3A_159 = arith.addi %add3A_158, %mul3A_157 : i32
          %dma_start3A_160 = tpu.memref_slice %arg4[%add3A_159] : memref<320000xi32, #tpu.memory_space<hbm>> -> memref<128xi32, #tpu.memory_space<hbm>>
          %dma_start3A_161 = tpu.memref_slice %arg4[%add3A_159] : memref<320000xi32, #tpu.memory_space<hbm>> -> memref<128xi32, #tpu.memory_space<hbm>>
          tpu.enqueue_dma source(%dma_start3A_161 : memref<128xi32, #tpu.memory_space<hbm>>) target(%arg8 : memref<128xi32, #tpu.memory_space<vmem>>) target_semaphore(%arg12 : memref<!tpu.dma_semaphore, #tpu.memory_space<semaphore_mem>>)
          %mul3A_162 = arith.constant 32 : i32
          %mul3A_163 = arith.muli %add3A_152, %mul3A_162 : i32
          %add3A_164 = arith.addi %mul3A_163, %add3A : i32
          %mul3A_165 = arith.constant 128 : i32
          %mul3A_166 = arith.muli %add3A_164, %mul3A_165 : i32
          %add3A_167 = arith.constant 0 : i32
          %add3A_168 = arith.addi %add3A_167, %mul3A_166 : i32
          %dma_start3A_169 = tpu.memref_slice %arg5[%add3A_168] : memref<320000xi32, #tpu.memory_space<hbm>> -> memref<128xi32, #tpu.memory_space<hbm>>
          %dma_start3A_170 = tpu.memref_slice %arg5[%add3A_168] : memref<320000xi32, #tpu.memory_space<hbm>> -> memref<128xi32, #tpu.memory_space<hbm>>
          tpu.enqueue_dma source(%dma_start3A_170 : memref<128xi32, #tpu.memory_space<hbm>>) target(%arg9 : memref<128xi32, #tpu.memory_space<vmem>>) target_semaphore(%arg13 : memref<!tpu.dma_semaphore, #tpu.memory_space<semaphore_mem>>)
        } else {
        }
      } else {
      }
      %mul3A_83 = arith.constant 2 : i32
      %mul3A_84 = arith.muli %mul3A_83, %add3A_73 : i32
      %add3A_85 = arith.constant 1 : i32
      %add3A_86 = arith.addi %mul3A_84, %add3A_85 : i32
      %lt3A_87 = arith.constant 39 : i32
      %lt3A_88 = arith.cmpi slt, %add3A_86, %lt3A_87 : i32
      %convert_element_type3A_89 = arith.extui %lt3A_88 : i1 to i32
      %cond3A_90 = arith.constant 0 : i32
      %cond3A_91 = arith.cmpi ne, %convert_element_type3A_89, %cond3A_90 : i32
      scf.if %cond3A_91 {
        %mul3A_92 = arith.constant 32 : i32
        %mul3A_93 = arith.muli %add3A_86, %mul3A_92 : i32
        %add3A_94 = arith.addi %mul3A_93, %add3A : i32
        %mul3A_95 = arith.constant 128 : i32
        %mul3A_96 = arith.muli %add3A_94, %mul3A_95 : i32
        %add3A_97 = arith.constant 0 : i32
        %add3A_98 = arith.addi %add3A_97, %mul3A_96 : i32
        %dma_wait3A_99 = tpu.memref_slice %arg4[%add3A_98] : memref<320000xi32, #tpu.memory_space<hbm>> -> memref<128xi32, #tpu.memory_space<hbm>>
        %dma_wait3A_100 = tpu.memref_slice %arg4[%add3A_98] : memref<320000xi32, #tpu.memory_space<hbm>> -> memref<128xi32, #tpu.memory_space<hbm>>
        tpu.wait_dma2 semaphore(%arg22 : memref<!tpu.dma_semaphore, #tpu.memory_space<semaphore_mem>>) src(%dma_wait3A_100 : memref<128xi32, #tpu.memory_space<hbm>>) dst(%arg18 : memref<128xi32, #tpu.memory_space<vmem>>)
        %mul3A_101 = arith.constant 32 : i32
        %mul3A_102 = arith.muli %add3A_86, %mul3A_101 : i32
        %add3A_103 = arith.addi %mul3A_102, %add3A : i32
        %mul3A_104 = arith.constant 128 : i32
        %mul3A_105 = arith.muli %add3A_103, %mul3A_104 : i32
        %add3A_106 = arith.constant 0 : i32
        %add3A_107 = arith.addi %add3A_106, %mul3A_105 : i32
        %dma_wait3A_108 = tpu.memref_slice %arg5[%add3A_107] : memref<320000xi32, #tpu.memory_space<hbm>> -> memref<128xi32, #tpu.memory_space<hbm>>
        %dma_wait3A_109 = tpu.memref_slice %arg5[%add3A_107] : memref<320000xi32, #tpu.memory_space<hbm>> -> memref<128xi32, #tpu.memory_space<hbm>>
        tpu.wait_dma2 semaphore(%arg23 : memref<!tpu.dma_semaphore, #tpu.memory_space<semaphore_mem>>) src(%dma_wait3A_109 : memref<128xi32, #tpu.memory_space<hbm>>) dst(%arg19 : memref<128xi32, #tpu.memory_space<vmem>>)
        %ge3A = arith.constant 2 : i32
        %ge3A_110 = arith.cmpi sge, %add3A_86, %ge3A : i32
        %convert_element_type3A_111 = arith.extui %ge3A_110 : i1 to i32
        %cond3A_112 = arith.constant 0 : i32
        %cond3A_113 = arith.cmpi ne, %convert_element_type3A_111, %cond3A_112 : i32
        scf.if %cond3A_113 {
          %sub3A = arith.constant 2 : i32
          %sub3A_151 = arith.subi %add3A_86, %sub3A : i32
          %mul3A_152 = arith.constant 32 : i32
          %mul3A_153 = arith.muli %sub3A_151, %mul3A_152 : i32
          %add3A_154 = arith.addi %mul3A_153, %add3A : i32
          %mul3A_155 = arith.constant 128 : i32
          %mul3A_156 = arith.muli %add3A_154, %mul3A_155 : i32
          %dma_wait3A_157 = arith.constant 0 : i32
          %dma_wait3A_158 = tpu.memref_slice %arg6[%mul3A_156, %dma_wait3A_157] : memref<160000x128xf32, #tpu.memory_space<hbm>> -> memref<128x128xf32, #tpu.memory_space<hbm>>
          %dma_wait3A_159 = arith.constant 0 : i32
          %dma_wait3A_160 = tpu.memref_slice %arg6[%mul3A_156, %dma_wait3A_159] : memref<160000x128xf32, #tpu.memory_space<hbm>> -> memref<128x128xf32, #tpu.memory_space<hbm>>
          tpu.wait_dma2 semaphore(%arg26 : memref<!tpu.dma_semaphore, #tpu.memory_space<semaphore_mem>>) src(%arg20 : memref<128x128xf32, #tpu.memory_space<vmem>>) dst(%dma_wait3A_160 : memref<128x128xf32, #tpu.memory_space<hbm>>)
          %mul3A_161 = arith.constant 32 : i32
          %mul3A_162 = arith.muli %sub3A_151, %mul3A_161 : i32
          %add3A_163 = arith.addi %mul3A_162, %add3A : i32
          %mul3A_164 = arith.constant 128 : i32
          %mul3A_165 = arith.muli %add3A_163, %mul3A_164 : i32
          %dma_wait3A_166 = arith.constant 0 : i32
          %dma_wait3A_167 = tpu.memref_slice %arg7[%mul3A_165, %dma_wait3A_166] : memref<160000x128xf32, #tpu.memory_space<hbm>> -> memref<128x128xf32, #tpu.memory_space<hbm>>
          %dma_wait3A_168 = arith.constant 0 : i32
          %dma_wait3A_169 = tpu.memref_slice %arg7[%mul3A_165, %dma_wait3A_168] : memref<160000x128xf32, #tpu.memory_space<hbm>> -> memref<128x128xf32, #tpu.memory_space<hbm>>
          tpu.wait_dma2 semaphore(%arg27 : memref<!tpu.dma_semaphore, #tpu.memory_space<semaphore_mem>>) src(%arg21 : memref<128x128xf32, #tpu.memory_space<vmem>>) dst(%dma_wait3A_169 : memref<128x128xf32, #tpu.memory_space<hbm>>)
        } else {
        }
        %dma_start3A_114 = arith.constant 0 : i32
        %dma_start3A_115 = arith.constant 0 : i32
        %dma_start3A_116 = tpu.memref_slice %arg2[%dma_start3A_114, %dma_start3A_115] : memref<10000x128xf32, #tpu.memory_space<hbm>> -> memref<10000x128xf32, #tpu.memory_space<hbm>>
        tpu.enqueue_indirect_dma source(%dma_start3A_116 : memref<10000x128xf32, #tpu.memory_space<hbm>>) target(%arg20 : memref<128x128xf32, #tpu.memory_space<vmem>>) offsets(%arg18 : memref<128xi32, #tpu.memory_space<vmem>>) semaphore(%arg24 : memref<!tpu.dma_semaphore, #tpu.memory_space<semaphore_mem>>)
        %dma_start3A_117 = arith.constant 0 : i32
        %dma_start3A_118 = arith.constant 0 : i32
        %dma_start3A_119 = tpu.memref_slice %arg3[%dma_start3A_117, %dma_start3A_118] : memref<10000x128xf32, #tpu.memory_space<hbm>> -> memref<10000x128xf32, #tpu.memory_space<hbm>>
        tpu.enqueue_indirect_dma source(%dma_start3A_119 : memref<10000x128xf32, #tpu.memory_space<hbm>>) target(%arg21 : memref<128x128xf32, #tpu.memory_space<vmem>>) offsets(%arg19 : memref<128xi32, #tpu.memory_space<vmem>>) semaphore(%arg25 : memref<!tpu.dma_semaphore, #tpu.memory_space<semaphore_mem>>)
        %dma_wait3A_120 = arith.constant 0 : i32
        %dma_wait3A_121 = arith.constant 0 : i32
        %dma_wait3A_122 = tpu.memref_slice %arg2[%dma_wait3A_120, %dma_wait3A_121] : memref<10000x128xf32, #tpu.memory_space<hbm>> -> memref<10000x128xf32, #tpu.memory_space<hbm>>
        tpu.wait_indirect_dma semaphore(%arg24 : memref<!tpu.dma_semaphore, #tpu.memory_space<semaphore_mem>>) src(%dma_wait3A_122 : memref<10000x128xf32, #tpu.memory_space<hbm>>) dst(%arg20 : memref<128x128xf32, #tpu.memory_space<vmem>>)
        %dma_wait3A_123 = arith.constant 0 : i32
        %dma_wait3A_124 = arith.constant 0 : i32
        %dma_wait3A_125 = tpu.memref_slice %arg3[%dma_wait3A_123, %dma_wait3A_124] : memref<10000x128xf32, #tpu.memory_space<hbm>> -> memref<10000x128xf32, #tpu.memory_space<hbm>>
        tpu.wait_indirect_dma semaphore(%arg25 : memref<!tpu.dma_semaphore, #tpu.memory_space<semaphore_mem>>) src(%dma_wait3A_125 : memref<10000x128xf32, #tpu.memory_space<hbm>>) dst(%arg21 : memref<128x128xf32, #tpu.memory_space<vmem>>)
        %mul3A_126 = arith.constant 32 : i32
        %mul3A_127 = arith.muli %add3A_86, %mul3A_126 : i32
        %add3A_128 = arith.addi %mul3A_127, %add3A : i32
        %mul3A_129 = arith.constant 128 : i32
        %mul3A_130 = arith.muli %add3A_128, %mul3A_129 : i32
        %dma_start3A_131 = arith.constant 0 : i32
        %dma_start3A_132 = tpu.memref_slice %arg6[%mul3A_130, %dma_start3A_131] : memref<160000x128xf32, #tpu.memory_space<hbm>> -> memref<128x128xf32, #tpu.memory_space<hbm>>
        %dma_start3A_133 = arith.constant 0 : i32
        %dma_start3A_134 = tpu.memref_slice %arg6[%mul3A_130, %dma_start3A_133] : memref<160000x128xf32, #tpu.memory_space<hbm>> -> memref<128x128xf32, #tpu.memory_space<hbm>>
        tpu.enqueue_dma source(%arg20 : memref<128x128xf32, #tpu.memory_space<vmem>>) target(%dma_start3A_134 : memref<128x128xf32, #tpu.memory_space<hbm>>) target_semaphore(%arg26 : memref<!tpu.dma_semaphore, #tpu.memory_space<semaphore_mem>>)
        %mul3A_135 = arith.constant 32 : i32
        %mul3A_136 = arith.muli %add3A_86, %mul3A_135 : i32
        %add3A_137 = arith.addi %mul3A_136, %add3A : i32
        %mul3A_138 = arith.constant 128 : i32
        %mul3A_139 = arith.muli %add3A_137, %mul3A_138 : i32
        %dma_start3A_140 = arith.constant 0 : i32
        %dma_start3A_141 = tpu.memref_slice %arg7[%mul3A_139, %dma_start3A_140] : memref<160000x128xf32, #tpu.memory_space<hbm>> -> memref<128x128xf32, #tpu.memory_space<hbm>>
        %dma_start3A_142 = arith.constant 0 : i32
        %dma_start3A_143 = tpu.memref_slice %arg7[%mul3A_139, %dma_start3A_142] : memref<160000x128xf32, #tpu.memory_space<hbm>> -> memref<128x128xf32, #tpu.memory_space<hbm>>
        tpu.enqueue_dma source(%arg21 : memref<128x128xf32, #tpu.memory_space<vmem>>) target(%dma_start3A_143 : memref<128x128xf32, #tpu.memory_space<hbm>>) target_semaphore(%arg27 : memref<!tpu.dma_semaphore, #tpu.memory_space<semaphore_mem>>)
        %add3A_144 = arith.constant 2 : i32
        %add3A_145 = arith.addi %add3A_86, %add3A_144 : i32
        %lt3A_146 = arith.constant 39 : i32
        %lt3A_147 = arith.cmpi slt, %add3A_145, %lt3A_146 : i32
        %convert_element_type3A_148 = arith.extui %lt3A_147 : i1 to i32
        %cond3A_149 = arith.constant 0 : i32
        %cond3A_150 = arith.cmpi ne, %convert_element_type3A_148, %cond3A_149 : i32
        scf.if %cond3A_150 {
          %add3A_151 = arith.constant 2 : i32
          %add3A_152 = arith.addi %add3A_86, %add3A_151 : i32
          %mul3A_153 = arith.constant 32 : i32
          %mul3A_154 = arith.muli %add3A_152, %mul3A_153 : i32
          %add3A_155 = arith.addi %mul3A_154, %add3A : i32
          %mul3A_156 = arith.constant 128 : i32
          %mul3A_157 = arith.muli %add3A_155, %mul3A_156 : i32
          %add3A_158 = arith.constant 0 : i32
          %add3A_159 = arith.addi %add3A_158, %mul3A_157 : i32
          %dma_start3A_160 = tpu.memref_slice %arg4[%add3A_159] : memref<320000xi32, #tpu.memory_space<hbm>> -> memref<128xi32, #tpu.memory_space<hbm>>
          %dma_start3A_161 = tpu.memref_slice %arg4[%add3A_159] : memref<320000xi32, #tpu.memory_space<hbm>> -> memref<128xi32, #tpu.memory_space<hbm>>
          tpu.enqueue_dma source(%dma_start3A_161 : memref<128xi32, #tpu.memory_space<hbm>>) target(%arg18 : memref<128xi32, #tpu.memory_space<vmem>>) target_semaphore(%arg22 : memref<!tpu.dma_semaphore, #tpu.memory_space<semaphore_mem>>)
          %mul3A_162 = arith.constant 32 : i32
          %mul3A_163 = arith.muli %add3A_152, %mul3A_162 : i32
          %add3A_164 = arith.addi %mul3A_163, %add3A : i32
          %mul3A_165 = arith.constant 128 : i32
          %mul3A_166 = arith.muli %add3A_164, %mul3A_165 : i32
          %add3A_167 = arith.constant 0 : i32
          %add3A_168 = arith.addi %add3A_167, %mul3A_166 : i32
          %dma_start3A_169 = tpu.memref_slice %arg5[%add3A_168] : memref<320000xi32, #tpu.memory_space<hbm>> -> memref<128xi32, #tpu.memory_space<hbm>>
          %dma_start3A_170 = tpu.memref_slice %arg5[%add3A_168] : memref<320000xi32, #tpu.memory_space<hbm>> -> memref<128xi32, #tpu.memory_space<hbm>>
          tpu.enqueue_dma source(%dma_start3A_170 : memref<128xi32, #tpu.memory_space<hbm>>) target(%arg19 : memref<128xi32, #tpu.memory_space<vmem>>) target_semaphore(%arg23 : memref<!tpu.dma_semaphore, #tpu.memory_space<semaphore_mem>>)
        } else {
        }
      } else {
      }
    }
    %scan3A_35 = arith.constant 20 : i32
    %add3A_36 = arith.constant 1184 : i32
    %add3A_37 = arith.addi %add3A_36, %add3A : i32
    %mul3A_38 = arith.constant 128 : i32
    %mul3A_39 = arith.muli %add3A_37, %mul3A_38 : i32
    %dma_wait3A = arith.constant 0 : i32
    %dma_wait3A_40 = tpu.memref_slice %arg6[%mul3A_39, %dma_wait3A] : memref<160000x128xf32, #tpu.memory_space<hbm>> -> memref<128x128xf32, #tpu.memory_space<hbm>>
    %dma_wait3A_41 = arith.constant 0 : i32
    %dma_wait3A_42 = tpu.memref_slice %arg6[%mul3A_39, %dma_wait3A_41] : memref<160000x128xf32, #tpu.memory_space<hbm>> -> memref<128x128xf32, #tpu.memory_space<hbm>>
    tpu.wait_dma2 semaphore(%arg26 : memref<!tpu.dma_semaphore, #tpu.memory_space<semaphore_mem>>) src(%arg20 : memref<128x128xf32, #tpu.memory_space<vmem>>) dst(%dma_wait3A_42 : memref<128x128xf32, #tpu.memory_space<hbm>>)
    %add3A_43 = arith.constant 1184 : i32
    %add3A_44 = arith.addi %add3A_43, %add3A : i32
    %mul3A_45 = arith.constant 128 : i32
    %mul3A_46 = arith.muli %add3A_44, %mul3A_45 : i32
    %dma_wait3A_47 = arith.constant 0 : i32
    %dma_wait3A_48 = tpu.memref_slice %arg7[%mul3A_46, %dma_wait3A_47] : memref<160000x128xf32, #tpu.memory_space<hbm>> -> memref<128x128xf32, #tpu.memory_space<hbm>>
    %dma_wait3A_49 = arith.constant 0 : i32
    %dma_wait3A_50 = tpu.memref_slice %arg7[%mul3A_46, %dma_wait3A_49] : memref<160000x128xf32, #tpu.memory_space<hbm>> -> memref<128x128xf32, #tpu.memory_space<hbm>>
    tpu.wait_dma2 semaphore(%arg27 : memref<!tpu.dma_semaphore, #tpu.memory_space<semaphore_mem>>) src(%arg21 : memref<128x128xf32, #tpu.memory_space<vmem>>) dst(%dma_wait3A_50 : memref<128x128xf32, #tpu.memory_space<hbm>>)
    %add3A_51 = arith.constant 1216 : i32
    %add3A_52 = arith.addi %add3A_51, %add3A : i32
    %mul3A_53 = arith.constant 128 : i32
    %mul3A_54 = arith.muli %add3A_52, %mul3A_53 : i32
    %dma_wait3A_55 = arith.constant 0 : i32
    %dma_wait3A_56 = tpu.memref_slice %arg6[%mul3A_54, %dma_wait3A_55] : memref<160000x128xf32, #tpu.memory_space<hbm>> -> memref<128x128xf32, #tpu.memory_space<hbm>>
    %dma_wait3A_57 = arith.constant 0 : i32
    %dma_wait3A_58 = tpu.memref_slice %arg6[%mul3A_54, %dma_wait3A_57] : memref<160000x128xf32, #tpu.memory_space<hbm>> -> memref<128x128xf32, #tpu.memory_space<hbm>>
    tpu.wait_dma2 semaphore(%arg16 : memref<!tpu.dma_semaphore, #tpu.memory_space<semaphore_mem>>) src(%arg10 : memref<128x128xf32, #tpu.memory_space<vmem>>) dst(%dma_wait3A_58 : memref<128x128xf32, #tpu.memory_space<hbm>>)
    %add3A_59 = arith.constant 1216 : i32
    %add3A_60 = arith.addi %add3A_59, %add3A : i32
    %mul3A_61 = arith.constant 128 : i32
    %mul3A_62 = arith.muli %add3A_60, %mul3A_61 : i32
    %dma_wait3A_63 = arith.constant 0 : i32
    %dma_wait3A_64 = tpu.memref_slice %arg7[%mul3A_62, %dma_wait3A_63] : memref<160000x128xf32, #tpu.memory_space<hbm>> -> memref<128x128xf32, #tpu.memory_space<hbm>>
    %dma_wait3A_65 = arith.constant 0 : i32
    %dma_wait3A_66 = tpu.memref_slice %arg7[%mul3A_62, %dma_wait3A_65] : memref<160000x128xf32, #tpu.memory_space<hbm>> -> memref<128x128xf32, #tpu.memory_space<hbm>>
    tpu.wait_dma2 semaphore(%arg17 : memref<!tpu.dma_semaphore, #tpu.memory_space<semaphore_mem>>) src(%arg11 : memref<128x128xf32, #tpu.memory_space<vmem>>) dst(%dma_wait3A_66 : memref<128x128xf32, #tpu.memory_space<hbm>>)
    %lt3A = arith.constant 2 : i32
    %lt3A_67 = arith.cmpi slt, %add3A, %lt3A : i32
    %convert_element_type3A = arith.extui %lt3A_67 : i1 to i32
    %cond3A = arith.constant 0 : i32
    %cond3A_68 = arith.cmpi ne, %convert_element_type3A, %cond3A : i32
    scf.if %cond3A_68 {
      %add3A_69 = arith.constant 1248 : i32
      %add3A_70 = arith.addi %add3A_69, %add3A : i32
      %mul3A_71 = arith.constant 128 : i32
      %mul3A_72 = arith.muli %add3A_70, %mul3A_71 : i32
      %add3A_73 = arith.constant 0 : i32
      %add3A_74 = arith.addi %add3A_73, %mul3A_72 : i32
      "tpu.region"() ({
        %run_scoped3A = tpu.sem_alloc : memref<!tpu.dma_semaphore, #tpu.memory_space<semaphore_mem>>
        %dma_start3A_77 = tpu.memref_slice %arg4[%add3A_74] : memref<320000xi32, #tpu.memory_space<hbm>> -> memref<128xi32, #tpu.memory_space<hbm>>
        %dma_start3A_78 = tpu.memref_slice %arg4[%add3A_74] : memref<320000xi32, #tpu.memory_space<hbm>> -> memref<128xi32, #tpu.memory_space<hbm>>
        tpu.enqueue_dma source(%dma_start3A_78 : memref<128xi32, #tpu.memory_space<hbm>>) target(%arg8 : memref<128xi32, #tpu.memory_space<vmem>>) target_semaphore(%run_scoped3A : memref<!tpu.dma_semaphore, #tpu.memory_space<semaphore_mem>>)
        %dma_wait3A_79 = tpu.memref_slice %arg4[%add3A_74] : memref<320000xi32, #tpu.memory_space<hbm>> -> memref<128xi32, #tpu.memory_space<hbm>>
        %dma_wait3A_80 = tpu.memref_slice %arg4[%add3A_74] : memref<320000xi32, #tpu.memory_space<hbm>> -> memref<128xi32, #tpu.memory_space<hbm>>
        tpu.wait_dma2 semaphore(%run_scoped3A : memref<!tpu.dma_semaphore, #tpu.memory_space<semaphore_mem>>) src(%dma_wait3A_80 : memref<128xi32, #tpu.memory_space<hbm>>) dst(%arg8 : memref<128xi32, #tpu.memory_space<vmem>>)
        tpu.yield
      }) : () -> ()
      %add3A_75 = arith.constant 0 : i32
      %add3A_76 = arith.addi %add3A_75, %mul3A_72 : i32
      "tpu.region"() ({
        %run_scoped3A = tpu.sem_alloc : memref<!tpu.dma_semaphore, #tpu.memory_space<semaphore_mem>>
        %dma_start3A_77 = tpu.memref_slice %arg5[%add3A_76] : memref<320000xi32, #tpu.memory_space<hbm>> -> memref<128xi32, #tpu.memory_space<hbm>>
        %dma_start3A_78 = tpu.memref_slice %arg5[%add3A_76] : memref<320000xi32, #tpu.memory_space<hbm>> -> memref<128xi32, #tpu.memory_space<hbm>>
        tpu.enqueue_dma source(%dma_start3A_78 : memref<128xi32, #tpu.memory_space<hbm>>) target(%arg9 : memref<128xi32, #tpu.memory_space<vmem>>) target_semaphore(%run_scoped3A : memref<!tpu.dma_semaphore, #tpu.memory_space<semaphore_mem>>)
        %dma_wait3A_79 = tpu.memref_slice %arg5[%add3A_76] : memref<320000xi32, #tpu.memory_space<hbm>> -> memref<128xi32, #tpu.memory_space<hbm>>
        %dma_wait3A_80 = tpu.memref_slice %arg5[%add3A_76] : memref<320000xi32, #tpu.memory_space<hbm>> -> memref<128xi32, #tpu.memory_space<hbm>>
        tpu.wait_dma2 semaphore(%run_scoped3A : memref<!tpu.dma_semaphore, #tpu.memory_space<semaphore_mem>>) src(%dma_wait3A_80 : memref<128xi32, #tpu.memory_space<hbm>>) dst(%arg9 : memref<128xi32, #tpu.memory_space<vmem>>)
        tpu.yield
      }) : () -> ()
      "tpu.region"() ({
        %run_scoped3A = tpu.sem_alloc : memref<!tpu.dma_semaphore, #tpu.memory_space<semaphore_mem>>
        %dma_start3A_77 = arith.constant 0 : i32
        %dma_start3A_78 = arith.constant 0 : i32
        %dma_start3A_79 = tpu.memref_slice %arg2[%dma_start3A_77, %dma_start3A_78] : memref<10000x128xf32, #tpu.memory_space<hbm>> -> memref<10000x128xf32, #tpu.memory_space<hbm>>
        tpu.enqueue_indirect_dma source(%dma_start3A_79 : memref<10000x128xf32, #tpu.memory_space<hbm>>) target(%arg10 : memref<128x128xf32, #tpu.memory_space<vmem>>) offsets(%arg8 : memref<128xi32, #tpu.memory_space<vmem>>) semaphore(%run_scoped3A : memref<!tpu.dma_semaphore, #tpu.memory_space<semaphore_mem>>)
        %dma_wait3A_80 = arith.constant 0 : i32
        %dma_wait3A_81 = arith.constant 0 : i32
        %dma_wait3A_82 = tpu.memref_slice %arg2[%dma_wait3A_80, %dma_wait3A_81] : memref<10000x128xf32, #tpu.memory_space<hbm>> -> memref<10000x128xf32, #tpu.memory_space<hbm>>
        tpu.wait_indirect_dma semaphore(%run_scoped3A : memref<!tpu.dma_semaphore, #tpu.memory_space<semaphore_mem>>) src(%dma_wait3A_82 : memref<10000x128xf32, #tpu.memory_space<hbm>>) dst(%arg10 : memref<128x128xf32, #tpu.memory_space<vmem>>)
        tpu.yield
      }) : () -> ()
      "tpu.region"() ({
        %run_scoped3A = tpu.sem_alloc : memref<!tpu.dma_semaphore, #tpu.memory_space<semaphore_mem>>
        %dma_start3A_77 = arith.constant 0 : i32
        %dma_start3A_78 = arith.constant 0 : i32
        %dma_start3A_79 = tpu.memref_slice %arg3[%dma_start3A_77, %dma_start3A_78] : memref<10000x128xf32, #tpu.memory_space<hbm>> -> memref<10000x128xf32, #tpu.memory_space<hbm>>
        tpu.enqueue_indirect_dma source(%dma_start3A_79 : memref<10000x128xf32, #tpu.memory_space<hbm>>) target(%arg11 : memref<128x128xf32, #tpu.memory_space<vmem>>) offsets(%arg9 : memref<128xi32, #tpu.memory_space<vmem>>) semaphore(%run_scoped3A : memref<!tpu.dma_semaphore, #tpu.memory_space<semaphore_mem>>)
        %dma_wait3A_80 = arith.constant 0 : i32
        %dma_wait3A_81 = arith.constant 0 : i32
        %dma_wait3A_82 = tpu.memref_slice %arg3[%dma_wait3A_80, %dma_wait3A_81] : memref<10000x128xf32, #tpu.memory_space<hbm>> -> memref<10000x128xf32, #tpu.memory_space<hbm>>
        tpu.wait_indirect_dma semaphore(%run_scoped3A : memref<!tpu.dma_semaphore, #tpu.memory_space<semaphore_mem>>) src(%dma_wait3A_82 : memref<10000x128xf32, #tpu.memory_space<hbm>>) dst(%arg11 : memref<128x128xf32, #tpu.memory_space<vmem>>)
        tpu.yield
      }) : () -> ()
      "tpu.region"() ({
        %run_scoped3A = tpu.sem_alloc : memref<!tpu.dma_semaphore, #tpu.memory_space<semaphore_mem>>
        %dma_start3A_77 = arith.constant 0 : i32
        %dma_start3A_78 = tpu.memref_slice %arg6[%mul3A_72, %dma_start3A_77] : memref<160000x128xf32, #tpu.memory_space<hbm>> -> memref<128x128xf32, #tpu.memory_space<hbm>>
        %dma_start3A_79 = arith.constant 0 : i32
        %dma_start3A_80 = tpu.memref_slice %arg6[%mul3A_72, %dma_start3A_79] : memref<160000x128xf32, #tpu.memory_space<hbm>> -> memref<128x128xf32, #tpu.memory_space<hbm>>
        tpu.enqueue_dma source(%arg10 : memref<128x128xf32, #tpu.memory_space<vmem>>) target(%dma_start3A_80 : memref<128x128xf32, #tpu.memory_space<hbm>>) target_semaphore(%run_scoped3A : memref<!tpu.dma_semaphore, #tpu.memory_space<semaphore_mem>>)
        %dma_wait3A_81 = arith.constant 0 : i32
        %dma_wait3A_82 = tpu.memref_slice %arg6[%mul3A_72, %dma_wait3A_81] : memref<160000x128xf32, #tpu.memory_space<hbm>> -> memref<128x128xf32, #tpu.memory_space<hbm>>
        %dma_wait3A_83 = arith.constant 0 : i32
        %dma_wait3A_84 = tpu.memref_slice %arg6[%mul3A_72, %dma_wait3A_83] : memref<160000x128xf32, #tpu.memory_space<hbm>> -> memref<128x128xf32, #tpu.memory_space<hbm>>
        tpu.wait_dma2 semaphore(%run_scoped3A : memref<!tpu.dma_semaphore, #tpu.memory_space<semaphore_mem>>) src(%arg10 : memref<128x128xf32, #tpu.memory_space<vmem>>) dst(%dma_wait3A_84 : memref<128x128xf32, #tpu.memory_space<hbm>>)
        tpu.yield
      }) : () -> ()
      "tpu.region"() ({
        %run_scoped3A = tpu.sem_alloc : memref<!tpu.dma_semaphore, #tpu.memory_space<semaphore_mem>>
        %dma_start3A_77 = arith.constant 0 : i32
        %dma_start3A_78 = tpu.memref_slice %arg7[%mul3A_72, %dma_start3A_77] : memref<160000x128xf32, #tpu.memory_space<hbm>> -> memref<128x128xf32, #tpu.memory_space<hbm>>
        %dma_start3A_79 = arith.constant 0 : i32
        %dma_start3A_80 = tpu.memref_slice %arg7[%mul3A_72, %dma_start3A_79] : memref<160000x128xf32, #tpu.memory_space<hbm>> -> memref<128x128xf32, #tpu.memory_space<hbm>>
        tpu.enqueue_dma source(%arg11 : memref<128x128xf32, #tpu.memory_space<vmem>>) target(%dma_start3A_80 : memref<128x128xf32, #tpu.memory_space<hbm>>) target_semaphore(%run_scoped3A : memref<!tpu.dma_semaphore, #tpu.memory_space<semaphore_mem>>)
        %dma_wait3A_81 = arith.constant 0 : i32
        %dma_wait3A_82 = tpu.memref_slice %arg7[%mul3A_72, %dma_wait3A_81] : memref<160000x128xf32, #tpu.memory_space<hbm>> -> memref<128x128xf32, #tpu.memory_space<hbm>>
        %dma_wait3A_83 = arith.constant 0 : i32
        %dma_wait3A_84 = tpu.memref_slice %arg7[%mul3A_72, %dma_wait3A_83] : memref<160000x128xf32, #tpu.memory_space<hbm>> -> memref<128x128xf32, #tpu.memory_space<hbm>>
        tpu.wait_dma2 semaphore(%run_scoped3A : memref<!tpu.dma_semaphore, #tpu.memory_space<semaphore_mem>>) src(%arg11 : memref<128x128xf32, #tpu.memory_space<vmem>>) dst(%dma_wait3A_84 : memref<128x128xf32, #tpu.memory_space<hbm>>)
        tpu.yield
      }) : () -> ()
    } else {
    }
    return
  }
}

#map = affine_map<(d0, d1) -> (0, 0)>
#map1 = affine_map<(d0, d1) -> (0)>
#map2 = affine_map<(d0, d1) -> (0, 0, 0)>
module attributes {stable_mosaic.version = 14 : i64} {
  func.func @sc_scatter_add(%arg0: i32, %arg1: i32, %arg2: memref<160000x128xf32, #tpu.memory_space<hbm>>, %arg3: memref<320000xi32, #tpu.memory_space<hbm>>, %arg4: memref<10000x128xf32, #tpu.memory_space<hbm>>, %arg5: memref<2x10000x128xf32, #tpu.memory_space<hbm>>, %arg6: memref<10000x128xf32, #tpu.memory_space<vmem_shared>>, %arg7: memref<128xi32, #tpu.memory_space<vmem>>, %arg8: memref<128x128xf32, #tpu.memory_space<vmem>>, %arg9: memref<128xi32, #tpu.memory_space<vmem>>, %arg10: memref<128x128xf32, #tpu.memory_space<vmem>>, %arg11: memref<!tpu.dma_semaphore, #tpu.memory_space<semaphore_mem>>, %arg12: memref<!tpu.dma_semaphore, #tpu.memory_space<semaphore_mem>>, %arg13: memref<!tpu.dma_semaphore, #tpu.memory_space<semaphore_mem>>, %arg14: memref<!tpu.dma_semaphore, #tpu.memory_space<semaphore_mem>>) attributes {dimension_semantics = [#tpu.dimension_semantics<core_parallel>, #tpu.dimension_semantics<subcore_parallel>], iteration_bounds = array<i64: 2, 16>, scalar_prefetch = 0 : i64, scratch_operands = 9 : i64, tpu.core_type = #tpu.core_type<sc_vector_subcore>, window_params = [{transform_indices = #map}, {transform_indices = #map1}, {transform_indices = #map}, {transform_indices = #map2}]} {
    %mul3A = arith.constant 2 : i32
    %mul3A_0 = arith.muli %arg1, %mul3A : i32
    %add3A = arith.addi %mul3A_0, %arg0 : i32
    %mul3A_1 = arith.constant 624 : i32
    %mul3A_2 = arith.muli %arg1, %mul3A_1 : i32
    %mul3A_3 = arith.constant 624 : i32
    %mul3A_4 = arith.muli %arg1, %mul3A_3 : i32
    "tpu.region"() ({
      %run_scoped3A = tpu.sem_alloc : memref<!tpu.dma_semaphore, #tpu.memory_space<semaphore_mem>>
      %dma_start3A_56 = arith.constant 0 : i32
      %dma_start3A_57 = tpu.memref_slice %arg6[%mul3A_4, %dma_start3A_56] : memref<10000x128xf32, #tpu.memory_space<vmem_shared>> -> memref<624x128xf32, #tpu.memory_space<vmem_shared>>
      %dma_start3A_58 = arith.constant 0 : i32
      %dma_start3A_59 = tpu.memref_slice %arg4[%mul3A_2, %dma_start3A_58] : memref<10000x128xf32, #tpu.memory_space<hbm>> -> memref<624x128xf32, #tpu.memory_space<hbm>>
      tpu.enqueue_dma source(%dma_start3A_59 : memref<624x128xf32, #tpu.memory_space<hbm>>) target(%dma_start3A_57 : memref<624x128xf32, #tpu.memory_space<vmem_shared>>) target_semaphore(%run_scoped3A : memref<!tpu.dma_semaphore, #tpu.memory_space<semaphore_mem>>)
      %dma_wait3A = arith.constant 0 : i32
      %dma_wait3A_60 = tpu.memref_slice %arg6[%mul3A_4, %dma_wait3A] : memref<10000x128xf32, #tpu.memory_space<vmem_shared>> -> memref<624x128xf32, #tpu.memory_space<vmem_shared>>
      %dma_wait3A_61 = arith.constant 0 : i32
      %dma_wait3A_62 = tpu.memref_slice %arg4[%mul3A_2, %dma_wait3A_61] : memref<10000x128xf32, #tpu.memory_space<hbm>> -> memref<624x128xf32, #tpu.memory_space<hbm>>
      tpu.wait_dma2 semaphore(%run_scoped3A : memref<!tpu.dma_semaphore, #tpu.memory_space<semaphore_mem>>) src(%dma_wait3A_62 : memref<624x128xf32, #tpu.memory_space<hbm>>) dst(%dma_wait3A_60 : memref<624x128xf32, #tpu.memory_space<vmem_shared>>)
      tpu.yield
    }) : () -> ()
    %eq3A = arith.constant 0 : i32
    %eq3A_5 = arith.cmpi eq, %arg1, %eq3A : i32
    %convert_element_type3A = arith.extui %eq3A_5 : i1 to i32
    %cond3A = arith.constant 0 : i32
    %cond3A_6 = arith.cmpi ne, %convert_element_type3A, %cond3A : i32
    scf.if %cond3A_6 {
      "tpu.region"() ({
        %run_scoped3A = tpu.sem_alloc : memref<!tpu.dma_semaphore, #tpu.memory_space<semaphore_mem>>
        %dma_start3A_56 = arith.constant 9984 : i32
        %dma_start3A_57 = arith.constant 0 : i32
        %dma_start3A_58 = tpu.memref_slice %arg6[%dma_start3A_56, %dma_start3A_57] : memref<10000x128xf32, #tpu.memory_space<vmem_shared>> -> memref<16x128xf32, #tpu.memory_space<vmem_shared>>
        %dma_start3A_59 = arith.constant 9984 : i32
        %dma_start3A_60 = arith.constant 0 : i32
        %dma_start3A_61 = tpu.memref_slice %arg4[%dma_start3A_59, %dma_start3A_60] : memref<10000x128xf32, #tpu.memory_space<hbm>> -> memref<16x128xf32, #tpu.memory_space<hbm>>
        tpu.enqueue_dma source(%dma_start3A_61 : memref<16x128xf32, #tpu.memory_space<hbm>>) target(%dma_start3A_58 : memref<16x128xf32, #tpu.memory_space<vmem_shared>>) target_semaphore(%run_scoped3A : memref<!tpu.dma_semaphore, #tpu.memory_space<semaphore_mem>>)
        %dma_wait3A = arith.constant 9984 : i32
        %dma_wait3A_62 = arith.constant 0 : i32
        %dma_wait3A_63 = tpu.memref_slice %arg6[%dma_wait3A, %dma_wait3A_62] : memref<10000x128xf32, #tpu.memory_space<vmem_shared>> -> memref<16x128xf32, #tpu.memory_space<vmem_shared>>
        %dma_wait3A_64 = arith.constant 9984 : i32
        %dma_wait3A_65 = arith.constant 0 : i32
        %dma_wait3A_66 = tpu.memref_slice %arg4[%dma_wait3A_64, %dma_wait3A_65] : memref<10000x128xf32, #tpu.memory_space<hbm>> -> memref<16x128xf32, #tpu.memory_space<hbm>>
        tpu.wait_dma2 semaphore(%run_scoped3A : memref<!tpu.dma_semaphore, #tpu.memory_space<semaphore_mem>>) src(%dma_wait3A_66 : memref<16x128xf32, #tpu.memory_space<hbm>>) dst(%dma_wait3A_63 : memref<16x128xf32, #tpu.memory_space<vmem_shared>>)
        tpu.yield
      }) : () -> ()
    } else {
    }
    %barrier3A = arith.constant 0 : index
    tpu.barrier barrier_id(%barrier3A)
    %add3A_7 = arith.constant 0 : i32
    %add3A_8 = arith.addi %add3A_7, %add3A : i32
    %mul3A_9 = arith.constant 128 : i32
    %mul3A_10 = arith.muli %add3A_8, %mul3A_9 : i32
    %add3A_11 = arith.constant 0 : i32
    %add3A_12 = arith.addi %add3A_11, %mul3A_10 : i32
    %dma_start3A = tpu.memref_slice %arg3[%add3A_12] : memref<320000xi32, #tpu.memory_space<hbm>> -> memref<128xi32, #tpu.memory_space<hbm>>
    %dma_start3A_13 = tpu.memref_slice %arg3[%add3A_12] : memref<320000xi32, #tpu.memory_space<hbm>> -> memref<128xi32, #tpu.memory_space<hbm>>
    tpu.enqueue_dma source(%dma_start3A_13 : memref<128xi32, #tpu.memory_space<hbm>>) target(%arg7 : memref<128xi32, #tpu.memory_space<vmem>>) target_semaphore(%arg11 : memref<!tpu.dma_semaphore, #tpu.memory_space<semaphore_mem>>)
    %add3A_14 = arith.constant 0 : i32
    %add3A_15 = arith.addi %add3A_14, %add3A : i32
    %mul3A_16 = arith.constant 128 : i32
    %mul3A_17 = arith.muli %add3A_15, %mul3A_16 : i32
    %dma_start3A_18 = arith.constant 0 : i32
    %dma_start3A_19 = tpu.memref_slice %arg2[%mul3A_17, %dma_start3A_18] : memref<160000x128xf32, #tpu.memory_space<hbm>> -> memref<128x128xf32, #tpu.memory_space<hbm>>
    %dma_start3A_20 = arith.constant 0 : i32
    %dma_start3A_21 = tpu.memref_slice %arg2[%mul3A_17, %dma_start3A_20] : memref<160000x128xf32, #tpu.memory_space<hbm>> -> memref<128x128xf32, #tpu.memory_space<hbm>>
    tpu.enqueue_dma source(%dma_start3A_21 : memref<128x128xf32, #tpu.memory_space<hbm>>) target(%arg8 : memref<128x128xf32, #tpu.memory_space<vmem>>) target_semaphore(%arg12 : memref<!tpu.dma_semaphore, #tpu.memory_space<semaphore_mem>>)
    %add3A_22 = arith.constant 32 : i32
    %add3A_23 = arith.addi %add3A_22, %add3A : i32
    %mul3A_24 = arith.constant 128 : i32
    %mul3A_25 = arith.muli %add3A_23, %mul3A_24 : i32
    %add3A_26 = arith.constant 0 : i32
    %add3A_27 = arith.addi %add3A_26, %mul3A_25 : i32
    %dma_start3A_28 = tpu.memref_slice %arg3[%add3A_27] : memref<320000xi32, #tpu.memory_space<hbm>> -> memref<128xi32, #tpu.memory_space<hbm>>
    %dma_start3A_29 = tpu.memref_slice %arg3[%add3A_27] : memref<320000xi32, #tpu.memory_space<hbm>> -> memref<128xi32, #tpu.memory_space<hbm>>
    tpu.enqueue_dma source(%dma_start3A_29 : memref<128xi32, #tpu.memory_space<hbm>>) target(%arg9 : memref<128xi32, #tpu.memory_space<vmem>>) target_semaphore(%arg13 : memref<!tpu.dma_semaphore, #tpu.memory_space<semaphore_mem>>)
    %add3A_30 = arith.constant 32 : i32
    %add3A_31 = arith.addi %add3A_30, %add3A : i32
    %mul3A_32 = arith.constant 128 : i32
    %mul3A_33 = arith.muli %add3A_31, %mul3A_32 : i32
    %dma_start3A_34 = arith.constant 0 : i32
    %dma_start3A_35 = tpu.memref_slice %arg2[%mul3A_33, %dma_start3A_34] : memref<160000x128xf32, #tpu.memory_space<hbm>> -> memref<128x128xf32, #tpu.memory_space<hbm>>
    %dma_start3A_36 = arith.constant 0 : i32
    %dma_start3A_37 = tpu.memref_slice %arg2[%mul3A_33, %dma_start3A_36] : memref<160000x128xf32, #tpu.memory_space<hbm>> -> memref<128x128xf32, #tpu.memory_space<hbm>>
    tpu.enqueue_dma source(%dma_start3A_37 : memref<128x128xf32, #tpu.memory_space<hbm>>) target(%arg10 : memref<128x128xf32, #tpu.memory_space<vmem>>) target_semaphore(%arg14 : memref<!tpu.dma_semaphore, #tpu.memory_space<semaphore_mem>>)
    %scan3A = arith.constant 0 : i32
    %scan3A_38 = arith.constant 20 : i32
    %scan3A_39 = arith.addi %scan3A, %scan3A_38 : i32
    %scan3A_40 = arith.constant 1 : i32
    scf.for %scan3A_56 = %scan3A to %scan3A_39 step %scan3A_40  : i32 {
      %mul3A_57 = arith.constant 1 : i32
      %mul3A_58 = arith.muli %scan3A_56, %mul3A_57 : i32
      %add3A_59 = arith.constant 0 : i32
      %add3A_60 = arith.addi %add3A_59, %mul3A_58 : i32
      %mul3A_61 = arith.constant 2 : i32
      %mul3A_62 = arith.muli %mul3A_61, %add3A_60 : i32
      %add3A_63 = arith.constant 0 : i32
      %add3A_64 = arith.addi %mul3A_62, %add3A_63 : i32
      %lt3A_65 = arith.constant 39 : i32
      %lt3A_66 = arith.cmpi slt, %add3A_64, %lt3A_65 : i32
      %convert_element_type3A_67 = arith.extui %lt3A_66 : i1 to i32
      %cond3A_68 = arith.constant 0 : i32
      %cond3A_69 = arith.cmpi ne, %convert_element_type3A_67, %cond3A_68 : i32
      scf.if %cond3A_69 {
        %mul3A_79 = arith.constant 32 : i32
        %mul3A_80 = arith.muli %add3A_64, %mul3A_79 : i32
        %add3A_81 = arith.addi %mul3A_80, %add3A : i32
        %mul3A_82 = arith.constant 128 : i32
        %mul3A_83 = arith.muli %add3A_81, %mul3A_82 : i32
        %add3A_84 = arith.constant 0 : i32
        %add3A_85 = arith.addi %add3A_84, %mul3A_83 : i32
        %dma_wait3A = tpu.memref_slice %arg3[%add3A_85] : memref<320000xi32, #tpu.memory_space<hbm>> -> memref<128xi32, #tpu.memory_space<hbm>>
        %dma_wait3A_86 = tpu.memref_slice %arg3[%add3A_85] : memref<320000xi32, #tpu.memory_space<hbm>> -> memref<128xi32, #tpu.memory_space<hbm>>
        tpu.wait_dma2 semaphore(%arg11 : memref<!tpu.dma_semaphore, #tpu.memory_space<semaphore_mem>>) src(%dma_wait3A_86 : memref<128xi32, #tpu.memory_space<hbm>>) dst(%arg7 : memref<128xi32, #tpu.memory_space<vmem>>)
        %mul3A_87 = arith.constant 32 : i32
        %mul3A_88 = arith.muli %add3A_64, %mul3A_87 : i32
        %add3A_89 = arith.addi %mul3A_88, %add3A : i32
        %mul3A_90 = arith.constant 128 : i32
        %mul3A_91 = arith.muli %add3A_89, %mul3A_90 : i32
        %dma_wait3A_92 = arith.constant 0 : i32
        %dma_wait3A_93 = tpu.memref_slice %arg2[%mul3A_91, %dma_wait3A_92] : memref<160000x128xf32, #tpu.memory_space<hbm>> -> memref<128x128xf32, #tpu.memory_space<hbm>>
        %dma_wait3A_94 = arith.constant 0 : i32
        %dma_wait3A_95 = tpu.memref_slice %arg2[%mul3A_91, %dma_wait3A_94] : memref<160000x128xf32, #tpu.memory_space<hbm>> -> memref<128x128xf32, #tpu.memory_space<hbm>>
        tpu.wait_dma2 semaphore(%arg12 : memref<!tpu.dma_semaphore, #tpu.memory_space<semaphore_mem>>) src(%dma_wait3A_95 : memref<128x128xf32, #tpu.memory_space<hbm>>) dst(%arg8 : memref<128x128xf32, #tpu.memory_space<vmem>>)
        "tpu.region"() ({
          %run_scoped3A = tpu.sem_alloc : memref<!tpu.dma_semaphore, #tpu.memory_space<semaphore_mem>>
          %dma_start3A_103 = arith.constant 0 : i32
          %dma_start3A_104 = arith.constant 0 : i32
          %dma_start3A_105 = tpu.memref_slice %arg6[%dma_start3A_103, %dma_start3A_104] : memref<10000x128xf32, #tpu.memory_space<vmem_shared>> -> memref<10000x128xf32, #tpu.memory_space<vmem_shared>>
          tpu.enqueue_indirect_dma source(%arg8 : memref<128x128xf32, #tpu.memory_space<vmem>>) target(%dma_start3A_105 : memref<10000x128xf32, #tpu.memory_space<vmem_shared>>) offsets(%arg7 : memref<128xi32, #tpu.memory_space<vmem>>) semaphore(%run_scoped3A : memref<!tpu.dma_semaphore, #tpu.memory_space<semaphore_mem>>) {add = true}
          %dma_wait3A_106 = arith.constant 0 : i32
          %dma_wait3A_107 = arith.constant 0 : i32
          %dma_wait3A_108 = tpu.memref_slice %arg6[%dma_wait3A_106, %dma_wait3A_107] : memref<10000x128xf32, #tpu.memory_space<vmem_shared>> -> memref<10000x128xf32, #tpu.memory_space<vmem_shared>>
          tpu.wait_indirect_dma semaphore(%run_scoped3A : memref<!tpu.dma_semaphore, #tpu.memory_space<semaphore_mem>>) src(%arg8 : memref<128x128xf32, #tpu.memory_space<vmem>>) dst(%dma_wait3A_108 : memref<10000x128xf32, #tpu.memory_space<vmem_shared>>)
          tpu.yield
        }) : () -> ()
        %add3A_96 = arith.constant 2 : i32
        %add3A_97 = arith.addi %add3A_64, %add3A_96 : i32
        %lt3A_98 = arith.constant 39 : i32
        %lt3A_99 = arith.cmpi slt, %add3A_97, %lt3A_98 : i32
        %convert_element_type3A_100 = arith.extui %lt3A_99 : i1 to i32
        %cond3A_101 = arith.constant 0 : i32
        %cond3A_102 = arith.cmpi ne, %convert_element_type3A_100, %cond3A_101 : i32
        scf.if %cond3A_102 {
          %add3A_103 = arith.constant 2 : i32
          %add3A_104 = arith.addi %add3A_64, %add3A_103 : i32
          %mul3A_105 = arith.constant 32 : i32
          %mul3A_106 = arith.muli %add3A_104, %mul3A_105 : i32
          %add3A_107 = arith.addi %mul3A_106, %add3A : i32
          %mul3A_108 = arith.constant 128 : i32
          %mul3A_109 = arith.muli %add3A_107, %mul3A_108 : i32
          %add3A_110 = arith.constant 0 : i32
          %add3A_111 = arith.addi %add3A_110, %mul3A_109 : i32
          %dma_start3A_112 = tpu.memref_slice %arg3[%add3A_111] : memref<320000xi32, #tpu.memory_space<hbm>> -> memref<128xi32, #tpu.memory_space<hbm>>
          %dma_start3A_113 = tpu.memref_slice %arg3[%add3A_111] : memref<320000xi32, #tpu.memory_space<hbm>> -> memref<128xi32, #tpu.memory_space<hbm>>
          tpu.enqueue_dma source(%dma_start3A_113 : memref<128xi32, #tpu.memory_space<hbm>>) target(%arg7 : memref<128xi32, #tpu.memory_space<vmem>>) target_semaphore(%arg11 : memref<!tpu.dma_semaphore, #tpu.memory_space<semaphore_mem>>)
          %mul3A_114 = arith.constant 32 : i32
          %mul3A_115 = arith.muli %add3A_104, %mul3A_114 : i32
          %add3A_116 = arith.addi %mul3A_115, %add3A : i32
          %mul3A_117 = arith.constant 128 : i32
          %mul3A_118 = arith.muli %add3A_116, %mul3A_117 : i32
          %dma_start3A_119 = arith.constant 0 : i32
          %dma_start3A_120 = tpu.memref_slice %arg2[%mul3A_118, %dma_start3A_119] : memref<160000x128xf32, #tpu.memory_space<hbm>> -> memref<128x128xf32, #tpu.memory_space<hbm>>
          %dma_start3A_121 = arith.constant 0 : i32
          %dma_start3A_122 = tpu.memref_slice %arg2[%mul3A_118, %dma_start3A_121] : memref<160000x128xf32, #tpu.memory_space<hbm>> -> memref<128x128xf32, #tpu.memory_space<hbm>>
          tpu.enqueue_dma source(%dma_start3A_122 : memref<128x128xf32, #tpu.memory_space<hbm>>) target(%arg8 : memref<128x128xf32, #tpu.memory_space<vmem>>) target_semaphore(%arg12 : memref<!tpu.dma_semaphore, #tpu.memory_space<semaphore_mem>>)
        } else {
        }
      } else {
      }
      %mul3A_70 = arith.constant 2 : i32
      %mul3A_71 = arith.muli %mul3A_70, %add3A_60 : i32
      %add3A_72 = arith.constant 1 : i32
      %add3A_73 = arith.addi %mul3A_71, %add3A_72 : i32
      %lt3A_74 = arith.constant 39 : i32
      %lt3A_75 = arith.cmpi slt, %add3A_73, %lt3A_74 : i32
      %convert_element_type3A_76 = arith.extui %lt3A_75 : i1 to i32
      %cond3A_77 = arith.constant 0 : i32
      %cond3A_78 = arith.cmpi ne, %convert_element_type3A_76, %cond3A_77 : i32
      scf.if %cond3A_78 {
        %mul3A_79 = arith.constant 32 : i32
        %mul3A_80 = arith.muli %add3A_73, %mul3A_79 : i32
        %add3A_81 = arith.addi %mul3A_80, %add3A : i32
        %mul3A_82 = arith.constant 128 : i32
        %mul3A_83 = arith.muli %add3A_81, %mul3A_82 : i32
        %add3A_84 = arith.constant 0 : i32
        %add3A_85 = arith.addi %add3A_84, %mul3A_83 : i32
        %dma_wait3A = tpu.memref_slice %arg3[%add3A_85] : memref<320000xi32, #tpu.memory_space<hbm>> -> memref<128xi32, #tpu.memory_space<hbm>>
        %dma_wait3A_86 = tpu.memref_slice %arg3[%add3A_85] : memref<320000xi32, #tpu.memory_space<hbm>> -> memref<128xi32, #tpu.memory_space<hbm>>
        tpu.wait_dma2 semaphore(%arg13 : memref<!tpu.dma_semaphore, #tpu.memory_space<semaphore_mem>>) src(%dma_wait3A_86 : memref<128xi32, #tpu.memory_space<hbm>>) dst(%arg9 : memref<128xi32, #tpu.memory_space<vmem>>)
        %mul3A_87 = arith.constant 32 : i32
        %mul3A_88 = arith.muli %add3A_73, %mul3A_87 : i32
        %add3A_89 = arith.addi %mul3A_88, %add3A : i32
        %mul3A_90 = arith.constant 128 : i32
        %mul3A_91 = arith.muli %add3A_89, %mul3A_90 : i32
        %dma_wait3A_92 = arith.constant 0 : i32
        %dma_wait3A_93 = tpu.memref_slice %arg2[%mul3A_91, %dma_wait3A_92] : memref<160000x128xf32, #tpu.memory_space<hbm>> -> memref<128x128xf32, #tpu.memory_space<hbm>>
        %dma_wait3A_94 = arith.constant 0 : i32
        %dma_wait3A_95 = tpu.memref_slice %arg2[%mul3A_91, %dma_wait3A_94] : memref<160000x128xf32, #tpu.memory_space<hbm>> -> memref<128x128xf32, #tpu.memory_space<hbm>>
        tpu.wait_dma2 semaphore(%arg14 : memref<!tpu.dma_semaphore, #tpu.memory_space<semaphore_mem>>) src(%dma_wait3A_95 : memref<128x128xf32, #tpu.memory_space<hbm>>) dst(%arg10 : memref<128x128xf32, #tpu.memory_space<vmem>>)
        "tpu.region"() ({
          %run_scoped3A = tpu.sem_alloc : memref<!tpu.dma_semaphore, #tpu.memory_space<semaphore_mem>>
          %dma_start3A_103 = arith.constant 0 : i32
          %dma_start3A_104 = arith.constant 0 : i32
          %dma_start3A_105 = tpu.memref_slice %arg6[%dma_start3A_103, %dma_start3A_104] : memref<10000x128xf32, #tpu.memory_space<vmem_shared>> -> memref<10000x128xf32, #tpu.memory_space<vmem_shared>>
          tpu.enqueue_indirect_dma source(%arg10 : memref<128x128xf32, #tpu.memory_space<vmem>>) target(%dma_start3A_105 : memref<10000x128xf32, #tpu.memory_space<vmem_shared>>) offsets(%arg9 : memref<128xi32, #tpu.memory_space<vmem>>) semaphore(%run_scoped3A : memref<!tpu.dma_semaphore, #tpu.memory_space<semaphore_mem>>) {add = true}
          %dma_wait3A_106 = arith.constant 0 : i32
          %dma_wait3A_107 = arith.constant 0 : i32
          %dma_wait3A_108 = tpu.memref_slice %arg6[%dma_wait3A_106, %dma_wait3A_107] : memref<10000x128xf32, #tpu.memory_space<vmem_shared>> -> memref<10000x128xf32, #tpu.memory_space<vmem_shared>>
          tpu.wait_indirect_dma semaphore(%run_scoped3A : memref<!tpu.dma_semaphore, #tpu.memory_space<semaphore_mem>>) src(%arg10 : memref<128x128xf32, #tpu.memory_space<vmem>>) dst(%dma_wait3A_108 : memref<10000x128xf32, #tpu.memory_space<vmem_shared>>)
          tpu.yield
        }) : () -> ()
        %add3A_96 = arith.constant 2 : i32
        %add3A_97 = arith.addi %add3A_73, %add3A_96 : i32
        %lt3A_98 = arith.constant 39 : i32
        %lt3A_99 = arith.cmpi slt, %add3A_97, %lt3A_98 : i32
        %convert_element_type3A_100 = arith.extui %lt3A_99 : i1 to i32
        %cond3A_101 = arith.constant 0 : i32
        %cond3A_102 = arith.cmpi ne, %convert_element_type3A_100, %cond3A_101 : i32
        scf.if %cond3A_102 {
          %add3A_103 = arith.constant 2 : i32
          %add3A_104 = arith.addi %add3A_73, %add3A_103 : i32
          %mul3A_105 = arith.constant 32 : i32
          %mul3A_106 = arith.muli %add3A_104, %mul3A_105 : i32
          %add3A_107 = arith.addi %mul3A_106, %add3A : i32
          %mul3A_108 = arith.constant 128 : i32
          %mul3A_109 = arith.muli %add3A_107, %mul3A_108 : i32
          %add3A_110 = arith.constant 0 : i32
          %add3A_111 = arith.addi %add3A_110, %mul3A_109 : i32
          %dma_start3A_112 = tpu.memref_slice %arg3[%add3A_111] : memref<320000xi32, #tpu.memory_space<hbm>> -> memref<128xi32, #tpu.memory_space<hbm>>
          %dma_start3A_113 = tpu.memref_slice %arg3[%add3A_111] : memref<320000xi32, #tpu.memory_space<hbm>> -> memref<128xi32, #tpu.memory_space<hbm>>
          tpu.enqueue_dma source(%dma_start3A_113 : memref<128xi32, #tpu.memory_space<hbm>>) target(%arg9 : memref<128xi32, #tpu.memory_space<vmem>>) target_semaphore(%arg13 : memref<!tpu.dma_semaphore, #tpu.memory_space<semaphore_mem>>)
          %mul3A_114 = arith.constant 32 : i32
          %mul3A_115 = arith.muli %add3A_104, %mul3A_114 : i32
          %add3A_116 = arith.addi %mul3A_115, %add3A : i32
          %mul3A_117 = arith.constant 128 : i32
          %mul3A_118 = arith.muli %add3A_116, %mul3A_117 : i32
          %dma_start3A_119 = arith.constant 0 : i32
          %dma_start3A_120 = tpu.memref_slice %arg2[%mul3A_118, %dma_start3A_119] : memref<160000x128xf32, #tpu.memory_space<hbm>> -> memref<128x128xf32, #tpu.memory_space<hbm>>
          %dma_start3A_121 = arith.constant 0 : i32
          %dma_start3A_122 = tpu.memref_slice %arg2[%mul3A_118, %dma_start3A_121] : memref<160000x128xf32, #tpu.memory_space<hbm>> -> memref<128x128xf32, #tpu.memory_space<hbm>>
          tpu.enqueue_dma source(%dma_start3A_122 : memref<128x128xf32, #tpu.memory_space<hbm>>) target(%arg10 : memref<128x128xf32, #tpu.memory_space<vmem>>) target_semaphore(%arg14 : memref<!tpu.dma_semaphore, #tpu.memory_space<semaphore_mem>>)
        } else {
        }
      } else {
      }
    }
    %scan3A_41 = arith.constant 20 : i32
    %lt3A = arith.constant 2 : i32
    %lt3A_42 = arith.cmpi slt, %add3A, %lt3A : i32
    %convert_element_type3A_43 = arith.extui %lt3A_42 : i1 to i32
    %cond3A_44 = arith.constant 0 : i32
    %cond3A_45 = arith.cmpi ne, %convert_element_type3A_43, %cond3A_44 : i32
    scf.if %cond3A_45 {
      %add3A_56 = arith.constant 1248 : i32
      %add3A_57 = arith.addi %add3A_56, %add3A : i32
      %mul3A_58 = arith.constant 128 : i32
      %mul3A_59 = arith.muli %add3A_57, %mul3A_58 : i32
      %add3A_60 = arith.constant 0 : i32
      %add3A_61 = arith.addi %add3A_60, %mul3A_59 : i32
      "tpu.region"() ({
        %run_scoped3A = tpu.sem_alloc : memref<!tpu.dma_semaphore, #tpu.memory_space<semaphore_mem>>
        %dma_start3A_62 = tpu.memref_slice %arg3[%add3A_61] : memref<320000xi32, #tpu.memory_space<hbm>> -> memref<128xi32, #tpu.memory_space<hbm>>
        %dma_start3A_63 = tpu.memref_slice %arg3[%add3A_61] : memref<320000xi32, #tpu.memory_space<hbm>> -> memref<128xi32, #tpu.memory_space<hbm>>
        tpu.enqueue_dma source(%dma_start3A_63 : memref<128xi32, #tpu.memory_space<hbm>>) target(%arg7 : memref<128xi32, #tpu.memory_space<vmem>>) target_semaphore(%run_scoped3A : memref<!tpu.dma_semaphore, #tpu.memory_space<semaphore_mem>>)
        %dma_wait3A = tpu.memref_slice %arg3[%add3A_61] : memref<320000xi32, #tpu.memory_space<hbm>> -> memref<128xi32, #tpu.memory_space<hbm>>
        %dma_wait3A_64 = tpu.memref_slice %arg3[%add3A_61] : memref<320000xi32, #tpu.memory_space<hbm>> -> memref<128xi32, #tpu.memory_space<hbm>>
        tpu.wait_dma2 semaphore(%run_scoped3A : memref<!tpu.dma_semaphore, #tpu.memory_space<semaphore_mem>>) src(%dma_wait3A_64 : memref<128xi32, #tpu.memory_space<hbm>>) dst(%arg7 : memref<128xi32, #tpu.memory_space<vmem>>)
        tpu.yield
      }) : () -> ()
      "tpu.region"() ({
        %run_scoped3A = tpu.sem_alloc : memref<!tpu.dma_semaphore, #tpu.memory_space<semaphore_mem>>
        %dma_start3A_62 = arith.constant 0 : i32
        %dma_start3A_63 = tpu.memref_slice %arg2[%mul3A_59, %dma_start3A_62] : memref<160000x128xf32, #tpu.memory_space<hbm>> -> memref<128x128xf32, #tpu.memory_space<hbm>>
        %dma_start3A_64 = arith.constant 0 : i32
        %dma_start3A_65 = tpu.memref_slice %arg2[%mul3A_59, %dma_start3A_64] : memref<160000x128xf32, #tpu.memory_space<hbm>> -> memref<128x128xf32, #tpu.memory_space<hbm>>
        tpu.enqueue_dma source(%dma_start3A_65 : memref<128x128xf32, #tpu.memory_space<hbm>>) target(%arg8 : memref<128x128xf32, #tpu.memory_space<vmem>>) target_semaphore(%run_scoped3A : memref<!tpu.dma_semaphore, #tpu.memory_space<semaphore_mem>>)
        %dma_wait3A = arith.constant 0 : i32
        %dma_wait3A_66 = tpu.memref_slice %arg2[%mul3A_59, %dma_wait3A] : memref<160000x128xf32, #tpu.memory_space<hbm>> -> memref<128x128xf32, #tpu.memory_space<hbm>>
        %dma_wait3A_67 = arith.constant 0 : i32
        %dma_wait3A_68 = tpu.memref_slice %arg2[%mul3A_59, %dma_wait3A_67] : memref<160000x128xf32, #tpu.memory_space<hbm>> -> memref<128x128xf32, #tpu.memory_space<hbm>>
        tpu.wait_dma2 semaphore(%run_scoped3A : memref<!tpu.dma_semaphore, #tpu.memory_space<semaphore_mem>>) src(%dma_wait3A_68 : memref<128x128xf32, #tpu.memory_space<hbm>>) dst(%arg8 : memref<128x128xf32, #tpu.memory_space<vmem>>)
        tpu.yield
      }) : () -> ()
      "tpu.region"() ({
        %run_scoped3A = tpu.sem_alloc : memref<!tpu.dma_semaphore, #tpu.memory_space<semaphore_mem>>
        %dma_start3A_62 = arith.constant 0 : i32
        %dma_start3A_63 = arith.constant 0 : i32
        %dma_start3A_64 = tpu.memref_slice %arg6[%dma_start3A_62, %dma_start3A_63] : memref<10000x128xf32, #tpu.memory_space<vmem_shared>> -> memref<10000x128xf32, #tpu.memory_space<vmem_shared>>
        tpu.enqueue_indirect_dma source(%arg8 : memref<128x128xf32, #tpu.memory_space<vmem>>) target(%dma_start3A_64 : memref<10000x128xf32, #tpu.memory_space<vmem_shared>>) offsets(%arg7 : memref<128xi32, #tpu.memory_space<vmem>>) semaphore(%run_scoped3A : memref<!tpu.dma_semaphore, #tpu.memory_space<semaphore_mem>>) {add = true}
        %dma_wait3A = arith.constant 0 : i32
        %dma_wait3A_65 = arith.constant 0 : i32
        %dma_wait3A_66 = tpu.memref_slice %arg6[%dma_wait3A, %dma_wait3A_65] : memref<10000x128xf32, #tpu.memory_space<vmem_shared>> -> memref<10000x128xf32, #tpu.memory_space<vmem_shared>>
        tpu.wait_indirect_dma semaphore(%run_scoped3A : memref<!tpu.dma_semaphore, #tpu.memory_space<semaphore_mem>>) src(%arg8 : memref<128x128xf32, #tpu.memory_space<vmem>>) dst(%dma_wait3A_66 : memref<10000x128xf32, #tpu.memory_space<vmem_shared>>)
        tpu.yield
      }) : () -> ()
    } else {
    }
    %barrier3A_46 = arith.constant 0 : index
    tpu.barrier barrier_id(%barrier3A_46)
    %mul3A_47 = arith.constant 624 : i32
    %mul3A_48 = arith.muli %arg1, %mul3A_47 : i32
    %mul3A_49 = arith.constant 624 : i32
    %mul3A_50 = arith.muli %arg1, %mul3A_49 : i32
    "tpu.region"() ({
      %run_scoped3A = tpu.sem_alloc : memref<!tpu.dma_semaphore, #tpu.memory_space<semaphore_mem>>
      %dma_start3A_56 = arith.constant 0 : i32
      %dma_start3A_57 = arith.constant 0 : i32
      %dma_start3A_58 = tpu.memref_slice %arg5[%arg0, %dma_start3A_56, %dma_start3A_57] : memref<2x10000x128xf32, #tpu.memory_space<hbm>> -> memref<1x10000x128xf32, #tpu.memory_space<hbm>>
      %dma_start3A_59 = tpu.memref_squeeze %dma_start3A_58 : memref<1x10000x128xf32, #tpu.memory_space<hbm>> -> memref<10000x128xf32, #tpu.memory_space<hbm>>
      %dma_start3A_60 = arith.constant 0 : i32
      %dma_start3A_61 = tpu.memref_slice %dma_start3A_59[%mul3A_50, %dma_start3A_60] : memref<10000x128xf32, #tpu.memory_space<hbm>> -> memref<624x128xf32, #tpu.memory_space<hbm>>
      %dma_start3A_62 = arith.constant 0 : i32
      %dma_start3A_63 = tpu.memref_slice %arg6[%mul3A_48, %dma_start3A_62] : memref<10000x128xf32, #tpu.memory_space<vmem_shared>> -> memref<624x128xf32, #tpu.memory_space<vmem_shared>>
      tpu.enqueue_dma source(%dma_start3A_63 : memref<624x128xf32, #tpu.memory_space<vmem_shared>>) target(%dma_start3A_61 : memref<624x128xf32, #tpu.memory_space<hbm>>) target_semaphore(%run_scoped3A : memref<!tpu.dma_semaphore, #tpu.memory_space<semaphore_mem>>)
      %dma_wait3A = arith.constant 0 : i32
      %dma_wait3A_64 = arith.constant 0 : i32
      %dma_wait3A_65 = tpu.memref_slice %arg5[%arg0, %dma_wait3A, %dma_wait3A_64] : memref<2x10000x128xf32, #tpu.memory_space<hbm>> -> memref<1x10000x128xf32, #tpu.memory_space<hbm>>
      %dma_wait3A_66 = tpu.memref_squeeze %dma_wait3A_65 : memref<1x10000x128xf32, #tpu.memory_space<hbm>> -> memref<10000x128xf32, #tpu.memory_space<hbm>>
      %dma_wait3A_67 = arith.constant 0 : i32
      %dma_wait3A_68 = tpu.memref_slice %dma_wait3A_66[%mul3A_50, %dma_wait3A_67] : memref<10000x128xf32, #tpu.memory_space<hbm>> -> memref<624x128xf32, #tpu.memory_space<hbm>>
      %dma_wait3A_69 = arith.constant 0 : i32
      %dma_wait3A_70 = tpu.memref_slice %arg6[%mul3A_48, %dma_wait3A_69] : memref<10000x128xf32, #tpu.memory_space<vmem_shared>> -> memref<624x128xf32, #tpu.memory_space<vmem_shared>>
      tpu.wait_dma2 semaphore(%run_scoped3A : memref<!tpu.dma_semaphore, #tpu.memory_space<semaphore_mem>>) src(%dma_wait3A_70 : memref<624x128xf32, #tpu.memory_space<vmem_shared>>) dst(%dma_wait3A_68 : memref<624x128xf32, #tpu.memory_space<hbm>>)
      tpu.yield
    }) : () -> ()
    %eq3A_51 = arith.constant 0 : i32
    %eq3A_52 = arith.cmpi eq, %arg1, %eq3A_51 : i32
    %convert_element_type3A_53 = arith.extui %eq3A_52 : i1 to i32
    %cond3A_54 = arith.constant 0 : i32
    %cond3A_55 = arith.cmpi ne, %convert_element_type3A_53, %cond3A_54 : i32
    scf.if %cond3A_55 {
      "tpu.region"() ({
        %run_scoped3A = tpu.sem_alloc : memref<!tpu.dma_semaphore, #tpu.memory_space<semaphore_mem>>
        %dma_start3A_56 = arith.constant 0 : i32
        %dma_start3A_57 = arith.constant 0 : i32
        %dma_start3A_58 = tpu.memref_slice %arg5[%arg0, %dma_start3A_56, %dma_start3A_57] : memref<2x10000x128xf32, #tpu.memory_space<hbm>> -> memref<1x10000x128xf32, #tpu.memory_space<hbm>>
        %dma_start3A_59 = tpu.memref_squeeze %dma_start3A_58 : memref<1x10000x128xf32, #tpu.memory_space<hbm>> -> memref<10000x128xf32, #tpu.memory_space<hbm>>
        %dma_start3A_60 = arith.constant 9984 : i32
        %dma_start3A_61 = arith.constant 0 : i32
        %dma_start3A_62 = tpu.memref_slice %dma_start3A_59[%dma_start3A_60, %dma_start3A_61] : memref<10000x128xf32, #tpu.memory_space<hbm>> -> memref<16x128xf32, #tpu.memory_space<hbm>>
        %dma_start3A_63 = arith.constant 9984 : i32
        %dma_start3A_64 = arith.constant 0 : i32
        %dma_start3A_65 = tpu.memref_slice %arg6[%dma_start3A_63, %dma_start3A_64] : memref<10000x128xf32, #tpu.memory_space<vmem_shared>> -> memref<16x128xf32, #tpu.memory_space<vmem_shared>>
        tpu.enqueue_dma source(%dma_start3A_65 : memref<16x128xf32, #tpu.memory_space<vmem_shared>>) target(%dma_start3A_62 : memref<16x128xf32, #tpu.memory_space<hbm>>) target_semaphore(%run_scoped3A : memref<!tpu.dma_semaphore, #tpu.memory_space<semaphore_mem>>)
        %dma_wait3A = arith.constant 0 : i32
        %dma_wait3A_66 = arith.constant 0 : i32
        %dma_wait3A_67 = tpu.memref_slice %arg5[%arg0, %dma_wait3A, %dma_wait3A_66] : memref<2x10000x128xf32, #tpu.memory_space<hbm>> -> memref<1x10000x128xf32, #tpu.memory_space<hbm>>
        %dma_wait3A_68 = tpu.memref_squeeze %dma_wait3A_67 : memref<1x10000x128xf32, #tpu.memory_space<hbm>> -> memref<10000x128xf32, #tpu.memory_space<hbm>>
        %dma_wait3A_69 = arith.constant 9984 : i32
        %dma_wait3A_70 = arith.constant 0 : i32
        %dma_wait3A_71 = tpu.memref_slice %dma_wait3A_68[%dma_wait3A_69, %dma_wait3A_70] : memref<10000x128xf32, #tpu.memory_space<hbm>> -> memref<16x128xf32, #tpu.memory_space<hbm>>
        %dma_wait3A_72 = arith.constant 9984 : i32
        %dma_wait3A_73 = arith.constant 0 : i32
        %dma_wait3A_74 = tpu.memref_slice %arg6[%dma_wait3A_72, %dma_wait3A_73] : memref<10000x128xf32, #tpu.memory_space<vmem_shared>> -> memref<16x128xf32, #tpu.memory_space<vmem_shared>>
        tpu.wait_dma2 semaphore(%run_scoped3A : memref<!tpu.dma_semaphore, #tpu.memory_space<semaphore_mem>>) src(%dma_wait3A_74 : memref<16x128xf32, #tpu.memory_space<vmem_shared>>) dst(%dma_wait3A_71 : memref<16x128xf32, #tpu.memory_space<hbm>>)
        tpu.yield
      }) : () -> ()
    } else {
    }
    return
  }
}

#map = affine_map<(d0, d1) -> (0, 0)>
#map1 = affine_map<(d0, d1) -> (0)>
#map2 = affine_map<(d0, d1) -> (0, 0, 0)>
module attributes {stable_mosaic.version = 14 : i64} {
  func.func @sc_scatter_add(%arg0: i32, %arg1: i32, %arg2: memref<160000x128xf32, #tpu.memory_space<hbm>>, %arg3: memref<320000xi32, #tpu.memory_space<hbm>>, %arg4: memref<10000x128xf32, #tpu.memory_space<hbm>>, %arg5: memref<2x10000x128xf32, #tpu.memory_space<hbm>>, %arg6: memref<10000x128xf32, #tpu.memory_space<vmem_shared>>, %arg7: memref<128xi32, #tpu.memory_space<vmem>>, %arg8: memref<128x128xf32, #tpu.memory_space<vmem>>, %arg9: memref<128xi32, #tpu.memory_space<vmem>>, %arg10: memref<128x128xf32, #tpu.memory_space<vmem>>, %arg11: memref<!tpu.dma_semaphore, #tpu.memory_space<semaphore_mem>>, %arg12: memref<!tpu.dma_semaphore, #tpu.memory_space<semaphore_mem>>, %arg13: memref<!tpu.dma_semaphore, #tpu.memory_space<semaphore_mem>>, %arg14: memref<!tpu.dma_semaphore, #tpu.memory_space<semaphore_mem>>) attributes {dimension_semantics = [#tpu.dimension_semantics<core_parallel>, #tpu.dimension_semantics<subcore_parallel>], iteration_bounds = array<i64: 2, 16>, scalar_prefetch = 0 : i64, scratch_operands = 9 : i64, tpu.core_type = #tpu.core_type<sc_vector_subcore>, window_params = [{transform_indices = #map}, {transform_indices = #map1}, {transform_indices = #map}, {transform_indices = #map2}]} {
    %mul3A = arith.constant 2 : i32
    %mul3A_0 = arith.muli %arg1, %mul3A : i32
    %add3A = arith.addi %mul3A_0, %arg0 : i32
    %mul3A_1 = arith.constant 624 : i32
    %mul3A_2 = arith.muli %arg1, %mul3A_1 : i32
    %mul3A_3 = arith.constant 624 : i32
    %mul3A_4 = arith.muli %arg1, %mul3A_3 : i32
    "tpu.region"() ({
      %run_scoped3A = tpu.sem_alloc : memref<!tpu.dma_semaphore, #tpu.memory_space<semaphore_mem>>
      %dma_start3A_56 = arith.constant 0 : i32
      %dma_start3A_57 = tpu.memref_slice %arg6[%mul3A_4, %dma_start3A_56] : memref<10000x128xf32, #tpu.memory_space<vmem_shared>> -> memref<624x128xf32, #tpu.memory_space<vmem_shared>>
      %dma_start3A_58 = arith.constant 0 : i32
      %dma_start3A_59 = tpu.memref_slice %arg4[%mul3A_2, %dma_start3A_58] : memref<10000x128xf32, #tpu.memory_space<hbm>> -> memref<624x128xf32, #tpu.memory_space<hbm>>
      tpu.enqueue_dma source(%dma_start3A_59 : memref<624x128xf32, #tpu.memory_space<hbm>>) target(%dma_start3A_57 : memref<624x128xf32, #tpu.memory_space<vmem_shared>>) target_semaphore(%run_scoped3A : memref<!tpu.dma_semaphore, #tpu.memory_space<semaphore_mem>>)
      %dma_wait3A = arith.constant 0 : i32
      %dma_wait3A_60 = tpu.memref_slice %arg6[%mul3A_4, %dma_wait3A] : memref<10000x128xf32, #tpu.memory_space<vmem_shared>> -> memref<624x128xf32, #tpu.memory_space<vmem_shared>>
      %dma_wait3A_61 = arith.constant 0 : i32
      %dma_wait3A_62 = tpu.memref_slice %arg4[%mul3A_2, %dma_wait3A_61] : memref<10000x128xf32, #tpu.memory_space<hbm>> -> memref<624x128xf32, #tpu.memory_space<hbm>>
      tpu.wait_dma2 semaphore(%run_scoped3A : memref<!tpu.dma_semaphore, #tpu.memory_space<semaphore_mem>>) src(%dma_wait3A_62 : memref<624x128xf32, #tpu.memory_space<hbm>>) dst(%dma_wait3A_60 : memref<624x128xf32, #tpu.memory_space<vmem_shared>>)
      tpu.yield
    }) : () -> ()
    %eq3A = arith.constant 0 : i32
    %eq3A_5 = arith.cmpi eq, %arg1, %eq3A : i32
    %convert_element_type3A = arith.extui %eq3A_5 : i1 to i32
    %cond3A = arith.constant 0 : i32
    %cond3A_6 = arith.cmpi ne, %convert_element_type3A, %cond3A : i32
    scf.if %cond3A_6 {
      "tpu.region"() ({
        %run_scoped3A = tpu.sem_alloc : memref<!tpu.dma_semaphore, #tpu.memory_space<semaphore_mem>>
        %dma_start3A_56 = arith.constant 9984 : i32
        %dma_start3A_57 = arith.constant 0 : i32
        %dma_start3A_58 = tpu.memref_slice %arg6[%dma_start3A_56, %dma_start3A_57] : memref<10000x128xf32, #tpu.memory_space<vmem_shared>> -> memref<16x128xf32, #tpu.memory_space<vmem_shared>>
        %dma_start3A_59 = arith.constant 9984 : i32
        %dma_start3A_60 = arith.constant 0 : i32
        %dma_start3A_61 = tpu.memref_slice %arg4[%dma_start3A_59, %dma_start3A_60] : memref<10000x128xf32, #tpu.memory_space<hbm>> -> memref<16x128xf32, #tpu.memory_space<hbm>>
        tpu.enqueue_dma source(%dma_start3A_61 : memref<16x128xf32, #tpu.memory_space<hbm>>) target(%dma_start3A_58 : memref<16x128xf32, #tpu.memory_space<vmem_shared>>) target_semaphore(%run_scoped3A : memref<!tpu.dma_semaphore, #tpu.memory_space<semaphore_mem>>)
        %dma_wait3A = arith.constant 9984 : i32
        %dma_wait3A_62 = arith.constant 0 : i32
        %dma_wait3A_63 = tpu.memref_slice %arg6[%dma_wait3A, %dma_wait3A_62] : memref<10000x128xf32, #tpu.memory_space<vmem_shared>> -> memref<16x128xf32, #tpu.memory_space<vmem_shared>>
        %dma_wait3A_64 = arith.constant 9984 : i32
        %dma_wait3A_65 = arith.constant 0 : i32
        %dma_wait3A_66 = tpu.memref_slice %arg4[%dma_wait3A_64, %dma_wait3A_65] : memref<10000x128xf32, #tpu.memory_space<hbm>> -> memref<16x128xf32, #tpu.memory_space<hbm>>
        tpu.wait_dma2 semaphore(%run_scoped3A : memref<!tpu.dma_semaphore, #tpu.memory_space<semaphore_mem>>) src(%dma_wait3A_66 : memref<16x128xf32, #tpu.memory_space<hbm>>) dst(%dma_wait3A_63 : memref<16x128xf32, #tpu.memory_space<vmem_shared>>)
        tpu.yield
      }) : () -> ()
    } else {
    }
    %barrier3A = arith.constant 0 : index
    tpu.barrier barrier_id(%barrier3A)
    %add3A_7 = arith.constant 0 : i32
    %add3A_8 = arith.addi %add3A_7, %add3A : i32
    %mul3A_9 = arith.constant 128 : i32
    %mul3A_10 = arith.muli %add3A_8, %mul3A_9 : i32
    %add3A_11 = arith.constant 160000 : i32
    %add3A_12 = arith.addi %add3A_11, %mul3A_10 : i32
    %dma_start3A = tpu.memref_slice %arg3[%add3A_12] : memref<320000xi32, #tpu.memory_space<hbm>> -> memref<128xi32, #tpu.memory_space<hbm>>
    %dma_start3A_13 = tpu.memref_slice %arg3[%add3A_12] : memref<320000xi32, #tpu.memory_space<hbm>> -> memref<128xi32, #tpu.memory_space<hbm>>
    tpu.enqueue_dma source(%dma_start3A_13 : memref<128xi32, #tpu.memory_space<hbm>>) target(%arg7 : memref<128xi32, #tpu.memory_space<vmem>>) target_semaphore(%arg11 : memref<!tpu.dma_semaphore, #tpu.memory_space<semaphore_mem>>)
    %add3A_14 = arith.constant 0 : i32
    %add3A_15 = arith.addi %add3A_14, %add3A : i32
    %mul3A_16 = arith.constant 128 : i32
    %mul3A_17 = arith.muli %add3A_15, %mul3A_16 : i32
    %dma_start3A_18 = arith.constant 0 : i32
    %dma_start3A_19 = tpu.memref_slice %arg2[%mul3A_17, %dma_start3A_18] : memref<160000x128xf32, #tpu.memory_space<hbm>> -> memref<128x128xf32, #tpu.memory_space<hbm>>
    %dma_start3A_20 = arith.constant 0 : i32
    %dma_start3A_21 = tpu.memref_slice %arg2[%mul3A_17, %dma_start3A_20] : memref<160000x128xf32, #tpu.memory_space<hbm>> -> memref<128x128xf32, #tpu.memory_space<hbm>>
    tpu.enqueue_dma source(%dma_start3A_21 : memref<128x128xf32, #tpu.memory_space<hbm>>) target(%arg8 : memref<128x128xf32, #tpu.memory_space<vmem>>) target_semaphore(%arg12 : memref<!tpu.dma_semaphore, #tpu.memory_space<semaphore_mem>>)
    %add3A_22 = arith.constant 32 : i32
    %add3A_23 = arith.addi %add3A_22, %add3A : i32
    %mul3A_24 = arith.constant 128 : i32
    %mul3A_25 = arith.muli %add3A_23, %mul3A_24 : i32
    %add3A_26 = arith.constant 160000 : i32
    %add3A_27 = arith.addi %add3A_26, %mul3A_25 : i32
    %dma_start3A_28 = tpu.memref_slice %arg3[%add3A_27] : memref<320000xi32, #tpu.memory_space<hbm>> -> memref<128xi32, #tpu.memory_space<hbm>>
    %dma_start3A_29 = tpu.memref_slice %arg3[%add3A_27] : memref<320000xi32, #tpu.memory_space<hbm>> -> memref<128xi32, #tpu.memory_space<hbm>>
    tpu.enqueue_dma source(%dma_start3A_29 : memref<128xi32, #tpu.memory_space<hbm>>) target(%arg9 : memref<128xi32, #tpu.memory_space<vmem>>) target_semaphore(%arg13 : memref<!tpu.dma_semaphore, #tpu.memory_space<semaphore_mem>>)
    %add3A_30 = arith.constant 32 : i32
    %add3A_31 = arith.addi %add3A_30, %add3A : i32
    %mul3A_32 = arith.constant 128 : i32
    %mul3A_33 = arith.muli %add3A_31, %mul3A_32 : i32
    %dma_start3A_34 = arith.constant 0 : i32
    %dma_start3A_35 = tpu.memref_slice %arg2[%mul3A_33, %dma_start3A_34] : memref<160000x128xf32, #tpu.memory_space<hbm>> -> memref<128x128xf32, #tpu.memory_space<hbm>>
    %dma_start3A_36 = arith.constant 0 : i32
    %dma_start3A_37 = tpu.memref_slice %arg2[%mul3A_33, %dma_start3A_36] : memref<160000x128xf32, #tpu.memory_space<hbm>> -> memref<128x128xf32, #tpu.memory_space<hbm>>
    tpu.enqueue_dma source(%dma_start3A_37 : memref<128x128xf32, #tpu.memory_space<hbm>>) target(%arg10 : memref<128x128xf32, #tpu.memory_space<vmem>>) target_semaphore(%arg14 : memref<!tpu.dma_semaphore, #tpu.memory_space<semaphore_mem>>)
    %scan3A = arith.constant 0 : i32
    %scan3A_38 = arith.constant 20 : i32
    %scan3A_39 = arith.addi %scan3A, %scan3A_38 : i32
    %scan3A_40 = arith.constant 1 : i32
    scf.for %scan3A_56 = %scan3A to %scan3A_39 step %scan3A_40  : i32 {
      %mul3A_57 = arith.constant 1 : i32
      %mul3A_58 = arith.muli %scan3A_56, %mul3A_57 : i32
      %add3A_59 = arith.constant 0 : i32
      %add3A_60 = arith.addi %add3A_59, %mul3A_58 : i32
      %mul3A_61 = arith.constant 2 : i32
      %mul3A_62 = arith.muli %mul3A_61, %add3A_60 : i32
      %add3A_63 = arith.constant 0 : i32
      %add3A_64 = arith.addi %mul3A_62, %add3A_63 : i32
      %lt3A_65 = arith.constant 39 : i32
      %lt3A_66 = arith.cmpi slt, %add3A_64, %lt3A_65 : i32
      %convert_element_type3A_67 = arith.extui %lt3A_66 : i1 to i32
      %cond3A_68 = arith.constant 0 : i32
      %cond3A_69 = arith.cmpi ne, %convert_element_type3A_67, %cond3A_68 : i32
      scf.if %cond3A_69 {
        %mul3A_79 = arith.constant 32 : i32
        %mul3A_80 = arith.muli %add3A_64, %mul3A_79 : i32
        %add3A_81 = arith.addi %mul3A_80, %add3A : i32
        %mul3A_82 = arith.constant 128 : i32
        %mul3A_83 = arith.muli %add3A_81, %mul3A_82 : i32
        %add3A_84 = arith.constant 160000 : i32
        %add3A_85 = arith.addi %add3A_84, %mul3A_83 : i32
        %dma_wait3A = tpu.memref_slice %arg3[%add3A_85] : memref<320000xi32, #tpu.memory_space<hbm>> -> memref<128xi32, #tpu.memory_space<hbm>>
        %dma_wait3A_86 = tpu.memref_slice %arg3[%add3A_85] : memref<320000xi32, #tpu.memory_space<hbm>> -> memref<128xi32, #tpu.memory_space<hbm>>
        tpu.wait_dma2 semaphore(%arg11 : memref<!tpu.dma_semaphore, #tpu.memory_space<semaphore_mem>>) src(%dma_wait3A_86 : memref<128xi32, #tpu.memory_space<hbm>>) dst(%arg7 : memref<128xi32, #tpu.memory_space<vmem>>)
        %mul3A_87 = arith.constant 32 : i32
        %mul3A_88 = arith.muli %add3A_64, %mul3A_87 : i32
        %add3A_89 = arith.addi %mul3A_88, %add3A : i32
        %mul3A_90 = arith.constant 128 : i32
        %mul3A_91 = arith.muli %add3A_89, %mul3A_90 : i32
        %dma_wait3A_92 = arith.constant 0 : i32
        %dma_wait3A_93 = tpu.memref_slice %arg2[%mul3A_91, %dma_wait3A_92] : memref<160000x128xf32, #tpu.memory_space<hbm>> -> memref<128x128xf32, #tpu.memory_space<hbm>>
        %dma_wait3A_94 = arith.constant 0 : i32
        %dma_wait3A_95 = tpu.memref_slice %arg2[%mul3A_91, %dma_wait3A_94] : memref<160000x128xf32, #tpu.memory_space<hbm>> -> memref<128x128xf32, #tpu.memory_space<hbm>>
        tpu.wait_dma2 semaphore(%arg12 : memref<!tpu.dma_semaphore, #tpu.memory_space<semaphore_mem>>) src(%dma_wait3A_95 : memref<128x128xf32, #tpu.memory_space<hbm>>) dst(%arg8 : memref<128x128xf32, #tpu.memory_space<vmem>>)
        "tpu.region"() ({
          %run_scoped3A = tpu.sem_alloc : memref<!tpu.dma_semaphore, #tpu.memory_space<semaphore_mem>>
          %dma_start3A_103 = arith.constant 0 : i32
          %dma_start3A_104 = arith.constant 0 : i32
          %dma_start3A_105 = tpu.memref_slice %arg6[%dma_start3A_103, %dma_start3A_104] : memref<10000x128xf32, #tpu.memory_space<vmem_shared>> -> memref<10000x128xf32, #tpu.memory_space<vmem_shared>>
          tpu.enqueue_indirect_dma source(%arg8 : memref<128x128xf32, #tpu.memory_space<vmem>>) target(%dma_start3A_105 : memref<10000x128xf32, #tpu.memory_space<vmem_shared>>) offsets(%arg7 : memref<128xi32, #tpu.memory_space<vmem>>) semaphore(%run_scoped3A : memref<!tpu.dma_semaphore, #tpu.memory_space<semaphore_mem>>) {add = true}
          %dma_wait3A_106 = arith.constant 0 : i32
          %dma_wait3A_107 = arith.constant 0 : i32
          %dma_wait3A_108 = tpu.memref_slice %arg6[%dma_wait3A_106, %dma_wait3A_107] : memref<10000x128xf32, #tpu.memory_space<vmem_shared>> -> memref<10000x128xf32, #tpu.memory_space<vmem_shared>>
          tpu.wait_indirect_dma semaphore(%run_scoped3A : memref<!tpu.dma_semaphore, #tpu.memory_space<semaphore_mem>>) src(%arg8 : memref<128x128xf32, #tpu.memory_space<vmem>>) dst(%dma_wait3A_108 : memref<10000x128xf32, #tpu.memory_space<vmem_shared>>)
          tpu.yield
        }) : () -> ()
        %add3A_96 = arith.constant 2 : i32
        %add3A_97 = arith.addi %add3A_64, %add3A_96 : i32
        %lt3A_98 = arith.constant 39 : i32
        %lt3A_99 = arith.cmpi slt, %add3A_97, %lt3A_98 : i32
        %convert_element_type3A_100 = arith.extui %lt3A_99 : i1 to i32
        %cond3A_101 = arith.constant 0 : i32
        %cond3A_102 = arith.cmpi ne, %convert_element_type3A_100, %cond3A_101 : i32
        scf.if %cond3A_102 {
          %add3A_103 = arith.constant 2 : i32
          %add3A_104 = arith.addi %add3A_64, %add3A_103 : i32
          %mul3A_105 = arith.constant 32 : i32
          %mul3A_106 = arith.muli %add3A_104, %mul3A_105 : i32
          %add3A_107 = arith.addi %mul3A_106, %add3A : i32
          %mul3A_108 = arith.constant 128 : i32
          %mul3A_109 = arith.muli %add3A_107, %mul3A_108 : i32
          %add3A_110 = arith.constant 160000 : i32
          %add3A_111 = arith.addi %add3A_110, %mul3A_109 : i32
          %dma_start3A_112 = tpu.memref_slice %arg3[%add3A_111] : memref<320000xi32, #tpu.memory_space<hbm>> -> memref<128xi32, #tpu.memory_space<hbm>>
          %dma_start3A_113 = tpu.memref_slice %arg3[%add3A_111] : memref<320000xi32, #tpu.memory_space<hbm>> -> memref<128xi32, #tpu.memory_space<hbm>>
          tpu.enqueue_dma source(%dma_start3A_113 : memref<128xi32, #tpu.memory_space<hbm>>) target(%arg7 : memref<128xi32, #tpu.memory_space<vmem>>) target_semaphore(%arg11 : memref<!tpu.dma_semaphore, #tpu.memory_space<semaphore_mem>>)
          %mul3A_114 = arith.constant 32 : i32
          %mul3A_115 = arith.muli %add3A_104, %mul3A_114 : i32
          %add3A_116 = arith.addi %mul3A_115, %add3A : i32
          %mul3A_117 = arith.constant 128 : i32
          %mul3A_118 = arith.muli %add3A_116, %mul3A_117 : i32
          %dma_start3A_119 = arith.constant 0 : i32
          %dma_start3A_120 = tpu.memref_slice %arg2[%mul3A_118, %dma_start3A_119] : memref<160000x128xf32, #tpu.memory_space<hbm>> -> memref<128x128xf32, #tpu.memory_space<hbm>>
          %dma_start3A_121 = arith.constant 0 : i32
          %dma_start3A_122 = tpu.memref_slice %arg2[%mul3A_118, %dma_start3A_121] : memref<160000x128xf32, #tpu.memory_space<hbm>> -> memref<128x128xf32, #tpu.memory_space<hbm>>
          tpu.enqueue_dma source(%dma_start3A_122 : memref<128x128xf32, #tpu.memory_space<hbm>>) target(%arg8 : memref<128x128xf32, #tpu.memory_space<vmem>>) target_semaphore(%arg12 : memref<!tpu.dma_semaphore, #tpu.memory_space<semaphore_mem>>)
        } else {
        }
      } else {
      }
      %mul3A_70 = arith.constant 2 : i32
      %mul3A_71 = arith.muli %mul3A_70, %add3A_60 : i32
      %add3A_72 = arith.constant 1 : i32
      %add3A_73 = arith.addi %mul3A_71, %add3A_72 : i32
      %lt3A_74 = arith.constant 39 : i32
      %lt3A_75 = arith.cmpi slt, %add3A_73, %lt3A_74 : i32
      %convert_element_type3A_76 = arith.extui %lt3A_75 : i1 to i32
      %cond3A_77 = arith.constant 0 : i32
      %cond3A_78 = arith.cmpi ne, %convert_element_type3A_76, %cond3A_77 : i32
      scf.if %cond3A_78 {
        %mul3A_79 = arith.constant 32 : i32
        %mul3A_80 = arith.muli %add3A_73, %mul3A_79 : i32
        %add3A_81 = arith.addi %mul3A_80, %add3A : i32
        %mul3A_82 = arith.constant 128 : i32
        %mul3A_83 = arith.muli %add3A_81, %mul3A_82 : i32
        %add3A_84 = arith.constant 160000 : i32
        %add3A_85 = arith.addi %add3A_84, %mul3A_83 : i32
        %dma_wait3A = tpu.memref_slice %arg3[%add3A_85] : memref<320000xi32, #tpu.memory_space<hbm>> -> memref<128xi32, #tpu.memory_space<hbm>>
        %dma_wait3A_86 = tpu.memref_slice %arg3[%add3A_85] : memref<320000xi32, #tpu.memory_space<hbm>> -> memref<128xi32, #tpu.memory_space<hbm>>
        tpu.wait_dma2 semaphore(%arg13 : memref<!tpu.dma_semaphore, #tpu.memory_space<semaphore_mem>>) src(%dma_wait3A_86 : memref<128xi32, #tpu.memory_space<hbm>>) dst(%arg9 : memref<128xi32, #tpu.memory_space<vmem>>)
        %mul3A_87 = arith.constant 32 : i32
        %mul3A_88 = arith.muli %add3A_73, %mul3A_87 : i32
        %add3A_89 = arith.addi %mul3A_88, %add3A : i32
        %mul3A_90 = arith.constant 128 : i32
        %mul3A_91 = arith.muli %add3A_89, %mul3A_90 : i32
        %dma_wait3A_92 = arith.constant 0 : i32
        %dma_wait3A_93 = tpu.memref_slice %arg2[%mul3A_91, %dma_wait3A_92] : memref<160000x128xf32, #tpu.memory_space<hbm>> -> memref<128x128xf32, #tpu.memory_space<hbm>>
        %dma_wait3A_94 = arith.constant 0 : i32
        %dma_wait3A_95 = tpu.memref_slice %arg2[%mul3A_91, %dma_wait3A_94] : memref<160000x128xf32, #tpu.memory_space<hbm>> -> memref<128x128xf32, #tpu.memory_space<hbm>>
        tpu.wait_dma2 semaphore(%arg14 : memref<!tpu.dma_semaphore, #tpu.memory_space<semaphore_mem>>) src(%dma_wait3A_95 : memref<128x128xf32, #tpu.memory_space<hbm>>) dst(%arg10 : memref<128x128xf32, #tpu.memory_space<vmem>>)
        "tpu.region"() ({
          %run_scoped3A = tpu.sem_alloc : memref<!tpu.dma_semaphore, #tpu.memory_space<semaphore_mem>>
          %dma_start3A_103 = arith.constant 0 : i32
          %dma_start3A_104 = arith.constant 0 : i32
          %dma_start3A_105 = tpu.memref_slice %arg6[%dma_start3A_103, %dma_start3A_104] : memref<10000x128xf32, #tpu.memory_space<vmem_shared>> -> memref<10000x128xf32, #tpu.memory_space<vmem_shared>>
          tpu.enqueue_indirect_dma source(%arg10 : memref<128x128xf32, #tpu.memory_space<vmem>>) target(%dma_start3A_105 : memref<10000x128xf32, #tpu.memory_space<vmem_shared>>) offsets(%arg9 : memref<128xi32, #tpu.memory_space<vmem>>) semaphore(%run_scoped3A : memref<!tpu.dma_semaphore, #tpu.memory_space<semaphore_mem>>) {add = true}
          %dma_wait3A_106 = arith.constant 0 : i32
          %dma_wait3A_107 = arith.constant 0 : i32
          %dma_wait3A_108 = tpu.memref_slice %arg6[%dma_wait3A_106, %dma_wait3A_107] : memref<10000x128xf32, #tpu.memory_space<vmem_shared>> -> memref<10000x128xf32, #tpu.memory_space<vmem_shared>>
          tpu.wait_indirect_dma semaphore(%run_scoped3A : memref<!tpu.dma_semaphore, #tpu.memory_space<semaphore_mem>>) src(%arg10 : memref<128x128xf32, #tpu.memory_space<vmem>>) dst(%dma_wait3A_108 : memref<10000x128xf32, #tpu.memory_space<vmem_shared>>)
          tpu.yield
        }) : () -> ()
        %add3A_96 = arith.constant 2 : i32
        %add3A_97 = arith.addi %add3A_73, %add3A_96 : i32
        %lt3A_98 = arith.constant 39 : i32
        %lt3A_99 = arith.cmpi slt, %add3A_97, %lt3A_98 : i32
        %convert_element_type3A_100 = arith.extui %lt3A_99 : i1 to i32
        %cond3A_101 = arith.constant 0 : i32
        %cond3A_102 = arith.cmpi ne, %convert_element_type3A_100, %cond3A_101 : i32
        scf.if %cond3A_102 {
          %add3A_103 = arith.constant 2 : i32
          %add3A_104 = arith.addi %add3A_73, %add3A_103 : i32
          %mul3A_105 = arith.constant 32 : i32
          %mul3A_106 = arith.muli %add3A_104, %mul3A_105 : i32
          %add3A_107 = arith.addi %mul3A_106, %add3A : i32
          %mul3A_108 = arith.constant 128 : i32
          %mul3A_109 = arith.muli %add3A_107, %mul3A_108 : i32
          %add3A_110 = arith.constant 160000 : i32
          %add3A_111 = arith.addi %add3A_110, %mul3A_109 : i32
          %dma_start3A_112 = tpu.memref_slice %arg3[%add3A_111] : memref<320000xi32, #tpu.memory_space<hbm>> -> memref<128xi32, #tpu.memory_space<hbm>>
          %dma_start3A_113 = tpu.memref_slice %arg3[%add3A_111] : memref<320000xi32, #tpu.memory_space<hbm>> -> memref<128xi32, #tpu.memory_space<hbm>>
          tpu.enqueue_dma source(%dma_start3A_113 : memref<128xi32, #tpu.memory_space<hbm>>) target(%arg9 : memref<128xi32, #tpu.memory_space<vmem>>) target_semaphore(%arg13 : memref<!tpu.dma_semaphore, #tpu.memory_space<semaphore_mem>>)
          %mul3A_114 = arith.constant 32 : i32
          %mul3A_115 = arith.muli %add3A_104, %mul3A_114 : i32
          %add3A_116 = arith.addi %mul3A_115, %add3A : i32
          %mul3A_117 = arith.constant 128 : i32
          %mul3A_118 = arith.muli %add3A_116, %mul3A_117 : i32
          %dma_start3A_119 = arith.constant 0 : i32
          %dma_start3A_120 = tpu.memref_slice %arg2[%mul3A_118, %dma_start3A_119] : memref<160000x128xf32, #tpu.memory_space<hbm>> -> memref<128x128xf32, #tpu.memory_space<hbm>>
          %dma_start3A_121 = arith.constant 0 : i32
          %dma_start3A_122 = tpu.memref_slice %arg2[%mul3A_118, %dma_start3A_121] : memref<160000x128xf32, #tpu.memory_space<hbm>> -> memref<128x128xf32, #tpu.memory_space<hbm>>
          tpu.enqueue_dma source(%dma_start3A_122 : memref<128x128xf32, #tpu.memory_space<hbm>>) target(%arg10 : memref<128x128xf32, #tpu.memory_space<vmem>>) target_semaphore(%arg14 : memref<!tpu.dma_semaphore, #tpu.memory_space<semaphore_mem>>)
        } else {
        }
      } else {
      }
    }
    %scan3A_41 = arith.constant 20 : i32
    %lt3A = arith.constant 2 : i32
    %lt3A_42 = arith.cmpi slt, %add3A, %lt3A : i32
    %convert_element_type3A_43 = arith.extui %lt3A_42 : i1 to i32
    %cond3A_44 = arith.constant 0 : i32
    %cond3A_45 = arith.cmpi ne, %convert_element_type3A_43, %cond3A_44 : i32
    scf.if %cond3A_45 {
      %add3A_56 = arith.constant 1248 : i32
      %add3A_57 = arith.addi %add3A_56, %add3A : i32
      %mul3A_58 = arith.constant 128 : i32
      %mul3A_59 = arith.muli %add3A_57, %mul3A_58 : i32
      %add3A_60 = arith.constant 160000 : i32
      %add3A_61 = arith.addi %add3A_60, %mul3A_59 : i32
      "tpu.region"() ({
        %run_scoped3A = tpu.sem_alloc : memref<!tpu.dma_semaphore, #tpu.memory_space<semaphore_mem>>
        %dma_start3A_62 = tpu.memref_slice %arg3[%add3A_61] : memref<320000xi32, #tpu.memory_space<hbm>> -> memref<128xi32, #tpu.memory_space<hbm>>
        %dma_start3A_63 = tpu.memref_slice %arg3[%add3A_61] : memref<320000xi32, #tpu.memory_space<hbm>> -> memref<128xi32, #tpu.memory_space<hbm>>
        tpu.enqueue_dma source(%dma_start3A_63 : memref<128xi32, #tpu.memory_space<hbm>>) target(%arg7 : memref<128xi32, #tpu.memory_space<vmem>>) target_semaphore(%run_scoped3A : memref<!tpu.dma_semaphore, #tpu.memory_space<semaphore_mem>>)
        %dma_wait3A = tpu.memref_slice %arg3[%add3A_61] : memref<320000xi32, #tpu.memory_space<hbm>> -> memref<128xi32, #tpu.memory_space<hbm>>
        %dma_wait3A_64 = tpu.memref_slice %arg3[%add3A_61] : memref<320000xi32, #tpu.memory_space<hbm>> -> memref<128xi32, #tpu.memory_space<hbm>>
        tpu.wait_dma2 semaphore(%run_scoped3A : memref<!tpu.dma_semaphore, #tpu.memory_space<semaphore_mem>>) src(%dma_wait3A_64 : memref<128xi32, #tpu.memory_space<hbm>>) dst(%arg7 : memref<128xi32, #tpu.memory_space<vmem>>)
        tpu.yield
      }) : () -> ()
      "tpu.region"() ({
        %run_scoped3A = tpu.sem_alloc : memref<!tpu.dma_semaphore, #tpu.memory_space<semaphore_mem>>
        %dma_start3A_62 = arith.constant 0 : i32
        %dma_start3A_63 = tpu.memref_slice %arg2[%mul3A_59, %dma_start3A_62] : memref<160000x128xf32, #tpu.memory_space<hbm>> -> memref<128x128xf32, #tpu.memory_space<hbm>>
        %dma_start3A_64 = arith.constant 0 : i32
        %dma_start3A_65 = tpu.memref_slice %arg2[%mul3A_59, %dma_start3A_64] : memref<160000x128xf32, #tpu.memory_space<hbm>> -> memref<128x128xf32, #tpu.memory_space<hbm>>
        tpu.enqueue_dma source(%dma_start3A_65 : memref<128x128xf32, #tpu.memory_space<hbm>>) target(%arg8 : memref<128x128xf32, #tpu.memory_space<vmem>>) target_semaphore(%run_scoped3A : memref<!tpu.dma_semaphore, #tpu.memory_space<semaphore_mem>>)
        %dma_wait3A = arith.constant 0 : i32
        %dma_wait3A_66 = tpu.memref_slice %arg2[%mul3A_59, %dma_wait3A] : memref<160000x128xf32, #tpu.memory_space<hbm>> -> memref<128x128xf32, #tpu.memory_space<hbm>>
        %dma_wait3A_67 = arith.constant 0 : i32
        %dma_wait3A_68 = tpu.memref_slice %arg2[%mul3A_59, %dma_wait3A_67] : memref<160000x128xf32, #tpu.memory_space<hbm>> -> memref<128x128xf32, #tpu.memory_space<hbm>>
        tpu.wait_dma2 semaphore(%run_scoped3A : memref<!tpu.dma_semaphore, #tpu.memory_space<semaphore_mem>>) src(%dma_wait3A_68 : memref<128x128xf32, #tpu.memory_space<hbm>>) dst(%arg8 : memref<128x128xf32, #tpu.memory_space<vmem>>)
        tpu.yield
      }) : () -> ()
      "tpu.region"() ({
        %run_scoped3A = tpu.sem_alloc : memref<!tpu.dma_semaphore, #tpu.memory_space<semaphore_mem>>
        %dma_start3A_62 = arith.constant 0 : i32
        %dma_start3A_63 = arith.constant 0 : i32
        %dma_start3A_64 = tpu.memref_slice %arg6[%dma_start3A_62, %dma_start3A_63] : memref<10000x128xf32, #tpu.memory_space<vmem_shared>> -> memref<10000x128xf32, #tpu.memory_space<vmem_shared>>
        tpu.enqueue_indirect_dma source(%arg8 : memref<128x128xf32, #tpu.memory_space<vmem>>) target(%dma_start3A_64 : memref<10000x128xf32, #tpu.memory_space<vmem_shared>>) offsets(%arg7 : memref<128xi32, #tpu.memory_space<vmem>>) semaphore(%run_scoped3A : memref<!tpu.dma_semaphore, #tpu.memory_space<semaphore_mem>>) {add = true}
        %dma_wait3A = arith.constant 0 : i32
        %dma_wait3A_65 = arith.constant 0 : i32
        %dma_wait3A_66 = tpu.memref_slice %arg6[%dma_wait3A, %dma_wait3A_65] : memref<10000x128xf32, #tpu.memory_space<vmem_shared>> -> memref<10000x128xf32, #tpu.memory_space<vmem_shared>>
        tpu.wait_indirect_dma semaphore(%run_scoped3A : memref<!tpu.dma_semaphore, #tpu.memory_space<semaphore_mem>>) src(%arg8 : memref<128x128xf32, #tpu.memory_space<vmem>>) dst(%dma_wait3A_66 : memref<10000x128xf32, #tpu.memory_space<vmem_shared>>)
        tpu.yield
      }) : () -> ()
    } else {
    }
    %barrier3A_46 = arith.constant 0 : index
    tpu.barrier barrier_id(%barrier3A_46)
    %mul3A_47 = arith.constant 624 : i32
    %mul3A_48 = arith.muli %arg1, %mul3A_47 : i32
    %mul3A_49 = arith.constant 624 : i32
    %mul3A_50 = arith.muli %arg1, %mul3A_49 : i32
    "tpu.region"() ({
      %run_scoped3A = tpu.sem_alloc : memref<!tpu.dma_semaphore, #tpu.memory_space<semaphore_mem>>
      %dma_start3A_56 = arith.constant 0 : i32
      %dma_start3A_57 = arith.constant 0 : i32
      %dma_start3A_58 = tpu.memref_slice %arg5[%arg0, %dma_start3A_56, %dma_start3A_57] : memref<2x10000x128xf32, #tpu.memory_space<hbm>> -> memref<1x10000x128xf32, #tpu.memory_space<hbm>>
      %dma_start3A_59 = tpu.memref_squeeze %dma_start3A_58 : memref<1x10000x128xf32, #tpu.memory_space<hbm>> -> memref<10000x128xf32, #tpu.memory_space<hbm>>
      %dma_start3A_60 = arith.constant 0 : i32
      %dma_start3A_61 = tpu.memref_slice %dma_start3A_59[%mul3A_50, %dma_start3A_60] : memref<10000x128xf32, #tpu.memory_space<hbm>> -> memref<624x128xf32, #tpu.memory_space<hbm>>
      %dma_start3A_62 = arith.constant 0 : i32
      %dma_start3A_63 = tpu.memref_slice %arg6[%mul3A_48, %dma_start3A_62] : memref<10000x128xf32, #tpu.memory_space<vmem_shared>> -> memref<624x128xf32, #tpu.memory_space<vmem_shared>>
      tpu.enqueue_dma source(%dma_start3A_63 : memref<624x128xf32, #tpu.memory_space<vmem_shared>>) target(%dma_start3A_61 : memref<624x128xf32, #tpu.memory_space<hbm>>) target_semaphore(%run_scoped3A : memref<!tpu.dma_semaphore, #tpu.memory_space<semaphore_mem>>)
      %dma_wait3A = arith.constant 0 : i32
      %dma_wait3A_64 = arith.constant 0 : i32
      %dma_wait3A_65 = tpu.memref_slice %arg5[%arg0, %dma_wait3A, %dma_wait3A_64] : memref<2x10000x128xf32, #tpu.memory_space<hbm>> -> memref<1x10000x128xf32, #tpu.memory_space<hbm>>
      %dma_wait3A_66 = tpu.memref_squeeze %dma_wait3A_65 : memref<1x10000x128xf32, #tpu.memory_space<hbm>> -> memref<10000x128xf32, #tpu.memory_space<hbm>>
      %dma_wait3A_67 = arith.constant 0 : i32
      %dma_wait3A_68 = tpu.memref_slice %dma_wait3A_66[%mul3A_50, %dma_wait3A_67] : memref<10000x128xf32, #tpu.memory_space<hbm>> -> memref<624x128xf32, #tpu.memory_space<hbm>>
      %dma_wait3A_69 = arith.constant 0 : i32
      %dma_wait3A_70 = tpu.memref_slice %arg6[%mul3A_48, %dma_wait3A_69] : memref<10000x128xf32, #tpu.memory_space<vmem_shared>> -> memref<624x128xf32, #tpu.memory_space<vmem_shared>>
      tpu.wait_dma2 semaphore(%run_scoped3A : memref<!tpu.dma_semaphore, #tpu.memory_space<semaphore_mem>>) src(%dma_wait3A_70 : memref<624x128xf32, #tpu.memory_space<vmem_shared>>) dst(%dma_wait3A_68 : memref<624x128xf32, #tpu.memory_space<hbm>>)
      tpu.yield
    }) : () -> ()
    %eq3A_51 = arith.constant 0 : i32
    %eq3A_52 = arith.cmpi eq, %arg1, %eq3A_51 : i32
    %convert_element_type3A_53 = arith.extui %eq3A_52 : i1 to i32
    %cond3A_54 = arith.constant 0 : i32
    %cond3A_55 = arith.cmpi ne, %convert_element_type3A_53, %cond3A_54 : i32
    scf.if %cond3A_55 {
      "tpu.region"() ({
        %run_scoped3A = tpu.sem_alloc : memref<!tpu.dma_semaphore, #tpu.memory_space<semaphore_mem>>
        %dma_start3A_56 = arith.constant 0 : i32
        %dma_start3A_57 = arith.constant 0 : i32
        %dma_start3A_58 = tpu.memref_slice %arg5[%arg0, %dma_start3A_56, %dma_start3A_57] : memref<2x10000x128xf32, #tpu.memory_space<hbm>> -> memref<1x10000x128xf32, #tpu.memory_space<hbm>>
        %dma_start3A_59 = tpu.memref_squeeze %dma_start3A_58 : memref<1x10000x128xf32, #tpu.memory_space<hbm>> -> memref<10000x128xf32, #tpu.memory_space<hbm>>
        %dma_start3A_60 = arith.constant 9984 : i32
        %dma_start3A_61 = arith.constant 0 : i32
        %dma_start3A_62 = tpu.memref_slice %dma_start3A_59[%dma_start3A_60, %dma_start3A_61] : memref<10000x128xf32, #tpu.memory_space<hbm>> -> memref<16x128xf32, #tpu.memory_space<hbm>>
        %dma_start3A_63 = arith.constant 9984 : i32
        %dma_start3A_64 = arith.constant 0 : i32
        %dma_start3A_65 = tpu.memref_slice %arg6[%dma_start3A_63, %dma_start3A_64] : memref<10000x128xf32, #tpu.memory_space<vmem_shared>> -> memref<16x128xf32, #tpu.memory_space<vmem_shared>>
        tpu.enqueue_dma source(%dma_start3A_65 : memref<16x128xf32, #tpu.memory_space<vmem_shared>>) target(%dma_start3A_62 : memref<16x128xf32, #tpu.memory_space<hbm>>) target_semaphore(%run_scoped3A : memref<!tpu.dma_semaphore, #tpu.memory_space<semaphore_mem>>)
        %dma_wait3A = arith.constant 0 : i32
        %dma_wait3A_66 = arith.constant 0 : i32
        %dma_wait3A_67 = tpu.memref_slice %arg5[%arg0, %dma_wait3A, %dma_wait3A_66] : memref<2x10000x128xf32, #tpu.memory_space<hbm>> -> memref<1x10000x128xf32, #tpu.memory_space<hbm>>
        %dma_wait3A_68 = tpu.memref_squeeze %dma_wait3A_67 : memref<1x10000x128xf32, #tpu.memory_space<hbm>> -> memref<10000x128xf32, #tpu.memory_space<hbm>>
        %dma_wait3A_69 = arith.constant 9984 : i32
        %dma_wait3A_70 = arith.constant 0 : i32
        %dma_wait3A_71 = tpu.memref_slice %dma_wait3A_68[%dma_wait3A_69, %dma_wait3A_70] : memref<10000x128xf32, #tpu.memory_space<hbm>> -> memref<16x128xf32, #tpu.memory_space<hbm>>
        %dma_wait3A_72 = arith.constant 9984 : i32
        %dma_wait3A_73 = arith.constant 0 : i32
        %dma_wait3A_74 = tpu.memref_slice %arg6[%dma_wait3A_72, %dma_wait3A_73] : memref<10000x128xf32, #tpu.memory_space<vmem_shared>> -> memref<16x128xf32, #tpu.memory_space<vmem_shared>>
        tpu.wait_dma2 semaphore(%run_scoped3A : memref<!tpu.dma_semaphore, #tpu.memory_space<semaphore_mem>>) src(%dma_wait3A_74 : memref<16x128xf32, #tpu.memory_space<vmem_shared>>) dst(%dma_wait3A_71 : memref<16x128xf32, #tpu.memory_space<hbm>>)
        tpu.yield
      }) : () -> ()
    } else {
    }
    return
  }
}

#map = affine_map<(d0, d1) -> (0, 0)>
#map1 = affine_map<(d0, d1) -> (0)>
module attributes {stable_mosaic.version = 14 : i64} {
  func.func @sc_gather2(%arg0: i32, %arg1: i32, %arg2: memref<10000x128xf32, #tpu.memory_space<hbm>>, %arg3: memref<10000x128xf32, #tpu.memory_space<hbm>>, %arg4: memref<320000xi32, #tpu.memory_space<hbm>>, %arg5: memref<320000xi32, #tpu.memory_space<hbm>>, %arg6: memref<160000x128xf32, #tpu.memory_space<hbm>>, %arg7: memref<160000x128xf32, #tpu.memory_space<hbm>>, %arg8: memref<128xi32, #tpu.memory_space<vmem>>, %arg9: memref<128xi32, #tpu.memory_space<vmem>>, %arg10: memref<128x128xf32, #tpu.memory_space<vmem>>, %arg11: memref<128x128xf32, #tpu.memory_space<vmem>>, %arg12: memref<!tpu.dma_semaphore, #tpu.memory_space<semaphore_mem>>, %arg13: memref<!tpu.dma_semaphore, #tpu.memory_space<semaphore_mem>>, %arg14: memref<!tpu.dma_semaphore, #tpu.memory_space<semaphore_mem>>, %arg15: memref<!tpu.dma_semaphore, #tpu.memory_space<semaphore_mem>>, %arg16: memref<!tpu.dma_semaphore, #tpu.memory_space<semaphore_mem>>, %arg17: memref<!tpu.dma_semaphore, #tpu.memory_space<semaphore_mem>>, %arg18: memref<128xi32, #tpu.memory_space<vmem>>, %arg19: memref<128xi32, #tpu.memory_space<vmem>>, %arg20: memref<128x128xf32, #tpu.memory_space<vmem>>, %arg21: memref<128x128xf32, #tpu.memory_space<vmem>>, %arg22: memref<!tpu.dma_semaphore, #tpu.memory_space<semaphore_mem>>, %arg23: memref<!tpu.dma_semaphore, #tpu.memory_space<semaphore_mem>>, %arg24: memref<!tpu.dma_semaphore, #tpu.memory_space<semaphore_mem>>, %arg25: memref<!tpu.dma_semaphore, #tpu.memory_space<semaphore_mem>>, %arg26: memref<!tpu.dma_semaphore, #tpu.memory_space<semaphore_mem>>, %arg27: memref<!tpu.dma_semaphore, #tpu.memory_space<semaphore_mem>>) attributes {dimension_semantics = [#tpu.dimension_semantics<core_parallel>, #tpu.dimension_semantics<subcore_parallel>], iteration_bounds = array<i64: 2, 16>, scalar_prefetch = 0 : i64, scratch_operands = 20 : i64, tpu.core_type = #tpu.core_type<sc_vector_subcore>, window_params = [{transform_indices = #map}, {transform_indices = #map}, {transform_indices = #map1}, {transform_indices = #map1}, {transform_indices = #map}, {transform_indices = #map}]} {
    %mul3A = arith.constant 2 : i32
    %mul3A_0 = arith.muli %arg1, %mul3A : i32
    %add3A = arith.addi %mul3A_0, %arg0 : i32
    %add3A_1 = arith.constant 0 : i32
    %add3A_2 = arith.addi %add3A_1, %add3A : i32
    %mul3A_3 = arith.constant 128 : i32
    %mul3A_4 = arith.muli %add3A_2, %mul3A_3 : i32
    %add3A_5 = arith.constant 160000 : i32
    %add3A_6 = arith.addi %add3A_5, %mul3A_4 : i32
    %dma_start3A = tpu.memref_slice %arg4[%add3A_6] : memref<320000xi32, #tpu.memory_space<hbm>> -> memref<128xi32, #tpu.memory_space<hbm>>
    %dma_start3A_7 = tpu.memref_slice %arg4[%add3A_6] : memref<320000xi32, #tpu.memory_space<hbm>> -> memref<128xi32, #tpu.memory_space<hbm>>
    tpu.enqueue_dma source(%dma_start3A_7 : memref<128xi32, #tpu.memory_space<hbm>>) target(%arg8 : memref<128xi32, #tpu.memory_space<vmem>>) target_semaphore(%arg12 : memref<!tpu.dma_semaphore, #tpu.memory_space<semaphore_mem>>)
    %add3A_8 = arith.constant 0 : i32
    %add3A_9 = arith.addi %add3A_8, %add3A : i32
    %mul3A_10 = arith.constant 128 : i32
    %mul3A_11 = arith.muli %add3A_9, %mul3A_10 : i32
    %add3A_12 = arith.constant 160000 : i32
    %add3A_13 = arith.addi %add3A_12, %mul3A_11 : i32
    %dma_start3A_14 = tpu.memref_slice %arg5[%add3A_13] : memref<320000xi32, #tpu.memory_space<hbm>> -> memref<128xi32, #tpu.memory_space<hbm>>
    %dma_start3A_15 = tpu.memref_slice %arg5[%add3A_13] : memref<320000xi32, #tpu.memory_space<hbm>> -> memref<128xi32, #tpu.memory_space<hbm>>
    tpu.enqueue_dma source(%dma_start3A_15 : memref<128xi32, #tpu.memory_space<hbm>>) target(%arg9 : memref<128xi32, #tpu.memory_space<vmem>>) target_semaphore(%arg13 : memref<!tpu.dma_semaphore, #tpu.memory_space<semaphore_mem>>)
    %add3A_16 = arith.constant 32 : i32
    %add3A_17 = arith.addi %add3A_16, %add3A : i32
    %mul3A_18 = arith.constant 128 : i32
    %mul3A_19 = arith.muli %add3A_17, %mul3A_18 : i32
    %add3A_20 = arith.constant 160000 : i32
    %add3A_21 = arith.addi %add3A_20, %mul3A_19 : i32
    %dma_start3A_22 = tpu.memref_slice %arg4[%add3A_21] : memref<320000xi32, #tpu.memory_space<hbm>> -> memref<128xi32, #tpu.memory_space<hbm>>
    %dma_start3A_23 = tpu.memref_slice %arg4[%add3A_21] : memref<320000xi32, #tpu.memory_space<hbm>> -> memref<128xi32, #tpu.memory_space<hbm>>
    tpu.enqueue_dma source(%dma_start3A_23 : memref<128xi32, #tpu.memory_space<hbm>>) target(%arg18 : memref<128xi32, #tpu.memory_space<vmem>>) target_semaphore(%arg22 : memref<!tpu.dma_semaphore, #tpu.memory_space<semaphore_mem>>)
    %add3A_24 = arith.constant 32 : i32
    %add3A_25 = arith.addi %add3A_24, %add3A : i32
    %mul3A_26 = arith.constant 128 : i32
    %mul3A_27 = arith.muli %add3A_25, %mul3A_26 : i32
    %add3A_28 = arith.constant 160000 : i32
    %add3A_29 = arith.addi %add3A_28, %mul3A_27 : i32
    %dma_start3A_30 = tpu.memref_slice %arg5[%add3A_29] : memref<320000xi32, #tpu.memory_space<hbm>> -> memref<128xi32, #tpu.memory_space<hbm>>
    %dma_start3A_31 = tpu.memref_slice %arg5[%add3A_29] : memref<320000xi32, #tpu.memory_space<hbm>> -> memref<128xi32, #tpu.memory_space<hbm>>
    tpu.enqueue_dma source(%dma_start3A_31 : memref<128xi32, #tpu.memory_space<hbm>>) target(%arg19 : memref<128xi32, #tpu.memory_space<vmem>>) target_semaphore(%arg23 : memref<!tpu.dma_semaphore, #tpu.memory_space<semaphore_mem>>)
    %scan3A = arith.constant 0 : i32
    %scan3A_32 = arith.constant 20 : i32
    %scan3A_33 = arith.addi %scan3A, %scan3A_32 : i32
    %scan3A_34 = arith.constant 1 : i32
    scf.for %scan3A_69 = %scan3A to %scan3A_33 step %scan3A_34  : i32 {
      %mul3A_70 = arith.constant 1 : i32
      %mul3A_71 = arith.muli %scan3A_69, %mul3A_70 : i32
      %add3A_72 = arith.constant 0 : i32
      %add3A_73 = arith.addi %add3A_72, %mul3A_71 : i32
      %mul3A_74 = arith.constant 2 : i32
      %mul3A_75 = arith.muli %mul3A_74, %add3A_73 : i32
      %add3A_76 = arith.constant 0 : i32
      %add3A_77 = arith.addi %mul3A_75, %add3A_76 : i32
      %lt3A_78 = arith.constant 39 : i32
      %lt3A_79 = arith.cmpi slt, %add3A_77, %lt3A_78 : i32
      %convert_element_type3A_80 = arith.extui %lt3A_79 : i1 to i32
      %cond3A_81 = arith.constant 0 : i32
      %cond3A_82 = arith.cmpi ne, %convert_element_type3A_80, %cond3A_81 : i32
      scf.if %cond3A_82 {
        %mul3A_92 = arith.constant 32 : i32
        %mul3A_93 = arith.muli %add3A_77, %mul3A_92 : i32
        %add3A_94 = arith.addi %mul3A_93, %add3A : i32
        %mul3A_95 = arith.constant 128 : i32
        %mul3A_96 = arith.muli %add3A_94, %mul3A_95 : i32
        %add3A_97 = arith.constant 160000 : i32
        %add3A_98 = arith.addi %add3A_97, %mul3A_96 : i32
        %dma_wait3A_99 = tpu.memref_slice %arg4[%add3A_98] : memref<320000xi32, #tpu.memory_space<hbm>> -> memref<128xi32, #tpu.memory_space<hbm>>
        %dma_wait3A_100 = tpu.memref_slice %arg4[%add3A_98] : memref<320000xi32, #tpu.memory_space<hbm>> -> memref<128xi32, #tpu.memory_space<hbm>>
        tpu.wait_dma2 semaphore(%arg12 : memref<!tpu.dma_semaphore, #tpu.memory_space<semaphore_mem>>) src(%dma_wait3A_100 : memref<128xi32, #tpu.memory_space<hbm>>) dst(%arg8 : memref<128xi32, #tpu.memory_space<vmem>>)
        %mul3A_101 = arith.constant 32 : i32
        %mul3A_102 = arith.muli %add3A_77, %mul3A_101 : i32
        %add3A_103 = arith.addi %mul3A_102, %add3A : i32
        %mul3A_104 = arith.constant 128 : i32
        %mul3A_105 = arith.muli %add3A_103, %mul3A_104 : i32
        %add3A_106 = arith.constant 160000 : i32
        %add3A_107 = arith.addi %add3A_106, %mul3A_105 : i32
        %dma_wait3A_108 = tpu.memref_slice %arg5[%add3A_107] : memref<320000xi32, #tpu.memory_space<hbm>> -> memref<128xi32, #tpu.memory_space<hbm>>
        %dma_wait3A_109 = tpu.memref_slice %arg5[%add3A_107] : memref<320000xi32, #tpu.memory_space<hbm>> -> memref<128xi32, #tpu.memory_space<hbm>>
        tpu.wait_dma2 semaphore(%arg13 : memref<!tpu.dma_semaphore, #tpu.memory_space<semaphore_mem>>) src(%dma_wait3A_109 : memref<128xi32, #tpu.memory_space<hbm>>) dst(%arg9 : memref<128xi32, #tpu.memory_space<vmem>>)
        %ge3A = arith.constant 2 : i32
        %ge3A_110 = arith.cmpi sge, %add3A_77, %ge3A : i32
        %convert_element_type3A_111 = arith.extui %ge3A_110 : i1 to i32
        %cond3A_112 = arith.constant 0 : i32
        %cond3A_113 = arith.cmpi ne, %convert_element_type3A_111, %cond3A_112 : i32
        scf.if %cond3A_113 {
          %sub3A = arith.constant 2 : i32
          %sub3A_151 = arith.subi %add3A_77, %sub3A : i32
          %mul3A_152 = arith.constant 32 : i32
          %mul3A_153 = arith.muli %sub3A_151, %mul3A_152 : i32
          %add3A_154 = arith.addi %mul3A_153, %add3A : i32
          %mul3A_155 = arith.constant 128 : i32
          %mul3A_156 = arith.muli %add3A_154, %mul3A_155 : i32
          %dma_wait3A_157 = arith.constant 0 : i32
          %dma_wait3A_158 = tpu.memref_slice %arg6[%mul3A_156, %dma_wait3A_157] : memref<160000x128xf32, #tpu.memory_space<hbm>> -> memref<128x128xf32, #tpu.memory_space<hbm>>
          %dma_wait3A_159 = arith.constant 0 : i32
          %dma_wait3A_160 = tpu.memref_slice %arg6[%mul3A_156, %dma_wait3A_159] : memref<160000x128xf32, #tpu.memory_space<hbm>> -> memref<128x128xf32, #tpu.memory_space<hbm>>
          tpu.wait_dma2 semaphore(%arg16 : memref<!tpu.dma_semaphore, #tpu.memory_space<semaphore_mem>>) src(%arg10 : memref<128x128xf32, #tpu.memory_space<vmem>>) dst(%dma_wait3A_160 : memref<128x128xf32, #tpu.memory_space<hbm>>)
          %mul3A_161 = arith.constant 32 : i32
          %mul3A_162 = arith.muli %sub3A_151, %mul3A_161 : i32
          %add3A_163 = arith.addi %mul3A_162, %add3A : i32
          %mul3A_164 = arith.constant 128 : i32
          %mul3A_165 = arith.muli %add3A_163, %mul3A_164 : i32
          %dma_wait3A_166 = arith.constant 0 : i32
          %dma_wait3A_167 = tpu.memref_slice %arg7[%mul3A_165, %dma_wait3A_166] : memref<160000x128xf32, #tpu.memory_space<hbm>> -> memref<128x128xf32, #tpu.memory_space<hbm>>
          %dma_wait3A_168 = arith.constant 0 : i32
          %dma_wait3A_169 = tpu.memref_slice %arg7[%mul3A_165, %dma_wait3A_168] : memref<160000x128xf32, #tpu.memory_space<hbm>> -> memref<128x128xf32, #tpu.memory_space<hbm>>
          tpu.wait_dma2 semaphore(%arg17 : memref<!tpu.dma_semaphore, #tpu.memory_space<semaphore_mem>>) src(%arg11 : memref<128x128xf32, #tpu.memory_space<vmem>>) dst(%dma_wait3A_169 : memref<128x128xf32, #tpu.memory_space<hbm>>)
        } else {
        }
        %dma_start3A_114 = arith.constant 0 : i32
        %dma_start3A_115 = arith.constant 0 : i32
        %dma_start3A_116 = tpu.memref_slice %arg2[%dma_start3A_114, %dma_start3A_115] : memref<10000x128xf32, #tpu.memory_space<hbm>> -> memref<10000x128xf32, #tpu.memory_space<hbm>>
        tpu.enqueue_indirect_dma source(%dma_start3A_116 : memref<10000x128xf32, #tpu.memory_space<hbm>>) target(%arg10 : memref<128x128xf32, #tpu.memory_space<vmem>>) offsets(%arg8 : memref<128xi32, #tpu.memory_space<vmem>>) semaphore(%arg14 : memref<!tpu.dma_semaphore, #tpu.memory_space<semaphore_mem>>)
        %dma_start3A_117 = arith.constant 0 : i32
        %dma_start3A_118 = arith.constant 0 : i32
        %dma_start3A_119 = tpu.memref_slice %arg3[%dma_start3A_117, %dma_start3A_118] : memref<10000x128xf32, #tpu.memory_space<hbm>> -> memref<10000x128xf32, #tpu.memory_space<hbm>>
        tpu.enqueue_indirect_dma source(%dma_start3A_119 : memref<10000x128xf32, #tpu.memory_space<hbm>>) target(%arg11 : memref<128x128xf32, #tpu.memory_space<vmem>>) offsets(%arg9 : memref<128xi32, #tpu.memory_space<vmem>>) semaphore(%arg15 : memref<!tpu.dma_semaphore, #tpu.memory_space<semaphore_mem>>)
        %dma_wait3A_120 = arith.constant 0 : i32
        %dma_wait3A_121 = arith.constant 0 : i32
        %dma_wait3A_122 = tpu.memref_slice %arg2[%dma_wait3A_120, %dma_wait3A_121] : memref<10000x128xf32, #tpu.memory_space<hbm>> -> memref<10000x128xf32, #tpu.memory_space<hbm>>
        tpu.wait_indirect_dma semaphore(%arg14 : memref<!tpu.dma_semaphore, #tpu.memory_space<semaphore_mem>>) src(%dma_wait3A_122 : memref<10000x128xf32, #tpu.memory_space<hbm>>) dst(%arg10 : memref<128x128xf32, #tpu.memory_space<vmem>>)
        %dma_wait3A_123 = arith.constant 0 : i32
        %dma_wait3A_124 = arith.constant 0 : i32
        %dma_wait3A_125 = tpu.memref_slice %arg3[%dma_wait3A_123, %dma_wait3A_124] : memref<10000x128xf32, #tpu.memory_space<hbm>> -> memref<10000x128xf32, #tpu.memory_space<hbm>>
        tpu.wait_indirect_dma semaphore(%arg15 : memref<!tpu.dma_semaphore, #tpu.memory_space<semaphore_mem>>) src(%dma_wait3A_125 : memref<10000x128xf32, #tpu.memory_space<hbm>>) dst(%arg11 : memref<128x128xf32, #tpu.memory_space<vmem>>)
        %mul3A_126 = arith.constant 32 : i32
        %mul3A_127 = arith.muli %add3A_77, %mul3A_126 : i32
        %add3A_128 = arith.addi %mul3A_127, %add3A : i32
        %mul3A_129 = arith.constant 128 : i32
        %mul3A_130 = arith.muli %add3A_128, %mul3A_129 : i32
        %dma_start3A_131 = arith.constant 0 : i32
        %dma_start3A_132 = tpu.memref_slice %arg6[%mul3A_130, %dma_start3A_131] : memref<160000x128xf32, #tpu.memory_space<hbm>> -> memref<128x128xf32, #tpu.memory_space<hbm>>
        %dma_start3A_133 = arith.constant 0 : i32
        %dma_start3A_134 = tpu.memref_slice %arg6[%mul3A_130, %dma_start3A_133] : memref<160000x128xf32, #tpu.memory_space<hbm>> -> memref<128x128xf32, #tpu.memory_space<hbm>>
        tpu.enqueue_dma source(%arg10 : memref<128x128xf32, #tpu.memory_space<vmem>>) target(%dma_start3A_134 : memref<128x128xf32, #tpu.memory_space<hbm>>) target_semaphore(%arg16 : memref<!tpu.dma_semaphore, #tpu.memory_space<semaphore_mem>>)
        %mul3A_135 = arith.constant 32 : i32
        %mul3A_136 = arith.muli %add3A_77, %mul3A_135 : i32
        %add3A_137 = arith.addi %mul3A_136, %add3A : i32
        %mul3A_138 = arith.constant 128 : i32
        %mul3A_139 = arith.muli %add3A_137, %mul3A_138 : i32
        %dma_start3A_140 = arith.constant 0 : i32
        %dma_start3A_141 = tpu.memref_slice %arg7[%mul3A_139, %dma_start3A_140] : memref<160000x128xf32, #tpu.memory_space<hbm>> -> memref<128x128xf32, #tpu.memory_space<hbm>>
        %dma_start3A_142 = arith.constant 0 : i32
        %dma_start3A_143 = tpu.memref_slice %arg7[%mul3A_139, %dma_start3A_142] : memref<160000x128xf32, #tpu.memory_space<hbm>> -> memref<128x128xf32, #tpu.memory_space<hbm>>
        tpu.enqueue_dma source(%arg11 : memref<128x128xf32, #tpu.memory_space<vmem>>) target(%dma_start3A_143 : memref<128x128xf32, #tpu.memory_space<hbm>>) target_semaphore(%arg17 : memref<!tpu.dma_semaphore, #tpu.memory_space<semaphore_mem>>)
        %add3A_144 = arith.constant 2 : i32
        %add3A_145 = arith.addi %add3A_77, %add3A_144 : i32
        %lt3A_146 = arith.constant 39 : i32
        %lt3A_147 = arith.cmpi slt, %add3A_145, %lt3A_146 : i32
        %convert_element_type3A_148 = arith.extui %lt3A_147 : i1 to i32
        %cond3A_149 = arith.constant 0 : i32
        %cond3A_150 = arith.cmpi ne, %convert_element_type3A_148, %cond3A_149 : i32
        scf.if %cond3A_150 {
          %add3A_151 = arith.constant 2 : i32
          %add3A_152 = arith.addi %add3A_77, %add3A_151 : i32
          %mul3A_153 = arith.constant 32 : i32
          %mul3A_154 = arith.muli %add3A_152, %mul3A_153 : i32
          %add3A_155 = arith.addi %mul3A_154, %add3A : i32
          %mul3A_156 = arith.constant 128 : i32
          %mul3A_157 = arith.muli %add3A_155, %mul3A_156 : i32
          %add3A_158 = arith.constant 160000 : i32
          %add3A_159 = arith.addi %add3A_158, %mul3A_157 : i32
          %dma_start3A_160 = tpu.memref_slice %arg4[%add3A_159] : memref<320000xi32, #tpu.memory_space<hbm>> -> memref<128xi32, #tpu.memory_space<hbm>>
          %dma_start3A_161 = tpu.memref_slice %arg4[%add3A_159] : memref<320000xi32, #tpu.memory_space<hbm>> -> memref<128xi32, #tpu.memory_space<hbm>>
          tpu.enqueue_dma source(%dma_start3A_161 : memref<128xi32, #tpu.memory_space<hbm>>) target(%arg8 : memref<128xi32, #tpu.memory_space<vmem>>) target_semaphore(%arg12 : memref<!tpu.dma_semaphore, #tpu.memory_space<semaphore_mem>>)
          %mul3A_162 = arith.constant 32 : i32
          %mul3A_163 = arith.muli %add3A_152, %mul3A_162 : i32
          %add3A_164 = arith.addi %mul3A_163, %add3A : i32
          %mul3A_165 = arith.constant 128 : i32
          %mul3A_166 = arith.muli %add3A_164, %mul3A_165 : i32
          %add3A_167 = arith.constant 160000 : i32
          %add3A_168 = arith.addi %add3A_167, %mul3A_166 : i32
          %dma_start3A_169 = tpu.memref_slice %arg5[%add3A_168] : memref<320000xi32, #tpu.memory_space<hbm>> -> memref<128xi32, #tpu.memory_space<hbm>>
          %dma_start3A_170 = tpu.memref_slice %arg5[%add3A_168] : memref<320000xi32, #tpu.memory_space<hbm>> -> memref<128xi32, #tpu.memory_space<hbm>>
          tpu.enqueue_dma source(%dma_start3A_170 : memref<128xi32, #tpu.memory_space<hbm>>) target(%arg9 : memref<128xi32, #tpu.memory_space<vmem>>) target_semaphore(%arg13 : memref<!tpu.dma_semaphore, #tpu.memory_space<semaphore_mem>>)
        } else {
        }
      } else {
      }
      %mul3A_83 = arith.constant 2 : i32
      %mul3A_84 = arith.muli %mul3A_83, %add3A_73 : i32
      %add3A_85 = arith.constant 1 : i32
      %add3A_86 = arith.addi %mul3A_84, %add3A_85 : i32
      %lt3A_87 = arith.constant 39 : i32
      %lt3A_88 = arith.cmpi slt, %add3A_86, %lt3A_87 : i32
      %convert_element_type3A_89 = arith.extui %lt3A_88 : i1 to i32
      %cond3A_90 = arith.constant 0 : i32
      %cond3A_91 = arith.cmpi ne, %convert_element_type3A_89, %cond3A_90 : i32
      scf.if %cond3A_91 {
        %mul3A_92 = arith.constant 32 : i32
        %mul3A_93 = arith.muli %add3A_86, %mul3A_92 : i32
        %add3A_94 = arith.addi %mul3A_93, %add3A : i32
        %mul3A_95 = arith.constant 128 : i32
        %mul3A_96 = arith.muli %add3A_94, %mul3A_95 : i32
        %add3A_97 = arith.constant 160000 : i32
        %add3A_98 = arith.addi %add3A_97, %mul3A_96 : i32
        %dma_wait3A_99 = tpu.memref_slice %arg4[%add3A_98] : memref<320000xi32, #tpu.memory_space<hbm>> -> memref<128xi32, #tpu.memory_space<hbm>>
        %dma_wait3A_100 = tpu.memref_slice %arg4[%add3A_98] : memref<320000xi32, #tpu.memory_space<hbm>> -> memref<128xi32, #tpu.memory_space<hbm>>
        tpu.wait_dma2 semaphore(%arg22 : memref<!tpu.dma_semaphore, #tpu.memory_space<semaphore_mem>>) src(%dma_wait3A_100 : memref<128xi32, #tpu.memory_space<hbm>>) dst(%arg18 : memref<128xi32, #tpu.memory_space<vmem>>)
        %mul3A_101 = arith.constant 32 : i32
        %mul3A_102 = arith.muli %add3A_86, %mul3A_101 : i32
        %add3A_103 = arith.addi %mul3A_102, %add3A : i32
        %mul3A_104 = arith.constant 128 : i32
        %mul3A_105 = arith.muli %add3A_103, %mul3A_104 : i32
        %add3A_106 = arith.constant 160000 : i32
        %add3A_107 = arith.addi %add3A_106, %mul3A_105 : i32
        %dma_wait3A_108 = tpu.memref_slice %arg5[%add3A_107] : memref<320000xi32, #tpu.memory_space<hbm>> -> memref<128xi32, #tpu.memory_space<hbm>>
        %dma_wait3A_109 = tpu.memref_slice %arg5[%add3A_107] : memref<320000xi32, #tpu.memory_space<hbm>> -> memref<128xi32, #tpu.memory_space<hbm>>
        tpu.wait_dma2 semaphore(%arg23 : memref<!tpu.dma_semaphore, #tpu.memory_space<semaphore_mem>>) src(%dma_wait3A_109 : memref<128xi32, #tpu.memory_space<hbm>>) dst(%arg19 : memref<128xi32, #tpu.memory_space<vmem>>)
        %ge3A = arith.constant 2 : i32
        %ge3A_110 = arith.cmpi sge, %add3A_86, %ge3A : i32
        %convert_element_type3A_111 = arith.extui %ge3A_110 : i1 to i32
        %cond3A_112 = arith.constant 0 : i32
        %cond3A_113 = arith.cmpi ne, %convert_element_type3A_111, %cond3A_112 : i32
        scf.if %cond3A_113 {
          %sub3A = arith.constant 2 : i32
          %sub3A_151 = arith.subi %add3A_86, %sub3A : i32
          %mul3A_152 = arith.constant 32 : i32
          %mul3A_153 = arith.muli %sub3A_151, %mul3A_152 : i32
          %add3A_154 = arith.addi %mul3A_153, %add3A : i32
          %mul3A_155 = arith.constant 128 : i32
          %mul3A_156 = arith.muli %add3A_154, %mul3A_155 : i32
          %dma_wait3A_157 = arith.constant 0 : i32
          %dma_wait3A_158 = tpu.memref_slice %arg6[%mul3A_156, %dma_wait3A_157] : memref<160000x128xf32, #tpu.memory_space<hbm>> -> memref<128x128xf32, #tpu.memory_space<hbm>>
          %dma_wait3A_159 = arith.constant 0 : i32
          %dma_wait3A_160 = tpu.memref_slice %arg6[%mul3A_156, %dma_wait3A_159] : memref<160000x128xf32, #tpu.memory_space<hbm>> -> memref<128x128xf32, #tpu.memory_space<hbm>>
          tpu.wait_dma2 semaphore(%arg26 : memref<!tpu.dma_semaphore, #tpu.memory_space<semaphore_mem>>) src(%arg20 : memref<128x128xf32, #tpu.memory_space<vmem>>) dst(%dma_wait3A_160 : memref<128x128xf32, #tpu.memory_space<hbm>>)
          %mul3A_161 = arith.constant 32 : i32
          %mul3A_162 = arith.muli %sub3A_151, %mul3A_161 : i32
          %add3A_163 = arith.addi %mul3A_162, %add3A : i32
          %mul3A_164 = arith.constant 128 : i32
          %mul3A_165 = arith.muli %add3A_163, %mul3A_164 : i32
          %dma_wait3A_166 = arith.constant 0 : i32
          %dma_wait3A_167 = tpu.memref_slice %arg7[%mul3A_165, %dma_wait3A_166] : memref<160000x128xf32, #tpu.memory_space<hbm>> -> memref<128x128xf32, #tpu.memory_space<hbm>>
          %dma_wait3A_168 = arith.constant 0 : i32
          %dma_wait3A_169 = tpu.memref_slice %arg7[%mul3A_165, %dma_wait3A_168] : memref<160000x128xf32, #tpu.memory_space<hbm>> -> memref<128x128xf32, #tpu.memory_space<hbm>>
          tpu.wait_dma2 semaphore(%arg27 : memref<!tpu.dma_semaphore, #tpu.memory_space<semaphore_mem>>) src(%arg21 : memref<128x128xf32, #tpu.memory_space<vmem>>) dst(%dma_wait3A_169 : memref<128x128xf32, #tpu.memory_space<hbm>>)
        } else {
        }
        %dma_start3A_114 = arith.constant 0 : i32
        %dma_start3A_115 = arith.constant 0 : i32
        %dma_start3A_116 = tpu.memref_slice %arg2[%dma_start3A_114, %dma_start3A_115] : memref<10000x128xf32, #tpu.memory_space<hbm>> -> memref<10000x128xf32, #tpu.memory_space<hbm>>
        tpu.enqueue_indirect_dma source(%dma_start3A_116 : memref<10000x128xf32, #tpu.memory_space<hbm>>) target(%arg20 : memref<128x128xf32, #tpu.memory_space<vmem>>) offsets(%arg18 : memref<128xi32, #tpu.memory_space<vmem>>) semaphore(%arg24 : memref<!tpu.dma_semaphore, #tpu.memory_space<semaphore_mem>>)
        %dma_start3A_117 = arith.constant 0 : i32
        %dma_start3A_118 = arith.constant 0 : i32
        %dma_start3A_119 = tpu.memref_slice %arg3[%dma_start3A_117, %dma_start3A_118] : memref<10000x128xf32, #tpu.memory_space<hbm>> -> memref<10000x128xf32, #tpu.memory_space<hbm>>
        tpu.enqueue_indirect_dma source(%dma_start3A_119 : memref<10000x128xf32, #tpu.memory_space<hbm>>) target(%arg21 : memref<128x128xf32, #tpu.memory_space<vmem>>) offsets(%arg19 : memref<128xi32, #tpu.memory_space<vmem>>) semaphore(%arg25 : memref<!tpu.dma_semaphore, #tpu.memory_space<semaphore_mem>>)
        %dma_wait3A_120 = arith.constant 0 : i32
        %dma_wait3A_121 = arith.constant 0 : i32
        %dma_wait3A_122 = tpu.memref_slice %arg2[%dma_wait3A_120, %dma_wait3A_121] : memref<10000x128xf32, #tpu.memory_space<hbm>> -> memref<10000x128xf32, #tpu.memory_space<hbm>>
        tpu.wait_indirect_dma semaphore(%arg24 : memref<!tpu.dma_semaphore, #tpu.memory_space<semaphore_mem>>) src(%dma_wait3A_122 : memref<10000x128xf32, #tpu.memory_space<hbm>>) dst(%arg20 : memref<128x128xf32, #tpu.memory_space<vmem>>)
        %dma_wait3A_123 = arith.constant 0 : i32
        %dma_wait3A_124 = arith.constant 0 : i32
        %dma_wait3A_125 = tpu.memref_slice %arg3[%dma_wait3A_123, %dma_wait3A_124] : memref<10000x128xf32, #tpu.memory_space<hbm>> -> memref<10000x128xf32, #tpu.memory_space<hbm>>
        tpu.wait_indirect_dma semaphore(%arg25 : memref<!tpu.dma_semaphore, #tpu.memory_space<semaphore_mem>>) src(%dma_wait3A_125 : memref<10000x128xf32, #tpu.memory_space<hbm>>) dst(%arg21 : memref<128x128xf32, #tpu.memory_space<vmem>>)
        %mul3A_126 = arith.constant 32 : i32
        %mul3A_127 = arith.muli %add3A_86, %mul3A_126 : i32
        %add3A_128 = arith.addi %mul3A_127, %add3A : i32
        %mul3A_129 = arith.constant 128 : i32
        %mul3A_130 = arith.muli %add3A_128, %mul3A_129 : i32
        %dma_start3A_131 = arith.constant 0 : i32
        %dma_start3A_132 = tpu.memref_slice %arg6[%mul3A_130, %dma_start3A_131] : memref<160000x128xf32, #tpu.memory_space<hbm>> -> memref<128x128xf32, #tpu.memory_space<hbm>>
        %dma_start3A_133 = arith.constant 0 : i32
        %dma_start3A_134 = tpu.memref_slice %arg6[%mul3A_130, %dma_start3A_133] : memref<160000x128xf32, #tpu.memory_space<hbm>> -> memref<128x128xf32, #tpu.memory_space<hbm>>
        tpu.enqueue_dma source(%arg20 : memref<128x128xf32, #tpu.memory_space<vmem>>) target(%dma_start3A_134 : memref<128x128xf32, #tpu.memory_space<hbm>>) target_semaphore(%arg26 : memref<!tpu.dma_semaphore, #tpu.memory_space<semaphore_mem>>)
        %mul3A_135 = arith.constant 32 : i32
        %mul3A_136 = arith.muli %add3A_86, %mul3A_135 : i32
        %add3A_137 = arith.addi %mul3A_136, %add3A : i32
        %mul3A_138 = arith.constant 128 : i32
        %mul3A_139 = arith.muli %add3A_137, %mul3A_138 : i32
        %dma_start3A_140 = arith.constant 0 : i32
        %dma_start3A_141 = tpu.memref_slice %arg7[%mul3A_139, %dma_start3A_140] : memref<160000x128xf32, #tpu.memory_space<hbm>> -> memref<128x128xf32, #tpu.memory_space<hbm>>
        %dma_start3A_142 = arith.constant 0 : i32
        %dma_start3A_143 = tpu.memref_slice %arg7[%mul3A_139, %dma_start3A_142] : memref<160000x128xf32, #tpu.memory_space<hbm>> -> memref<128x128xf32, #tpu.memory_space<hbm>>
        tpu.enqueue_dma source(%arg21 : memref<128x128xf32, #tpu.memory_space<vmem>>) target(%dma_start3A_143 : memref<128x128xf32, #tpu.memory_space<hbm>>) target_semaphore(%arg27 : memref<!tpu.dma_semaphore, #tpu.memory_space<semaphore_mem>>)
        %add3A_144 = arith.constant 2 : i32
        %add3A_145 = arith.addi %add3A_86, %add3A_144 : i32
        %lt3A_146 = arith.constant 39 : i32
        %lt3A_147 = arith.cmpi slt, %add3A_145, %lt3A_146 : i32
        %convert_element_type3A_148 = arith.extui %lt3A_147 : i1 to i32
        %cond3A_149 = arith.constant 0 : i32
        %cond3A_150 = arith.cmpi ne, %convert_element_type3A_148, %cond3A_149 : i32
        scf.if %cond3A_150 {
          %add3A_151 = arith.constant 2 : i32
          %add3A_152 = arith.addi %add3A_86, %add3A_151 : i32
          %mul3A_153 = arith.constant 32 : i32
          %mul3A_154 = arith.muli %add3A_152, %mul3A_153 : i32
          %add3A_155 = arith.addi %mul3A_154, %add3A : i32
          %mul3A_156 = arith.constant 128 : i32
          %mul3A_157 = arith.muli %add3A_155, %mul3A_156 : i32
          %add3A_158 = arith.constant 160000 : i32
          %add3A_159 = arith.addi %add3A_158, %mul3A_157 : i32
          %dma_start3A_160 = tpu.memref_slice %arg4[%add3A_159] : memref<320000xi32, #tpu.memory_space<hbm>> -> memref<128xi32, #tpu.memory_space<hbm>>
          %dma_start3A_161 = tpu.memref_slice %arg4[%add3A_159] : memref<320000xi32, #tpu.memory_space<hbm>> -> memref<128xi32, #tpu.memory_space<hbm>>
          tpu.enqueue_dma source(%dma_start3A_161 : memref<128xi32, #tpu.memory_space<hbm>>) target(%arg18 : memref<128xi32, #tpu.memory_space<vmem>>) target_semaphore(%arg22 : memref<!tpu.dma_semaphore, #tpu.memory_space<semaphore_mem>>)
          %mul3A_162 = arith.constant 32 : i32
          %mul3A_163 = arith.muli %add3A_152, %mul3A_162 : i32
          %add3A_164 = arith.addi %mul3A_163, %add3A : i32
          %mul3A_165 = arith.constant 128 : i32
          %mul3A_166 = arith.muli %add3A_164, %mul3A_165 : i32
          %add3A_167 = arith.constant 160000 : i32
          %add3A_168 = arith.addi %add3A_167, %mul3A_166 : i32
          %dma_start3A_169 = tpu.memref_slice %arg5[%add3A_168] : memref<320000xi32, #tpu.memory_space<hbm>> -> memref<128xi32, #tpu.memory_space<hbm>>
          %dma_start3A_170 = tpu.memref_slice %arg5[%add3A_168] : memref<320000xi32, #tpu.memory_space<hbm>> -> memref<128xi32, #tpu.memory_space<hbm>>
          tpu.enqueue_dma source(%dma_start3A_170 : memref<128xi32, #tpu.memory_space<hbm>>) target(%arg19 : memref<128xi32, #tpu.memory_space<vmem>>) target_semaphore(%arg23 : memref<!tpu.dma_semaphore, #tpu.memory_space<semaphore_mem>>)
        } else {
        }
      } else {
      }
    }
    %scan3A_35 = arith.constant 20 : i32
    %add3A_36 = arith.constant 1184 : i32
    %add3A_37 = arith.addi %add3A_36, %add3A : i32
    %mul3A_38 = arith.constant 128 : i32
    %mul3A_39 = arith.muli %add3A_37, %mul3A_38 : i32
    %dma_wait3A = arith.constant 0 : i32
    %dma_wait3A_40 = tpu.memref_slice %arg6[%mul3A_39, %dma_wait3A] : memref<160000x128xf32, #tpu.memory_space<hbm>> -> memref<128x128xf32, #tpu.memory_space<hbm>>
    %dma_wait3A_41 = arith.constant 0 : i32
    %dma_wait3A_42 = tpu.memref_slice %arg6[%mul3A_39, %dma_wait3A_41] : memref<160000x128xf32, #tpu.memory_space<hbm>> -> memref<128x128xf32, #tpu.memory_space<hbm>>
    tpu.wait_dma2 semaphore(%arg26 : memref<!tpu.dma_semaphore, #tpu.memory_space<semaphore_mem>>) src(%arg20 : memref<128x128xf32, #tpu.memory_space<vmem>>) dst(%dma_wait3A_42 : memref<128x128xf32, #tpu.memory_space<hbm>>)
    %add3A_43 = arith.constant 1184 : i32
    %add3A_44 = arith.addi %add3A_43, %add3A : i32
    %mul3A_45 = arith.constant 128 : i32
    %mul3A_46 = arith.muli %add3A_44, %mul3A_45 : i32
    %dma_wait3A_47 = arith.constant 0 : i32
    %dma_wait3A_48 = tpu.memref_slice %arg7[%mul3A_46, %dma_wait3A_47] : memref<160000x128xf32, #tpu.memory_space<hbm>> -> memref<128x128xf32, #tpu.memory_space<hbm>>
    %dma_wait3A_49 = arith.constant 0 : i32
    %dma_wait3A_50 = tpu.memref_slice %arg7[%mul3A_46, %dma_wait3A_49] : memref<160000x128xf32, #tpu.memory_space<hbm>> -> memref<128x128xf32, #tpu.memory_space<hbm>>
    tpu.wait_dma2 semaphore(%arg27 : memref<!tpu.dma_semaphore, #tpu.memory_space<semaphore_mem>>) src(%arg21 : memref<128x128xf32, #tpu.memory_space<vmem>>) dst(%dma_wait3A_50 : memref<128x128xf32, #tpu.memory_space<hbm>>)
    %add3A_51 = arith.constant 1216 : i32
    %add3A_52 = arith.addi %add3A_51, %add3A : i32
    %mul3A_53 = arith.constant 128 : i32
    %mul3A_54 = arith.muli %add3A_52, %mul3A_53 : i32
    %dma_wait3A_55 = arith.constant 0 : i32
    %dma_wait3A_56 = tpu.memref_slice %arg6[%mul3A_54, %dma_wait3A_55] : memref<160000x128xf32, #tpu.memory_space<hbm>> -> memref<128x128xf32, #tpu.memory_space<hbm>>
    %dma_wait3A_57 = arith.constant 0 : i32
    %dma_wait3A_58 = tpu.memref_slice %arg6[%mul3A_54, %dma_wait3A_57] : memref<160000x128xf32, #tpu.memory_space<hbm>> -> memref<128x128xf32, #tpu.memory_space<hbm>>
    tpu.wait_dma2 semaphore(%arg16 : memref<!tpu.dma_semaphore, #tpu.memory_space<semaphore_mem>>) src(%arg10 : memref<128x128xf32, #tpu.memory_space<vmem>>) dst(%dma_wait3A_58 : memref<128x128xf32, #tpu.memory_space<hbm>>)
    %add3A_59 = arith.constant 1216 : i32
    %add3A_60 = arith.addi %add3A_59, %add3A : i32
    %mul3A_61 = arith.constant 128 : i32
    %mul3A_62 = arith.muli %add3A_60, %mul3A_61 : i32
    %dma_wait3A_63 = arith.constant 0 : i32
    %dma_wait3A_64 = tpu.memref_slice %arg7[%mul3A_62, %dma_wait3A_63] : memref<160000x128xf32, #tpu.memory_space<hbm>> -> memref<128x128xf32, #tpu.memory_space<hbm>>
    %dma_wait3A_65 = arith.constant 0 : i32
    %dma_wait3A_66 = tpu.memref_slice %arg7[%mul3A_62, %dma_wait3A_65] : memref<160000x128xf32, #tpu.memory_space<hbm>> -> memref<128x128xf32, #tpu.memory_space<hbm>>
    tpu.wait_dma2 semaphore(%arg17 : memref<!tpu.dma_semaphore, #tpu.memory_space<semaphore_mem>>) src(%arg11 : memref<128x128xf32, #tpu.memory_space<vmem>>) dst(%dma_wait3A_66 : memref<128x128xf32, #tpu.memory_space<hbm>>)
    %lt3A = arith.constant 2 : i32
    %lt3A_67 = arith.cmpi slt, %add3A, %lt3A : i32
    %convert_element_type3A = arith.extui %lt3A_67 : i1 to i32
    %cond3A = arith.constant 0 : i32
    %cond3A_68 = arith.cmpi ne, %convert_element_type3A, %cond3A : i32
    scf.if %cond3A_68 {
      %add3A_69 = arith.constant 1248 : i32
      %add3A_70 = arith.addi %add3A_69, %add3A : i32
      %mul3A_71 = arith.constant 128 : i32
      %mul3A_72 = arith.muli %add3A_70, %mul3A_71 : i32
      %add3A_73 = arith.constant 160000 : i32
      %add3A_74 = arith.addi %add3A_73, %mul3A_72 : i32
      "tpu.region"() ({
        %run_scoped3A = tpu.sem_alloc : memref<!tpu.dma_semaphore, #tpu.memory_space<semaphore_mem>>
        %dma_start3A_77 = tpu.memref_slice %arg4[%add3A_74] : memref<320000xi32, #tpu.memory_space<hbm>> -> memref<128xi32, #tpu.memory_space<hbm>>
        %dma_start3A_78 = tpu.memref_slice %arg4[%add3A_74] : memref<320000xi32, #tpu.memory_space<hbm>> -> memref<128xi32, #tpu.memory_space<hbm>>
        tpu.enqueue_dma source(%dma_start3A_78 : memref<128xi32, #tpu.memory_space<hbm>>) target(%arg8 : memref<128xi32, #tpu.memory_space<vmem>>) target_semaphore(%run_scoped3A : memref<!tpu.dma_semaphore, #tpu.memory_space<semaphore_mem>>)
        %dma_wait3A_79 = tpu.memref_slice %arg4[%add3A_74] : memref<320000xi32, #tpu.memory_space<hbm>> -> memref<128xi32, #tpu.memory_space<hbm>>
        %dma_wait3A_80 = tpu.memref_slice %arg4[%add3A_74] : memref<320000xi32, #tpu.memory_space<hbm>> -> memref<128xi32, #tpu.memory_space<hbm>>
        tpu.wait_dma2 semaphore(%run_scoped3A : memref<!tpu.dma_semaphore, #tpu.memory_space<semaphore_mem>>) src(%dma_wait3A_80 : memref<128xi32, #tpu.memory_space<hbm>>) dst(%arg8 : memref<128xi32, #tpu.memory_space<vmem>>)
        tpu.yield
      }) : () -> ()
      %add3A_75 = arith.constant 160000 : i32
      %add3A_76 = arith.addi %add3A_75, %mul3A_72 : i32
      "tpu.region"() ({
        %run_scoped3A = tpu.sem_alloc : memref<!tpu.dma_semaphore, #tpu.memory_space<semaphore_mem>>
        %dma_start3A_77 = tpu.memref_slice %arg5[%add3A_76] : memref<320000xi32, #tpu.memory_space<hbm>> -> memref<128xi32, #tpu.memory_space<hbm>>
        %dma_start3A_78 = tpu.memref_slice %arg5[%add3A_76] : memref<320000xi32, #tpu.memory_space<hbm>> -> memref<128xi32, #tpu.memory_space<hbm>>
        tpu.enqueue_dma source(%dma_start3A_78 : memref<128xi32, #tpu.memory_space<hbm>>) target(%arg9 : memref<128xi32, #tpu.memory_space<vmem>>) target_semaphore(%run_scoped3A : memref<!tpu.dma_semaphore, #tpu.memory_space<semaphore_mem>>)
        %dma_wait3A_79 = tpu.memref_slice %arg5[%add3A_76] : memref<320000xi32, #tpu.memory_space<hbm>> -> memref<128xi32, #tpu.memory_space<hbm>>
        %dma_wait3A_80 = tpu.memref_slice %arg5[%add3A_76] : memref<320000xi32, #tpu.memory_space<hbm>> -> memref<128xi32, #tpu.memory_space<hbm>>
        tpu.wait_dma2 semaphore(%run_scoped3A : memref<!tpu.dma_semaphore, #tpu.memory_space<semaphore_mem>>) src(%dma_wait3A_80 : memref<128xi32, #tpu.memory_space<hbm>>) dst(%arg9 : memref<128xi32, #tpu.memory_space<vmem>>)
        tpu.yield
      }) : () -> ()
      "tpu.region"() ({
        %run_scoped3A = tpu.sem_alloc : memref<!tpu.dma_semaphore, #tpu.memory_space<semaphore_mem>>
        %dma_start3A_77 = arith.constant 0 : i32
        %dma_start3A_78 = arith.constant 0 : i32
        %dma_start3A_79 = tpu.memref_slice %arg2[%dma_start3A_77, %dma_start3A_78] : memref<10000x128xf32, #tpu.memory_space<hbm>> -> memref<10000x128xf32, #tpu.memory_space<hbm>>
        tpu.enqueue_indirect_dma source(%dma_start3A_79 : memref<10000x128xf32, #tpu.memory_space<hbm>>) target(%arg10 : memref<128x128xf32, #tpu.memory_space<vmem>>) offsets(%arg8 : memref<128xi32, #tpu.memory_space<vmem>>) semaphore(%run_scoped3A : memref<!tpu.dma_semaphore, #tpu.memory_space<semaphore_mem>>)
        %dma_wait3A_80 = arith.constant 0 : i32
        %dma_wait3A_81 = arith.constant 0 : i32
        %dma_wait3A_82 = tpu.memref_slice %arg2[%dma_wait3A_80, %dma_wait3A_81] : memref<10000x128xf32, #tpu.memory_space<hbm>> -> memref<10000x128xf32, #tpu.memory_space<hbm>>
        tpu.wait_indirect_dma semaphore(%run_scoped3A : memref<!tpu.dma_semaphore, #tpu.memory_space<semaphore_mem>>) src(%dma_wait3A_82 : memref<10000x128xf32, #tpu.memory_space<hbm>>) dst(%arg10 : memref<128x128xf32, #tpu.memory_space<vmem>>)
        tpu.yield
      }) : () -> ()
      "tpu.region"() ({
        %run_scoped3A = tpu.sem_alloc : memref<!tpu.dma_semaphore, #tpu.memory_space<semaphore_mem>>
        %dma_start3A_77 = arith.constant 0 : i32
        %dma_start3A_78 = arith.constant 0 : i32
        %dma_start3A_79 = tpu.memref_slice %arg3[%dma_start3A_77, %dma_start3A_78] : memref<10000x128xf32, #tpu.memory_space<hbm>> -> memref<10000x128xf32, #tpu.memory_space<hbm>>
        tpu.enqueue_indirect_dma source(%dma_start3A_79 : memref<10000x128xf32, #tpu.memory_space<hbm>>) target(%arg11 : memref<128x128xf32, #tpu.memory_space<vmem>>) offsets(%arg9 : memref<128xi32, #tpu.memory_space<vmem>>) semaphore(%run_scoped3A : memref<!tpu.dma_semaphore, #tpu.memory_space<semaphore_mem>>)
        %dma_wait3A_80 = arith.constant 0 : i32
        %dma_wait3A_81 = arith.constant 0 : i32
        %dma_wait3A_82 = tpu.memref_slice %arg3[%dma_wait3A_80, %dma_wait3A_81] : memref<10000x128xf32, #tpu.memory_space<hbm>> -> memref<10000x128xf32, #tpu.memory_space<hbm>>
        tpu.wait_indirect_dma semaphore(%run_scoped3A : memref<!tpu.dma_semaphore, #tpu.memory_space<semaphore_mem>>) src(%dma_wait3A_82 : memref<10000x128xf32, #tpu.memory_space<hbm>>) dst(%arg11 : memref<128x128xf32, #tpu.memory_space<vmem>>)
        tpu.yield
      }) : () -> ()
      "tpu.region"() ({
        %run_scoped3A = tpu.sem_alloc : memref<!tpu.dma_semaphore, #tpu.memory_space<semaphore_mem>>
        %dma_start3A_77 = arith.constant 0 : i32
        %dma_start3A_78 = tpu.memref_slice %arg6[%mul3A_72, %dma_start3A_77] : memref<160000x128xf32, #tpu.memory_space<hbm>> -> memref<128x128xf32, #tpu.memory_space<hbm>>
        %dma_start3A_79 = arith.constant 0 : i32
        %dma_start3A_80 = tpu.memref_slice %arg6[%mul3A_72, %dma_start3A_79] : memref<160000x128xf32, #tpu.memory_space<hbm>> -> memref<128x128xf32, #tpu.memory_space<hbm>>
        tpu.enqueue_dma source(%arg10 : memref<128x128xf32, #tpu.memory_space<vmem>>) target(%dma_start3A_80 : memref<128x128xf32, #tpu.memory_space<hbm>>) target_semaphore(%run_scoped3A : memref<!tpu.dma_semaphore, #tpu.memory_space<semaphore_mem>>)
        %dma_wait3A_81 = arith.constant 0 : i32
        %dma_wait3A_82 = tpu.memref_slice %arg6[%mul3A_72, %dma_wait3A_81] : memref<160000x128xf32, #tpu.memory_space<hbm>> -> memref<128x128xf32, #tpu.memory_space<hbm>>
        %dma_wait3A_83 = arith.constant 0 : i32
        %dma_wait3A_84 = tpu.memref_slice %arg6[%mul3A_72, %dma_wait3A_83] : memref<160000x128xf32, #tpu.memory_space<hbm>> -> memref<128x128xf32, #tpu.memory_space<hbm>>
        tpu.wait_dma2 semaphore(%run_scoped3A : memref<!tpu.dma_semaphore, #tpu.memory_space<semaphore_mem>>) src(%arg10 : memref<128x128xf32, #tpu.memory_space<vmem>>) dst(%dma_wait3A_84 : memref<128x128xf32, #tpu.memory_space<hbm>>)
        tpu.yield
      }) : () -> ()
      "tpu.region"() ({
        %run_scoped3A = tpu.sem_alloc : memref<!tpu.dma_semaphore, #tpu.memory_space<semaphore_mem>>
        %dma_start3A_77 = arith.constant 0 : i32
        %dma_start3A_78 = tpu.memref_slice %arg7[%mul3A_72, %dma_start3A_77] : memref<160000x128xf32, #tpu.memory_space<hbm>> -> memref<128x128xf32, #tpu.memory_space<hbm>>
        %dma_start3A_79 = arith.constant 0 : i32
        %dma_start3A_80 = tpu.memref_slice %arg7[%mul3A_72, %dma_start3A_79] : memref<160000x128xf32, #tpu.memory_space<hbm>> -> memref<128x128xf32, #tpu.memory_space<hbm>>
        tpu.enqueue_dma source(%arg11 : memref<128x128xf32, #tpu.memory_space<vmem>>) target(%dma_start3A_80 : memref<128x128xf32, #tpu.memory_space<hbm>>) target_semaphore(%run_scoped3A : memref<!tpu.dma_semaphore, #tpu.memory_space<semaphore_mem>>)
        %dma_wait3A_81 = arith.constant 0 : i32
        %dma_wait3A_82 = tpu.memref_slice %arg7[%mul3A_72, %dma_wait3A_81] : memref<160000x128xf32, #tpu.memory_space<hbm>> -> memref<128x128xf32, #tpu.memory_space<hbm>>
        %dma_wait3A_83 = arith.constant 0 : i32
        %dma_wait3A_84 = tpu.memref_slice %arg7[%mul3A_72, %dma_wait3A_83] : memref<160000x128xf32, #tpu.memory_space<hbm>> -> memref<128x128xf32, #tpu.memory_space<hbm>>
        tpu.wait_dma2 semaphore(%run_scoped3A : memref<!tpu.dma_semaphore, #tpu.memory_space<semaphore_mem>>) src(%arg11 : memref<128x128xf32, #tpu.memory_space<vmem>>) dst(%dma_wait3A_84 : memref<128x128xf32, #tpu.memory_space<hbm>>)
        tpu.yield
      }) : () -> ()
    } else {
    }
    return
  }
}

#map = affine_map<(d0, d1) -> (0, 0)>
#map1 = affine_map<(d0, d1) -> (0)>
module attributes {stable_mosaic.version = 14 : i64} {
  func.func @sc_gather2(%arg0: i32, %arg1: i32, %arg2: memref<10000x128xf32, #tpu.memory_space<hbm>>, %arg3: memref<10000x128xf32, #tpu.memory_space<hbm>>, %arg4: memref<320000xi32, #tpu.memory_space<hbm>>, %arg5: memref<320000xi32, #tpu.memory_space<hbm>>, %arg6: memref<160000x128xf32, #tpu.memory_space<hbm>>, %arg7: memref<160000x128xf32, #tpu.memory_space<hbm>>, %arg8: memref<128xi32, #tpu.memory_space<vmem>>, %arg9: memref<128xi32, #tpu.memory_space<vmem>>, %arg10: memref<128x128xf32, #tpu.memory_space<vmem>>, %arg11: memref<128x128xf32, #tpu.memory_space<vmem>>, %arg12: memref<!tpu.dma_semaphore, #tpu.memory_space<semaphore_mem>>, %arg13: memref<!tpu.dma_semaphore, #tpu.memory_space<semaphore_mem>>, %arg14: memref<!tpu.dma_semaphore, #tpu.memory_space<semaphore_mem>>, %arg15: memref<!tpu.dma_semaphore, #tpu.memory_space<semaphore_mem>>, %arg16: memref<!tpu.dma_semaphore, #tpu.memory_space<semaphore_mem>>, %arg17: memref<!tpu.dma_semaphore, #tpu.memory_space<semaphore_mem>>, %arg18: memref<128xi32, #tpu.memory_space<vmem>>, %arg19: memref<128xi32, #tpu.memory_space<vmem>>, %arg20: memref<128x128xf32, #tpu.memory_space<vmem>>, %arg21: memref<128x128xf32, #tpu.memory_space<vmem>>, %arg22: memref<!tpu.dma_semaphore, #tpu.memory_space<semaphore_mem>>, %arg23: memref<!tpu.dma_semaphore, #tpu.memory_space<semaphore_mem>>, %arg24: memref<!tpu.dma_semaphore, #tpu.memory_space<semaphore_mem>>, %arg25: memref<!tpu.dma_semaphore, #tpu.memory_space<semaphore_mem>>, %arg26: memref<!tpu.dma_semaphore, #tpu.memory_space<semaphore_mem>>, %arg27: memref<!tpu.dma_semaphore, #tpu.memory_space<semaphore_mem>>) attributes {dimension_semantics = [#tpu.dimension_semantics<core_parallel>, #tpu.dimension_semantics<subcore_parallel>], iteration_bounds = array<i64: 2, 16>, scalar_prefetch = 0 : i64, scratch_operands = 20 : i64, tpu.core_type = #tpu.core_type<sc_vector_subcore>, window_params = [{transform_indices = #map}, {transform_indices = #map}, {transform_indices = #map1}, {transform_indices = #map1}, {transform_indices = #map}, {transform_indices = #map}]} {
    %mul3A = arith.constant 2 : i32
    %mul3A_0 = arith.muli %arg1, %mul3A : i32
    %add3A = arith.addi %mul3A_0, %arg0 : i32
    %add3A_1 = arith.constant 0 : i32
    %add3A_2 = arith.addi %add3A_1, %add3A : i32
    %mul3A_3 = arith.constant 128 : i32
    %mul3A_4 = arith.muli %add3A_2, %mul3A_3 : i32
    %add3A_5 = arith.constant 0 : i32
    %add3A_6 = arith.addi %add3A_5, %mul3A_4 : i32
    %dma_start3A = tpu.memref_slice %arg4[%add3A_6] : memref<320000xi32, #tpu.memory_space<hbm>> -> memref<128xi32, #tpu.memory_space<hbm>>
    %dma_start3A_7 = tpu.memref_slice %arg4[%add3A_6] : memref<320000xi32, #tpu.memory_space<hbm>> -> memref<128xi32, #tpu.memory_space<hbm>>
    tpu.enqueue_dma source(%dma_start3A_7 : memref<128xi32, #tpu.memory_space<hbm>>) target(%arg8 : memref<128xi32, #tpu.memory_space<vmem>>) target_semaphore(%arg12 : memref<!tpu.dma_semaphore, #tpu.memory_space<semaphore_mem>>)
    %add3A_8 = arith.constant 0 : i32
    %add3A_9 = arith.addi %add3A_8, %add3A : i32
    %mul3A_10 = arith.constant 128 : i32
    %mul3A_11 = arith.muli %add3A_9, %mul3A_10 : i32
    %add3A_12 = arith.constant 0 : i32
    %add3A_13 = arith.addi %add3A_12, %mul3A_11 : i32
    %dma_start3A_14 = tpu.memref_slice %arg5[%add3A_13] : memref<320000xi32, #tpu.memory_space<hbm>> -> memref<128xi32, #tpu.memory_space<hbm>>
    %dma_start3A_15 = tpu.memref_slice %arg5[%add3A_13] : memref<320000xi32, #tpu.memory_space<hbm>> -> memref<128xi32, #tpu.memory_space<hbm>>
    tpu.enqueue_dma source(%dma_start3A_15 : memref<128xi32, #tpu.memory_space<hbm>>) target(%arg9 : memref<128xi32, #tpu.memory_space<vmem>>) target_semaphore(%arg13 : memref<!tpu.dma_semaphore, #tpu.memory_space<semaphore_mem>>)
    %add3A_16 = arith.constant 32 : i32
    %add3A_17 = arith.addi %add3A_16, %add3A : i32
    %mul3A_18 = arith.constant 128 : i32
    %mul3A_19 = arith.muli %add3A_17, %mul3A_18 : i32
    %add3A_20 = arith.constant 0 : i32
    %add3A_21 = arith.addi %add3A_20, %mul3A_19 : i32
    %dma_start3A_22 = tpu.memref_slice %arg4[%add3A_21] : memref<320000xi32, #tpu.memory_space<hbm>> -> memref<128xi32, #tpu.memory_space<hbm>>
    %dma_start3A_23 = tpu.memref_slice %arg4[%add3A_21] : memref<320000xi32, #tpu.memory_space<hbm>> -> memref<128xi32, #tpu.memory_space<hbm>>
    tpu.enqueue_dma source(%dma_start3A_23 : memref<128xi32, #tpu.memory_space<hbm>>) target(%arg18 : memref<128xi32, #tpu.memory_space<vmem>>) target_semaphore(%arg22 : memref<!tpu.dma_semaphore, #tpu.memory_space<semaphore_mem>>)
    %add3A_24 = arith.constant 32 : i32
    %add3A_25 = arith.addi %add3A_24, %add3A : i32
    %mul3A_26 = arith.constant 128 : i32
    %mul3A_27 = arith.muli %add3A_25, %mul3A_26 : i32
    %add3A_28 = arith.constant 0 : i32
    %add3A_29 = arith.addi %add3A_28, %mul3A_27 : i32
    %dma_start3A_30 = tpu.memref_slice %arg5[%add3A_29] : memref<320000xi32, #tpu.memory_space<hbm>> -> memref<128xi32, #tpu.memory_space<hbm>>
    %dma_start3A_31 = tpu.memref_slice %arg5[%add3A_29] : memref<320000xi32, #tpu.memory_space<hbm>> -> memref<128xi32, #tpu.memory_space<hbm>>
    tpu.enqueue_dma source(%dma_start3A_31 : memref<128xi32, #tpu.memory_space<hbm>>) target(%arg19 : memref<128xi32, #tpu.memory_space<vmem>>) target_semaphore(%arg23 : memref<!tpu.dma_semaphore, #tpu.memory_space<semaphore_mem>>)
    %scan3A = arith.constant 0 : i32
    %scan3A_32 = arith.constant 20 : i32
    %scan3A_33 = arith.addi %scan3A, %scan3A_32 : i32
    %scan3A_34 = arith.constant 1 : i32
    scf.for %scan3A_69 = %scan3A to %scan3A_33 step %scan3A_34  : i32 {
      %mul3A_70 = arith.constant 1 : i32
      %mul3A_71 = arith.muli %scan3A_69, %mul3A_70 : i32
      %add3A_72 = arith.constant 0 : i32
      %add3A_73 = arith.addi %add3A_72, %mul3A_71 : i32
      %mul3A_74 = arith.constant 2 : i32
      %mul3A_75 = arith.muli %mul3A_74, %add3A_73 : i32
      %add3A_76 = arith.constant 0 : i32
      %add3A_77 = arith.addi %mul3A_75, %add3A_76 : i32
      %lt3A_78 = arith.constant 39 : i32
      %lt3A_79 = arith.cmpi slt, %add3A_77, %lt3A_78 : i32
      %convert_element_type3A_80 = arith.extui %lt3A_79 : i1 to i32
      %cond3A_81 = arith.constant 0 : i32
      %cond3A_82 = arith.cmpi ne, %convert_element_type3A_80, %cond3A_81 : i32
      scf.if %cond3A_82 {
        %mul3A_92 = arith.constant 32 : i32
        %mul3A_93 = arith.muli %add3A_77, %mul3A_92 : i32
        %add3A_94 = arith.addi %mul3A_93, %add3A : i32
        %mul3A_95 = arith.constant 128 : i32
        %mul3A_96 = arith.muli %add3A_94, %mul3A_95 : i32
        %add3A_97 = arith.constant 0 : i32
        %add3A_98 = arith.addi %add3A_97, %mul3A_96 : i32
        %dma_wait3A_99 = tpu.memref_slice %arg4[%add3A_98] : memref<320000xi32, #tpu.memory_space<hbm>> -> memref<128xi32, #tpu.memory_space<hbm>>
        %dma_wait3A_100 = tpu.memref_slice %arg4[%add3A_98] : memref<320000xi32, #tpu.memory_space<hbm>> -> memref<128xi32, #tpu.memory_space<hbm>>
        tpu.wait_dma2 semaphore(%arg12 : memref<!tpu.dma_semaphore, #tpu.memory_space<semaphore_mem>>) src(%dma_wait3A_100 : memref<128xi32, #tpu.memory_space<hbm>>) dst(%arg8 : memref<128xi32, #tpu.memory_space<vmem>>)
        %mul3A_101 = arith.constant 32 : i32
        %mul3A_102 = arith.muli %add3A_77, %mul3A_101 : i32
        %add3A_103 = arith.addi %mul3A_102, %add3A : i32
        %mul3A_104 = arith.constant 128 : i32
        %mul3A_105 = arith.muli %add3A_103, %mul3A_104 : i32
        %add3A_106 = arith.constant 0 : i32
        %add3A_107 = arith.addi %add3A_106, %mul3A_105 : i32
        %dma_wait3A_108 = tpu.memref_slice %arg5[%add3A_107] : memref<320000xi32, #tpu.memory_space<hbm>> -> memref<128xi32, #tpu.memory_space<hbm>>
        %dma_wait3A_109 = tpu.memref_slice %arg5[%add3A_107] : memref<320000xi32, #tpu.memory_space<hbm>> -> memref<128xi32, #tpu.memory_space<hbm>>
        tpu.wait_dma2 semaphore(%arg13 : memref<!tpu.dma_semaphore, #tpu.memory_space<semaphore_mem>>) src(%dma_wait3A_109 : memref<128xi32, #tpu.memory_space<hbm>>) dst(%arg9 : memref<128xi32, #tpu.memory_space<vmem>>)
        %ge3A = arith.constant 2 : i32
        %ge3A_110 = arith.cmpi sge, %add3A_77, %ge3A : i32
        %convert_element_type3A_111 = arith.extui %ge3A_110 : i1 to i32
        %cond3A_112 = arith.constant 0 : i32
        %cond3A_113 = arith.cmpi ne, %convert_element_type3A_111, %cond3A_112 : i32
        scf.if %cond3A_113 {
          %sub3A = arith.constant 2 : i32
          %sub3A_151 = arith.subi %add3A_77, %sub3A : i32
          %mul3A_152 = arith.constant 32 : i32
          %mul3A_153 = arith.muli %sub3A_151, %mul3A_152 : i32
          %add3A_154 = arith.addi %mul3A_153, %add3A : i32
          %mul3A_155 = arith.constant 128 : i32
          %mul3A_156 = arith.muli %add3A_154, %mul3A_155 : i32
          %dma_wait3A_157 = arith.constant 0 : i32
          %dma_wait3A_158 = tpu.memref_slice %arg6[%mul3A_156, %dma_wait3A_157] : memref<160000x128xf32, #tpu.memory_space<hbm>> -> memref<128x128xf32, #tpu.memory_space<hbm>>
          %dma_wait3A_159 = arith.constant 0 : i32
          %dma_wait3A_160 = tpu.memref_slice %arg6[%mul3A_156, %dma_wait3A_159] : memref<160000x128xf32, #tpu.memory_space<hbm>> -> memref<128x128xf32, #tpu.memory_space<hbm>>
          tpu.wait_dma2 semaphore(%arg16 : memref<!tpu.dma_semaphore, #tpu.memory_space<semaphore_mem>>) src(%arg10 : memref<128x128xf32, #tpu.memory_space<vmem>>) dst(%dma_wait3A_160 : memref<128x128xf32, #tpu.memory_space<hbm>>)
          %mul3A_161 = arith.constant 32 : i32
          %mul3A_162 = arith.muli %sub3A_151, %mul3A_161 : i32
          %add3A_163 = arith.addi %mul3A_162, %add3A : i32
          %mul3A_164 = arith.constant 128 : i32
          %mul3A_165 = arith.muli %add3A_163, %mul3A_164 : i32
          %dma_wait3A_166 = arith.constant 0 : i32
          %dma_wait3A_167 = tpu.memref_slice %arg7[%mul3A_165, %dma_wait3A_166] : memref<160000x128xf32, #tpu.memory_space<hbm>> -> memref<128x128xf32, #tpu.memory_space<hbm>>
          %dma_wait3A_168 = arith.constant 0 : i32
          %dma_wait3A_169 = tpu.memref_slice %arg7[%mul3A_165, %dma_wait3A_168] : memref<160000x128xf32, #tpu.memory_space<hbm>> -> memref<128x128xf32, #tpu.memory_space<hbm>>
          tpu.wait_dma2 semaphore(%arg17 : memref<!tpu.dma_semaphore, #tpu.memory_space<semaphore_mem>>) src(%arg11 : memref<128x128xf32, #tpu.memory_space<vmem>>) dst(%dma_wait3A_169 : memref<128x128xf32, #tpu.memory_space<hbm>>)
        } else {
        }
        %dma_start3A_114 = arith.constant 0 : i32
        %dma_start3A_115 = arith.constant 0 : i32
        %dma_start3A_116 = tpu.memref_slice %arg2[%dma_start3A_114, %dma_start3A_115] : memref<10000x128xf32, #tpu.memory_space<hbm>> -> memref<10000x128xf32, #tpu.memory_space<hbm>>
        tpu.enqueue_indirect_dma source(%dma_start3A_116 : memref<10000x128xf32, #tpu.memory_space<hbm>>) target(%arg10 : memref<128x128xf32, #tpu.memory_space<vmem>>) offsets(%arg8 : memref<128xi32, #tpu.memory_space<vmem>>) semaphore(%arg14 : memref<!tpu.dma_semaphore, #tpu.memory_space<semaphore_mem>>)
        %dma_start3A_117 = arith.constant 0 : i32
        %dma_start3A_118 = arith.constant 0 : i32
        %dma_start3A_119 = tpu.memref_slice %arg3[%dma_start3A_117, %dma_start3A_118] : memref<10000x128xf32, #tpu.memory_space<hbm>> -> memref<10000x128xf32, #tpu.memory_space<hbm>>
        tpu.enqueue_indirect_dma source(%dma_start3A_119 : memref<10000x128xf32, #tpu.memory_space<hbm>>) target(%arg11 : memref<128x128xf32, #tpu.memory_space<vmem>>) offsets(%arg9 : memref<128xi32, #tpu.memory_space<vmem>>) semaphore(%arg15 : memref<!tpu.dma_semaphore, #tpu.memory_space<semaphore_mem>>)
        %dma_wait3A_120 = arith.constant 0 : i32
        %dma_wait3A_121 = arith.constant 0 : i32
        %dma_wait3A_122 = tpu.memref_slice %arg2[%dma_wait3A_120, %dma_wait3A_121] : memref<10000x128xf32, #tpu.memory_space<hbm>> -> memref<10000x128xf32, #tpu.memory_space<hbm>>
        tpu.wait_indirect_dma semaphore(%arg14 : memref<!tpu.dma_semaphore, #tpu.memory_space<semaphore_mem>>) src(%dma_wait3A_122 : memref<10000x128xf32, #tpu.memory_space<hbm>>) dst(%arg10 : memref<128x128xf32, #tpu.memory_space<vmem>>)
        %dma_wait3A_123 = arith.constant 0 : i32
        %dma_wait3A_124 = arith.constant 0 : i32
        %dma_wait3A_125 = tpu.memref_slice %arg3[%dma_wait3A_123, %dma_wait3A_124] : memref<10000x128xf32, #tpu.memory_space<hbm>> -> memref<10000x128xf32, #tpu.memory_space<hbm>>
        tpu.wait_indirect_dma semaphore(%arg15 : memref<!tpu.dma_semaphore, #tpu.memory_space<semaphore_mem>>) src(%dma_wait3A_125 : memref<10000x128xf32, #tpu.memory_space<hbm>>) dst(%arg11 : memref<128x128xf32, #tpu.memory_space<vmem>>)
        %mul3A_126 = arith.constant 32 : i32
        %mul3A_127 = arith.muli %add3A_77, %mul3A_126 : i32
        %add3A_128 = arith.addi %mul3A_127, %add3A : i32
        %mul3A_129 = arith.constant 128 : i32
        %mul3A_130 = arith.muli %add3A_128, %mul3A_129 : i32
        %dma_start3A_131 = arith.constant 0 : i32
        %dma_start3A_132 = tpu.memref_slice %arg6[%mul3A_130, %dma_start3A_131] : memref<160000x128xf32, #tpu.memory_space<hbm>> -> memref<128x128xf32, #tpu.memory_space<hbm>>
        %dma_start3A_133 = arith.constant 0 : i32
        %dma_start3A_134 = tpu.memref_slice %arg6[%mul3A_130, %dma_start3A_133] : memref<160000x128xf32, #tpu.memory_space<hbm>> -> memref<128x128xf32, #tpu.memory_space<hbm>>
        tpu.enqueue_dma source(%arg10 : memref<128x128xf32, #tpu.memory_space<vmem>>) target(%dma_start3A_134 : memref<128x128xf32, #tpu.memory_space<hbm>>) target_semaphore(%arg16 : memref<!tpu.dma_semaphore, #tpu.memory_space<semaphore_mem>>)
        %mul3A_135 = arith.constant 32 : i32
        %mul3A_136 = arith.muli %add3A_77, %mul3A_135 : i32
        %add3A_137 = arith.addi %mul3A_136, %add3A : i32
        %mul3A_138 = arith.constant 128 : i32
        %mul3A_139 = arith.muli %add3A_137, %mul3A_138 : i32
        %dma_start3A_140 = arith.constant 0 : i32
        %dma_start3A_141 = tpu.memref_slice %arg7[%mul3A_139, %dma_start3A_140] : memref<160000x128xf32, #tpu.memory_space<hbm>> -> memref<128x128xf32, #tpu.memory_space<hbm>>
        %dma_start3A_142 = arith.constant 0 : i32
        %dma_start3A_143 = tpu.memref_slice %arg7[%mul3A_139, %dma_start3A_142] : memref<160000x128xf32, #tpu.memory_space<hbm>> -> memref<128x128xf32, #tpu.memory_space<hbm>>
        tpu.enqueue_dma source(%arg11 : memref<128x128xf32, #tpu.memory_space<vmem>>) target(%dma_start3A_143 : memref<128x128xf32, #tpu.memory_space<hbm>>) target_semaphore(%arg17 : memref<!tpu.dma_semaphore, #tpu.memory_space<semaphore_mem>>)
        %add3A_144 = arith.constant 2 : i32
        %add3A_145 = arith.addi %add3A_77, %add3A_144 : i32
        %lt3A_146 = arith.constant 39 : i32
        %lt3A_147 = arith.cmpi slt, %add3A_145, %lt3A_146 : i32
        %convert_element_type3A_148 = arith.extui %lt3A_147 : i1 to i32
        %cond3A_149 = arith.constant 0 : i32
        %cond3A_150 = arith.cmpi ne, %convert_element_type3A_148, %cond3A_149 : i32
        scf.if %cond3A_150 {
          %add3A_151 = arith.constant 2 : i32
          %add3A_152 = arith.addi %add3A_77, %add3A_151 : i32
          %mul3A_153 = arith.constant 32 : i32
          %mul3A_154 = arith.muli %add3A_152, %mul3A_153 : i32
          %add3A_155 = arith.addi %mul3A_154, %add3A : i32
          %mul3A_156 = arith.constant 128 : i32
          %mul3A_157 = arith.muli %add3A_155, %mul3A_156 : i32
          %add3A_158 = arith.constant 0 : i32
          %add3A_159 = arith.addi %add3A_158, %mul3A_157 : i32
          %dma_start3A_160 = tpu.memref_slice %arg4[%add3A_159] : memref<320000xi32, #tpu.memory_space<hbm>> -> memref<128xi32, #tpu.memory_space<hbm>>
          %dma_start3A_161 = tpu.memref_slice %arg4[%add3A_159] : memref<320000xi32, #tpu.memory_space<hbm>> -> memref<128xi32, #tpu.memory_space<hbm>>
          tpu.enqueue_dma source(%dma_start3A_161 : memref<128xi32, #tpu.memory_space<hbm>>) target(%arg8 : memref<128xi32, #tpu.memory_space<vmem>>) target_semaphore(%arg12 : memref<!tpu.dma_semaphore, #tpu.memory_space<semaphore_mem>>)
          %mul3A_162 = arith.constant 32 : i32
          %mul3A_163 = arith.muli %add3A_152, %mul3A_162 : i32
          %add3A_164 = arith.addi %mul3A_163, %add3A : i32
          %mul3A_165 = arith.constant 128 : i32
          %mul3A_166 = arith.muli %add3A_164, %mul3A_165 : i32
          %add3A_167 = arith.constant 0 : i32
          %add3A_168 = arith.addi %add3A_167, %mul3A_166 : i32
          %dma_start3A_169 = tpu.memref_slice %arg5[%add3A_168] : memref<320000xi32, #tpu.memory_space<hbm>> -> memref<128xi32, #tpu.memory_space<hbm>>
          %dma_start3A_170 = tpu.memref_slice %arg5[%add3A_168] : memref<320000xi32, #tpu.memory_space<hbm>> -> memref<128xi32, #tpu.memory_space<hbm>>
          tpu.enqueue_dma source(%dma_start3A_170 : memref<128xi32, #tpu.memory_space<hbm>>) target(%arg9 : memref<128xi32, #tpu.memory_space<vmem>>) target_semaphore(%arg13 : memref<!tpu.dma_semaphore, #tpu.memory_space<semaphore_mem>>)
        } else {
        }
      } else {
      }
      %mul3A_83 = arith.constant 2 : i32
      %mul3A_84 = arith.muli %mul3A_83, %add3A_73 : i32
      %add3A_85 = arith.constant 1 : i32
      %add3A_86 = arith.addi %mul3A_84, %add3A_85 : i32
      %lt3A_87 = arith.constant 39 : i32
      %lt3A_88 = arith.cmpi slt, %add3A_86, %lt3A_87 : i32
      %convert_element_type3A_89 = arith.extui %lt3A_88 : i1 to i32
      %cond3A_90 = arith.constant 0 : i32
      %cond3A_91 = arith.cmpi ne, %convert_element_type3A_89, %cond3A_90 : i32
      scf.if %cond3A_91 {
        %mul3A_92 = arith.constant 32 : i32
        %mul3A_93 = arith.muli %add3A_86, %mul3A_92 : i32
        %add3A_94 = arith.addi %mul3A_93, %add3A : i32
        %mul3A_95 = arith.constant 128 : i32
        %mul3A_96 = arith.muli %add3A_94, %mul3A_95 : i32
        %add3A_97 = arith.constant 0 : i32
        %add3A_98 = arith.addi %add3A_97, %mul3A_96 : i32
        %dma_wait3A_99 = tpu.memref_slice %arg4[%add3A_98] : memref<320000xi32, #tpu.memory_space<hbm>> -> memref<128xi32, #tpu.memory_space<hbm>>
        %dma_wait3A_100 = tpu.memref_slice %arg4[%add3A_98] : memref<320000xi32, #tpu.memory_space<hbm>> -> memref<128xi32, #tpu.memory_space<hbm>>
        tpu.wait_dma2 semaphore(%arg22 : memref<!tpu.dma_semaphore, #tpu.memory_space<semaphore_mem>>) src(%dma_wait3A_100 : memref<128xi32, #tpu.memory_space<hbm>>) dst(%arg18 : memref<128xi32, #tpu.memory_space<vmem>>)
        %mul3A_101 = arith.constant 32 : i32
        %mul3A_102 = arith.muli %add3A_86, %mul3A_101 : i32
        %add3A_103 = arith.addi %mul3A_102, %add3A : i32
        %mul3A_104 = arith.constant 128 : i32
        %mul3A_105 = arith.muli %add3A_103, %mul3A_104 : i32
        %add3A_106 = arith.constant 0 : i32
        %add3A_107 = arith.addi %add3A_106, %mul3A_105 : i32
        %dma_wait3A_108 = tpu.memref_slice %arg5[%add3A_107] : memref<320000xi32, #tpu.memory_space<hbm>> -> memref<128xi32, #tpu.memory_space<hbm>>
        %dma_wait3A_109 = tpu.memref_slice %arg5[%add3A_107] : memref<320000xi32, #tpu.memory_space<hbm>> -> memref<128xi32, #tpu.memory_space<hbm>>
        tpu.wait_dma2 semaphore(%arg23 : memref<!tpu.dma_semaphore, #tpu.memory_space<semaphore_mem>>) src(%dma_wait3A_109 : memref<128xi32, #tpu.memory_space<hbm>>) dst(%arg19 : memref<128xi32, #tpu.memory_space<vmem>>)
        %ge3A = arith.constant 2 : i32
        %ge3A_110 = arith.cmpi sge, %add3A_86, %ge3A : i32
        %convert_element_type3A_111 = arith.extui %ge3A_110 : i1 to i32
        %cond3A_112 = arith.constant 0 : i32
        %cond3A_113 = arith.cmpi ne, %convert_element_type3A_111, %cond3A_112 : i32
        scf.if %cond3A_113 {
          %sub3A = arith.constant 2 : i32
          %sub3A_151 = arith.subi %add3A_86, %sub3A : i32
          %mul3A_152 = arith.constant 32 : i32
          %mul3A_153 = arith.muli %sub3A_151, %mul3A_152 : i32
          %add3A_154 = arith.addi %mul3A_153, %add3A : i32
          %mul3A_155 = arith.constant 128 : i32
          %mul3A_156 = arith.muli %add3A_154, %mul3A_155 : i32
          %dma_wait3A_157 = arith.constant 0 : i32
          %dma_wait3A_158 = tpu.memref_slice %arg6[%mul3A_156, %dma_wait3A_157] : memref<160000x128xf32, #tpu.memory_space<hbm>> -> memref<128x128xf32, #tpu.memory_space<hbm>>
          %dma_wait3A_159 = arith.constant 0 : i32
          %dma_wait3A_160 = tpu.memref_slice %arg6[%mul3A_156, %dma_wait3A_159] : memref<160000x128xf32, #tpu.memory_space<hbm>> -> memref<128x128xf32, #tpu.memory_space<hbm>>
          tpu.wait_dma2 semaphore(%arg26 : memref<!tpu.dma_semaphore, #tpu.memory_space<semaphore_mem>>) src(%arg20 : memref<128x128xf32, #tpu.memory_space<vmem>>) dst(%dma_wait3A_160 : memref<128x128xf32, #tpu.memory_space<hbm>>)
          %mul3A_161 = arith.constant 32 : i32
          %mul3A_162 = arith.muli %sub3A_151, %mul3A_161 : i32
          %add3A_163 = arith.addi %mul3A_162, %add3A : i32
          %mul3A_164 = arith.constant 128 : i32
          %mul3A_165 = arith.muli %add3A_163, %mul3A_164 : i32
          %dma_wait3A_166 = arith.constant 0 : i32
          %dma_wait3A_167 = tpu.memref_slice %arg7[%mul3A_165, %dma_wait3A_166] : memref<160000x128xf32, #tpu.memory_space<hbm>> -> memref<128x128xf32, #tpu.memory_space<hbm>>
          %dma_wait3A_168 = arith.constant 0 : i32
          %dma_wait3A_169 = tpu.memref_slice %arg7[%mul3A_165, %dma_wait3A_168] : memref<160000x128xf32, #tpu.memory_space<hbm>> -> memref<128x128xf32, #tpu.memory_space<hbm>>
          tpu.wait_dma2 semaphore(%arg27 : memref<!tpu.dma_semaphore, #tpu.memory_space<semaphore_mem>>) src(%arg21 : memref<128x128xf32, #tpu.memory_space<vmem>>) dst(%dma_wait3A_169 : memref<128x128xf32, #tpu.memory_space<hbm>>)
        } else {
        }
        %dma_start3A_114 = arith.constant 0 : i32
        %dma_start3A_115 = arith.constant 0 : i32
        %dma_start3A_116 = tpu.memref_slice %arg2[%dma_start3A_114, %dma_start3A_115] : memref<10000x128xf32, #tpu.memory_space<hbm>> -> memref<10000x128xf32, #tpu.memory_space<hbm>>
        tpu.enqueue_indirect_dma source(%dma_start3A_116 : memref<10000x128xf32, #tpu.memory_space<hbm>>) target(%arg20 : memref<128x128xf32, #tpu.memory_space<vmem>>) offsets(%arg18 : memref<128xi32, #tpu.memory_space<vmem>>) semaphore(%arg24 : memref<!tpu.dma_semaphore, #tpu.memory_space<semaphore_mem>>)
        %dma_start3A_117 = arith.constant 0 : i32
        %dma_start3A_118 = arith.constant 0 : i32
        %dma_start3A_119 = tpu.memref_slice %arg3[%dma_start3A_117, %dma_start3A_118] : memref<10000x128xf32, #tpu.memory_space<hbm>> -> memref<10000x128xf32, #tpu.memory_space<hbm>>
        tpu.enqueue_indirect_dma source(%dma_start3A_119 : memref<10000x128xf32, #tpu.memory_space<hbm>>) target(%arg21 : memref<128x128xf32, #tpu.memory_space<vmem>>) offsets(%arg19 : memref<128xi32, #tpu.memory_space<vmem>>) semaphore(%arg25 : memref<!tpu.dma_semaphore, #tpu.memory_space<semaphore_mem>>)
        %dma_wait3A_120 = arith.constant 0 : i32
        %dma_wait3A_121 = arith.constant 0 : i32
        %dma_wait3A_122 = tpu.memref_slice %arg2[%dma_wait3A_120, %dma_wait3A_121] : memref<10000x128xf32, #tpu.memory_space<hbm>> -> memref<10000x128xf32, #tpu.memory_space<hbm>>
        tpu.wait_indirect_dma semaphore(%arg24 : memref<!tpu.dma_semaphore, #tpu.memory_space<semaphore_mem>>) src(%dma_wait3A_122 : memref<10000x128xf32, #tpu.memory_space<hbm>>) dst(%arg20 : memref<128x128xf32, #tpu.memory_space<vmem>>)
        %dma_wait3A_123 = arith.constant 0 : i32
        %dma_wait3A_124 = arith.constant 0 : i32
        %dma_wait3A_125 = tpu.memref_slice %arg3[%dma_wait3A_123, %dma_wait3A_124] : memref<10000x128xf32, #tpu.memory_space<hbm>> -> memref<10000x128xf32, #tpu.memory_space<hbm>>
        tpu.wait_indirect_dma semaphore(%arg25 : memref<!tpu.dma_semaphore, #tpu.memory_space<semaphore_mem>>) src(%dma_wait3A_125 : memref<10000x128xf32, #tpu.memory_space<hbm>>) dst(%arg21 : memref<128x128xf32, #tpu.memory_space<vmem>>)
        %mul3A_126 = arith.constant 32 : i32
        %mul3A_127 = arith.muli %add3A_86, %mul3A_126 : i32
        %add3A_128 = arith.addi %mul3A_127, %add3A : i32
        %mul3A_129 = arith.constant 128 : i32
        %mul3A_130 = arith.muli %add3A_128, %mul3A_129 : i32
        %dma_start3A_131 = arith.constant 0 : i32
        %dma_start3A_132 = tpu.memref_slice %arg6[%mul3A_130, %dma_start3A_131] : memref<160000x128xf32, #tpu.memory_space<hbm>> -> memref<128x128xf32, #tpu.memory_space<hbm>>
        %dma_start3A_133 = arith.constant 0 : i32
        %dma_start3A_134 = tpu.memref_slice %arg6[%mul3A_130, %dma_start3A_133] : memref<160000x128xf32, #tpu.memory_space<hbm>> -> memref<128x128xf32, #tpu.memory_space<hbm>>
        tpu.enqueue_dma source(%arg20 : memref<128x128xf32, #tpu.memory_space<vmem>>) target(%dma_start3A_134 : memref<128x128xf32, #tpu.memory_space<hbm>>) target_semaphore(%arg26 : memref<!tpu.dma_semaphore, #tpu.memory_space<semaphore_mem>>)
        %mul3A_135 = arith.constant 32 : i32
        %mul3A_136 = arith.muli %add3A_86, %mul3A_135 : i32
        %add3A_137 = arith.addi %mul3A_136, %add3A : i32
        %mul3A_138 = arith.constant 128 : i32
        %mul3A_139 = arith.muli %add3A_137, %mul3A_138 : i32
        %dma_start3A_140 = arith.constant 0 : i32
        %dma_start3A_141 = tpu.memref_slice %arg7[%mul3A_139, %dma_start3A_140] : memref<160000x128xf32, #tpu.memory_space<hbm>> -> memref<128x128xf32, #tpu.memory_space<hbm>>
        %dma_start3A_142 = arith.constant 0 : i32
        %dma_start3A_143 = tpu.memref_slice %arg7[%mul3A_139, %dma_start3A_142] : memref<160000x128xf32, #tpu.memory_space<hbm>> -> memref<128x128xf32, #tpu.memory_space<hbm>>
        tpu.enqueue_dma source(%arg21 : memref<128x128xf32, #tpu.memory_space<vmem>>) target(%dma_start3A_143 : memref<128x128xf32, #tpu.memory_space<hbm>>) target_semaphore(%arg27 : memref<!tpu.dma_semaphore, #tpu.memory_space<semaphore_mem>>)
        %add3A_144 = arith.constant 2 : i32
        %add3A_145 = arith.addi %add3A_86, %add3A_144 : i32
        %lt3A_146 = arith.constant 39 : i32
        %lt3A_147 = arith.cmpi slt, %add3A_145, %lt3A_146 : i32
        %convert_element_type3A_148 = arith.extui %lt3A_147 : i1 to i32
        %cond3A_149 = arith.constant 0 : i32
        %cond3A_150 = arith.cmpi ne, %convert_element_type3A_148, %cond3A_149 : i32
        scf.if %cond3A_150 {
          %add3A_151 = arith.constant 2 : i32
          %add3A_152 = arith.addi %add3A_86, %add3A_151 : i32
          %mul3A_153 = arith.constant 32 : i32
          %mul3A_154 = arith.muli %add3A_152, %mul3A_153 : i32
          %add3A_155 = arith.addi %mul3A_154, %add3A : i32
          %mul3A_156 = arith.constant 128 : i32
          %mul3A_157 = arith.muli %add3A_155, %mul3A_156 : i32
          %add3A_158 = arith.constant 0 : i32
          %add3A_159 = arith.addi %add3A_158, %mul3A_157 : i32
          %dma_start3A_160 = tpu.memref_slice %arg4[%add3A_159] : memref<320000xi32, #tpu.memory_space<hbm>> -> memref<128xi32, #tpu.memory_space<hbm>>
          %dma_start3A_161 = tpu.memref_slice %arg4[%add3A_159] : memref<320000xi32, #tpu.memory_space<hbm>> -> memref<128xi32, #tpu.memory_space<hbm>>
          tpu.enqueue_dma source(%dma_start3A_161 : memref<128xi32, #tpu.memory_space<hbm>>) target(%arg18 : memref<128xi32, #tpu.memory_space<vmem>>) target_semaphore(%arg22 : memref<!tpu.dma_semaphore, #tpu.memory_space<semaphore_mem>>)
          %mul3A_162 = arith.constant 32 : i32
          %mul3A_163 = arith.muli %add3A_152, %mul3A_162 : i32
          %add3A_164 = arith.addi %mul3A_163, %add3A : i32
          %mul3A_165 = arith.constant 128 : i32
          %mul3A_166 = arith.muli %add3A_164, %mul3A_165 : i32
          %add3A_167 = arith.constant 0 : i32
          %add3A_168 = arith.addi %add3A_167, %mul3A_166 : i32
          %dma_start3A_169 = tpu.memref_slice %arg5[%add3A_168] : memref<320000xi32, #tpu.memory_space<hbm>> -> memref<128xi32, #tpu.memory_space<hbm>>
          %dma_start3A_170 = tpu.memref_slice %arg5[%add3A_168] : memref<320000xi32, #tpu.memory_space<hbm>> -> memref<128xi32, #tpu.memory_space<hbm>>
          tpu.enqueue_dma source(%dma_start3A_170 : memref<128xi32, #tpu.memory_space<hbm>>) target(%arg19 : memref<128xi32, #tpu.memory_space<vmem>>) target_semaphore(%arg23 : memref<!tpu.dma_semaphore, #tpu.memory_space<semaphore_mem>>)
        } else {
        }
      } else {
      }
    }
    %scan3A_35 = arith.constant 20 : i32
    %add3A_36 = arith.constant 1184 : i32
    %add3A_37 = arith.addi %add3A_36, %add3A : i32
    %mul3A_38 = arith.constant 128 : i32
    %mul3A_39 = arith.muli %add3A_37, %mul3A_38 : i32
    %dma_wait3A = arith.constant 0 : i32
    %dma_wait3A_40 = tpu.memref_slice %arg6[%mul3A_39, %dma_wait3A] : memref<160000x128xf32, #tpu.memory_space<hbm>> -> memref<128x128xf32, #tpu.memory_space<hbm>>
    %dma_wait3A_41 = arith.constant 0 : i32
    %dma_wait3A_42 = tpu.memref_slice %arg6[%mul3A_39, %dma_wait3A_41] : memref<160000x128xf32, #tpu.memory_space<hbm>> -> memref<128x128xf32, #tpu.memory_space<hbm>>
    tpu.wait_dma2 semaphore(%arg26 : memref<!tpu.dma_semaphore, #tpu.memory_space<semaphore_mem>>) src(%arg20 : memref<128x128xf32, #tpu.memory_space<vmem>>) dst(%dma_wait3A_42 : memref<128x128xf32, #tpu.memory_space<hbm>>)
    %add3A_43 = arith.constant 1184 : i32
    %add3A_44 = arith.addi %add3A_43, %add3A : i32
    %mul3A_45 = arith.constant 128 : i32
    %mul3A_46 = arith.muli %add3A_44, %mul3A_45 : i32
    %dma_wait3A_47 = arith.constant 0 : i32
    %dma_wait3A_48 = tpu.memref_slice %arg7[%mul3A_46, %dma_wait3A_47] : memref<160000x128xf32, #tpu.memory_space<hbm>> -> memref<128x128xf32, #tpu.memory_space<hbm>>
    %dma_wait3A_49 = arith.constant 0 : i32
    %dma_wait3A_50 = tpu.memref_slice %arg7[%mul3A_46, %dma_wait3A_49] : memref<160000x128xf32, #tpu.memory_space<hbm>> -> memref<128x128xf32, #tpu.memory_space<hbm>>
    tpu.wait_dma2 semaphore(%arg27 : memref<!tpu.dma_semaphore, #tpu.memory_space<semaphore_mem>>) src(%arg21 : memref<128x128xf32, #tpu.memory_space<vmem>>) dst(%dma_wait3A_50 : memref<128x128xf32, #tpu.memory_space<hbm>>)
    %add3A_51 = arith.constant 1216 : i32
    %add3A_52 = arith.addi %add3A_51, %add3A : i32
    %mul3A_53 = arith.constant 128 : i32
    %mul3A_54 = arith.muli %add3A_52, %mul3A_53 : i32
    %dma_wait3A_55 = arith.constant 0 : i32
    %dma_wait3A_56 = tpu.memref_slice %arg6[%mul3A_54, %dma_wait3A_55] : memref<160000x128xf32, #tpu.memory_space<hbm>> -> memref<128x128xf32, #tpu.memory_space<hbm>>
    %dma_wait3A_57 = arith.constant 0 : i32
    %dma_wait3A_58 = tpu.memref_slice %arg6[%mul3A_54, %dma_wait3A_57] : memref<160000x128xf32, #tpu.memory_space<hbm>> -> memref<128x128xf32, #tpu.memory_space<hbm>>
    tpu.wait_dma2 semaphore(%arg16 : memref<!tpu.dma_semaphore, #tpu.memory_space<semaphore_mem>>) src(%arg10 : memref<128x128xf32, #tpu.memory_space<vmem>>) dst(%dma_wait3A_58 : memref<128x128xf32, #tpu.memory_space<hbm>>)
    %add3A_59 = arith.constant 1216 : i32
    %add3A_60 = arith.addi %add3A_59, %add3A : i32
    %mul3A_61 = arith.constant 128 : i32
    %mul3A_62 = arith.muli %add3A_60, %mul3A_61 : i32
    %dma_wait3A_63 = arith.constant 0 : i32
    %dma_wait3A_64 = tpu.memref_slice %arg7[%mul3A_62, %dma_wait3A_63] : memref<160000x128xf32, #tpu.memory_space<hbm>> -> memref<128x128xf32, #tpu.memory_space<hbm>>
    %dma_wait3A_65 = arith.constant 0 : i32
    %dma_wait3A_66 = tpu.memref_slice %arg7[%mul3A_62, %dma_wait3A_65] : memref<160000x128xf32, #tpu.memory_space<hbm>> -> memref<128x128xf32, #tpu.memory_space<hbm>>
    tpu.wait_dma2 semaphore(%arg17 : memref<!tpu.dma_semaphore, #tpu.memory_space<semaphore_mem>>) src(%arg11 : memref<128x128xf32, #tpu.memory_space<vmem>>) dst(%dma_wait3A_66 : memref<128x128xf32, #tpu.memory_space<hbm>>)
    %lt3A = arith.constant 2 : i32
    %lt3A_67 = arith.cmpi slt, %add3A, %lt3A : i32
    %convert_element_type3A = arith.extui %lt3A_67 : i1 to i32
    %cond3A = arith.constant 0 : i32
    %cond3A_68 = arith.cmpi ne, %convert_element_type3A, %cond3A : i32
    scf.if %cond3A_68 {
      %add3A_69 = arith.constant 1248 : i32
      %add3A_70 = arith.addi %add3A_69, %add3A : i32
      %mul3A_71 = arith.constant 128 : i32
      %mul3A_72 = arith.muli %add3A_70, %mul3A_71 : i32
      %add3A_73 = arith.constant 0 : i32
      %add3A_74 = arith.addi %add3A_73, %mul3A_72 : i32
      "tpu.region"() ({
        %run_scoped3A = tpu.sem_alloc : memref<!tpu.dma_semaphore, #tpu.memory_space<semaphore_mem>>
        %dma_start3A_77 = tpu.memref_slice %arg4[%add3A_74] : memref<320000xi32, #tpu.memory_space<hbm>> -> memref<128xi32, #tpu.memory_space<hbm>>
        %dma_start3A_78 = tpu.memref_slice %arg4[%add3A_74] : memref<320000xi32, #tpu.memory_space<hbm>> -> memref<128xi32, #tpu.memory_space<hbm>>
        tpu.enqueue_dma source(%dma_start3A_78 : memref<128xi32, #tpu.memory_space<hbm>>) target(%arg8 : memref<128xi32, #tpu.memory_space<vmem>>) target_semaphore(%run_scoped3A : memref<!tpu.dma_semaphore, #tpu.memory_space<semaphore_mem>>)
        %dma_wait3A_79 = tpu.memref_slice %arg4[%add3A_74] : memref<320000xi32, #tpu.memory_space<hbm>> -> memref<128xi32, #tpu.memory_space<hbm>>
        %dma_wait3A_80 = tpu.memref_slice %arg4[%add3A_74] : memref<320000xi32, #tpu.memory_space<hbm>> -> memref<128xi32, #tpu.memory_space<hbm>>
        tpu.wait_dma2 semaphore(%run_scoped3A : memref<!tpu.dma_semaphore, #tpu.memory_space<semaphore_mem>>) src(%dma_wait3A_80 : memref<128xi32, #tpu.memory_space<hbm>>) dst(%arg8 : memref<128xi32, #tpu.memory_space<vmem>>)
        tpu.yield
      }) : () -> ()
      %add3A_75 = arith.constant 0 : i32
      %add3A_76 = arith.addi %add3A_75, %mul3A_72 : i32
      "tpu.region"() ({
        %run_scoped3A = tpu.sem_alloc : memref<!tpu.dma_semaphore, #tpu.memory_space<semaphore_mem>>
        %dma_start3A_77 = tpu.memref_slice %arg5[%add3A_76] : memref<320000xi32, #tpu.memory_space<hbm>> -> memref<128xi32, #tpu.memory_space<hbm>>
        %dma_start3A_78 = tpu.memref_slice %arg5[%add3A_76] : memref<320000xi32, #tpu.memory_space<hbm>> -> memref<128xi32, #tpu.memory_space<hbm>>
        tpu.enqueue_dma source(%dma_start3A_78 : memref<128xi32, #tpu.memory_space<hbm>>) target(%arg9 : memref<128xi32, #tpu.memory_space<vmem>>) target_semaphore(%run_scoped3A : memref<!tpu.dma_semaphore, #tpu.memory_space<semaphore_mem>>)
        %dma_wait3A_79 = tpu.memref_slice %arg5[%add3A_76] : memref<320000xi32, #tpu.memory_space<hbm>> -> memref<128xi32, #tpu.memory_space<hbm>>
        %dma_wait3A_80 = tpu.memref_slice %arg5[%add3A_76] : memref<320000xi32, #tpu.memory_space<hbm>> -> memref<128xi32, #tpu.memory_space<hbm>>
        tpu.wait_dma2 semaphore(%run_scoped3A : memref<!tpu.dma_semaphore, #tpu.memory_space<semaphore_mem>>) src(%dma_wait3A_80 : memref<128xi32, #tpu.memory_space<hbm>>) dst(%arg9 : memref<128xi32, #tpu.memory_space<vmem>>)
        tpu.yield
      }) : () -> ()
      "tpu.region"() ({
        %run_scoped3A = tpu.sem_alloc : memref<!tpu.dma_semaphore, #tpu.memory_space<semaphore_mem>>
        %dma_start3A_77 = arith.constant 0 : i32
        %dma_start3A_78 = arith.constant 0 : i32
        %dma_start3A_79 = tpu.memref_slice %arg2[%dma_start3A_77, %dma_start3A_78] : memref<10000x128xf32, #tpu.memory_space<hbm>> -> memref<10000x128xf32, #tpu.memory_space<hbm>>
        tpu.enqueue_indirect_dma source(%dma_start3A_79 : memref<10000x128xf32, #tpu.memory_space<hbm>>) target(%arg10 : memref<128x128xf32, #tpu.memory_space<vmem>>) offsets(%arg8 : memref<128xi32, #tpu.memory_space<vmem>>) semaphore(%run_scoped3A : memref<!tpu.dma_semaphore, #tpu.memory_space<semaphore_mem>>)
        %dma_wait3A_80 = arith.constant 0 : i32
        %dma_wait3A_81 = arith.constant 0 : i32
        %dma_wait3A_82 = tpu.memref_slice %arg2[%dma_wait3A_80, %dma_wait3A_81] : memref<10000x128xf32, #tpu.memory_space<hbm>> -> memref<10000x128xf32, #tpu.memory_space<hbm>>
        tpu.wait_indirect_dma semaphore(%run_scoped3A : memref<!tpu.dma_semaphore, #tpu.memory_space<semaphore_mem>>) src(%dma_wait3A_82 : memref<10000x128xf32, #tpu.memory_space<hbm>>) dst(%arg10 : memref<128x128xf32, #tpu.memory_space<vmem>>)
        tpu.yield
      }) : () -> ()
      "tpu.region"() ({
        %run_scoped3A = tpu.sem_alloc : memref<!tpu.dma_semaphore, #tpu.memory_space<semaphore_mem>>
        %dma_start3A_77 = arith.constant 0 : i32
        %dma_start3A_78 = arith.constant 0 : i32
        %dma_start3A_79 = tpu.memref_slice %arg3[%dma_start3A_77, %dma_start3A_78] : memref<10000x128xf32, #tpu.memory_space<hbm>> -> memref<10000x128xf32, #tpu.memory_space<hbm>>
        tpu.enqueue_indirect_dma source(%dma_start3A_79 : memref<10000x128xf32, #tpu.memory_space<hbm>>) target(%arg11 : memref<128x128xf32, #tpu.memory_space<vmem>>) offsets(%arg9 : memref<128xi32, #tpu.memory_space<vmem>>) semaphore(%run_scoped3A : memref<!tpu.dma_semaphore, #tpu.memory_space<semaphore_mem>>)
        %dma_wait3A_80 = arith.constant 0 : i32
        %dma_wait3A_81 = arith.constant 0 : i32
        %dma_wait3A_82 = tpu.memref_slice %arg3[%dma_wait3A_80, %dma_wait3A_81] : memref<10000x128xf32, #tpu.memory_space<hbm>> -> memref<10000x128xf32, #tpu.memory_space<hbm>>
        tpu.wait_indirect_dma semaphore(%run_scoped3A : memref<!tpu.dma_semaphore, #tpu.memory_space<semaphore_mem>>) src(%dma_wait3A_82 : memref<10000x128xf32, #tpu.memory_space<hbm>>) dst(%arg11 : memref<128x128xf32, #tpu.memory_space<vmem>>)
        tpu.yield
      }) : () -> ()
      "tpu.region"() ({
        %run_scoped3A = tpu.sem_alloc : memref<!tpu.dma_semaphore, #tpu.memory_space<semaphore_mem>>
        %dma_start3A_77 = arith.constant 0 : i32
        %dma_start3A_78 = tpu.memref_slice %arg6[%mul3A_72, %dma_start3A_77] : memref<160000x128xf32, #tpu.memory_space<hbm>> -> memref<128x128xf32, #tpu.memory_space<hbm>>
        %dma_start3A_79 = arith.constant 0 : i32
        %dma_start3A_80 = tpu.memref_slice %arg6[%mul3A_72, %dma_start3A_79] : memref<160000x128xf32, #tpu.memory_space<hbm>> -> memref<128x128xf32, #tpu.memory_space<hbm>>
        tpu.enqueue_dma source(%arg10 : memref<128x128xf32, #tpu.memory_space<vmem>>) target(%dma_start3A_80 : memref<128x128xf32, #tpu.memory_space<hbm>>) target_semaphore(%run_scoped3A : memref<!tpu.dma_semaphore, #tpu.memory_space<semaphore_mem>>)
        %dma_wait3A_81 = arith.constant 0 : i32
        %dma_wait3A_82 = tpu.memref_slice %arg6[%mul3A_72, %dma_wait3A_81] : memref<160000x128xf32, #tpu.memory_space<hbm>> -> memref<128x128xf32, #tpu.memory_space<hbm>>
        %dma_wait3A_83 = arith.constant 0 : i32
        %dma_wait3A_84 = tpu.memref_slice %arg6[%mul3A_72, %dma_wait3A_83] : memref<160000x128xf32, #tpu.memory_space<hbm>> -> memref<128x128xf32, #tpu.memory_space<hbm>>
        tpu.wait_dma2 semaphore(%run_scoped3A : memref<!tpu.dma_semaphore, #tpu.memory_space<semaphore_mem>>) src(%arg10 : memref<128x128xf32, #tpu.memory_space<vmem>>) dst(%dma_wait3A_84 : memref<128x128xf32, #tpu.memory_space<hbm>>)
        tpu.yield
      }) : () -> ()
      "tpu.region"() ({
        %run_scoped3A = tpu.sem_alloc : memref<!tpu.dma_semaphore, #tpu.memory_space<semaphore_mem>>
        %dma_start3A_77 = arith.constant 0 : i32
        %dma_start3A_78 = tpu.memref_slice %arg7[%mul3A_72, %dma_start3A_77] : memref<160000x128xf32, #tpu.memory_space<hbm>> -> memref<128x128xf32, #tpu.memory_space<hbm>>
        %dma_start3A_79 = arith.constant 0 : i32
        %dma_start3A_80 = tpu.memref_slice %arg7[%mul3A_72, %dma_start3A_79] : memref<160000x128xf32, #tpu.memory_space<hbm>> -> memref<128x128xf32, #tpu.memory_space<hbm>>
        tpu.enqueue_dma source(%arg11 : memref<128x128xf32, #tpu.memory_space<vmem>>) target(%dma_start3A_80 : memref<128x128xf32, #tpu.memory_space<hbm>>) target_semaphore(%run_scoped3A : memref<!tpu.dma_semaphore, #tpu.memory_space<semaphore_mem>>)
        %dma_wait3A_81 = arith.constant 0 : i32
        %dma_wait3A_82 = tpu.memref_slice %arg7[%mul3A_72, %dma_wait3A_81] : memref<160000x128xf32, #tpu.memory_space<hbm>> -> memref<128x128xf32, #tpu.memory_space<hbm>>
        %dma_wait3A_83 = arith.constant 0 : i32
        %dma_wait3A_84 = tpu.memref_slice %arg7[%mul3A_72, %dma_wait3A_83] : memref<160000x128xf32, #tpu.memory_space<hbm>> -> memref<128x128xf32, #tpu.memory_space<hbm>>
        tpu.wait_dma2 semaphore(%run_scoped3A : memref<!tpu.dma_semaphore, #tpu.memory_space<semaphore_mem>>) src(%arg11 : memref<128x128xf32, #tpu.memory_space<vmem>>) dst(%dma_wait3A_84 : memref<128x128xf32, #tpu.memory_space<hbm>>)
        tpu.yield
      }) : () -> ()
    } else {
    }
    return
  }
}

#map = affine_map<(d0, d1) -> (0, 0)>
#map1 = affine_map<(d0, d1) -> (0)>
#map2 = affine_map<(d0, d1) -> (0, 0, 0)>
module attributes {stable_mosaic.version = 14 : i64} {
  func.func @sc_scatter_add(%arg0: i32, %arg1: i32, %arg2: memref<160000x128xf32, #tpu.memory_space<hbm>>, %arg3: memref<320000xi32, #tpu.memory_space<hbm>>, %arg4: memref<10000x128xf32, #tpu.memory_space<hbm>>, %arg5: memref<2x10000x128xf32, #tpu.memory_space<hbm>>, %arg6: memref<10000x128xf32, #tpu.memory_space<vmem_shared>>, %arg7: memref<128xi32, #tpu.memory_space<vmem>>, %arg8: memref<128x128xf32, #tpu.memory_space<vmem>>, %arg9: memref<128xi32, #tpu.memory_space<vmem>>, %arg10: memref<128x128xf32, #tpu.memory_space<vmem>>, %arg11: memref<!tpu.dma_semaphore, #tpu.memory_space<semaphore_mem>>, %arg12: memref<!tpu.dma_semaphore, #tpu.memory_space<semaphore_mem>>, %arg13: memref<!tpu.dma_semaphore, #tpu.memory_space<semaphore_mem>>, %arg14: memref<!tpu.dma_semaphore, #tpu.memory_space<semaphore_mem>>) attributes {dimension_semantics = [#tpu.dimension_semantics<core_parallel>, #tpu.dimension_semantics<subcore_parallel>], iteration_bounds = array<i64: 2, 16>, scalar_prefetch = 0 : i64, scratch_operands = 9 : i64, tpu.core_type = #tpu.core_type<sc_vector_subcore>, window_params = [{transform_indices = #map}, {transform_indices = #map1}, {transform_indices = #map}, {transform_indices = #map2}]} {
    %mul3A = arith.constant 2 : i32
    %mul3A_0 = arith.muli %arg1, %mul3A : i32
    %add3A = arith.addi %mul3A_0, %arg0 : i32
    %mul3A_1 = arith.constant 624 : i32
    %mul3A_2 = arith.muli %arg1, %mul3A_1 : i32
    %mul3A_3 = arith.constant 624 : i32
    %mul3A_4 = arith.muli %arg1, %mul3A_3 : i32
    "tpu.region"() ({
      %run_scoped3A = tpu.sem_alloc : memref<!tpu.dma_semaphore, #tpu.memory_space<semaphore_mem>>
      %dma_start3A_56 = arith.constant 0 : i32
      %dma_start3A_57 = tpu.memref_slice %arg6[%mul3A_4, %dma_start3A_56] : memref<10000x128xf32, #tpu.memory_space<vmem_shared>> -> memref<624x128xf32, #tpu.memory_space<vmem_shared>>
      %dma_start3A_58 = arith.constant 0 : i32
      %dma_start3A_59 = tpu.memref_slice %arg4[%mul3A_2, %dma_start3A_58] : memref<10000x128xf32, #tpu.memory_space<hbm>> -> memref<624x128xf32, #tpu.memory_space<hbm>>
      tpu.enqueue_dma source(%dma_start3A_59 : memref<624x128xf32, #tpu.memory_space<hbm>>) target(%dma_start3A_57 : memref<624x128xf32, #tpu.memory_space<vmem_shared>>) target_semaphore(%run_scoped3A : memref<!tpu.dma_semaphore, #tpu.memory_space<semaphore_mem>>)
      %dma_wait3A = arith.constant 0 : i32
      %dma_wait3A_60 = tpu.memref_slice %arg6[%mul3A_4, %dma_wait3A] : memref<10000x128xf32, #tpu.memory_space<vmem_shared>> -> memref<624x128xf32, #tpu.memory_space<vmem_shared>>
      %dma_wait3A_61 = arith.constant 0 : i32
      %dma_wait3A_62 = tpu.memref_slice %arg4[%mul3A_2, %dma_wait3A_61] : memref<10000x128xf32, #tpu.memory_space<hbm>> -> memref<624x128xf32, #tpu.memory_space<hbm>>
      tpu.wait_dma2 semaphore(%run_scoped3A : memref<!tpu.dma_semaphore, #tpu.memory_space<semaphore_mem>>) src(%dma_wait3A_62 : memref<624x128xf32, #tpu.memory_space<hbm>>) dst(%dma_wait3A_60 : memref<624x128xf32, #tpu.memory_space<vmem_shared>>)
      tpu.yield
    }) : () -> ()
    %eq3A = arith.constant 0 : i32
    %eq3A_5 = arith.cmpi eq, %arg1, %eq3A : i32
    %convert_element_type3A = arith.extui %eq3A_5 : i1 to i32
    %cond3A = arith.constant 0 : i32
    %cond3A_6 = arith.cmpi ne, %convert_element_type3A, %cond3A : i32
    scf.if %cond3A_6 {
      "tpu.region"() ({
        %run_scoped3A = tpu.sem_alloc : memref<!tpu.dma_semaphore, #tpu.memory_space<semaphore_mem>>
        %dma_start3A_56 = arith.constant 9984 : i32
        %dma_start3A_57 = arith.constant 0 : i32
        %dma_start3A_58 = tpu.memref_slice %arg6[%dma_start3A_56, %dma_start3A_57] : memref<10000x128xf32, #tpu.memory_space<vmem_shared>> -> memref<16x128xf32, #tpu.memory_space<vmem_shared>>
        %dma_start3A_59 = arith.constant 9984 : i32
        %dma_start3A_60 = arith.constant 0 : i32
        %dma_start3A_61 = tpu.memref_slice %arg4[%dma_start3A_59, %dma_start3A_60] : memref<10000x128xf32, #tpu.memory_space<hbm>> -> memref<16x128xf32, #tpu.memory_space<hbm>>
        tpu.enqueue_dma source(%dma_start3A_61 : memref<16x128xf32, #tpu.memory_space<hbm>>) target(%dma_start3A_58 : memref<16x128xf32, #tpu.memory_space<vmem_shared>>) target_semaphore(%run_scoped3A : memref<!tpu.dma_semaphore, #tpu.memory_space<semaphore_mem>>)
        %dma_wait3A = arith.constant 9984 : i32
        %dma_wait3A_62 = arith.constant 0 : i32
        %dma_wait3A_63 = tpu.memref_slice %arg6[%dma_wait3A, %dma_wait3A_62] : memref<10000x128xf32, #tpu.memory_space<vmem_shared>> -> memref<16x128xf32, #tpu.memory_space<vmem_shared>>
        %dma_wait3A_64 = arith.constant 9984 : i32
        %dma_wait3A_65 = arith.constant 0 : i32
        %dma_wait3A_66 = tpu.memref_slice %arg4[%dma_wait3A_64, %dma_wait3A_65] : memref<10000x128xf32, #tpu.memory_space<hbm>> -> memref<16x128xf32, #tpu.memory_space<hbm>>
        tpu.wait_dma2 semaphore(%run_scoped3A : memref<!tpu.dma_semaphore, #tpu.memory_space<semaphore_mem>>) src(%dma_wait3A_66 : memref<16x128xf32, #tpu.memory_space<hbm>>) dst(%dma_wait3A_63 : memref<16x128xf32, #tpu.memory_space<vmem_shared>>)
        tpu.yield
      }) : () -> ()
    } else {
    }
    %barrier3A = arith.constant 0 : index
    tpu.barrier barrier_id(%barrier3A)
    %add3A_7 = arith.constant 0 : i32
    %add3A_8 = arith.addi %add3A_7, %add3A : i32
    %mul3A_9 = arith.constant 128 : i32
    %mul3A_10 = arith.muli %add3A_8, %mul3A_9 : i32
    %add3A_11 = arith.constant 160000 : i32
    %add3A_12 = arith.addi %add3A_11, %mul3A_10 : i32
    %dma_start3A = tpu.memref_slice %arg3[%add3A_12] : memref<320000xi32, #tpu.memory_space<hbm>> -> memref<128xi32, #tpu.memory_space<hbm>>
    %dma_start3A_13 = tpu.memref_slice %arg3[%add3A_12] : memref<320000xi32, #tpu.memory_space<hbm>> -> memref<128xi32, #tpu.memory_space<hbm>>
    tpu.enqueue_dma source(%dma_start3A_13 : memref<128xi32, #tpu.memory_space<hbm>>) target(%arg7 : memref<128xi32, #tpu.memory_space<vmem>>) target_semaphore(%arg11 : memref<!tpu.dma_semaphore, #tpu.memory_space<semaphore_mem>>)
    %add3A_14 = arith.constant 0 : i32
    %add3A_15 = arith.addi %add3A_14, %add3A : i32
    %mul3A_16 = arith.constant 128 : i32
    %mul3A_17 = arith.muli %add3A_15, %mul3A_16 : i32
    %dma_start3A_18 = arith.constant 0 : i32
    %dma_start3A_19 = tpu.memref_slice %arg2[%mul3A_17, %dma_start3A_18] : memref<160000x128xf32, #tpu.memory_space<hbm>> -> memref<128x128xf32, #tpu.memory_space<hbm>>
    %dma_start3A_20 = arith.constant 0 : i32
    %dma_start3A_21 = tpu.memref_slice %arg2[%mul3A_17, %dma_start3A_20] : memref<160000x128xf32, #tpu.memory_space<hbm>> -> memref<128x128xf32, #tpu.memory_space<hbm>>
    tpu.enqueue_dma source(%dma_start3A_21 : memref<128x128xf32, #tpu.memory_space<hbm>>) target(%arg8 : memref<128x128xf32, #tpu.memory_space<vmem>>) target_semaphore(%arg12 : memref<!tpu.dma_semaphore, #tpu.memory_space<semaphore_mem>>)
    %add3A_22 = arith.constant 32 : i32
    %add3A_23 = arith.addi %add3A_22, %add3A : i32
    %mul3A_24 = arith.constant 128 : i32
    %mul3A_25 = arith.muli %add3A_23, %mul3A_24 : i32
    %add3A_26 = arith.constant 160000 : i32
    %add3A_27 = arith.addi %add3A_26, %mul3A_25 : i32
    %dma_start3A_28 = tpu.memref_slice %arg3[%add3A_27] : memref<320000xi32, #tpu.memory_space<hbm>> -> memref<128xi32, #tpu.memory_space<hbm>>
    %dma_start3A_29 = tpu.memref_slice %arg3[%add3A_27] : memref<320000xi32, #tpu.memory_space<hbm>> -> memref<128xi32, #tpu.memory_space<hbm>>
    tpu.enqueue_dma source(%dma_start3A_29 : memref<128xi32, #tpu.memory_space<hbm>>) target(%arg9 : memref<128xi32, #tpu.memory_space<vmem>>) target_semaphore(%arg13 : memref<!tpu.dma_semaphore, #tpu.memory_space<semaphore_mem>>)
    %add3A_30 = arith.constant 32 : i32
    %add3A_31 = arith.addi %add3A_30, %add3A : i32
    %mul3A_32 = arith.constant 128 : i32
    %mul3A_33 = arith.muli %add3A_31, %mul3A_32 : i32
    %dma_start3A_34 = arith.constant 0 : i32
    %dma_start3A_35 = tpu.memref_slice %arg2[%mul3A_33, %dma_start3A_34] : memref<160000x128xf32, #tpu.memory_space<hbm>> -> memref<128x128xf32, #tpu.memory_space<hbm>>
    %dma_start3A_36 = arith.constant 0 : i32
    %dma_start3A_37 = tpu.memref_slice %arg2[%mul3A_33, %dma_start3A_36] : memref<160000x128xf32, #tpu.memory_space<hbm>> -> memref<128x128xf32, #tpu.memory_space<hbm>>
    tpu.enqueue_dma source(%dma_start3A_37 : memref<128x128xf32, #tpu.memory_space<hbm>>) target(%arg10 : memref<128x128xf32, #tpu.memory_space<vmem>>) target_semaphore(%arg14 : memref<!tpu.dma_semaphore, #tpu.memory_space<semaphore_mem>>)
    %scan3A = arith.constant 0 : i32
    %scan3A_38 = arith.constant 20 : i32
    %scan3A_39 = arith.addi %scan3A, %scan3A_38 : i32
    %scan3A_40 = arith.constant 1 : i32
    scf.for %scan3A_56 = %scan3A to %scan3A_39 step %scan3A_40  : i32 {
      %mul3A_57 = arith.constant 1 : i32
      %mul3A_58 = arith.muli %scan3A_56, %mul3A_57 : i32
      %add3A_59 = arith.constant 0 : i32
      %add3A_60 = arith.addi %add3A_59, %mul3A_58 : i32
      %mul3A_61 = arith.constant 2 : i32
      %mul3A_62 = arith.muli %mul3A_61, %add3A_60 : i32
      %add3A_63 = arith.constant 0 : i32
      %add3A_64 = arith.addi %mul3A_62, %add3A_63 : i32
      %lt3A_65 = arith.constant 39 : i32
      %lt3A_66 = arith.cmpi slt, %add3A_64, %lt3A_65 : i32
      %convert_element_type3A_67 = arith.extui %lt3A_66 : i1 to i32
      %cond3A_68 = arith.constant 0 : i32
      %cond3A_69 = arith.cmpi ne, %convert_element_type3A_67, %cond3A_68 : i32
      scf.if %cond3A_69 {
        %mul3A_79 = arith.constant 32 : i32
        %mul3A_80 = arith.muli %add3A_64, %mul3A_79 : i32
        %add3A_81 = arith.addi %mul3A_80, %add3A : i32
        %mul3A_82 = arith.constant 128 : i32
        %mul3A_83 = arith.muli %add3A_81, %mul3A_82 : i32
        %add3A_84 = arith.constant 160000 : i32
        %add3A_85 = arith.addi %add3A_84, %mul3A_83 : i32
        %dma_wait3A = tpu.memref_slice %arg3[%add3A_85] : memref<320000xi32, #tpu.memory_space<hbm>> -> memref<128xi32, #tpu.memory_space<hbm>>
        %dma_wait3A_86 = tpu.memref_slice %arg3[%add3A_85] : memref<320000xi32, #tpu.memory_space<hbm>> -> memref<128xi32, #tpu.memory_space<hbm>>
        tpu.wait_dma2 semaphore(%arg11 : memref<!tpu.dma_semaphore, #tpu.memory_space<semaphore_mem>>) src(%dma_wait3A_86 : memref<128xi32, #tpu.memory_space<hbm>>) dst(%arg7 : memref<128xi32, #tpu.memory_space<vmem>>)
        %mul3A_87 = arith.constant 32 : i32
        %mul3A_88 = arith.muli %add3A_64, %mul3A_87 : i32
        %add3A_89 = arith.addi %mul3A_88, %add3A : i32
        %mul3A_90 = arith.constant 128 : i32
        %mul3A_91 = arith.muli %add3A_89, %mul3A_90 : i32
        %dma_wait3A_92 = arith.constant 0 : i32
        %dma_wait3A_93 = tpu.memref_slice %arg2[%mul3A_91, %dma_wait3A_92] : memref<160000x128xf32, #tpu.memory_space<hbm>> -> memref<128x128xf32, #tpu.memory_space<hbm>>
        %dma_wait3A_94 = arith.constant 0 : i32
        %dma_wait3A_95 = tpu.memref_slice %arg2[%mul3A_91, %dma_wait3A_94] : memref<160000x128xf32, #tpu.memory_space<hbm>> -> memref<128x128xf32, #tpu.memory_space<hbm>>
        tpu.wait_dma2 semaphore(%arg12 : memref<!tpu.dma_semaphore, #tpu.memory_space<semaphore_mem>>) src(%dma_wait3A_95 : memref<128x128xf32, #tpu.memory_space<hbm>>) dst(%arg8 : memref<128x128xf32, #tpu.memory_space<vmem>>)
        "tpu.region"() ({
          %run_scoped3A = tpu.sem_alloc : memref<!tpu.dma_semaphore, #tpu.memory_space<semaphore_mem>>
          %dma_start3A_103 = arith.constant 0 : i32
          %dma_start3A_104 = arith.constant 0 : i32
          %dma_start3A_105 = tpu.memref_slice %arg6[%dma_start3A_103, %dma_start3A_104] : memref<10000x128xf32, #tpu.memory_space<vmem_shared>> -> memref<10000x128xf32, #tpu.memory_space<vmem_shared>>
          tpu.enqueue_indirect_dma source(%arg8 : memref<128x128xf32, #tpu.memory_space<vmem>>) target(%dma_start3A_105 : memref<10000x128xf32, #tpu.memory_space<vmem_shared>>) offsets(%arg7 : memref<128xi32, #tpu.memory_space<vmem>>) semaphore(%run_scoped3A : memref<!tpu.dma_semaphore, #tpu.memory_space<semaphore_mem>>) {add = true}
          %dma_wait3A_106 = arith.constant 0 : i32
          %dma_wait3A_107 = arith.constant 0 : i32
          %dma_wait3A_108 = tpu.memref_slice %arg6[%dma_wait3A_106, %dma_wait3A_107] : memref<10000x128xf32, #tpu.memory_space<vmem_shared>> -> memref<10000x128xf32, #tpu.memory_space<vmem_shared>>
          tpu.wait_indirect_dma semaphore(%run_scoped3A : memref<!tpu.dma_semaphore, #tpu.memory_space<semaphore_mem>>) src(%arg8 : memref<128x128xf32, #tpu.memory_space<vmem>>) dst(%dma_wait3A_108 : memref<10000x128xf32, #tpu.memory_space<vmem_shared>>)
          tpu.yield
        }) : () -> ()
        %add3A_96 = arith.constant 2 : i32
        %add3A_97 = arith.addi %add3A_64, %add3A_96 : i32
        %lt3A_98 = arith.constant 39 : i32
        %lt3A_99 = arith.cmpi slt, %add3A_97, %lt3A_98 : i32
        %convert_element_type3A_100 = arith.extui %lt3A_99 : i1 to i32
        %cond3A_101 = arith.constant 0 : i32
        %cond3A_102 = arith.cmpi ne, %convert_element_type3A_100, %cond3A_101 : i32
        scf.if %cond3A_102 {
          %add3A_103 = arith.constant 2 : i32
          %add3A_104 = arith.addi %add3A_64, %add3A_103 : i32
          %mul3A_105 = arith.constant 32 : i32
          %mul3A_106 = arith.muli %add3A_104, %mul3A_105 : i32
          %add3A_107 = arith.addi %mul3A_106, %add3A : i32
          %mul3A_108 = arith.constant 128 : i32
          %mul3A_109 = arith.muli %add3A_107, %mul3A_108 : i32
          %add3A_110 = arith.constant 160000 : i32
          %add3A_111 = arith.addi %add3A_110, %mul3A_109 : i32
          %dma_start3A_112 = tpu.memref_slice %arg3[%add3A_111] : memref<320000xi32, #tpu.memory_space<hbm>> -> memref<128xi32, #tpu.memory_space<hbm>>
          %dma_start3A_113 = tpu.memref_slice %arg3[%add3A_111] : memref<320000xi32, #tpu.memory_space<hbm>> -> memref<128xi32, #tpu.memory_space<hbm>>
          tpu.enqueue_dma source(%dma_start3A_113 : memref<128xi32, #tpu.memory_space<hbm>>) target(%arg7 : memref<128xi32, #tpu.memory_space<vmem>>) target_semaphore(%arg11 : memref<!tpu.dma_semaphore, #tpu.memory_space<semaphore_mem>>)
          %mul3A_114 = arith.constant 32 : i32
          %mul3A_115 = arith.muli %add3A_104, %mul3A_114 : i32
          %add3A_116 = arith.addi %mul3A_115, %add3A : i32
          %mul3A_117 = arith.constant 128 : i32
          %mul3A_118 = arith.muli %add3A_116, %mul3A_117 : i32
          %dma_start3A_119 = arith.constant 0 : i32
          %dma_start3A_120 = tpu.memref_slice %arg2[%mul3A_118, %dma_start3A_119] : memref<160000x128xf32, #tpu.memory_space<hbm>> -> memref<128x128xf32, #tpu.memory_space<hbm>>
          %dma_start3A_121 = arith.constant 0 : i32
          %dma_start3A_122 = tpu.memref_slice %arg2[%mul3A_118, %dma_start3A_121] : memref<160000x128xf32, #tpu.memory_space<hbm>> -> memref<128x128xf32, #tpu.memory_space<hbm>>
          tpu.enqueue_dma source(%dma_start3A_122 : memref<128x128xf32, #tpu.memory_space<hbm>>) target(%arg8 : memref<128x128xf32, #tpu.memory_space<vmem>>) target_semaphore(%arg12 : memref<!tpu.dma_semaphore, #tpu.memory_space<semaphore_mem>>)
        } else {
        }
      } else {
      }
      %mul3A_70 = arith.constant 2 : i32
      %mul3A_71 = arith.muli %mul3A_70, %add3A_60 : i32
      %add3A_72 = arith.constant 1 : i32
      %add3A_73 = arith.addi %mul3A_71, %add3A_72 : i32
      %lt3A_74 = arith.constant 39 : i32
      %lt3A_75 = arith.cmpi slt, %add3A_73, %lt3A_74 : i32
      %convert_element_type3A_76 = arith.extui %lt3A_75 : i1 to i32
      %cond3A_77 = arith.constant 0 : i32
      %cond3A_78 = arith.cmpi ne, %convert_element_type3A_76, %cond3A_77 : i32
      scf.if %cond3A_78 {
        %mul3A_79 = arith.constant 32 : i32
        %mul3A_80 = arith.muli %add3A_73, %mul3A_79 : i32
        %add3A_81 = arith.addi %mul3A_80, %add3A : i32
        %mul3A_82 = arith.constant 128 : i32
        %mul3A_83 = arith.muli %add3A_81, %mul3A_82 : i32
        %add3A_84 = arith.constant 160000 : i32
        %add3A_85 = arith.addi %add3A_84, %mul3A_83 : i32
        %dma_wait3A = tpu.memref_slice %arg3[%add3A_85] : memref<320000xi32, #tpu.memory_space<hbm>> -> memref<128xi32, #tpu.memory_space<hbm>>
        %dma_wait3A_86 = tpu.memref_slice %arg3[%add3A_85] : memref<320000xi32, #tpu.memory_space<hbm>> -> memref<128xi32, #tpu.memory_space<hbm>>
        tpu.wait_dma2 semaphore(%arg13 : memref<!tpu.dma_semaphore, #tpu.memory_space<semaphore_mem>>) src(%dma_wait3A_86 : memref<128xi32, #tpu.memory_space<hbm>>) dst(%arg9 : memref<128xi32, #tpu.memory_space<vmem>>)
        %mul3A_87 = arith.constant 32 : i32
        %mul3A_88 = arith.muli %add3A_73, %mul3A_87 : i32
        %add3A_89 = arith.addi %mul3A_88, %add3A : i32
        %mul3A_90 = arith.constant 128 : i32
        %mul3A_91 = arith.muli %add3A_89, %mul3A_90 : i32
        %dma_wait3A_92 = arith.constant 0 : i32
        %dma_wait3A_93 = tpu.memref_slice %arg2[%mul3A_91, %dma_wait3A_92] : memref<160000x128xf32, #tpu.memory_space<hbm>> -> memref<128x128xf32, #tpu.memory_space<hbm>>
        %dma_wait3A_94 = arith.constant 0 : i32
        %dma_wait3A_95 = tpu.memref_slice %arg2[%mul3A_91, %dma_wait3A_94] : memref<160000x128xf32, #tpu.memory_space<hbm>> -> memref<128x128xf32, #tpu.memory_space<hbm>>
        tpu.wait_dma2 semaphore(%arg14 : memref<!tpu.dma_semaphore, #tpu.memory_space<semaphore_mem>>) src(%dma_wait3A_95 : memref<128x128xf32, #tpu.memory_space<hbm>>) dst(%arg10 : memref<128x128xf32, #tpu.memory_space<vmem>>)
        "tpu.region"() ({
          %run_scoped3A = tpu.sem_alloc : memref<!tpu.dma_semaphore, #tpu.memory_space<semaphore_mem>>
          %dma_start3A_103 = arith.constant 0 : i32
          %dma_start3A_104 = arith.constant 0 : i32
          %dma_start3A_105 = tpu.memref_slice %arg6[%dma_start3A_103, %dma_start3A_104] : memref<10000x128xf32, #tpu.memory_space<vmem_shared>> -> memref<10000x128xf32, #tpu.memory_space<vmem_shared>>
          tpu.enqueue_indirect_dma source(%arg10 : memref<128x128xf32, #tpu.memory_space<vmem>>) target(%dma_start3A_105 : memref<10000x128xf32, #tpu.memory_space<vmem_shared>>) offsets(%arg9 : memref<128xi32, #tpu.memory_space<vmem>>) semaphore(%run_scoped3A : memref<!tpu.dma_semaphore, #tpu.memory_space<semaphore_mem>>) {add = true}
          %dma_wait3A_106 = arith.constant 0 : i32
          %dma_wait3A_107 = arith.constant 0 : i32
          %dma_wait3A_108 = tpu.memref_slice %arg6[%dma_wait3A_106, %dma_wait3A_107] : memref<10000x128xf32, #tpu.memory_space<vmem_shared>> -> memref<10000x128xf32, #tpu.memory_space<vmem_shared>>
          tpu.wait_indirect_dma semaphore(%run_scoped3A : memref<!tpu.dma_semaphore, #tpu.memory_space<semaphore_mem>>) src(%arg10 : memref<128x128xf32, #tpu.memory_space<vmem>>) dst(%dma_wait3A_108 : memref<10000x128xf32, #tpu.memory_space<vmem_shared>>)
          tpu.yield
        }) : () -> ()
        %add3A_96 = arith.constant 2 : i32
        %add3A_97 = arith.addi %add3A_73, %add3A_96 : i32
        %lt3A_98 = arith.constant 39 : i32
        %lt3A_99 = arith.cmpi slt, %add3A_97, %lt3A_98 : i32
        %convert_element_type3A_100 = arith.extui %lt3A_99 : i1 to i32
        %cond3A_101 = arith.constant 0 : i32
        %cond3A_102 = arith.cmpi ne, %convert_element_type3A_100, %cond3A_101 : i32
        scf.if %cond3A_102 {
          %add3A_103 = arith.constant 2 : i32
          %add3A_104 = arith.addi %add3A_73, %add3A_103 : i32
          %mul3A_105 = arith.constant 32 : i32
          %mul3A_106 = arith.muli %add3A_104, %mul3A_105 : i32
          %add3A_107 = arith.addi %mul3A_106, %add3A : i32
          %mul3A_108 = arith.constant 128 : i32
          %mul3A_109 = arith.muli %add3A_107, %mul3A_108 : i32
          %add3A_110 = arith.constant 160000 : i32
          %add3A_111 = arith.addi %add3A_110, %mul3A_109 : i32
          %dma_start3A_112 = tpu.memref_slice %arg3[%add3A_111] : memref<320000xi32, #tpu.memory_space<hbm>> -> memref<128xi32, #tpu.memory_space<hbm>>
          %dma_start3A_113 = tpu.memref_slice %arg3[%add3A_111] : memref<320000xi32, #tpu.memory_space<hbm>> -> memref<128xi32, #tpu.memory_space<hbm>>
          tpu.enqueue_dma source(%dma_start3A_113 : memref<128xi32, #tpu.memory_space<hbm>>) target(%arg9 : memref<128xi32, #tpu.memory_space<vmem>>) target_semaphore(%arg13 : memref<!tpu.dma_semaphore, #tpu.memory_space<semaphore_mem>>)
          %mul3A_114 = arith.constant 32 : i32
          %mul3A_115 = arith.muli %add3A_104, %mul3A_114 : i32
          %add3A_116 = arith.addi %mul3A_115, %add3A : i32
          %mul3A_117 = arith.constant 128 : i32
          %mul3A_118 = arith.muli %add3A_116, %mul3A_117 : i32
          %dma_start3A_119 = arith.constant 0 : i32
          %dma_start3A_120 = tpu.memref_slice %arg2[%mul3A_118, %dma_start3A_119] : memref<160000x128xf32, #tpu.memory_space<hbm>> -> memref<128x128xf32, #tpu.memory_space<hbm>>
          %dma_start3A_121 = arith.constant 0 : i32
          %dma_start3A_122 = tpu.memref_slice %arg2[%mul3A_118, %dma_start3A_121] : memref<160000x128xf32, #tpu.memory_space<hbm>> -> memref<128x128xf32, #tpu.memory_space<hbm>>
          tpu.enqueue_dma source(%dma_start3A_122 : memref<128x128xf32, #tpu.memory_space<hbm>>) target(%arg10 : memref<128x128xf32, #tpu.memory_space<vmem>>) target_semaphore(%arg14 : memref<!tpu.dma_semaphore, #tpu.memory_space<semaphore_mem>>)
        } else {
        }
      } else {
      }
    }
    %scan3A_41 = arith.constant 20 : i32
    %lt3A = arith.constant 2 : i32
    %lt3A_42 = arith.cmpi slt, %add3A, %lt3A : i32
    %convert_element_type3A_43 = arith.extui %lt3A_42 : i1 to i32
    %cond3A_44 = arith.constant 0 : i32
    %cond3A_45 = arith.cmpi ne, %convert_element_type3A_43, %cond3A_44 : i32
    scf.if %cond3A_45 {
      %add3A_56 = arith.constant 1248 : i32
      %add3A_57 = arith.addi %add3A_56, %add3A : i32
      %mul3A_58 = arith.constant 128 : i32
      %mul3A_59 = arith.muli %add3A_57, %mul3A_58 : i32
      %add3A_60 = arith.constant 160000 : i32
      %add3A_61 = arith.addi %add3A_60, %mul3A_59 : i32
      "tpu.region"() ({
        %run_scoped3A = tpu.sem_alloc : memref<!tpu.dma_semaphore, #tpu.memory_space<semaphore_mem>>
        %dma_start3A_62 = tpu.memref_slice %arg3[%add3A_61] : memref<320000xi32, #tpu.memory_space<hbm>> -> memref<128xi32, #tpu.memory_space<hbm>>
        %dma_start3A_63 = tpu.memref_slice %arg3[%add3A_61] : memref<320000xi32, #tpu.memory_space<hbm>> -> memref<128xi32, #tpu.memory_space<hbm>>
        tpu.enqueue_dma source(%dma_start3A_63 : memref<128xi32, #tpu.memory_space<hbm>>) target(%arg7 : memref<128xi32, #tpu.memory_space<vmem>>) target_semaphore(%run_scoped3A : memref<!tpu.dma_semaphore, #tpu.memory_space<semaphore_mem>>)
        %dma_wait3A = tpu.memref_slice %arg3[%add3A_61] : memref<320000xi32, #tpu.memory_space<hbm>> -> memref<128xi32, #tpu.memory_space<hbm>>
        %dma_wait3A_64 = tpu.memref_slice %arg3[%add3A_61] : memref<320000xi32, #tpu.memory_space<hbm>> -> memref<128xi32, #tpu.memory_space<hbm>>
        tpu.wait_dma2 semaphore(%run_scoped3A : memref<!tpu.dma_semaphore, #tpu.memory_space<semaphore_mem>>) src(%dma_wait3A_64 : memref<128xi32, #tpu.memory_space<hbm>>) dst(%arg7 : memref<128xi32, #tpu.memory_space<vmem>>)
        tpu.yield
      }) : () -> ()
      "tpu.region"() ({
        %run_scoped3A = tpu.sem_alloc : memref<!tpu.dma_semaphore, #tpu.memory_space<semaphore_mem>>
        %dma_start3A_62 = arith.constant 0 : i32
        %dma_start3A_63 = tpu.memref_slice %arg2[%mul3A_59, %dma_start3A_62] : memref<160000x128xf32, #tpu.memory_space<hbm>> -> memref<128x128xf32, #tpu.memory_space<hbm>>
        %dma_start3A_64 = arith.constant 0 : i32
        %dma_start3A_65 = tpu.memref_slice %arg2[%mul3A_59, %dma_start3A_64] : memref<160000x128xf32, #tpu.memory_space<hbm>> -> memref<128x128xf32, #tpu.memory_space<hbm>>
        tpu.enqueue_dma source(%dma_start3A_65 : memref<128x128xf32, #tpu.memory_space<hbm>>) target(%arg8 : memref<128x128xf32, #tpu.memory_space<vmem>>) target_semaphore(%run_scoped3A : memref<!tpu.dma_semaphore, #tpu.memory_space<semaphore_mem>>)
        %dma_wait3A = arith.constant 0 : i32
        %dma_wait3A_66 = tpu.memref_slice %arg2[%mul3A_59, %dma_wait3A] : memref<160000x128xf32, #tpu.memory_space<hbm>> -> memref<128x128xf32, #tpu.memory_space<hbm>>
        %dma_wait3A_67 = arith.constant 0 : i32
        %dma_wait3A_68 = tpu.memref_slice %arg2[%mul3A_59, %dma_wait3A_67] : memref<160000x128xf32, #tpu.memory_space<hbm>> -> memref<128x128xf32, #tpu.memory_space<hbm>>
        tpu.wait_dma2 semaphore(%run_scoped3A : memref<!tpu.dma_semaphore, #tpu.memory_space<semaphore_mem>>) src(%dma_wait3A_68 : memref<128x128xf32, #tpu.memory_space<hbm>>) dst(%arg8 : memref<128x128xf32, #tpu.memory_space<vmem>>)
        tpu.yield
      }) : () -> ()
      "tpu.region"() ({
        %run_scoped3A = tpu.sem_alloc : memref<!tpu.dma_semaphore, #tpu.memory_space<semaphore_mem>>
        %dma_start3A_62 = arith.constant 0 : i32
        %dma_start3A_63 = arith.constant 0 : i32
        %dma_start3A_64 = tpu.memref_slice %arg6[%dma_start3A_62, %dma_start3A_63] : memref<10000x128xf32, #tpu.memory_space<vmem_shared>> -> memref<10000x128xf32, #tpu.memory_space<vmem_shared>>
        tpu.enqueue_indirect_dma source(%arg8 : memref<128x128xf32, #tpu.memory_space<vmem>>) target(%dma_start3A_64 : memref<10000x128xf32, #tpu.memory_space<vmem_shared>>) offsets(%arg7 : memref<128xi32, #tpu.memory_space<vmem>>) semaphore(%run_scoped3A : memref<!tpu.dma_semaphore, #tpu.memory_space<semaphore_mem>>) {add = true}
        %dma_wait3A = arith.constant 0 : i32
        %dma_wait3A_65 = arith.constant 0 : i32
        %dma_wait3A_66 = tpu.memref_slice %arg6[%dma_wait3A, %dma_wait3A_65] : memref<10000x128xf32, #tpu.memory_space<vmem_shared>> -> memref<10000x128xf32, #tpu.memory_space<vmem_shared>>
        tpu.wait_indirect_dma semaphore(%run_scoped3A : memref<!tpu.dma_semaphore, #tpu.memory_space<semaphore_mem>>) src(%arg8 : memref<128x128xf32, #tpu.memory_space<vmem>>) dst(%dma_wait3A_66 : memref<10000x128xf32, #tpu.memory_space<vmem_shared>>)
        tpu.yield
      }) : () -> ()
    } else {
    }
    %barrier3A_46 = arith.constant 0 : index
    tpu.barrier barrier_id(%barrier3A_46)
    %mul3A_47 = arith.constant 624 : i32
    %mul3A_48 = arith.muli %arg1, %mul3A_47 : i32
    %mul3A_49 = arith.constant 624 : i32
    %mul3A_50 = arith.muli %arg1, %mul3A_49 : i32
    "tpu.region"() ({
      %run_scoped3A = tpu.sem_alloc : memref<!tpu.dma_semaphore, #tpu.memory_space<semaphore_mem>>
      %dma_start3A_56 = arith.constant 0 : i32
      %dma_start3A_57 = arith.constant 0 : i32
      %dma_start3A_58 = tpu.memref_slice %arg5[%arg0, %dma_start3A_56, %dma_start3A_57] : memref<2x10000x128xf32, #tpu.memory_space<hbm>> -> memref<1x10000x128xf32, #tpu.memory_space<hbm>>
      %dma_start3A_59 = tpu.memref_squeeze %dma_start3A_58 : memref<1x10000x128xf32, #tpu.memory_space<hbm>> -> memref<10000x128xf32, #tpu.memory_space<hbm>>
      %dma_start3A_60 = arith.constant 0 : i32
      %dma_start3A_61 = tpu.memref_slice %dma_start3A_59[%mul3A_50, %dma_start3A_60] : memref<10000x128xf32, #tpu.memory_space<hbm>> -> memref<624x128xf32, #tpu.memory_space<hbm>>
      %dma_start3A_62 = arith.constant 0 : i32
      %dma_start3A_63 = tpu.memref_slice %arg6[%mul3A_48, %dma_start3A_62] : memref<10000x128xf32, #tpu.memory_space<vmem_shared>> -> memref<624x128xf32, #tpu.memory_space<vmem_shared>>
      tpu.enqueue_dma source(%dma_start3A_63 : memref<624x128xf32, #tpu.memory_space<vmem_shared>>) target(%dma_start3A_61 : memref<624x128xf32, #tpu.memory_space<hbm>>) target_semaphore(%run_scoped3A : memref<!tpu.dma_semaphore, #tpu.memory_space<semaphore_mem>>)
      %dma_wait3A = arith.constant 0 : i32
      %dma_wait3A_64 = arith.constant 0 : i32
      %dma_wait3A_65 = tpu.memref_slice %arg5[%arg0, %dma_wait3A, %dma_wait3A_64] : memref<2x10000x128xf32, #tpu.memory_space<hbm>> -> memref<1x10000x128xf32, #tpu.memory_space<hbm>>
      %dma_wait3A_66 = tpu.memref_squeeze %dma_wait3A_65 : memref<1x10000x128xf32, #tpu.memory_space<hbm>> -> memref<10000x128xf32, #tpu.memory_space<hbm>>
      %dma_wait3A_67 = arith.constant 0 : i32
      %dma_wait3A_68 = tpu.memref_slice %dma_wait3A_66[%mul3A_50, %dma_wait3A_67] : memref<10000x128xf32, #tpu.memory_space<hbm>> -> memref<624x128xf32, #tpu.memory_space<hbm>>
      %dma_wait3A_69 = arith.constant 0 : i32
      %dma_wait3A_70 = tpu.memref_slice %arg6[%mul3A_48, %dma_wait3A_69] : memref<10000x128xf32, #tpu.memory_space<vmem_shared>> -> memref<624x128xf32, #tpu.memory_space<vmem_shared>>
      tpu.wait_dma2 semaphore(%run_scoped3A : memref<!tpu.dma_semaphore, #tpu.memory_space<semaphore_mem>>) src(%dma_wait3A_70 : memref<624x128xf32, #tpu.memory_space<vmem_shared>>) dst(%dma_wait3A_68 : memref<624x128xf32, #tpu.memory_space<hbm>>)
      tpu.yield
    }) : () -> ()
    %eq3A_51 = arith.constant 0 : i32
    %eq3A_52 = arith.cmpi eq, %arg1, %eq3A_51 : i32
    %convert_element_type3A_53 = arith.extui %eq3A_52 : i1 to i32
    %cond3A_54 = arith.constant 0 : i32
    %cond3A_55 = arith.cmpi ne, %convert_element_type3A_53, %cond3A_54 : i32
    scf.if %cond3A_55 {
      "tpu.region"() ({
        %run_scoped3A = tpu.sem_alloc : memref<!tpu.dma_semaphore, #tpu.memory_space<semaphore_mem>>
        %dma_start3A_56 = arith.constant 0 : i32
        %dma_start3A_57 = arith.constant 0 : i32
        %dma_start3A_58 = tpu.memref_slice %arg5[%arg0, %dma_start3A_56, %dma_start3A_57] : memref<2x10000x128xf32, #tpu.memory_space<hbm>> -> memref<1x10000x128xf32, #tpu.memory_space<hbm>>
        %dma_start3A_59 = tpu.memref_squeeze %dma_start3A_58 : memref<1x10000x128xf32, #tpu.memory_space<hbm>> -> memref<10000x128xf32, #tpu.memory_space<hbm>>
        %dma_start3A_60 = arith.constant 9984 : i32
        %dma_start3A_61 = arith.constant 0 : i32
        %dma_start3A_62 = tpu.memref_slice %dma_start3A_59[%dma_start3A_60, %dma_start3A_61] : memref<10000x128xf32, #tpu.memory_space<hbm>> -> memref<16x128xf32, #tpu.memory_space<hbm>>
        %dma_start3A_63 = arith.constant 9984 : i32
        %dma_start3A_64 = arith.constant 0 : i32
        %dma_start3A_65 = tpu.memref_slice %arg6[%dma_start3A_63, %dma_start3A_64] : memref<10000x128xf32, #tpu.memory_space<vmem_shared>> -> memref<16x128xf32, #tpu.memory_space<vmem_shared>>
        tpu.enqueue_dma source(%dma_start3A_65 : memref<16x128xf32, #tpu.memory_space<vmem_shared>>) target(%dma_start3A_62 : memref<16x128xf32, #tpu.memory_space<hbm>>) target_semaphore(%run_scoped3A : memref<!tpu.dma_semaphore, #tpu.memory_space<semaphore_mem>>)
        %dma_wait3A = arith.constant 0 : i32
        %dma_wait3A_66 = arith.constant 0 : i32
        %dma_wait3A_67 = tpu.memref_slice %arg5[%arg0, %dma_wait3A, %dma_wait3A_66] : memref<2x10000x128xf32, #tpu.memory_space<hbm>> -> memref<1x10000x128xf32, #tpu.memory_space<hbm>>
        %dma_wait3A_68 = tpu.memref_squeeze %dma_wait3A_67 : memref<1x10000x128xf32, #tpu.memory_space<hbm>> -> memref<10000x128xf32, #tpu.memory_space<hbm>>
        %dma_wait3A_69 = arith.constant 9984 : i32
        %dma_wait3A_70 = arith.constant 0 : i32
        %dma_wait3A_71 = tpu.memref_slice %dma_wait3A_68[%dma_wait3A_69, %dma_wait3A_70] : memref<10000x128xf32, #tpu.memory_space<hbm>> -> memref<16x128xf32, #tpu.memory_space<hbm>>
        %dma_wait3A_72 = arith.constant 9984 : i32
        %dma_wait3A_73 = arith.constant 0 : i32
        %dma_wait3A_74 = tpu.memref_slice %arg6[%dma_wait3A_72, %dma_wait3A_73] : memref<10000x128xf32, #tpu.memory_space<vmem_shared>> -> memref<16x128xf32, #tpu.memory_space<vmem_shared>>
        tpu.wait_dma2 semaphore(%run_scoped3A : memref<!tpu.dma_semaphore, #tpu.memory_space<semaphore_mem>>) src(%dma_wait3A_74 : memref<16x128xf32, #tpu.memory_space<vmem_shared>>) dst(%dma_wait3A_71 : memref<16x128xf32, #tpu.memory_space<hbm>>)
        tpu.yield
      }) : () -> ()
    } else {
    }
    return
  }
}

#map = affine_map<(d0, d1) -> (0, 0)>
#map1 = affine_map<(d0, d1) -> (0)>
#map2 = affine_map<(d0, d1) -> (0, 0, 0)>
module attributes {stable_mosaic.version = 14 : i64} {
  func.func @sc_scatter_add(%arg0: i32, %arg1: i32, %arg2: memref<160000x128xf32, #tpu.memory_space<hbm>>, %arg3: memref<320000xi32, #tpu.memory_space<hbm>>, %arg4: memref<10000x128xf32, #tpu.memory_space<hbm>>, %arg5: memref<2x10000x128xf32, #tpu.memory_space<hbm>>, %arg6: memref<10000x128xf32, #tpu.memory_space<vmem_shared>>, %arg7: memref<128xi32, #tpu.memory_space<vmem>>, %arg8: memref<128x128xf32, #tpu.memory_space<vmem>>, %arg9: memref<128xi32, #tpu.memory_space<vmem>>, %arg10: memref<128x128xf32, #tpu.memory_space<vmem>>, %arg11: memref<!tpu.dma_semaphore, #tpu.memory_space<semaphore_mem>>, %arg12: memref<!tpu.dma_semaphore, #tpu.memory_space<semaphore_mem>>, %arg13: memref<!tpu.dma_semaphore, #tpu.memory_space<semaphore_mem>>, %arg14: memref<!tpu.dma_semaphore, #tpu.memory_space<semaphore_mem>>) attributes {dimension_semantics = [#tpu.dimension_semantics<core_parallel>, #tpu.dimension_semantics<subcore_parallel>], iteration_bounds = array<i64: 2, 16>, scalar_prefetch = 0 : i64, scratch_operands = 9 : i64, tpu.core_type = #tpu.core_type<sc_vector_subcore>, window_params = [{transform_indices = #map}, {transform_indices = #map1}, {transform_indices = #map}, {transform_indices = #map2}]} {
    %mul3A = arith.constant 2 : i32
    %mul3A_0 = arith.muli %arg1, %mul3A : i32
    %add3A = arith.addi %mul3A_0, %arg0 : i32
    %mul3A_1 = arith.constant 624 : i32
    %mul3A_2 = arith.muli %arg1, %mul3A_1 : i32
    %mul3A_3 = arith.constant 624 : i32
    %mul3A_4 = arith.muli %arg1, %mul3A_3 : i32
    "tpu.region"() ({
      %run_scoped3A = tpu.sem_alloc : memref<!tpu.dma_semaphore, #tpu.memory_space<semaphore_mem>>
      %dma_start3A_56 = arith.constant 0 : i32
      %dma_start3A_57 = tpu.memref_slice %arg6[%mul3A_4, %dma_start3A_56] : memref<10000x128xf32, #tpu.memory_space<vmem_shared>> -> memref<624x128xf32, #tpu.memory_space<vmem_shared>>
      %dma_start3A_58 = arith.constant 0 : i32
      %dma_start3A_59 = tpu.memref_slice %arg4[%mul3A_2, %dma_start3A_58] : memref<10000x128xf32, #tpu.memory_space<hbm>> -> memref<624x128xf32, #tpu.memory_space<hbm>>
      tpu.enqueue_dma source(%dma_start3A_59 : memref<624x128xf32, #tpu.memory_space<hbm>>) target(%dma_start3A_57 : memref<624x128xf32, #tpu.memory_space<vmem_shared>>) target_semaphore(%run_scoped3A : memref<!tpu.dma_semaphore, #tpu.memory_space<semaphore_mem>>)
      %dma_wait3A = arith.constant 0 : i32
      %dma_wait3A_60 = tpu.memref_slice %arg6[%mul3A_4, %dma_wait3A] : memref<10000x128xf32, #tpu.memory_space<vmem_shared>> -> memref<624x128xf32, #tpu.memory_space<vmem_shared>>
      %dma_wait3A_61 = arith.constant 0 : i32
      %dma_wait3A_62 = tpu.memref_slice %arg4[%mul3A_2, %dma_wait3A_61] : memref<10000x128xf32, #tpu.memory_space<hbm>> -> memref<624x128xf32, #tpu.memory_space<hbm>>
      tpu.wait_dma2 semaphore(%run_scoped3A : memref<!tpu.dma_semaphore, #tpu.memory_space<semaphore_mem>>) src(%dma_wait3A_62 : memref<624x128xf32, #tpu.memory_space<hbm>>) dst(%dma_wait3A_60 : memref<624x128xf32, #tpu.memory_space<vmem_shared>>)
      tpu.yield
    }) : () -> ()
    %eq3A = arith.constant 0 : i32
    %eq3A_5 = arith.cmpi eq, %arg1, %eq3A : i32
    %convert_element_type3A = arith.extui %eq3A_5 : i1 to i32
    %cond3A = arith.constant 0 : i32
    %cond3A_6 = arith.cmpi ne, %convert_element_type3A, %cond3A : i32
    scf.if %cond3A_6 {
      "tpu.region"() ({
        %run_scoped3A = tpu.sem_alloc : memref<!tpu.dma_semaphore, #tpu.memory_space<semaphore_mem>>
        %dma_start3A_56 = arith.constant 9984 : i32
        %dma_start3A_57 = arith.constant 0 : i32
        %dma_start3A_58 = tpu.memref_slice %arg6[%dma_start3A_56, %dma_start3A_57] : memref<10000x128xf32, #tpu.memory_space<vmem_shared>> -> memref<16x128xf32, #tpu.memory_space<vmem_shared>>
        %dma_start3A_59 = arith.constant 9984 : i32
        %dma_start3A_60 = arith.constant 0 : i32
        %dma_start3A_61 = tpu.memref_slice %arg4[%dma_start3A_59, %dma_start3A_60] : memref<10000x128xf32, #tpu.memory_space<hbm>> -> memref<16x128xf32, #tpu.memory_space<hbm>>
        tpu.enqueue_dma source(%dma_start3A_61 : memref<16x128xf32, #tpu.memory_space<hbm>>) target(%dma_start3A_58 : memref<16x128xf32, #tpu.memory_space<vmem_shared>>) target_semaphore(%run_scoped3A : memref<!tpu.dma_semaphore, #tpu.memory_space<semaphore_mem>>)
        %dma_wait3A = arith.constant 9984 : i32
        %dma_wait3A_62 = arith.constant 0 : i32
        %dma_wait3A_63 = tpu.memref_slice %arg6[%dma_wait3A, %dma_wait3A_62] : memref<10000x128xf32, #tpu.memory_space<vmem_shared>> -> memref<16x128xf32, #tpu.memory_space<vmem_shared>>
        %dma_wait3A_64 = arith.constant 9984 : i32
        %dma_wait3A_65 = arith.constant 0 : i32
        %dma_wait3A_66 = tpu.memref_slice %arg4[%dma_wait3A_64, %dma_wait3A_65] : memref<10000x128xf32, #tpu.memory_space<hbm>> -> memref<16x128xf32, #tpu.memory_space<hbm>>
        tpu.wait_dma2 semaphore(%run_scoped3A : memref<!tpu.dma_semaphore, #tpu.memory_space<semaphore_mem>>) src(%dma_wait3A_66 : memref<16x128xf32, #tpu.memory_space<hbm>>) dst(%dma_wait3A_63 : memref<16x128xf32, #tpu.memory_space<vmem_shared>>)
        tpu.yield
      }) : () -> ()
    } else {
    }
    %barrier3A = arith.constant 0 : index
    tpu.barrier barrier_id(%barrier3A)
    %add3A_7 = arith.constant 0 : i32
    %add3A_8 = arith.addi %add3A_7, %add3A : i32
    %mul3A_9 = arith.constant 128 : i32
    %mul3A_10 = arith.muli %add3A_8, %mul3A_9 : i32
    %add3A_11 = arith.constant 0 : i32
    %add3A_12 = arith.addi %add3A_11, %mul3A_10 : i32
    %dma_start3A = tpu.memref_slice %arg3[%add3A_12] : memref<320000xi32, #tpu.memory_space<hbm>> -> memref<128xi32, #tpu.memory_space<hbm>>
    %dma_start3A_13 = tpu.memref_slice %arg3[%add3A_12] : memref<320000xi32, #tpu.memory_space<hbm>> -> memref<128xi32, #tpu.memory_space<hbm>>
    tpu.enqueue_dma source(%dma_start3A_13 : memref<128xi32, #tpu.memory_space<hbm>>) target(%arg7 : memref<128xi32, #tpu.memory_space<vmem>>) target_semaphore(%arg11 : memref<!tpu.dma_semaphore, #tpu.memory_space<semaphore_mem>>)
    %add3A_14 = arith.constant 0 : i32
    %add3A_15 = arith.addi %add3A_14, %add3A : i32
    %mul3A_16 = arith.constant 128 : i32
    %mul3A_17 = arith.muli %add3A_15, %mul3A_16 : i32
    %dma_start3A_18 = arith.constant 0 : i32
    %dma_start3A_19 = tpu.memref_slice %arg2[%mul3A_17, %dma_start3A_18] : memref<160000x128xf32, #tpu.memory_space<hbm>> -> memref<128x128xf32, #tpu.memory_space<hbm>>
    %dma_start3A_20 = arith.constant 0 : i32
    %dma_start3A_21 = tpu.memref_slice %arg2[%mul3A_17, %dma_start3A_20] : memref<160000x128xf32, #tpu.memory_space<hbm>> -> memref<128x128xf32, #tpu.memory_space<hbm>>
    tpu.enqueue_dma source(%dma_start3A_21 : memref<128x128xf32, #tpu.memory_space<hbm>>) target(%arg8 : memref<128x128xf32, #tpu.memory_space<vmem>>) target_semaphore(%arg12 : memref<!tpu.dma_semaphore, #tpu.memory_space<semaphore_mem>>)
    %add3A_22 = arith.constant 32 : i32
    %add3A_23 = arith.addi %add3A_22, %add3A : i32
    %mul3A_24 = arith.constant 128 : i32
    %mul3A_25 = arith.muli %add3A_23, %mul3A_24 : i32
    %add3A_26 = arith.constant 0 : i32
    %add3A_27 = arith.addi %add3A_26, %mul3A_25 : i32
    %dma_start3A_28 = tpu.memref_slice %arg3[%add3A_27] : memref<320000xi32, #tpu.memory_space<hbm>> -> memref<128xi32, #tpu.memory_space<hbm>>
    %dma_start3A_29 = tpu.memref_slice %arg3[%add3A_27] : memref<320000xi32, #tpu.memory_space<hbm>> -> memref<128xi32, #tpu.memory_space<hbm>>
    tpu.enqueue_dma source(%dma_start3A_29 : memref<128xi32, #tpu.memory_space<hbm>>) target(%arg9 : memref<128xi32, #tpu.memory_space<vmem>>) target_semaphore(%arg13 : memref<!tpu.dma_semaphore, #tpu.memory_space<semaphore_mem>>)
    %add3A_30 = arith.constant 32 : i32
    %add3A_31 = arith.addi %add3A_30, %add3A : i32
    %mul3A_32 = arith.constant 128 : i32
    %mul3A_33 = arith.muli %add3A_31, %mul3A_32 : i32
    %dma_start3A_34 = arith.constant 0 : i32
    %dma_start3A_35 = tpu.memref_slice %arg2[%mul3A_33, %dma_start3A_34] : memref<160000x128xf32, #tpu.memory_space<hbm>> -> memref<128x128xf32, #tpu.memory_space<hbm>>
    %dma_start3A_36 = arith.constant 0 : i32
    %dma_start3A_37 = tpu.memref_slice %arg2[%mul3A_33, %dma_start3A_36] : memref<160000x128xf32, #tpu.memory_space<hbm>> -> memref<128x128xf32, #tpu.memory_space<hbm>>
    tpu.enqueue_dma source(%dma_start3A_37 : memref<128x128xf32, #tpu.memory_space<hbm>>) target(%arg10 : memref<128x128xf32, #tpu.memory_space<vmem>>) target_semaphore(%arg14 : memref<!tpu.dma_semaphore, #tpu.memory_space<semaphore_mem>>)
    %scan3A = arith.constant 0 : i32
    %scan3A_38 = arith.constant 20 : i32
    %scan3A_39 = arith.addi %scan3A, %scan3A_38 : i32
    %scan3A_40 = arith.constant 1 : i32
    scf.for %scan3A_56 = %scan3A to %scan3A_39 step %scan3A_40  : i32 {
      %mul3A_57 = arith.constant 1 : i32
      %mul3A_58 = arith.muli %scan3A_56, %mul3A_57 : i32
      %add3A_59 = arith.constant 0 : i32
      %add3A_60 = arith.addi %add3A_59, %mul3A_58 : i32
      %mul3A_61 = arith.constant 2 : i32
      %mul3A_62 = arith.muli %mul3A_61, %add3A_60 : i32
      %add3A_63 = arith.constant 0 : i32
      %add3A_64 = arith.addi %mul3A_62, %add3A_63 : i32
      %lt3A_65 = arith.constant 39 : i32
      %lt3A_66 = arith.cmpi slt, %add3A_64, %lt3A_65 : i32
      %convert_element_type3A_67 = arith.extui %lt3A_66 : i1 to i32
      %cond3A_68 = arith.constant 0 : i32
      %cond3A_69 = arith.cmpi ne, %convert_element_type3A_67, %cond3A_68 : i32
      scf.if %cond3A_69 {
        %mul3A_79 = arith.constant 32 : i32
        %mul3A_80 = arith.muli %add3A_64, %mul3A_79 : i32
        %add3A_81 = arith.addi %mul3A_80, %add3A : i32
        %mul3A_82 = arith.constant 128 : i32
        %mul3A_83 = arith.muli %add3A_81, %mul3A_82 : i32
        %add3A_84 = arith.constant 0 : i32
        %add3A_85 = arith.addi %add3A_84, %mul3A_83 : i32
        %dma_wait3A = tpu.memref_slice %arg3[%add3A_85] : memref<320000xi32, #tpu.memory_space<hbm>> -> memref<128xi32, #tpu.memory_space<hbm>>
        %dma_wait3A_86 = tpu.memref_slice %arg3[%add3A_85] : memref<320000xi32, #tpu.memory_space<hbm>> -> memref<128xi32, #tpu.memory_space<hbm>>
        tpu.wait_dma2 semaphore(%arg11 : memref<!tpu.dma_semaphore, #tpu.memory_space<semaphore_mem>>) src(%dma_wait3A_86 : memref<128xi32, #tpu.memory_space<hbm>>) dst(%arg7 : memref<128xi32, #tpu.memory_space<vmem>>)
        %mul3A_87 = arith.constant 32 : i32
        %mul3A_88 = arith.muli %add3A_64, %mul3A_87 : i32
        %add3A_89 = arith.addi %mul3A_88, %add3A : i32
        %mul3A_90 = arith.constant 128 : i32
        %mul3A_91 = arith.muli %add3A_89, %mul3A_90 : i32
        %dma_wait3A_92 = arith.constant 0 : i32
        %dma_wait3A_93 = tpu.memref_slice %arg2[%mul3A_91, %dma_wait3A_92] : memref<160000x128xf32, #tpu.memory_space<hbm>> -> memref<128x128xf32, #tpu.memory_space<hbm>>
        %dma_wait3A_94 = arith.constant 0 : i32
        %dma_wait3A_95 = tpu.memref_slice %arg2[%mul3A_91, %dma_wait3A_94] : memref<160000x128xf32, #tpu.memory_space<hbm>> -> memref<128x128xf32, #tpu.memory_space<hbm>>
        tpu.wait_dma2 semaphore(%arg12 : memref<!tpu.dma_semaphore, #tpu.memory_space<semaphore_mem>>) src(%dma_wait3A_95 : memref<128x128xf32, #tpu.memory_space<hbm>>) dst(%arg8 : memref<128x128xf32, #tpu.memory_space<vmem>>)
        "tpu.region"() ({
          %run_scoped3A = tpu.sem_alloc : memref<!tpu.dma_semaphore, #tpu.memory_space<semaphore_mem>>
          %dma_start3A_103 = arith.constant 0 : i32
          %dma_start3A_104 = arith.constant 0 : i32
          %dma_start3A_105 = tpu.memref_slice %arg6[%dma_start3A_103, %dma_start3A_104] : memref<10000x128xf32, #tpu.memory_space<vmem_shared>> -> memref<10000x128xf32, #tpu.memory_space<vmem_shared>>
          tpu.enqueue_indirect_dma source(%arg8 : memref<128x128xf32, #tpu.memory_space<vmem>>) target(%dma_start3A_105 : memref<10000x128xf32, #tpu.memory_space<vmem_shared>>) offsets(%arg7 : memref<128xi32, #tpu.memory_space<vmem>>) semaphore(%run_scoped3A : memref<!tpu.dma_semaphore, #tpu.memory_space<semaphore_mem>>) {add = true}
          %dma_wait3A_106 = arith.constant 0 : i32
          %dma_wait3A_107 = arith.constant 0 : i32
          %dma_wait3A_108 = tpu.memref_slice %arg6[%dma_wait3A_106, %dma_wait3A_107] : memref<10000x128xf32, #tpu.memory_space<vmem_shared>> -> memref<10000x128xf32, #tpu.memory_space<vmem_shared>>
          tpu.wait_indirect_dma semaphore(%run_scoped3A : memref<!tpu.dma_semaphore, #tpu.memory_space<semaphore_mem>>) src(%arg8 : memref<128x128xf32, #tpu.memory_space<vmem>>) dst(%dma_wait3A_108 : memref<10000x128xf32, #tpu.memory_space<vmem_shared>>)
          tpu.yield
        }) : () -> ()
        %add3A_96 = arith.constant 2 : i32
        %add3A_97 = arith.addi %add3A_64, %add3A_96 : i32
        %lt3A_98 = arith.constant 39 : i32
        %lt3A_99 = arith.cmpi slt, %add3A_97, %lt3A_98 : i32
        %convert_element_type3A_100 = arith.extui %lt3A_99 : i1 to i32
        %cond3A_101 = arith.constant 0 : i32
        %cond3A_102 = arith.cmpi ne, %convert_element_type3A_100, %cond3A_101 : i32
        scf.if %cond3A_102 {
          %add3A_103 = arith.constant 2 : i32
          %add3A_104 = arith.addi %add3A_64, %add3A_103 : i32
          %mul3A_105 = arith.constant 32 : i32
          %mul3A_106 = arith.muli %add3A_104, %mul3A_105 : i32
          %add3A_107 = arith.addi %mul3A_106, %add3A : i32
          %mul3A_108 = arith.constant 128 : i32
          %mul3A_109 = arith.muli %add3A_107, %mul3A_108 : i32
          %add3A_110 = arith.constant 0 : i32
          %add3A_111 = arith.addi %add3A_110, %mul3A_109 : i32
          %dma_start3A_112 = tpu.memref_slice %arg3[%add3A_111] : memref<320000xi32, #tpu.memory_space<hbm>> -> memref<128xi32, #tpu.memory_space<hbm>>
          %dma_start3A_113 = tpu.memref_slice %arg3[%add3A_111] : memref<320000xi32, #tpu.memory_space<hbm>> -> memref<128xi32, #tpu.memory_space<hbm>>
          tpu.enqueue_dma source(%dma_start3A_113 : memref<128xi32, #tpu.memory_space<hbm>>) target(%arg7 : memref<128xi32, #tpu.memory_space<vmem>>) target_semaphore(%arg11 : memref<!tpu.dma_semaphore, #tpu.memory_space<semaphore_mem>>)
          %mul3A_114 = arith.constant 32 : i32
          %mul3A_115 = arith.muli %add3A_104, %mul3A_114 : i32
          %add3A_116 = arith.addi %mul3A_115, %add3A : i32
          %mul3A_117 = arith.constant 128 : i32
          %mul3A_118 = arith.muli %add3A_116, %mul3A_117 : i32
          %dma_start3A_119 = arith.constant 0 : i32
          %dma_start3A_120 = tpu.memref_slice %arg2[%mul3A_118, %dma_start3A_119] : memref<160000x128xf32, #tpu.memory_space<hbm>> -> memref<128x128xf32, #tpu.memory_space<hbm>>
          %dma_start3A_121 = arith.constant 0 : i32
          %dma_start3A_122 = tpu.memref_slice %arg2[%mul3A_118, %dma_start3A_121] : memref<160000x128xf32, #tpu.memory_space<hbm>> -> memref<128x128xf32, #tpu.memory_space<hbm>>
          tpu.enqueue_dma source(%dma_start3A_122 : memref<128x128xf32, #tpu.memory_space<hbm>>) target(%arg8 : memref<128x128xf32, #tpu.memory_space<vmem>>) target_semaphore(%arg12 : memref<!tpu.dma_semaphore, #tpu.memory_space<semaphore_mem>>)
        } else {
        }
      } else {
      }
      %mul3A_70 = arith.constant 2 : i32
      %mul3A_71 = arith.muli %mul3A_70, %add3A_60 : i32
      %add3A_72 = arith.constant 1 : i32
      %add3A_73 = arith.addi %mul3A_71, %add3A_72 : i32
      %lt3A_74 = arith.constant 39 : i32
      %lt3A_75 = arith.cmpi slt, %add3A_73, %lt3A_74 : i32
      %convert_element_type3A_76 = arith.extui %lt3A_75 : i1 to i32
      %cond3A_77 = arith.constant 0 : i32
      %cond3A_78 = arith.cmpi ne, %convert_element_type3A_76, %cond3A_77 : i32
      scf.if %cond3A_78 {
        %mul3A_79 = arith.constant 32 : i32
        %mul3A_80 = arith.muli %add3A_73, %mul3A_79 : i32
        %add3A_81 = arith.addi %mul3A_80, %add3A : i32
        %mul3A_82 = arith.constant 128 : i32
        %mul3A_83 = arith.muli %add3A_81, %mul3A_82 : i32
        %add3A_84 = arith.constant 0 : i32
        %add3A_85 = arith.addi %add3A_84, %mul3A_83 : i32
        %dma_wait3A = tpu.memref_slice %arg3[%add3A_85] : memref<320000xi32, #tpu.memory_space<hbm>> -> memref<128xi32, #tpu.memory_space<hbm>>
        %dma_wait3A_86 = tpu.memref_slice %arg3[%add3A_85] : memref<320000xi32, #tpu.memory_space<hbm>> -> memref<128xi32, #tpu.memory_space<hbm>>
        tpu.wait_dma2 semaphore(%arg13 : memref<!tpu.dma_semaphore, #tpu.memory_space<semaphore_mem>>) src(%dma_wait3A_86 : memref<128xi32, #tpu.memory_space<hbm>>) dst(%arg9 : memref<128xi32, #tpu.memory_space<vmem>>)
        %mul3A_87 = arith.constant 32 : i32
        %mul3A_88 = arith.muli %add3A_73, %mul3A_87 : i32
        %add3A_89 = arith.addi %mul3A_88, %add3A : i32
        %mul3A_90 = arith.constant 128 : i32
        %mul3A_91 = arith.muli %add3A_89, %mul3A_90 : i32
        %dma_wait3A_92 = arith.constant 0 : i32
        %dma_wait3A_93 = tpu.memref_slice %arg2[%mul3A_91, %dma_wait3A_92] : memref<160000x128xf32, #tpu.memory_space<hbm>> -> memref<128x128xf32, #tpu.memory_space<hbm>>
        %dma_wait3A_94 = arith.constant 0 : i32
        %dma_wait3A_95 = tpu.memref_slice %arg2[%mul3A_91, %dma_wait3A_94] : memref<160000x128xf32, #tpu.memory_space<hbm>> -> memref<128x128xf32, #tpu.memory_space<hbm>>
        tpu.wait_dma2 semaphore(%arg14 : memref<!tpu.dma_semaphore, #tpu.memory_space<semaphore_mem>>) src(%dma_wait3A_95 : memref<128x128xf32, #tpu.memory_space<hbm>>) dst(%arg10 : memref<128x128xf32, #tpu.memory_space<vmem>>)
        "tpu.region"() ({
          %run_scoped3A = tpu.sem_alloc : memref<!tpu.dma_semaphore, #tpu.memory_space<semaphore_mem>>
          %dma_start3A_103 = arith.constant 0 : i32
          %dma_start3A_104 = arith.constant 0 : i32
          %dma_start3A_105 = tpu.memref_slice %arg6[%dma_start3A_103, %dma_start3A_104] : memref<10000x128xf32, #tpu.memory_space<vmem_shared>> -> memref<10000x128xf32, #tpu.memory_space<vmem_shared>>
          tpu.enqueue_indirect_dma source(%arg10 : memref<128x128xf32, #tpu.memory_space<vmem>>) target(%dma_start3A_105 : memref<10000x128xf32, #tpu.memory_space<vmem_shared>>) offsets(%arg9 : memref<128xi32, #tpu.memory_space<vmem>>) semaphore(%run_scoped3A : memref<!tpu.dma_semaphore, #tpu.memory_space<semaphore_mem>>) {add = true}
          %dma_wait3A_106 = arith.constant 0 : i32
          %dma_wait3A_107 = arith.constant 0 : i32
          %dma_wait3A_108 = tpu.memref_slice %arg6[%dma_wait3A_106, %dma_wait3A_107] : memref<10000x128xf32, #tpu.memory_space<vmem_shared>> -> memref<10000x128xf32, #tpu.memory_space<vmem_shared>>
          tpu.wait_indirect_dma semaphore(%run_scoped3A : memref<!tpu.dma_semaphore, #tpu.memory_space<semaphore_mem>>) src(%arg10 : memref<128x128xf32, #tpu.memory_space<vmem>>) dst(%dma_wait3A_108 : memref<10000x128xf32, #tpu.memory_space<vmem_shared>>)
          tpu.yield
        }) : () -> ()
        %add3A_96 = arith.constant 2 : i32
        %add3A_97 = arith.addi %add3A_73, %add3A_96 : i32
        %lt3A_98 = arith.constant 39 : i32
        %lt3A_99 = arith.cmpi slt, %add3A_97, %lt3A_98 : i32
        %convert_element_type3A_100 = arith.extui %lt3A_99 : i1 to i32
        %cond3A_101 = arith.constant 0 : i32
        %cond3A_102 = arith.cmpi ne, %convert_element_type3A_100, %cond3A_101 : i32
        scf.if %cond3A_102 {
          %add3A_103 = arith.constant 2 : i32
          %add3A_104 = arith.addi %add3A_73, %add3A_103 : i32
          %mul3A_105 = arith.constant 32 : i32
          %mul3A_106 = arith.muli %add3A_104, %mul3A_105 : i32
          %add3A_107 = arith.addi %mul3A_106, %add3A : i32
          %mul3A_108 = arith.constant 128 : i32
          %mul3A_109 = arith.muli %add3A_107, %mul3A_108 : i32
          %add3A_110 = arith.constant 0 : i32
          %add3A_111 = arith.addi %add3A_110, %mul3A_109 : i32
          %dma_start3A_112 = tpu.memref_slice %arg3[%add3A_111] : memref<320000xi32, #tpu.memory_space<hbm>> -> memref<128xi32, #tpu.memory_space<hbm>>
          %dma_start3A_113 = tpu.memref_slice %arg3[%add3A_111] : memref<320000xi32, #tpu.memory_space<hbm>> -> memref<128xi32, #tpu.memory_space<hbm>>
          tpu.enqueue_dma source(%dma_start3A_113 : memref<128xi32, #tpu.memory_space<hbm>>) target(%arg9 : memref<128xi32, #tpu.memory_space<vmem>>) target_semaphore(%arg13 : memref<!tpu.dma_semaphore, #tpu.memory_space<semaphore_mem>>)
          %mul3A_114 = arith.constant 32 : i32
          %mul3A_115 = arith.muli %add3A_104, %mul3A_114 : i32
          %add3A_116 = arith.addi %mul3A_115, %add3A : i32
          %mul3A_117 = arith.constant 128 : i32
          %mul3A_118 = arith.muli %add3A_116, %mul3A_117 : i32
          %dma_start3A_119 = arith.constant 0 : i32
          %dma_start3A_120 = tpu.memref_slice %arg2[%mul3A_118, %dma_start3A_119] : memref<160000x128xf32, #tpu.memory_space<hbm>> -> memref<128x128xf32, #tpu.memory_space<hbm>>
          %dma_start3A_121 = arith.constant 0 : i32
          %dma_start3A_122 = tpu.memref_slice %arg2[%mul3A_118, %dma_start3A_121] : memref<160000x128xf32, #tpu.memory_space<hbm>> -> memref<128x128xf32, #tpu.memory_space<hbm>>
          tpu.enqueue_dma source(%dma_start3A_122 : memref<128x128xf32, #tpu.memory_space<hbm>>) target(%arg10 : memref<128x128xf32, #tpu.memory_space<vmem>>) target_semaphore(%arg14 : memref<!tpu.dma_semaphore, #tpu.memory_space<semaphore_mem>>)
        } else {
        }
      } else {
      }
    }
    %scan3A_41 = arith.constant 20 : i32
    %lt3A = arith.constant 2 : i32
    %lt3A_42 = arith.cmpi slt, %add3A, %lt3A : i32
    %convert_element_type3A_43 = arith.extui %lt3A_42 : i1 to i32
    %cond3A_44 = arith.constant 0 : i32
    %cond3A_45 = arith.cmpi ne, %convert_element_type3A_43, %cond3A_44 : i32
    scf.if %cond3A_45 {
      %add3A_56 = arith.constant 1248 : i32
      %add3A_57 = arith.addi %add3A_56, %add3A : i32
      %mul3A_58 = arith.constant 128 : i32
      %mul3A_59 = arith.muli %add3A_57, %mul3A_58 : i32
      %add3A_60 = arith.constant 0 : i32
      %add3A_61 = arith.addi %add3A_60, %mul3A_59 : i32
      "tpu.region"() ({
        %run_scoped3A = tpu.sem_alloc : memref<!tpu.dma_semaphore, #tpu.memory_space<semaphore_mem>>
        %dma_start3A_62 = tpu.memref_slice %arg3[%add3A_61] : memref<320000xi32, #tpu.memory_space<hbm>> -> memref<128xi32, #tpu.memory_space<hbm>>
        %dma_start3A_63 = tpu.memref_slice %arg3[%add3A_61] : memref<320000xi32, #tpu.memory_space<hbm>> -> memref<128xi32, #tpu.memory_space<hbm>>
        tpu.enqueue_dma source(%dma_start3A_63 : memref<128xi32, #tpu.memory_space<hbm>>) target(%arg7 : memref<128xi32, #tpu.memory_space<vmem>>) target_semaphore(%run_scoped3A : memref<!tpu.dma_semaphore, #tpu.memory_space<semaphore_mem>>)
        %dma_wait3A = tpu.memref_slice %arg3[%add3A_61] : memref<320000xi32, #tpu.memory_space<hbm>> -> memref<128xi32, #tpu.memory_space<hbm>>
        %dma_wait3A_64 = tpu.memref_slice %arg3[%add3A_61] : memref<320000xi32, #tpu.memory_space<hbm>> -> memref<128xi32, #tpu.memory_space<hbm>>
        tpu.wait_dma2 semaphore(%run_scoped3A : memref<!tpu.dma_semaphore, #tpu.memory_space<semaphore_mem>>) src(%dma_wait3A_64 : memref<128xi32, #tpu.memory_space<hbm>>) dst(%arg7 : memref<128xi32, #tpu.memory_space<vmem>>)
        tpu.yield
      }) : () -> ()
      "tpu.region"() ({
        %run_scoped3A = tpu.sem_alloc : memref<!tpu.dma_semaphore, #tpu.memory_space<semaphore_mem>>
        %dma_start3A_62 = arith.constant 0 : i32
        %dma_start3A_63 = tpu.memref_slice %arg2[%mul3A_59, %dma_start3A_62] : memref<160000x128xf32, #tpu.memory_space<hbm>> -> memref<128x128xf32, #tpu.memory_space<hbm>>
        %dma_start3A_64 = arith.constant 0 : i32
        %dma_start3A_65 = tpu.memref_slice %arg2[%mul3A_59, %dma_start3A_64] : memref<160000x128xf32, #tpu.memory_space<hbm>> -> memref<128x128xf32, #tpu.memory_space<hbm>>
        tpu.enqueue_dma source(%dma_start3A_65 : memref<128x128xf32, #tpu.memory_space<hbm>>) target(%arg8 : memref<128x128xf32, #tpu.memory_space<vmem>>) target_semaphore(%run_scoped3A : memref<!tpu.dma_semaphore, #tpu.memory_space<semaphore_mem>>)
        %dma_wait3A = arith.constant 0 : i32
        %dma_wait3A_66 = tpu.memref_slice %arg2[%mul3A_59, %dma_wait3A] : memref<160000x128xf32, #tpu.memory_space<hbm>> -> memref<128x128xf32, #tpu.memory_space<hbm>>
        %dma_wait3A_67 = arith.constant 0 : i32
        %dma_wait3A_68 = tpu.memref_slice %arg2[%mul3A_59, %dma_wait3A_67] : memref<160000x128xf32, #tpu.memory_space<hbm>> -> memref<128x128xf32, #tpu.memory_space<hbm>>
        tpu.wait_dma2 semaphore(%run_scoped3A : memref<!tpu.dma_semaphore, #tpu.memory_space<semaphore_mem>>) src(%dma_wait3A_68 : memref<128x128xf32, #tpu.memory_space<hbm>>) dst(%arg8 : memref<128x128xf32, #tpu.memory_space<vmem>>)
        tpu.yield
      }) : () -> ()
      "tpu.region"() ({
        %run_scoped3A = tpu.sem_alloc : memref<!tpu.dma_semaphore, #tpu.memory_space<semaphore_mem>>
        %dma_start3A_62 = arith.constant 0 : i32
        %dma_start3A_63 = arith.constant 0 : i32
        %dma_start3A_64 = tpu.memref_slice %arg6[%dma_start3A_62, %dma_start3A_63] : memref<10000x128xf32, #tpu.memory_space<vmem_shared>> -> memref<10000x128xf32, #tpu.memory_space<vmem_shared>>
        tpu.enqueue_indirect_dma source(%arg8 : memref<128x128xf32, #tpu.memory_space<vmem>>) target(%dma_start3A_64 : memref<10000x128xf32, #tpu.memory_space<vmem_shared>>) offsets(%arg7 : memref<128xi32, #tpu.memory_space<vmem>>) semaphore(%run_scoped3A : memref<!tpu.dma_semaphore, #tpu.memory_space<semaphore_mem>>) {add = true}
        %dma_wait3A = arith.constant 0 : i32
        %dma_wait3A_65 = arith.constant 0 : i32
        %dma_wait3A_66 = tpu.memref_slice %arg6[%dma_wait3A, %dma_wait3A_65] : memref<10000x128xf32, #tpu.memory_space<vmem_shared>> -> memref<10000x128xf32, #tpu.memory_space<vmem_shared>>
        tpu.wait_indirect_dma semaphore(%run_scoped3A : memref<!tpu.dma_semaphore, #tpu.memory_space<semaphore_mem>>) src(%arg8 : memref<128x128xf32, #tpu.memory_space<vmem>>) dst(%dma_wait3A_66 : memref<10000x128xf32, #tpu.memory_space<vmem_shared>>)
        tpu.yield
      }) : () -> ()
    } else {
    }
    %barrier3A_46 = arith.constant 0 : index
    tpu.barrier barrier_id(%barrier3A_46)
    %mul3A_47 = arith.constant 624 : i32
    %mul3A_48 = arith.muli %arg1, %mul3A_47 : i32
    %mul3A_49 = arith.constant 624 : i32
    %mul3A_50 = arith.muli %arg1, %mul3A_49 : i32
    "tpu.region"() ({
      %run_scoped3A = tpu.sem_alloc : memref<!tpu.dma_semaphore, #tpu.memory_space<semaphore_mem>>
      %dma_start3A_56 = arith.constant 0 : i32
      %dma_start3A_57 = arith.constant 0 : i32
      %dma_start3A_58 = tpu.memref_slice %arg5[%arg0, %dma_start3A_56, %dma_start3A_57] : memref<2x10000x128xf32, #tpu.memory_space<hbm>> -> memref<1x10000x128xf32, #tpu.memory_space<hbm>>
      %dma_start3A_59 = tpu.memref_squeeze %dma_start3A_58 : memref<1x10000x128xf32, #tpu.memory_space<hbm>> -> memref<10000x128xf32, #tpu.memory_space<hbm>>
      %dma_start3A_60 = arith.constant 0 : i32
      %dma_start3A_61 = tpu.memref_slice %dma_start3A_59[%mul3A_50, %dma_start3A_60] : memref<10000x128xf32, #tpu.memory_space<hbm>> -> memref<624x128xf32, #tpu.memory_space<hbm>>
      %dma_start3A_62 = arith.constant 0 : i32
      %dma_start3A_63 = tpu.memref_slice %arg6[%mul3A_48, %dma_start3A_62] : memref<10000x128xf32, #tpu.memory_space<vmem_shared>> -> memref<624x128xf32, #tpu.memory_space<vmem_shared>>
      tpu.enqueue_dma source(%dma_start3A_63 : memref<624x128xf32, #tpu.memory_space<vmem_shared>>) target(%dma_start3A_61 : memref<624x128xf32, #tpu.memory_space<hbm>>) target_semaphore(%run_scoped3A : memref<!tpu.dma_semaphore, #tpu.memory_space<semaphore_mem>>)
      %dma_wait3A = arith.constant 0 : i32
      %dma_wait3A_64 = arith.constant 0 : i32
      %dma_wait3A_65 = tpu.memref_slice %arg5[%arg0, %dma_wait3A, %dma_wait3A_64] : memref<2x10000x128xf32, #tpu.memory_space<hbm>> -> memref<1x10000x128xf32, #tpu.memory_space<hbm>>
      %dma_wait3A_66 = tpu.memref_squeeze %dma_wait3A_65 : memref<1x10000x128xf32, #tpu.memory_space<hbm>> -> memref<10000x128xf32, #tpu.memory_space<hbm>>
      %dma_wait3A_67 = arith.constant 0 : i32
      %dma_wait3A_68 = tpu.memref_slice %dma_wait3A_66[%mul3A_50, %dma_wait3A_67] : memref<10000x128xf32, #tpu.memory_space<hbm>> -> memref<624x128xf32, #tpu.memory_space<hbm>>
      %dma_wait3A_69 = arith.constant 0 : i32
      %dma_wait3A_70 = tpu.memref_slice %arg6[%mul3A_48, %dma_wait3A_69] : memref<10000x128xf32, #tpu.memory_space<vmem_shared>> -> memref<624x128xf32, #tpu.memory_space<vmem_shared>>
      tpu.wait_dma2 semaphore(%run_scoped3A : memref<!tpu.dma_semaphore, #tpu.memory_space<semaphore_mem>>) src(%dma_wait3A_70 : memref<624x128xf32, #tpu.memory_space<vmem_shared>>) dst(%dma_wait3A_68 : memref<624x128xf32, #tpu.memory_space<hbm>>)
      tpu.yield
    }) : () -> ()
    %eq3A_51 = arith.constant 0 : i32
    %eq3A_52 = arith.cmpi eq, %arg1, %eq3A_51 : i32
    %convert_element_type3A_53 = arith.extui %eq3A_52 : i1 to i32
    %cond3A_54 = arith.constant 0 : i32
    %cond3A_55 = arith.cmpi ne, %convert_element_type3A_53, %cond3A_54 : i32
    scf.if %cond3A_55 {
      "tpu.region"() ({
        %run_scoped3A = tpu.sem_alloc : memref<!tpu.dma_semaphore, #tpu.memory_space<semaphore_mem>>
        %dma_start3A_56 = arith.constant 0 : i32
        %dma_start3A_57 = arith.constant 0 : i32
        %dma_start3A_58 = tpu.memref_slice %arg5[%arg0, %dma_start3A_56, %dma_start3A_57] : memref<2x10000x128xf32, #tpu.memory_space<hbm>> -> memref<1x10000x128xf32, #tpu.memory_space<hbm>>
        %dma_start3A_59 = tpu.memref_squeeze %dma_start3A_58 : memref<1x10000x128xf32, #tpu.memory_space<hbm>> -> memref<10000x128xf32, #tpu.memory_space<hbm>>
        %dma_start3A_60 = arith.constant 9984 : i32
        %dma_start3A_61 = arith.constant 0 : i32
        %dma_start3A_62 = tpu.memref_slice %dma_start3A_59[%dma_start3A_60, %dma_start3A_61] : memref<10000x128xf32, #tpu.memory_space<hbm>> -> memref<16x128xf32, #tpu.memory_space<hbm>>
        %dma_start3A_63 = arith.constant 9984 : i32
        %dma_start3A_64 = arith.constant 0 : i32
        %dma_start3A_65 = tpu.memref_slice %arg6[%dma_start3A_63, %dma_start3A_64] : memref<10000x128xf32, #tpu.memory_space<vmem_shared>> -> memref<16x128xf32, #tpu.memory_space<vmem_shared>>
        tpu.enqueue_dma source(%dma_start3A_65 : memref<16x128xf32, #tpu.memory_space<vmem_shared>>) target(%dma_start3A_62 : memref<16x128xf32, #tpu.memory_space<hbm>>) target_semaphore(%run_scoped3A : memref<!tpu.dma_semaphore, #tpu.memory_space<semaphore_mem>>)
        %dma_wait3A = arith.constant 0 : i32
        %dma_wait3A_66 = arith.constant 0 : i32
        %dma_wait3A_67 = tpu.memref_slice %arg5[%arg0, %dma_wait3A, %dma_wait3A_66] : memref<2x10000x128xf32, #tpu.memory_space<hbm>> -> memref<1x10000x128xf32, #tpu.memory_space<hbm>>
        %dma_wait3A_68 = tpu.memref_squeeze %dma_wait3A_67 : memref<1x10000x128xf32, #tpu.memory_space<hbm>> -> memref<10000x128xf32, #tpu.memory_space<hbm>>
        %dma_wait3A_69 = arith.constant 9984 : i32
        %dma_wait3A_70 = arith.constant 0 : i32
        %dma_wait3A_71 = tpu.memref_slice %dma_wait3A_68[%dma_wait3A_69, %dma_wait3A_70] : memref<10000x128xf32, #tpu.memory_space<hbm>> -> memref<16x128xf32, #tpu.memory_space<hbm>>
        %dma_wait3A_72 = arith.constant 9984 : i32
        %dma_wait3A_73 = arith.constant 0 : i32
        %dma_wait3A_74 = tpu.memref_slice %arg6[%dma_wait3A_72, %dma_wait3A_73] : memref<10000x128xf32, #tpu.memory_space<vmem_shared>> -> memref<16x128xf32, #tpu.memory_space<vmem_shared>>
        tpu.wait_dma2 semaphore(%run_scoped3A : memref<!tpu.dma_semaphore, #tpu.memory_space<semaphore_mem>>) src(%dma_wait3A_74 : memref<16x128xf32, #tpu.memory_space<vmem_shared>>) dst(%dma_wait3A_71 : memref<16x128xf32, #tpu.memory_space<hbm>>)
        tpu.yield
      }) : () -> ()
    } else {
    }
    return
  }
}

module attributes {stable_mosaic.version = 14 : i64} {
  func.func @_proj_body(%arg0: i32, %arg1: memref<2000x128xf32, #tpu.memory_space<vmem>>, %arg2: memref<128x128xf32, #tpu.memory_space<vmem>>, %arg3: memref<128x128xf32, #tpu.memory_space<vmem>>, %arg4: memref<1x128xf32, #tpu.memory_space<vmem>>, %arg5: memref<2000x128xf32, #tpu.memory_space<vmem>>, %arg6: memref<2000x128xf32, #tpu.memory_space<vmem>>) attributes {dimension_semantics = [#tpu.dimension_semantics<arbitrary>], iteration_bounds = array<i64: 5>, scalar_prefetch = 0 : i64, scratch_operands = 0 : i64, tpu.core_type = #tpu.core_type<tc>, window_params = [{transform_indices = @transform_0, window_bounds = array<i64: 2000, 128>}, {pipeline_mode = #tpu.pipeline_mode<synchronous>, transform_indices = @transform_1, window_bounds = array<i64: 128, 128>}, {pipeline_mode = #tpu.pipeline_mode<synchronous>, transform_indices = @transform_2, window_bounds = array<i64: 128, 128>}, {pipeline_mode = #tpu.pipeline_mode<synchronous>, transform_indices = @transform_3, window_bounds = array<i64: 1, 128>}, {transform_indices = @transform_4, window_bounds = array<i64: 2000, 128>}, {transform_indices = @transform_5, window_bounds = array<i64: 2000, 128>}]} {
    %get3A = arith.constant 0 : index
    %get3A_0 = arith.constant 0 : index
    %get3A_1 = vector.load %arg1[%get3A, %get3A_0] : memref<2000x128xf32, #tpu.memory_space<vmem>>, vector<2000x128xf32>
    %get3A_2 = arith.constant 0 : index
    %get3A_3 = arith.constant 0 : index
    %get3A_4 = vector.load %arg2[%get3A_2, %get3A_3] : memref<128x128xf32, #tpu.memory_space<vmem>>, vector<128x128xf32>
    %dot_general3A = arith.constant dense<0.000000e+00> : vector<2000x128xf32>
    %dot_general3A_5 = tpu.matmul %get3A_1, %get3A_4, %dot_general3A {dimension_numbers = #tpu.dot_dimension_numbers<[1], [0], [0], [1], [0, 0, 1, 1], [], []>, transpose_lhs_hint = false} : vector<2000x128xf32>, vector<128x128xf32>, vector<2000x128xf32> -> vector<2000x128xf32>
    %get3A_6 = arith.constant 0 : index
    %get3A_7 = arith.constant 0 : index
    %get3A_8 = vector.load %arg4[%get3A_6, %get3A_7] : memref<1x128xf32, #tpu.memory_space<vmem>>, vector<1x128xf32>
    %add3A = vector.broadcast %get3A_8 : vector<1x128xf32> to vector<2000x128xf32>
    %add3A_9 = arith.addf %dot_general3A_5, %add3A : vector<2000x128xf32>
    %swap3A = arith.constant 0 : index
    %swap3A_10 = arith.constant 0 : index
    %swap3A_11 = vector.load %arg5[%swap3A, %swap3A_10] : memref<2000x128xf32, #tpu.memory_space<vmem>>, vector<2000x128xf32>
    tpu.vector_store %arg5[%swap3A, %swap3A_10], %add3A_9 {strides = array<i32>} : memref<2000x128xf32, #tpu.memory_space<vmem>>, vector<2000x128xf32>,
    %get3A_12 = arith.constant 0 : index
    %get3A_13 = arith.constant 0 : index
    %get3A_14 = vector.load %arg3[%get3A_12, %get3A_13] : memref<128x128xf32, #tpu.memory_space<vmem>>, vector<128x128xf32>
    %dot_general3A_15 = arith.constant dense<0.000000e+00> : vector<2000x128xf32>
    %dot_general3A_16 = tpu.matmul %get3A_1, %get3A_14, %dot_general3A_15 {dimension_numbers = #tpu.dot_dimension_numbers<[1], [0], [0], [1], [0, 0, 1, 1], [], []>, transpose_lhs_hint = false} : vector<2000x128xf32>, vector<128x128xf32>, vector<2000x128xf32> -> vector<2000x128xf32>
    %swap3A_17 = arith.constant 0 : index
    %swap3A_18 = arith.constant 0 : index
    %swap3A_19 = vector.load %arg6[%swap3A_17, %swap3A_18] : memref<2000x128xf32, #tpu.memory_space<vmem>>, vector<2000x128xf32>
    tpu.vector_store %arg6[%swap3A_17, %swap3A_18], %dot_general3A_16 {strides = array<i32>} : memref<2000x128xf32, #tpu.memory_space<vmem>>, vector<2000x128xf32>,
    return
  }
  func.func @transform_0(%arg0: i32) -> (i32, i32) {
    %c0_i32 = arith.constant 0 : i32
    %c0_i32_0 = arith.constant 0 : i32
    return %arg0, %c0_i32 : i32, i32
  }
  func.func @transform_1(%arg0: i32) -> (i32, i32) {
    %c0_i32 = arith.constant 0 : i32
    %c0_i32_0 = arith.constant 0 : i32
    %c0_i32_1 = arith.constant 0 : i32
    return %c0_i32, %c0_i32_0 : i32, i32
  }
  func.func @transform_2(%arg0: i32) -> (i32, i32) {
    %c0_i32 = arith.constant 0 : i32
    %c0_i32_0 = arith.constant 0 : i32
    %c0_i32_1 = arith.constant 0 : i32
    return %c0_i32, %c0_i32_0 : i32, i32
  }
  func.func @transform_3(%arg0: i32) -> (i32, i32) {
    %c0_i32 = arith.constant 0 : i32
    %c0_i32_0 = arith.constant 0 : i32
    %c0_i32_1 = arith.constant 0 : i32
    return %c0_i32, %c0_i32_0 : i32, i32
  }
  func.func @transform_4(%arg0: i32) -> (i32, i32) {
    %c0_i32 = arith.constant 0 : i32
    %c0_i32_0 = arith.constant 0 : i32
    return %arg0, %c0_i32 : i32, i32
  }
  func.func @transform_5(%arg0: i32) -> (i32, i32) {
    %c0_i32 = arith.constant 0 : i32
    %c0_i32_0 = arith.constant 0 : i32
    return %arg0, %c0_i32 : i32, i32
  }
}

module attributes {stable_mosaic.version = 14 : i64} {
  func.func @_edge_body(%arg0: i32, %arg1: memref<3200x64xf32, #tpu.memory_space<vmem>>, %arg2: memref<3200x128xf32, #tpu.memory_space<vmem>>, %arg3: memref<3200x128xf32, #tpu.memory_space<vmem>>, %arg4: memref<64x128xf32, #tpu.memory_space<vmem>>, %arg5: memref<128x64xf32, #tpu.memory_space<vmem>>, %arg6: memref<1x64xf32, #tpu.memory_space<vmem>>, %arg7: memref<3200x128xf32, #tpu.memory_space<vmem>>) attributes {dimension_semantics = [#tpu.dimension_semantics<arbitrary>], iteration_bounds = array<i64: 50>, scalar_prefetch = 0 : i64, scratch_operands = 0 : i64, tpu.core_type = #tpu.core_type<tc>, window_params = [{transform_indices = @transform_0, window_bounds = array<i64: 3200, 64>}, {transform_indices = @transform_1, window_bounds = array<i64: 3200, 128>}, {transform_indices = @transform_2, window_bounds = array<i64: 3200, 128>}, {pipeline_mode = #tpu.pipeline_mode<synchronous>, transform_indices = @transform_3, window_bounds = array<i64: 64, 128>}, {pipeline_mode = #tpu.pipeline_mode<synchronous>, transform_indices = @transform_4, window_bounds = array<i64: 128, 64>}, {pipeline_mode = #tpu.pipeline_mode<synchronous>, transform_indices = @transform_5, window_bounds = array<i64: 1, 64>}, {transform_indices = @transform_6, window_bounds = array<i64: 3200, 128>}]} {
    %get3A = arith.constant 0 : index
    %get3A_0 = arith.constant 0 : index
    %get3A_1 = vector.load %arg1[%get3A, %get3A_0] : memref<3200x64xf32, #tpu.memory_space<vmem>>, vector<3200x64xf32>
    %get3A_2 = arith.constant 0 : index
    %get3A_3 = arith.constant 0 : index
    %get3A_4 = vector.load %arg4[%get3A_2, %get3A_3] : memref<64x128xf32, #tpu.memory_space<vmem>>, vector<64x128xf32>
    %dot_general3A = arith.constant dense<0.000000e+00> : vector<3200x128xf32>
    %dot_general3A_5 = tpu.matmul %get3A_1, %get3A_4, %dot_general3A {dimension_numbers = #tpu.dot_dimension_numbers<[1], [0], [0], [1], [0, 0, 1, 1], [], []>, transpose_lhs_hint = false} : vector<3200x64xf32>, vector<64x128xf32>, vector<3200x128xf32> -> vector<3200x128xf32>
    %get3A_6 = arith.constant 0 : index
    %get3A_7 = arith.constant 0 : index
    %get3A_8 = vector.load %arg2[%get3A_6, %get3A_7] : memref<3200x128xf32, #tpu.memory_space<vmem>>, vector<3200x128xf32>
    %add3A = arith.addf %dot_general3A_5, %get3A_8 : vector<3200x128xf32>
    %get3A_9 = arith.constant 0 : index
    %get3A_10 = arith.constant 0 : index
    %get3A_11 = vector.load %arg3[%get3A_9, %get3A_10] : memref<3200x128xf32, #tpu.memory_space<vmem>>, vector<3200x128xf32>
    %add3A_12 = arith.addf %add3A, %get3A_11 : vector<3200x128xf32>
    %max3A = arith.constant 0.000000e+00 : f32
    %max3A_13 = vector.broadcast %max3A : f32 to vector<3200x128xf32>
    %max3A_14 = arith.maximumf %add3A_12, %max3A_13 : vector<3200x128xf32>
    %get3A_15 = arith.constant 0 : index
    %get3A_16 = arith.constant 0 : index
    %get3A_17 = vector.load %arg5[%get3A_15, %get3A_16] : memref<128x64xf32, #tpu.memory_space<vmem>>, vector<128x64xf32>
    %dot_general3A_18 = arith.constant dense<0.000000e+00> : vector<3200x64xf32>
    %dot_general3A_19 = tpu.matmul %max3A_14, %get3A_17, %dot_general3A_18 {dimension_numbers = #tpu.dot_dimension_numbers<[1], [0], [0], [1], [0, 0, 1, 1], [], []>, transpose_lhs_hint = false} : vector<3200x128xf32>, vector<128x64xf32>, vector<3200x64xf32> -> vector<3200x64xf32>
    %add3A_20 = arith.addf %get3A_1, %dot_general3A_19 : vector<3200x64xf32>
    %get3A_21 = arith.constant 0 : index
    %get3A_22 = arith.constant 0 : index
    %get3A_23 = vector.load %arg6[%get3A_21, %get3A_22] : memref<1x64xf32, #tpu.memory_space<vmem>>, vector<1x64xf32>
    %add3A_24 = vector.broadcast %get3A_23 : vector<1x64xf32> to vector<3200x64xf32>
    %add3A_25 = arith.addf %add3A_20, %add3A_24 : vector<3200x64xf32>
    %broadcast_in_dim3A = arith.constant 0.000000e+00 : f32
    %broadcast_in_dim3A_26 = vector.broadcast %broadcast_in_dim3A : f32 to vector<3200x64xf32>
    %concatenate3A = tpu.concatenate %add3A_25, %broadcast_in_dim3A_26 in 1 : vector<3200x64xf32>, vector<3200x64xf32> -> vector<3200x128xf32>
    %swap3A = arith.constant 0 : index
    %swap3A_27 = arith.constant 0 : index
    %swap3A_28 = vector.load %arg7[%swap3A, %swap3A_27] : memref<3200x128xf32, #tpu.memory_space<vmem>>, vector<3200x128xf32>
    tpu.vector_store %arg7[%swap3A, %swap3A_27], %concatenate3A {strides = array<i32>} : memref<3200x128xf32, #tpu.memory_space<vmem>>, vector<3200x128xf32>,
    return
  }
  func.func @transform_0(%arg0: i32) -> (i32, i32) {
    %add3A = arith.constant 0 : i32
    %add3A_0 = arith.addi %arg0, %add3A : i32
    %c0_i32 = arith.constant 0 : i32
    %c0_i32_1 = arith.constant 0 : i32
    return %add3A_0, %c0_i32 : i32, i32
  }
  func.func @transform_1(%arg0: i32) -> (i32, i32) {
    %c0_i32 = arith.constant 0 : i32
    %c0_i32_0 = arith.constant 0 : i32
    return %arg0, %c0_i32 : i32, i32
  }
  func.func @transform_2(%arg0: i32) -> (i32, i32) {
    %c0_i32 = arith.constant 0 : i32
    %c0_i32_0 = arith.constant 0 : i32
    return %arg0, %c0_i32 : i32, i32
  }
  func.func @transform_3(%arg0: i32) -> (i32, i32) {
    %c0_i32 = arith.constant 0 : i32
    %c0_i32_0 = arith.constant 0 : i32
    %c0_i32_1 = arith.constant 0 : i32
    return %c0_i32, %c0_i32_0 : i32, i32
  }
  func.func @transform_4(%arg0: i32) -> (i32, i32) {
    %c0_i32 = arith.constant 0 : i32
    %c0_i32_0 = arith.constant 0 : i32
    %c0_i32_1 = arith.constant 0 : i32
    return %c0_i32, %c0_i32_0 : i32, i32
  }
  func.func @transform_5(%arg0: i32) -> (i32, i32) {
    %c0_i32 = arith.constant 0 : i32
    %c0_i32_0 = arith.constant 0 : i32
    %c0_i32_1 = arith.constant 0 : i32
    return %c0_i32, %c0_i32_0 : i32, i32
  }
  func.func @transform_6(%arg0: i32) -> (i32, i32) {
    %c0_i32 = arith.constant 0 : i32
    %c0_i32_0 = arith.constant 0 : i32
    return %arg0, %c0_i32 : i32, i32
  }
}

module attributes {stable_mosaic.version = 14 : i64} {
  func.func @_edge_body(%arg0: i32, %arg1: memref<3200x64xf32, #tpu.memory_space<vmem>>, %arg2: memref<3200x128xf32, #tpu.memory_space<vmem>>, %arg3: memref<3200x128xf32, #tpu.memory_space<vmem>>, %arg4: memref<64x128xf32, #tpu.memory_space<vmem>>, %arg5: memref<128x64xf32, #tpu.memory_space<vmem>>, %arg6: memref<1x64xf32, #tpu.memory_space<vmem>>, %arg7: memref<3200x128xf32, #tpu.memory_space<vmem>>) attributes {dimension_semantics = [#tpu.dimension_semantics<arbitrary>], iteration_bounds = array<i64: 50>, scalar_prefetch = 0 : i64, scratch_operands = 0 : i64, tpu.core_type = #tpu.core_type<tc>, window_params = [{transform_indices = @transform_0, window_bounds = array<i64: 3200, 64>}, {transform_indices = @transform_1, window_bounds = array<i64: 3200, 128>}, {transform_indices = @transform_2, window_bounds = array<i64: 3200, 128>}, {pipeline_mode = #tpu.pipeline_mode<synchronous>, transform_indices = @transform_3, window_bounds = array<i64: 64, 128>}, {pipeline_mode = #tpu.pipeline_mode<synchronous>, transform_indices = @transform_4, window_bounds = array<i64: 128, 64>}, {pipeline_mode = #tpu.pipeline_mode<synchronous>, transform_indices = @transform_5, window_bounds = array<i64: 1, 64>}, {transform_indices = @transform_6, window_bounds = array<i64: 3200, 128>}]} {
    %get3A = arith.constant 0 : index
    %get3A_0 = arith.constant 0 : index
    %get3A_1 = vector.load %arg1[%get3A, %get3A_0] : memref<3200x64xf32, #tpu.memory_space<vmem>>, vector<3200x64xf32>
    %get3A_2 = arith.constant 0 : index
    %get3A_3 = arith.constant 0 : index
    %get3A_4 = vector.load %arg4[%get3A_2, %get3A_3] : memref<64x128xf32, #tpu.memory_space<vmem>>, vector<64x128xf32>
    %dot_general3A = arith.constant dense<0.000000e+00> : vector<3200x128xf32>
    %dot_general3A_5 = tpu.matmul %get3A_1, %get3A_4, %dot_general3A {dimension_numbers = #tpu.dot_dimension_numbers<[1], [0], [0], [1], [0, 0, 1, 1], [], []>, transpose_lhs_hint = false} : vector<3200x64xf32>, vector<64x128xf32>, vector<3200x128xf32> -> vector<3200x128xf32>
    %get3A_6 = arith.constant 0 : index
    %get3A_7 = arith.constant 0 : index
    %get3A_8 = vector.load %arg2[%get3A_6, %get3A_7] : memref<3200x128xf32, #tpu.memory_space<vmem>>, vector<3200x128xf32>
    %add3A = arith.addf %dot_general3A_5, %get3A_8 : vector<3200x128xf32>
    %get3A_9 = arith.constant 0 : index
    %get3A_10 = arith.constant 0 : index
    %get3A_11 = vector.load %arg3[%get3A_9, %get3A_10] : memref<3200x128xf32, #tpu.memory_space<vmem>>, vector<3200x128xf32>
    %add3A_12 = arith.addf %add3A, %get3A_11 : vector<3200x128xf32>
    %max3A = arith.constant 0.000000e+00 : f32
    %max3A_13 = vector.broadcast %max3A : f32 to vector<3200x128xf32>
    %max3A_14 = arith.maximumf %add3A_12, %max3A_13 : vector<3200x128xf32>
    %get3A_15 = arith.constant 0 : index
    %get3A_16 = arith.constant 0 : index
    %get3A_17 = vector.load %arg5[%get3A_15, %get3A_16] : memref<128x64xf32, #tpu.memory_space<vmem>>, vector<128x64xf32>
    %dot_general3A_18 = arith.constant dense<0.000000e+00> : vector<3200x64xf32>
    %dot_general3A_19 = tpu.matmul %max3A_14, %get3A_17, %dot_general3A_18 {dimension_numbers = #tpu.dot_dimension_numbers<[1], [0], [0], [1], [0, 0, 1, 1], [], []>, transpose_lhs_hint = false} : vector<3200x128xf32>, vector<128x64xf32>, vector<3200x64xf32> -> vector<3200x64xf32>
    %add3A_20 = arith.addf %get3A_1, %dot_general3A_19 : vector<3200x64xf32>
    %get3A_21 = arith.constant 0 : index
    %get3A_22 = arith.constant 0 : index
    %get3A_23 = vector.load %arg6[%get3A_21, %get3A_22] : memref<1x64xf32, #tpu.memory_space<vmem>>, vector<1x64xf32>
    %add3A_24 = vector.broadcast %get3A_23 : vector<1x64xf32> to vector<3200x64xf32>
    %add3A_25 = arith.addf %add3A_20, %add3A_24 : vector<3200x64xf32>
    %broadcast_in_dim3A = arith.constant 0.000000e+00 : f32
    %broadcast_in_dim3A_26 = vector.broadcast %broadcast_in_dim3A : f32 to vector<3200x64xf32>
    %concatenate3A = tpu.concatenate %add3A_25, %broadcast_in_dim3A_26 in 1 : vector<3200x64xf32>, vector<3200x64xf32> -> vector<3200x128xf32>
    %swap3A = arith.constant 0 : index
    %swap3A_27 = arith.constant 0 : index
    %swap3A_28 = vector.load %arg7[%swap3A, %swap3A_27] : memref<3200x128xf32, #tpu.memory_space<vmem>>, vector<3200x128xf32>
    tpu.vector_store %arg7[%swap3A, %swap3A_27], %concatenate3A {strides = array<i32>} : memref<3200x128xf32, #tpu.memory_space<vmem>>, vector<3200x128xf32>,
    return
  }
  func.func @transform_0(%arg0: i32) -> (i32, i32) {
    %add3A = arith.constant 50 : i32
    %add3A_0 = arith.addi %arg0, %add3A : i32
    %c0_i32 = arith.constant 0 : i32
    %c0_i32_1 = arith.constant 0 : i32
    return %add3A_0, %c0_i32 : i32, i32
  }
  func.func @transform_1(%arg0: i32) -> (i32, i32) {
    %c0_i32 = arith.constant 0 : i32
    %c0_i32_0 = arith.constant 0 : i32
    return %arg0, %c0_i32 : i32, i32
  }
  func.func @transform_2(%arg0: i32) -> (i32, i32) {
    %c0_i32 = arith.constant 0 : i32
    %c0_i32_0 = arith.constant 0 : i32
    return %arg0, %c0_i32 : i32, i32
  }
  func.func @transform_3(%arg0: i32) -> (i32, i32) {
    %c0_i32 = arith.constant 0 : i32
    %c0_i32_0 = arith.constant 0 : i32
    %c0_i32_1 = arith.constant 0 : i32
    return %c0_i32, %c0_i32_0 : i32, i32
  }
  func.func @transform_4(%arg0: i32) -> (i32, i32) {
    %c0_i32 = arith.constant 0 : i32
    %c0_i32_0 = arith.constant 0 : i32
    %c0_i32_1 = arith.constant 0 : i32
    return %c0_i32, %c0_i32_0 : i32, i32
  }
  func.func @transform_5(%arg0: i32) -> (i32, i32) {
    %c0_i32 = arith.constant 0 : i32
    %c0_i32_0 = arith.constant 0 : i32
    %c0_i32_1 = arith.constant 0 : i32
    return %c0_i32, %c0_i32_0 : i32, i32
  }
  func.func @transform_6(%arg0: i32) -> (i32, i32) {
    %c0_i32 = arith.constant 0 : i32
    %c0_i32_0 = arith.constant 0 : i32
    return %arg0, %c0_i32 : i32, i32
  }
}

module attributes {stable_mosaic.version = 14 : i64} {
  func.func @body(%arg0: i32, %arg1: memref<2000x128xf32, #tpu.memory_space<vmem>>, %arg2: memref<2000x128xf32, #tpu.memory_space<vmem>>, %arg3: memref<2000x128xf32, #tpu.memory_space<vmem>>, %arg4: memref<2000x128xf32, #tpu.memory_space<vmem>>, %arg5: memref<2000x128xf32, #tpu.memory_space<vmem>>, %arg6: memref<128x128xf32, #tpu.memory_space<vmem>>, %arg7: memref<128x128xf32, #tpu.memory_space<vmem>>, %arg8: memref<1x128xf32, #tpu.memory_space<vmem>>, %arg9: memref<128x128xf32, #tpu.memory_space<vmem>>, %arg10: memref<1x128xf32, #tpu.memory_space<vmem>>, %arg11: memref<2000x128xf32, #tpu.memory_space<vmem>>) attributes {dimension_semantics = [#tpu.dimension_semantics<arbitrary>], iteration_bounds = array<i64: 5>, scalar_prefetch = 0 : i64, scratch_operands = 0 : i64, tpu.core_type = #tpu.core_type<tc>, window_params = [{transform_indices = @transform_0, window_bounds = array<i64: 2000, 128>}, {transform_indices = @transform_1, window_bounds = array<i64: 2000, 128>}, {transform_indices = @transform_2, window_bounds = array<i64: 2000, 128>}, {transform_indices = @transform_3, window_bounds = array<i64: 2000, 128>}, {transform_indices = @transform_4, window_bounds = array<i64: 2000, 128>}, {pipeline_mode = #tpu.pipeline_mode<synchronous>, transform_indices = @transform_5, window_bounds = array<i64: 128, 128>}, {pipeline_mode = #tpu.pipeline_mode<synchronous>, transform_indices = @transform_6, window_bounds = array<i64: 128, 128>}, {pipeline_mode = #tpu.pipeline_mode<synchronous>, transform_indices = @transform_7, window_bounds = array<i64: 1, 128>}, {pipeline_mode = #tpu.pipeline_mode<synchronous>, transform_indices = @transform_8, window_bounds = array<i64: 128, 128>}, {pipeline_mode = #tpu.pipeline_mode<synchronous>, transform_indices = @transform_9, window_bounds = array<i64: 1, 128>}, {transform_indices = @transform_10, window_bounds = array<i64: 2000, 128>}]} {
    %get3A = arith.constant 0 : index
    %get3A_0 = arith.constant 0 : index
    %get3A_1 = vector.load %arg1[%get3A, %get3A_0] : memref<2000x128xf32, #tpu.memory_space<vmem>>, vector<2000x128xf32>
    %get3A_2 = arith.constant 0 : index
    %get3A_3 = arith.constant 0 : index
    %get3A_4 = vector.load %arg2[%get3A_2, %get3A_3] : memref<2000x128xf32, #tpu.memory_space<vmem>>, vector<2000x128xf32>
    %get3A_5 = arith.constant 0 : index
    %get3A_6 = arith.constant 0 : index
    %get3A_7 = vector.load %arg3[%get3A_5, %get3A_6] : memref<2000x128xf32, #tpu.memory_space<vmem>>, vector<2000x128xf32>
    %add3A = arith.addf %get3A_4, %get3A_7 : vector<2000x128xf32>
    %get3A_8 = arith.constant 0 : index
    %get3A_9 = arith.constant 0 : index
    %get3A_10 = vector.load %arg4[%get3A_8, %get3A_9] : memref<2000x128xf32, #tpu.memory_space<vmem>>, vector<2000x128xf32>
    %add3A_11 = arith.addf %add3A, %get3A_10 : vector<2000x128xf32>
    %get3A_12 = arith.constant 0 : index
    %get3A_13 = arith.constant 0 : index
    %get3A_14 = vector.load %arg5[%get3A_12, %get3A_13] : memref<2000x128xf32, #tpu.memory_space<vmem>>, vector<2000x128xf32>
    %add3A_15 = arith.addf %add3A_11, %get3A_14 : vector<2000x128xf32>
    %get3A_16 = arith.constant 0 : index
    %get3A_17 = arith.constant 0 : index
    %get3A_18 = vector.load %arg6[%get3A_16, %get3A_17] : memref<128x128xf32, #tpu.memory_space<vmem>>, vector<128x128xf32>
    %dot_general3A = arith.constant dense<0.000000e+00> : vector<2000x128xf32>
    %dot_general3A_19 = tpu.matmul %get3A_1, %get3A_18, %dot_general3A {dimension_numbers = #tpu.dot_dimension_numbers<[1], [0], [0], [1], [0, 0, 1, 1], [], []>, transpose_lhs_hint = false} : vector<2000x128xf32>, vector<128x128xf32>, vector<2000x128xf32> -> vector<2000x128xf32>
    %get3A_20 = arith.constant 0 : index
    %get3A_21 = arith.constant 0 : index
    %get3A_22 = vector.load %arg7[%get3A_20, %get3A_21] : memref<128x128xf32, #tpu.memory_space<vmem>>, vector<128x128xf32>
    %dot_general3A_23 = arith.constant dense<0.000000e+00> : vector<2000x128xf32>
    %dot_general3A_24 = tpu.matmul %add3A_15, %get3A_22, %dot_general3A_23 {dimension_numbers = #tpu.dot_dimension_numbers<[1], [0], [0], [1], [0, 0, 1, 1], [], []>, transpose_lhs_hint = false} : vector<2000x128xf32>, vector<128x128xf32>, vector<2000x128xf32> -> vector<2000x128xf32>
    %add3A_25 = arith.addf %dot_general3A_19, %dot_general3A_24 : vector<2000x128xf32>
    %get3A_26 = arith.constant 0 : index
    %get3A_27 = arith.constant 0 : index
    %get3A_28 = vector.load %arg8[%get3A_26, %get3A_27] : memref<1x128xf32, #tpu.memory_space<vmem>>, vector<1x128xf32>
    %add3A_29 = vector.broadcast %get3A_28 : vector<1x128xf32> to vector<2000x128xf32>
    %add3A_30 = arith.addf %add3A_25, %add3A_29 : vector<2000x128xf32>
    %max3A = arith.constant 0.000000e+00 : f32
    %max3A_31 = vector.broadcast %max3A : f32 to vector<2000x128xf32>
    %max3A_32 = arith.maximumf %add3A_30, %max3A_31 : vector<2000x128xf32>
    %get3A_33 = arith.constant 0 : index
    %get3A_34 = arith.constant 0 : index
    %get3A_35 = vector.load %arg9[%get3A_33, %get3A_34] : memref<128x128xf32, #tpu.memory_space<vmem>>, vector<128x128xf32>
    %dot_general3A_36 = arith.constant dense<0.000000e+00> : vector<2000x128xf32>
    %dot_general3A_37 = tpu.matmul %max3A_32, %get3A_35, %dot_general3A_36 {dimension_numbers = #tpu.dot_dimension_numbers<[1], [0], [0], [1], [0, 0, 1, 1], [], []>, transpose_lhs_hint = false} : vector<2000x128xf32>, vector<128x128xf32>, vector<2000x128xf32> -> vector<2000x128xf32>
    %add3A_38 = arith.addf %get3A_1, %dot_general3A_37 : vector<2000x128xf32>
    %get3A_39 = arith.constant 0 : index
    %get3A_40 = arith.constant 0 : index
    %get3A_41 = vector.load %arg10[%get3A_39, %get3A_40] : memref<1x128xf32, #tpu.memory_space<vmem>>, vector<1x128xf32>
    %add3A_42 = vector.broadcast %get3A_41 : vector<1x128xf32> to vector<2000x128xf32>
    %add3A_43 = arith.addf %add3A_38, %add3A_42 : vector<2000x128xf32>
    %swap3A = arith.constant 0 : index
    %swap3A_44 = arith.constant 0 : index
    %swap3A_45 = vector.load %arg11[%swap3A, %swap3A_44] : memref<2000x128xf32, #tpu.memory_space<vmem>>, vector<2000x128xf32>
    tpu.vector_store %arg11[%swap3A, %swap3A_44], %add3A_43 {strides = array<i32>} : memref<2000x128xf32, #tpu.memory_space<vmem>>, vector<2000x128xf32>,
    return
  }
  func.func @transform_0(%arg0: i32) -> (i32, i32) {
    %c0_i32 = arith.constant 0 : i32
    %c0_i32_0 = arith.constant 0 : i32
    return %arg0, %c0_i32 : i32, i32
  }
  func.func @transform_1(%arg0: i32) -> (i32, i32) {
    %c0_i32 = arith.constant 0 : i32
    %c0_i32_0 = arith.constant 0 : i32
    return %arg0, %c0_i32 : i32, i32
  }
  func.func @transform_2(%arg0: i32) -> (i32, i32) {
    %c0_i32 = arith.constant 0 : i32
    %c0_i32_0 = arith.constant 0 : i32
    return %arg0, %c0_i32 : i32, i32
  }
  func.func @transform_3(%arg0: i32) -> (i32, i32) {
    %c0_i32 = arith.constant 0 : i32
    %c0_i32_0 = arith.constant 0 : i32
    return %arg0, %c0_i32 : i32, i32
  }
  func.func @transform_4(%arg0: i32) -> (i32, i32) {
    %c0_i32 = arith.constant 0 : i32
    %c0_i32_0 = arith.constant 0 : i32
    return %arg0, %c0_i32 : i32, i32
  }
  func.func @transform_5(%arg0: i32) -> (i32, i32) {
    %c0_i32 = arith.constant 0 : i32
    %c0_i32_0 = arith.constant 0 : i32
    %c0_i32_1 = arith.constant 0 : i32
    return %c0_i32, %c0_i32_0 : i32, i32
  }
  func.func @transform_6(%arg0: i32) -> (i32, i32) {
    %c0_i32 = arith.constant 0 : i32
    %c0_i32_0 = arith.constant 0 : i32
    %c0_i32_1 = arith.constant 0 : i32
    return %c0_i32, %c0_i32_0 : i32, i32
  }
  func.func @transform_7(%arg0: i32) -> (i32, i32) {
    %c0_i32 = arith.constant 0 : i32
    %c0_i32_0 = arith.constant 0 : i32
    %c0_i32_1 = arith.constant 0 : i32
    return %c0_i32, %c0_i32_0 : i32, i32
  }
  func.func @transform_8(%arg0: i32) -> (i32, i32) {
    %c0_i32 = arith.constant 0 : i32
    %c0_i32_0 = arith.constant 0 : i32
    %c0_i32_1 = arith.constant 0 : i32
    return %c0_i32, %c0_i32_0 : i32, i32
  }
  func.func @transform_9(%arg0: i32) -> (i32, i32) {
    %c0_i32 = arith.constant 0 : i32
    %c0_i32_0 = arith.constant 0 : i32
    %c0_i32_1 = arith.constant 0 : i32
    return %c0_i32, %c0_i32_0 : i32, i32
  }
  func.func @transform_10(%arg0: i32) -> (i32, i32) {
    %c0_i32 = arith.constant 0 : i32
    %c0_i32_0 = arith.constant 0 : i32
    return %arg0, %c0_i32 : i32, i32
  }
}

module attributes {stable_mosaic.version = 14 : i64} {
  func.func @_edge_body(%arg0: i32, %arg1: memref<3200x128xf32, #tpu.memory_space<vmem>>, %arg2: memref<3200x128xf32, #tpu.memory_space<vmem>>, %arg3: memref<3200x128xf32, #tpu.memory_space<vmem>>, %arg4: memref<64x128xf32, #tpu.memory_space<vmem>>, %arg5: memref<128x64xf32, #tpu.memory_space<vmem>>, %arg6: memref<1x64xf32, #tpu.memory_space<vmem>>, %arg7: memref<3200x128xf32, #tpu.memory_space<vmem>>) attributes {dimension_semantics = [#tpu.dimension_semantics<arbitrary>], iteration_bounds = array<i64: 50>, scalar_prefetch = 0 : i64, scratch_operands = 0 : i64, tpu.core_type = #tpu.core_type<tc>, window_params = [{transform_indices = @transform_0, window_bounds = array<i64: 3200, 128>}, {transform_indices = @transform_1, window_bounds = array<i64: 3200, 128>}, {transform_indices = @transform_2, window_bounds = array<i64: 3200, 128>}, {pipeline_mode = #tpu.pipeline_mode<synchronous>, transform_indices = @transform_3, window_bounds = array<i64: 64, 128>}, {pipeline_mode = #tpu.pipeline_mode<synchronous>, transform_indices = @transform_4, window_bounds = array<i64: 128, 64>}, {pipeline_mode = #tpu.pipeline_mode<synchronous>, transform_indices = @transform_5, window_bounds = array<i64: 1, 64>}, {transform_indices = @transform_6, window_bounds = array<i64: 3200, 128>}]} {
    %get3A = arith.constant 0 : index
    %get3A_0 = arith.constant 0 : index
    %get3A_1 = vector.load %arg1[%get3A, %get3A_0] : memref<3200x128xf32, #tpu.memory_space<vmem>>, vector<3200x128xf32>
    %slice3A = vector.extract_strided_slice %get3A_1 {offsets = [0, 0], sizes = [3200, 64], strides = [1, 1]} : vector<3200x128xf32> to vector<3200x64xf32>
    %get3A_2 = arith.constant 0 : index
    %get3A_3 = arith.constant 0 : index
    %get3A_4 = vector.load %arg4[%get3A_2, %get3A_3] : memref<64x128xf32, #tpu.memory_space<vmem>>, vector<64x128xf32>
    %dot_general3A = arith.constant dense<0.000000e+00> : vector<3200x128xf32>
    %dot_general3A_5 = tpu.matmul %slice3A, %get3A_4, %dot_general3A {dimension_numbers = #tpu.dot_dimension_numbers<[1], [0], [0], [1], [0, 0, 1, 1], [], []>, transpose_lhs_hint = false} : vector<3200x64xf32>, vector<64x128xf32>, vector<3200x128xf32> -> vector<3200x128xf32>
    %get3A_6 = arith.constant 0 : index
    %get3A_7 = arith.constant 0 : index
    %get3A_8 = vector.load %arg2[%get3A_6, %get3A_7] : memref<3200x128xf32, #tpu.memory_space<vmem>>, vector<3200x128xf32>
    %add3A = arith.addf %dot_general3A_5, %get3A_8 : vector<3200x128xf32>
    %get3A_9 = arith.constant 0 : index
    %get3A_10 = arith.constant 0 : index
    %get3A_11 = vector.load %arg3[%get3A_9, %get3A_10] : memref<3200x128xf32, #tpu.memory_space<vmem>>, vector<3200x128xf32>
    %add3A_12 = arith.addf %add3A, %get3A_11 : vector<3200x128xf32>
    %max3A = arith.constant 0.000000e+00 : f32
    %max3A_13 = vector.broadcast %max3A : f32 to vector<3200x128xf32>
    %max3A_14 = arith.maximumf %add3A_12, %max3A_13 : vector<3200x128xf32>
    %get3A_15 = arith.constant 0 : index
    %get3A_16 = arith.constant 0 : index
    %get3A_17 = vector.load %arg5[%get3A_15, %get3A_16] : memref<128x64xf32, #tpu.memory_space<vmem>>, vector<128x64xf32>
    %dot_general3A_18 = arith.constant dense<0.000000e+00> : vector<3200x64xf32>
    %dot_general3A_19 = tpu.matmul %max3A_14, %get3A_17, %dot_general3A_18 {dimension_numbers = #tpu.dot_dimension_numbers<[1], [0], [0], [1], [0, 0, 1, 1], [], []>, transpose_lhs_hint = false} : vector<3200x128xf32>, vector<128x64xf32>, vector<3200x64xf32> -> vector<3200x64xf32>
    %add3A_20 = arith.addf %slice3A, %dot_general3A_19 : vector<3200x64xf32>
    %get3A_21 = arith.constant 0 : index
    %get3A_22 = arith.constant 0 : index
    %get3A_23 = vector.load %arg6[%get3A_21, %get3A_22] : memref<1x64xf32, #tpu.memory_space<vmem>>, vector<1x64xf32>
    %add3A_24 = vector.broadcast %get3A_23 : vector<1x64xf32> to vector<3200x64xf32>
    %add3A_25 = arith.addf %add3A_20, %add3A_24 : vector<3200x64xf32>
    %broadcast_in_dim3A = arith.constant 0.000000e+00 : f32
    %broadcast_in_dim3A_26 = vector.broadcast %broadcast_in_dim3A : f32 to vector<3200x64xf32>
    %concatenate3A = tpu.concatenate %add3A_25, %broadcast_in_dim3A_26 in 1 : vector<3200x64xf32>, vector<3200x64xf32> -> vector<3200x128xf32>
    %swap3A = arith.constant 0 : index
    %swap3A_27 = arith.constant 0 : index
    %swap3A_28 = vector.load %arg7[%swap3A, %swap3A_27] : memref<3200x128xf32, #tpu.memory_space<vmem>>, vector<3200x128xf32>
    tpu.vector_store %arg7[%swap3A, %swap3A_27], %concatenate3A {strides = array<i32>} : memref<3200x128xf32, #tpu.memory_space<vmem>>, vector<3200x128xf32>,
    return
  }
  func.func @transform_0(%arg0: i32) -> (i32, i32) {
    %add3A = arith.constant 0 : i32
    %add3A_0 = arith.addi %arg0, %add3A : i32
    %c0_i32 = arith.constant 0 : i32
    %c0_i32_1 = arith.constant 0 : i32
    return %add3A_0, %c0_i32 : i32, i32
  }
  func.func @transform_1(%arg0: i32) -> (i32, i32) {
    %c0_i32 = arith.constant 0 : i32
    %c0_i32_0 = arith.constant 0 : i32
    return %arg0, %c0_i32 : i32, i32
  }
  func.func @transform_2(%arg0: i32) -> (i32, i32) {
    %c0_i32 = arith.constant 0 : i32
    %c0_i32_0 = arith.constant 0 : i32
    return %arg0, %c0_i32 : i32, i32
  }
  func.func @transform_3(%arg0: i32) -> (i32, i32) {
    %c0_i32 = arith.constant 0 : i32
    %c0_i32_0 = arith.constant 0 : i32
    %c0_i32_1 = arith.constant 0 : i32
    return %c0_i32, %c0_i32_0 : i32, i32
  }
  func.func @transform_4(%arg0: i32) -> (i32, i32) {
    %c0_i32 = arith.constant 0 : i32
    %c0_i32_0 = arith.constant 0 : i32
    %c0_i32_1 = arith.constant 0 : i32
    return %c0_i32, %c0_i32_0 : i32, i32
  }
  func.func @transform_5(%arg0: i32) -> (i32, i32) {
    %c0_i32 = arith.constant 0 : i32
    %c0_i32_0 = arith.constant 0 : i32
    %c0_i32_1 = arith.constant 0 : i32
    return %c0_i32, %c0_i32_0 : i32, i32
  }
  func.func @transform_6(%arg0: i32) -> (i32, i32) {
    %c0_i32 = arith.constant 0 : i32
    %c0_i32_0 = arith.constant 0 : i32
    return %arg0, %c0_i32 : i32, i32
  }
}

module attributes {stable_mosaic.version = 14 : i64} {
  func.func @body(%arg0: i32, %arg1: memref<2000x128xf32, #tpu.memory_space<vmem>>, %arg2: memref<2000x128xf32, #tpu.memory_space<vmem>>, %arg3: memref<2000x128xf32, #tpu.memory_space<vmem>>, %arg4: memref<2000x128xf32, #tpu.memory_space<vmem>>, %arg5: memref<2000x128xf32, #tpu.memory_space<vmem>>, %arg6: memref<128x128xf32, #tpu.memory_space<vmem>>, %arg7: memref<128x128xf32, #tpu.memory_space<vmem>>, %arg8: memref<1x128xf32, #tpu.memory_space<vmem>>, %arg9: memref<128x128xf32, #tpu.memory_space<vmem>>, %arg10: memref<1x128xf32, #tpu.memory_space<vmem>>, %arg11: memref<2000x128xf32, #tpu.memory_space<vmem>>) attributes {dimension_semantics = [#tpu.dimension_semantics<arbitrary>], iteration_bounds = array<i64: 5>, scalar_prefetch = 0 : i64, scratch_operands = 0 : i64, tpu.core_type = #tpu.core_type<tc>, window_params = [{transform_indices = @transform_0, window_bounds = array<i64: 2000, 128>}, {transform_indices = @transform_1, window_bounds = array<i64: 2000, 128>}, {transform_indices = @transform_2, window_bounds = array<i64: 2000, 128>}, {transform_indices = @transform_3, window_bounds = array<i64: 2000, 128>}, {transform_indices = @transform_4, window_bounds = array<i64: 2000, 128>}, {pipeline_mode = #tpu.pipeline_mode<synchronous>, transform_indices = @transform_5, window_bounds = array<i64: 128, 128>}, {pipeline_mode = #tpu.pipeline_mode<synchronous>, transform_indices = @transform_6, window_bounds = array<i64: 128, 128>}, {pipeline_mode = #tpu.pipeline_mode<synchronous>, transform_indices = @transform_7, window_bounds = array<i64: 1, 128>}, {pipeline_mode = #tpu.pipeline_mode<synchronous>, transform_indices = @transform_8, window_bounds = array<i64: 128, 128>}, {pipeline_mode = #tpu.pipeline_mode<synchronous>, transform_indices = @transform_9, window_bounds = array<i64: 1, 128>}, {transform_indices = @transform_10, window_bounds = array<i64: 2000, 128>}]} {
    %get3A = arith.constant 0 : index
    %get3A_0 = arith.constant 0 : index
    %get3A_1 = vector.load %arg1[%get3A, %get3A_0] : memref<2000x128xf32, #tpu.memory_space<vmem>>, vector<2000x128xf32>
    %get3A_2 = arith.constant 0 : index
    %get3A_3 = arith.constant 0 : index
    %get3A_4 = vector.load %arg2[%get3A_2, %get3A_3] : memref<2000x128xf32, #tpu.memory_space<vmem>>, vector<2000x128xf32>
    %get3A_5 = arith.constant 0 : index
    %get3A_6 = arith.constant 0 : index
    %get3A_7 = vector.load %arg3[%get3A_5, %get3A_6] : memref<2000x128xf32, #tpu.memory_space<vmem>>, vector<2000x128xf32>
    %add3A = arith.addf %get3A_4, %get3A_7 : vector<2000x128xf32>
    %get3A_8 = arith.constant 0 : index
    %get3A_9 = arith.constant 0 : index
    %get3A_10 = vector.load %arg4[%get3A_8, %get3A_9] : memref<2000x128xf32, #tpu.memory_space<vmem>>, vector<2000x128xf32>
    %add3A_11 = arith.addf %add3A, %get3A_10 : vector<2000x128xf32>
    %get3A_12 = arith.constant 0 : index
    %get3A_13 = arith.constant 0 : index
    %get3A_14 = vector.load %arg5[%get3A_12, %get3A_13] : memref<2000x128xf32, #tpu.memory_space<vmem>>, vector<2000x128xf32>
    %add3A_15 = arith.addf %add3A_11, %get3A_14 : vector<2000x128xf32>
    %get3A_16 = arith.constant 0 : index
    %get3A_17 = arith.constant 0 : index
    %get3A_18 = vector.load %arg6[%get3A_16, %get3A_17] : memref<128x128xf32, #tpu.memory_space<vmem>>, vector<128x128xf32>
    %dot_general3A = arith.constant dense<0.000000e+00> : vector<2000x128xf32>
    %dot_general3A_19 = tpu.matmul %get3A_1, %get3A_18, %dot_general3A {dimension_numbers = #tpu.dot_dimension_numbers<[1], [0], [0], [1], [0, 0, 1, 1], [], []>, transpose_lhs_hint = false} : vector<2000x128xf32>, vector<128x128xf32>, vector<2000x128xf32> -> vector<2000x128xf32>
    %get3A_20 = arith.constant 0 : index
    %get3A_21 = arith.constant 0 : index
    %get3A_22 = vector.load %arg7[%get3A_20, %get3A_21] : memref<128x128xf32, #tpu.memory_space<vmem>>, vector<128x128xf32>
    %dot_general3A_23 = arith.constant dense<0.000000e+00> : vector<2000x128xf32>
    %dot_general3A_24 = tpu.matmul %add3A_15, %get3A_22, %dot_general3A_23 {dimension_numbers = #tpu.dot_dimension_numbers<[1], [0], [0], [1], [0, 0, 1, 1], [], []>, transpose_lhs_hint = false} : vector<2000x128xf32>, vector<128x128xf32>, vector<2000x128xf32> -> vector<2000x128xf32>
    %add3A_25 = arith.addf %dot_general3A_19, %dot_general3A_24 : vector<2000x128xf32>
    %get3A_26 = arith.constant 0 : index
    %get3A_27 = arith.constant 0 : index
    %get3A_28 = vector.load %arg8[%get3A_26, %get3A_27] : memref<1x128xf32, #tpu.memory_space<vmem>>, vector<1x128xf32>
    %add3A_29 = vector.broadcast %get3A_28 : vector<1x128xf32> to vector<2000x128xf32>
    %add3A_30 = arith.addf %add3A_25, %add3A_29 : vector<2000x128xf32>
    %max3A = arith.constant 0.000000e+00 : f32
    %max3A_31 = vector.broadcast %max3A : f32 to vector<2000x128xf32>
    %max3A_32 = arith.maximumf %add3A_30, %max3A_31 : vector<2000x128xf32>
    %get3A_33 = arith.constant 0 : index
    %get3A_34 = arith.constant 0 : index
    %get3A_35 = vector.load %arg9[%get3A_33, %get3A_34] : memref<128x128xf32, #tpu.memory_space<vmem>>, vector<128x128xf32>
    %dot_general3A_36 = arith.constant dense<0.000000e+00> : vector<2000x128xf32>
    %dot_general3A_37 = tpu.matmul %max3A_32, %get3A_35, %dot_general3A_36 {dimension_numbers = #tpu.dot_dimension_numbers<[1], [0], [0], [1], [0, 0, 1, 1], [], []>, transpose_lhs_hint = false} : vector<2000x128xf32>, vector<128x128xf32>, vector<2000x128xf32> -> vector<2000x128xf32>
    %add3A_38 = arith.addf %get3A_1, %dot_general3A_37 : vector<2000x128xf32>
    %get3A_39 = arith.constant 0 : index
    %get3A_40 = arith.constant 0 : index
    %get3A_41 = vector.load %arg10[%get3A_39, %get3A_40] : memref<1x128xf32, #tpu.memory_space<vmem>>, vector<1x128xf32>
    %add3A_42 = vector.broadcast %get3A_41 : vector<1x128xf32> to vector<2000x128xf32>
    %add3A_43 = arith.addf %add3A_38, %add3A_42 : vector<2000x128xf32>
    %swap3A = arith.constant 0 : index
    %swap3A_44 = arith.constant 0 : index
    %swap3A_45 = vector.load %arg11[%swap3A, %swap3A_44] : memref<2000x128xf32, #tpu.memory_space<vmem>>, vector<2000x128xf32>
    tpu.vector_store %arg11[%swap3A, %swap3A_44], %add3A_43 {strides = array<i32>} : memref<2000x128xf32, #tpu.memory_space<vmem>>, vector<2000x128xf32>,
    return
  }
  func.func @transform_0(%arg0: i32) -> (i32, i32) {
    %c0_i32 = arith.constant 0 : i32
    %c0_i32_0 = arith.constant 0 : i32
    return %arg0, %c0_i32 : i32, i32
  }
  func.func @transform_1(%arg0: i32) -> (i32, i32) {
    %c0_i32 = arith.constant 0 : i32
    %c0_i32_0 = arith.constant 0 : i32
    return %arg0, %c0_i32 : i32, i32
  }
  func.func @transform_2(%arg0: i32) -> (i32, i32) {
    %c0_i32 = arith.constant 0 : i32
    %c0_i32_0 = arith.constant 0 : i32
    return %arg0, %c0_i32 : i32, i32
  }
  func.func @transform_3(%arg0: i32) -> (i32, i32) {
    %c0_i32 = arith.constant 0 : i32
    %c0_i32_0 = arith.constant 0 : i32
    return %arg0, %c0_i32 : i32, i32
  }
  func.func @transform_4(%arg0: i32) -> (i32, i32) {
    %c0_i32 = arith.constant 0 : i32
    %c0_i32_0 = arith.constant 0 : i32
    return %arg0, %c0_i32 : i32, i32
  }
  func.func @transform_5(%arg0: i32) -> (i32, i32) {
    %c0_i32 = arith.constant 0 : i32
    %c0_i32_0 = arith.constant 0 : i32
    %c0_i32_1 = arith.constant 0 : i32
    return %c0_i32, %c0_i32_0 : i32, i32
  }
  func.func @transform_6(%arg0: i32) -> (i32, i32) {
    %c0_i32 = arith.constant 0 : i32
    %c0_i32_0 = arith.constant 0 : i32
    %c0_i32_1 = arith.constant 0 : i32
    return %c0_i32, %c0_i32_0 : i32, i32
  }
  func.func @transform_7(%arg0: i32) -> (i32, i32) {
    %c0_i32 = arith.constant 0 : i32
    %c0_i32_0 = arith.constant 0 : i32
    %c0_i32_1 = arith.constant 0 : i32
    return %c0_i32, %c0_i32_0 : i32, i32
  }
  func.func @transform_8(%arg0: i32) -> (i32, i32) {
    %c0_i32 = arith.constant 0 : i32
    %c0_i32_0 = arith.constant 0 : i32
    %c0_i32_1 = arith.constant 0 : i32
    return %c0_i32, %c0_i32_0 : i32, i32
  }
  func.func @transform_9(%arg0: i32) -> (i32, i32) {
    %c0_i32 = arith.constant 0 : i32
    %c0_i32_0 = arith.constant 0 : i32
    %c0_i32_1 = arith.constant 0 : i32
    return %c0_i32, %c0_i32_0 : i32, i32
  }
  func.func @transform_10(%arg0: i32) -> (i32, i32) {
    %c0_i32 = arith.constant 0 : i32
    %c0_i32_0 = arith.constant 0 : i32
    return %arg0, %c0_i32 : i32, i32
  }
}

</mosaic_0001>

<sc_bundles>
// kernel: kernel.18.cloned.1.call-start
scs
__scs_entry_jumppad:
0x0: {  	(pc) =	sbr.rel $0x88, $3  }
0x1: {  	(tag) =	ssettag $0x0;
	lr =	simm.s32 $0x1  }
0x2: {  	[smem:$0x3F96] =	sst lr;
	_ =	strace $0xD0000000  }
0x3: {  	_ = 	snop  }
0x4: {  	_ = 	snop  }
0x5: {  	_ = 	snop  }
0x6: {  	_ = 	snop  }
0x7: {  	_ = 	snop  }
__scs_overlays_trampoline_lowered:
0x8: {  	[smem:$0x3FA5] =	sst s0  }
0x9: {  	[smem:$0x3FA6] =	sst s1  }
0xa: {  	[smem:$0x3FA7] =	sst s2  }
0xb: {  	[smem:$0x3FA8] =	sst s3  }
0xc: {  	[smem:$0x3FA9] =	sst s4  }
0xd: {  	[smem:$0x3FAA] =	sst s5  }
0xe: {  	[smem:$0x3FAB] =	sst s6  }
0xf: {  	[smem:$0x3FAC] =	sst s7  }
0x10: {  	[smem:$0x3FAD] =	sst s8  }
0x11: {  	[smem:$0x3FAE] =	sst s9;
	s0 =	simm.s32 @!p0 $0x0  }
0x12: {  	s1 =	sld [smem:$0x3F94];
	s0 =	simm.s32 @p0 $0x1  }
0x13: {  	[smem:$0x3FAF] =	sst s0;
	s0 =	simm.s32 @!p1 $0x0  }
0x14: {  	s2 =	sld [smem:$0x3F93];
	s0 =	simm.s32 @p1 $0x1  }
0x15: {  	[smem:$0x3FB0] =	sst s0;
	s0 =	simm.s32 @!p2 $0x0  }
0x16: {  	s3 =	sld [smem:$0x3FDB];
	s0 =	simm.s32 @p2 $0x1  }
0x17: {  	s4 =	simm.s32 $0x1BF5;
	[smem:$0x3FB2] =	sst s0  }
0x18: {  	s0 =	sld [smem:$0x3F95];
	_ =	swait.ge [sflag:s4], $0x0  }
0x19: {  	s7 =	sld [smem:$0x3F96]  }
0x1a: {  	s8 =	sadd.s32 $0xFFFFE003, lr  }
0x1b: {  	s9 =	sadd.s32 $0xFFFFFEF7, lr;
	s5 =	simm.s32 $0xFFFFFFFF;
	p2 =	slt.u32 s8, $0xFFFFF086  }
0x1c: {  	p1 =	slt.u32 s9, $0xF7A;
	s5 =	simm.s32 @!p2 $0x0  }
0x1d: {  	s5 =	simm.s32 @p1 $0x1;
	p0 =	seq.s32 s7, s2  }
0x1e: {  	s7 =	smul.u32 @!p0 $0xF7A, s2;
	p2 =	seq.s32 @!p0 s5, $0x0  }
0x1f: {  	s9 =	smul.u32 $0xF7A, s1;
	s8 =	simm.s32 @!p0 $0x1BF5;
	p2 =	por !p2, p0  }
0x20: {  	[sflag:s8] =	ssyncset.s32 @!p0 $0xFFFFF086;
	s6 =	sadd.s32 @!p0 s3, s7;
	s7 =	simm.s32 @!p0 $0x108  }
0x21: {  	s3 =	sadd.s32 s3, s9;
	s6 =	sadd.s32 @!p0 $0x88, s6;
	s7 =	simm.s32 @p2 $0x1082  }
0x22: {  	[simem:s7], [sflag:s8] =	dma.local @!p0 [hbm:s6], $0xF7A  }
0x23: {  	s9 =	sor.u32 $0xD0000000, s2;
	s6 =	simm.s32 $0x108;
	_ =	swait.ge @!p0 [sflag:s8], $0x0  }
0x24: {  	s3 =	sadd.s32 $0x88, s3;
	s6 =	simm.s32 @!p1 $0x1082;
	[sflag:s4] =	ssyncset.s32 $0xFFFFF086  }
0x25: {  	[simem:s6], [sflag:s4] =	dma.local [hbm:s3], $0xF7A  }
0x26: {  	[smem:$0x3F96] =	sst s1;
	(tag) =	ssettag s2;
	_ =	strace s9  }
0x27: {  	s1 =	sld [smem:$0x3FA6]  }
0x28: {  	s2 =	sld [smem:$0x3FA7]  }
0x29: {  	s4 =	sld [smem:$0x3FA9]  }
0x2a: {  	p0 =	seq.s32 s5, $0x0;
	s5 =	sld [smem:$0x3FAA]  }
0x2b: {  	s6 =	sld [smem:$0x3FAB]  }
0x2c: {  	s7 =	sld [smem:$0x3FAC]  }
0x2d: {  	s3 =	simm.s32 $0x108;
	s8 =	sld [smem:$0x3FAD]  }
0x2e: {  	s3 =	simm.s32 @!p0 $0x1082;
	s9 =	sld [smem:$0x3FAE]  }
0x2f: {  	lr =	sadd.s32 s0, s3;
	s0 =	sld [smem:$0x3FA5]  }
0x30: {  	s3 =	sld [smem:$0x3FA8]  }
0x31: {  	[smem:$0x3FB1] =	sst s10  }
0x32: {  	s10 =	sld [smem:$0x3FAF];
	_ =	sdelay $0x3  }
0x33: {  	p0 =	seq.s32 s10, $0x1;
	s10 =	sld [smem:$0x3FB1];
	_ =	sdelay $0x3  }
0x34: {  	[smem:$0x3FB1] =	sst s10  }
0x35: {  	s10 =	sld [smem:$0x3FB0];
	_ =	sdelay $0x3  }
0x36: {  	p1 =	seq.s32 s10, $0x1;
	s10 =	sld [smem:$0x3FB1];
	_ =	sdelay $0x3  }
0x37: {  	[smem:$0x3FB1] =	sst s10  }
0x38: {  	s10 =	sld [smem:$0x3FB2]  }
0x39: {  	_ = 	snop;
	(pc) =	sbr.ind lr, $3  }
0x3a: {  	_ = 	snop  }
0x3b: {  	_ = 	snop  }
0x3c: {  	p2 =	seq.s32 s10, $0x1;
	s10 =	sld [smem:$0x3FB1]  }
0x3d: {  	_ =	shalt  }
0x3e: {  	_ =	shalt  }
0x3f: {  	_ =	shalt  }
0x40: {  	_ =	shalt  }
0x41: {  	_ =	shalt  }
0x42: {  	_ =	shalt  }
0x43: {  	_ =	shalt  }
0x44: {  	_ =	shalt  }
0x45: {  	_ =	shalt  }
0x46: {  	_ =	shalt  }
0x47: {  	_ =	shalt  }
0x48: {  	_ =	shalt  }
0x49: {  	_ =	shalt  }
0x4a: {  	_ =	shalt  }
0x4b: {  	_ =	shalt  }
0x4c: {  	_ =	shalt  }
0x4d: {  	_ =	shalt  }
0x4e: {  	_ =	shalt  }
0x4f: {  	_ =	shalt  }
0x50: {  	_ =	shalt  }
0x51: {  	_ =	shalt  }
0x52: {  	_ =	shalt  }
0x53: {  	_ =	shalt  }
0x54: {  	_ =	shalt  }
0x55: {  	_ =	shalt  }
0x56: {  	_ =	shalt  }
0x57: {  	_ =	shalt  }
0x58: {  	_ =	shalt  }
0x59: {  	_ =	shalt  }
0x5a: {  	_ =	shalt  }
0x5b: {  	_ =	shalt  }
0x5c: {  	_ =	shalt  }
0x5d: {  	_ =	shalt  }
0x5e: {  	_ =	shalt  }
0x5f: {  	_ =	shalt  }
0x60: {  	_ =	shalt  }
0x61: {  	_ =	shalt  }
0x62: {  	_ =	shalt  }
0x63: {  	_ =	shalt  }
0x64: {  	_ =	shalt  }
0x65: {  	_ =	shalt  }
0x66: {  	_ =	shalt  }
0x67: {  	_ =	shalt  }
0x68: {  	_ =	shalt  }
0x69: {  	_ =	shalt  }
0x6a: {  	_ =	shalt  }
0x6b: {  	_ =	shalt  }
0x6c: {  	_ =	shalt  }
0x6d: {  	_ =	shalt  }
0x6e: {  	_ =	shalt  }
0x6f: {  	_ =	shalt  }
0x70: {  	_ =	shalt  }
0x71: {  	_ =	shalt  }
0x72: {  	_ =	shalt  }
0x73: {  	_ =	shalt  }
0x74: {  	_ =	shalt  }
0x75: {  	_ =	shalt  }
0x76: {  	_ =	shalt  }
0x77: {  	_ =	shalt  }
0x78: {  	_ =	shalt  }
0x79: {  	_ =	shalt  }
0x7a: {  	_ =	shalt  }
0x7b: {  	_ =	shalt  }
0x7c: {  	_ =	shalt  }
0x7d: {  	_ =	shalt  }
0x7e: {  	_ =	shalt  }
0x7f: {  	_ =	shalt  }
0x80: {  	_ =	shalt  }
0x81: {  	_ =	shalt  }
0x82: {  	_ =	shalt  }
0x83: {  	_ =	shalt  }
0x84: {  	_ =	shalt  }
0x85: {  	_ =	shalt  }
0x86: {  	_ =	shalt  }
0x87: {  	_ =	shalt  }
.Lfunc_end0:
.L_simem_size_0:
called_computation_lowered:
.L_overlay_start_0:
0x88: {  	s2 =	sld [smem:$0x3FD9]  }
0x89: {  	s3 =	sld [smem:$0x3FFE];
	_ =	sdelay $0x1  }
0x8a: {  	s1 =	srdreg.scid  }
0x8b: {  	s0 =	sand.u32 $0x1, s1  }
0x8c: {  	s17 =	sshll.u32 s0, $0xA;
	s2 =	sadd.s32 s3, s2  }
0x8d: {  	s2 =	sadd.s32 s2, s17  }
0x8e: {  	[smem:$0x3FBD] =	sst s2  }
0x8f: {  	_ = 	snop  }
0x90: {  	s2 =	sld [smem:$0x3FD0];
	(tm) =	ssettm $0x1  }
0x91: {  	s18 =	sld [smem:$0x3FFB];
	_ =	sdelay $0x3  }
0x92: {  	_ =	strace s18  }
0x93: {  	s3 =	sld [smem:$0x3FFC];
	_ =	sdelay $0x3  }
0x94: {  	_ =	strace s3  }
0x95: {  	s3 =	sld [smem:$0x3FFD];
	_ =	sdelay $0x3  }
0x96: {  	_ =	strace s3  }
0x97: {  	_ =	strace $0x8FFFFFFF  }
0x98: {  	s19 =	sld [smem:$0x3FDB];
	_ =	sdelay $0x1  }
0x99: {  	s4 =	simm.s32 $_scs_section_size  }
0x9a: {  	s5 =	simm.s32 $_size__tile_overlayer_lowered;
	s6 =	simm.s32 $_tile_overlayer_lowered  }
0x9b: {  	s22 =	simm.s32 $0x1BFF;
	s21 =	sshll.u32 s6, $0x1;
	s3 =	sadd.s32 s4, s19  }
0x9c: {  	s7 =	simm.s32 $0x0;
	s20 =	sshll.u32 s5, $0x1;
	s5 =	sadd.s32 s21, s3  }
0x9d: {  	[timem:s7], [sflag:s22] =	dma.local [hbm:s5], s20  }
0x9e: {  	_ =	swait.ge [sflag:s22], s20  }
0x9f: {  	s4 =	ssub.s32 $0x0, s20;
	[sflag:s22] =	ssyncset.done $0x0  }
0xa0: {  	[sflag:s22] =	ssyncadd.s32 s4;
	_ =	sdelay $0x1  }
0xa1: {  	s23 =	simm.s32 $0x1B8B  }
0xa2: {  	_ =	swait.ge [sflag:s23], $0x1  }
0xa3: {  	[sflag:s23] =	ssyncset.done $0x0  }
0xa4: {  	s25 =	simm.s32 $0x1B8E;
	s24 =	sld [smem:$0x3FFE];
	[sflag:s23] =	ssyncadd.s32 $0xFFFFFFFF  }
0xa5: {  	s26 =	simm.s32 $execute0_lowered;
	[smem:$0x3FD2] =	sst s25  }
0xa6: {  	s5 =	sshll.u32 s26, $0x1;
	_ =	strace $0x80000046;
	[dreg:$0x1] =	wrdreg $0xFFFFFFFF  }
0xa7: {  	s28 =	simm.s32 $_size_execute0_lowered;
	s3 =	sadd.s32 s3, s5;
	[dreg:$0x0] =	wrdreg $0x0  }
0xa8: {  	s5 =	sshll.u32 s28, $0x1;
	[dreg:$0x2] =	wrdreg s3  }
0xa9: {  	[dreg:$0x3] =	wrdreg s5  }
0xaa: {  	[dreg:$0x4] =	wrdreg $0xC0  }
0xab: {  	_ =	task [dreg:s7], $0x5FFFF  }
0xac: {  	[dreg:$0x1] =	wrdreg $0xFFFFFFFF  }
0xad: {  	[dreg:$0x0] =	wrdreg $0x60  }
0xae: {  	[dreg:$0x2] =	wrdreg s2  }
0xaf: {  	[dreg:$0x3] =	wrdreg s24  }
0xb0: {  	[dreg:$0x4] =	wrdreg $0x9  }
0xb1: {  	_ =	task.clear_ibuf [dreg:s7], $0x5FFFF;
	_ =	strace $0x90000046  }
0xb2: {  	s29 =	simm.s32 $0x9;
	_ =	strace $0x80000048  }
0xb3: {  	_ =	swait.ge [sflag:s29], $0x1  }
0xb4: {  	[sflag:s29] =	ssyncadd.s32 $0xFFFFFFFF  }
0xb5: {  	_ =	strace $0x90000048  }
0xb6: {  	_ =	sfence  }
0xb7: {  	s30 =	sld [smem:$0x0];
	_ =	sdelay $0x2  }
0xb8: {  	s31 =	sshll.u32 s1, $0xD;
	s1 =	sshrl.u32 s1, $0x2  }
0xb9: {  	s3 =	sand.u32 $0x4000, s31;
	s1 =	sadd.s32 s1, s30  }
0xba: {  	s0 =	sor.u32 s3, s0;
	s1 =	sshll.u32 s1, $0x11  }
0xbb: {  	s0 =	sor.u32 s1, s0  }
0xbc: {  	s0 =	sadd.s32 $0x8F2B, s0  }
0xbd: {  	[sflag:s0] =	ssyncadd.remote.s32 $0x1  }
0xbe: {  	_ =	sfence.sel $0xFFFF  }
0xbf: {  	[dreg:$0x0] =	wrdreg $0xFFFFFFFF;
	(pc) =	sbr.abs _section_cstart, $3  }
0xc0: {  	[dreg:$0x1] =	wrdreg $0xFFFFFFFF  }
0xc1: {  	_ =	task.clear_ibuf [dreg:s7], $0x2FFFF;
	_ =	strace $0x9FFFFFFF  }
0xc2: {  	(tm) =	ssettm $0x7FFFFFFF  }
0xc3: {  	_ =	shalt  }
tec
execute0_lowered:
.L_overlay_start_1:
0x0: {  	(tag) =	ssettag $0x1  }
0x1: {  	s1 =	rddreg [dreg:$0x0]  }
0x2: {  	s0 =	rddreg [dreg:$0x1];
	s2 =	simm.s32 $0x0;
	s5 =	srdreg.scid  }
0x3: {  	s17 =	stileid.u32;
	s28 =	simm.s32 $0xB;
	s29 =	simm.s32 $0xC  }
0x4: {  	s30 =	simm.s32 $0x5;
	s31 =	simm.s32 $0x6;
	[smem:$0x7FF] =	sst s2  }
0x5: {  	s3 =	sadd.s32 $0x1CE00, s0;
	s4 =	sadd.s32 $0x9200, s0;
	s6 =	sadd.s32 $0x13000, s0  }
0x6: {  	s16 =	sadd.s32 $0x44000, s0;
	s5 =	sand.u32 $0x1, s5;
	s0 =	sadd.s32 $0x2B5000, s0  }
0x7: {  	s13 =	sshll.u32 s17, $0x5;
	s26 =	sshll.u32 s17, $0xC;
	p0 =	sne.s32 s17, $0x0  }
0x8: {  	_ =	strace $0x80000047;
	s7 =	ssub.s32 $0x2, s5;
	s14 =	sshll.u32 s5, $0x4  }
0x9: {  	s19 =	sshll.u32 s5, $0x7;
	s8 =	sshrl.u32 s7, $0x1;
	s18 =	sor.u32 s14, s13  }
0xa: {  	s10 =	sor.u32 $0x27000, s19;
	s12 =	ssub.s32 s7, s8;
	s9 =	sadd.s32 s4, s18  }
0xb: {  	s20 =	sor.u32 $0x200, s18;
	s7 =	sadd.s32 s6, s18;
	s11 =	sshrl.u32 s10, $0x3  }
0xc: {  	s15 =	sshll.u32 s10, $0x4;
	s18 =	simm.s32 $0x80;
	[dreg:$0x3] =	wrdreg s9  }
0xd: {  	[dreg:$0x4] =	wrdreg s7;
	s21 =	sadd.s32 s4, s20;
	s22 =	sadd.s32 s6, s20  }
0xe: {  	s23 =	sadd.s32 s4, s11;
	s24 =	sadd.s32 s6, s11;
	[dreg:$0x5] =	wrdreg s21  }
0xf: {  	s25 =	sadd.s32 s16, s15;
	s11 =	sadd.s32 s0, s15;
	[dreg:$0x6] =	wrdreg s22  }
0x10: {  	s12 =	smax.u32 s12, $0x1;
	s4 =	sadd.s32 s13, s4;
	[dreg:$0x7] =	wrdreg s23  }
0x11: {  	s6 =	sadd.s32 s13, s6;
	s15 =	sshll.u32 s5, $0xB;
	[dreg:$0x8] =	wrdreg s24  }
0x12: {  	s20 =	sadd.s32 s26, s0;
	s0 =	simm.s32 $0x0;
	[dreg:$0x9] =	wrdreg s25  }
0x13: {  	s13 =	sadd.s32 s14, s4;
	s14 =	sadd.s32 s14, s6;
	s4 =	sadd.s32 s26, s16  }
0x14: {  	s21 =	simm.s32 $0x1;
	s22 =	simm.s32 $0x2;
	s23 =	simm.s32 $0x100  }
0x15: {  	s24 =	simm.s32 $0x4100;
	s25 =	simm.s32 $0x3;
	s26 =	simm.s32 $0x4  }
.LBB2_1:
0x16: {  	s5 =	rddreg [dreg:$0x3]  }
0x17: {  	s10 =	rddreg [dreg:$0x4]  }
0x18: {  	[tilespmem:s2], [sflag:$0x1] =	stream.linear.gather [hbm4b:s5+s2], $0x80, $0x38;
	[tilespmem:$0x10200] =	vst v63  }
0x19: {  	s16 =	rddreg [dreg:$0x5]  }
0x1a: {  	[tilespmem:s18], [sflag:$0x2] =	stream.linear.gather [hbm4b:s10+s2], $0x80, $0x38;
	[tilespmem:$0x10200] =	vst v63  }
0x1b: {  	s6 =	simm.s32 $0x8100;
	s17 =	rddreg [dreg:$0x6]  }
0x1c: {  	[tilespmem:s6], [sflag:$0x7] =	stream.linear.gather [hbm4b:s16+s2], $0x80, $0x38;
	[tilespmem:$0x10200] =	vst v63  }
0x1d: {  	s19 =	simm.s32 $0x8180;
	s5 =	simm.s32 $0x0;
	s16 =	smov.u32 s4  }
0x1e: {  	[tilespmem:s19], [sflag:$0x8] =	stream.linear.gather [hbm4b:s17+s2], $0x80, $0x38;
	[tilespmem:$0x10200] =	vst v63  }
0x1f: {  	s6 =	simm.s32 $0x0;
	s19 =	simm.s32 $0x1;
	s17 =	smov.u32 s20  }
.LBB2_2:
0x20: {  	_ =	swait.ge [sflag:s21], $0x80  }
0x21: {  	[sflag:s21] =	ssyncset.done $0x0  }
0x22: {  	[sflag:s21] =	ssyncadd.s32 $0xFFFFFF80  }
0x23: {  	_ =	swait.ge [sflag:s22], $0x80  }
0x24: {  	p1 =	seq.s32 s5, $0x0;
	[sflag:s22] =	ssyncset.done $0x0  }
0x25: {  	s7 =	simm.s32 @!p1 $0x5;
	[sflag:s22] =	ssyncadd.s32 $0xFFFFFF80  }
0x26: {  	_ =	swait.ge @!p1 [sflag:s7], $0x4000  }
0x27: {  	[sflag:s7] =	ssyncset.done @!p1 $0x0  }
0x28: {  	[sflag:s7] =	ssyncadd.s32 @!p1 $0xFFFFC000;
	s7 =	simm.s32 @!p1 $0x6  }
0x29: {  	_ =	swait.ge @!p1 [sflag:s7], $0x4000  }
0x2a: {  	[sflag:s7] =	ssyncset.done @!p1 $0x0  }
0x2b: {  	[sflag:s7] =	ssyncadd.s32 @!p1 $0xFFFFC000  }
0x2c: {  	[tilespmem:s23], [sflag:$0x3] =	stream.indirect.gather [hbm4b:s1+s18], $0x80, s2, s18, $0xb8;
	[tilespmem:$0x10200] =	vst v63  }
0x2d: {  	_ = 	snop  }
0x2e: {  	[tilespmem:s24], [sflag:$0x4] =	stream.indirect.gather [hbm4b:s3+s18], $0x80, s18, s18, $0xb8;
	[tilespmem:$0x10200] =	vst v63  }
0x2f: {  	_ =	swait.ge [sflag:s25], $0x4000  }
0x30: {  	[sflag:s25] =	ssyncset.done $0x0  }
0x31: {  	[sflag:s25] =	ssyncadd.s32 $0xFFFFC000  }
0x32: {  	_ =	swait.ge [sflag:s26], $0x4000  }
0x33: {  	[sflag:s26] =	ssyncset.done $0x0  }
0x34: {  	s9 =	sadd.s32 s16, s15;
	p1 =	seq.s32 s5, $0x4C00;
	[sflag:s26] =	ssyncadd.s32 $0xFFFFC000  }
0x35: {  	[hbm4b:s9+s2] =	stream.linear.scatter [tilespmem:s23], [sflag:$0x5], $0x4000, $0x38;
	[tilespmem:$0x10200] =	vst v63  }
0x36: {  	s10 =	sadd.s32 s17, s15;
	s7 =	sadd.s32 @!p1 s5, s13  }
0x37: {  	[hbm4b:s10+s2] =	stream.linear.scatter [tilespmem:s24], [sflag:$0x6], $0x4000, $0x38;
	[tilespmem:$0x10200] =	vst v63  }
0x38: {  	s8 =	simm.s32 @!p1 $0x0;
	s7 =	sadd.s32 @!p1 $0x400, s7  }
0x39: {  	[tilespmem:s8], [sflag:$0x1] =	stream.linear.gather @!p1 [hbm4b:s7+s8], $0x80, $0x38;
	[tilespmem:$0x10200] =	vst v63  }
0x3a: {  	p2 =	sgt.u32 @!p1 s19, $0x26;
	s7 =	sadd.s32 @!p1 s5, s14  }
0x3b: {  	p3 =	por p2, p1;
	s9 =	simm.s32 @!p1 $0x80;
	s7 =	sadd.s32 @!p1 $0x400, s7  }
0x3c: {  	[tilespmem:s9], [sflag:$0x2] =	stream.linear.gather @!p1 [hbm4b:s7+s8], $0x80, $0x38;
	[tilespmem:$0x10200] =	vst v63  }
0x3d: {  	s7 =	simm.s32 @!p3 $0x7  }
0x3e: {  	_ =	swait.ge @!p3 [sflag:s7], $0x80  }
0x3f: {  	[sflag:s7] =	ssyncset.done @!p3 $0x0  }
0x40: {  	p4 =	seq.s32 @!p3 s5, $0x0;
	[sflag:s7] =	ssyncadd.s32 @!p3 $0xFFFFFF80;
	s7 =	simm.s32 @!p3 $0x8  }
0x41: {  	p4 =	por @!p1 p4, p2;
	_ =	swait.ge @!p3 [sflag:s7], $0x80  }
0x42: {  	p4 =	por p4, p1;
	[sflag:s7] =	ssyncset.done @!p3 $0x0  }
0x43: {  	[sflag:s7] =	ssyncadd.s32 @!p3 $0xFFFFFF80;
	s7 =	simm.s32 @!p4 $0xB  }
0x44: {  	_ =	swait.ge @!p4 [sflag:s7], $0x4000  }
0x45: {  	[sflag:s7] =	ssyncset.done @!p4 $0x0  }
0x46: {  	[sflag:s7] =	ssyncadd.s32 @!p4 $0xFFFFC000;
	s7 =	simm.s32 @!p4 $0xC  }
0x47: {  	_ =	swait.ge @!p4 [sflag:s7], $0x4000  }
0x48: {  	s8 =	simm.s32 @!p3 $0x8100;
	[sflag:s7] =	ssyncset.done @!p4 $0x0  }
0x49: {  	s9 =	simm.s32 @!p3 $0x8200;
	[sflag:s7] =	ssyncadd.s32 @!p4 $0xFFFFC000;
	s7 =	simm.s32 @!p3 $0x80  }
0x4a: {  	[tilespmem:s9], [sflag:$0x9] =	stream.indirect.gather @!p3 [hbm4b:s1+s7], $0x80, s8, s7, $0xb8;
	[tilespmem:$0x10200] =	vst v63  }
0x4b: {  	s10 =	simm.s32 @!p3 $0xC200;
	s8 =	simm.s32 @!p3 $0x8180  }
0x4c: {  	[tilespmem:s10], [sflag:$0xA] =	stream.indirect.gather @!p3 [hbm4b:s3+s7], $0x80, s8, s7, $0xb8;
	[tilespmem:$0x10200] =	vst v63  }
0x4d: {  	s7 =	simm.s32 @!p3 $0x9  }
0x4e: {  	_ =	swait.ge @!p3 [sflag:s7], $0x4000  }
0x4f: {  	[sflag:s7] =	ssyncset.done @!p3 $0x0  }
0x50: {  	[sflag:s7] =	ssyncadd.s32 @!p3 $0xFFFFC000;
	s7 =	simm.s32 @!p3 $0xA  }
0x51: {  	_ =	swait.ge @!p3 [sflag:s7], $0x4000  }
0x52: {  	s8 =	sadd.s32 @!p3 s16, s15;
	[sflag:s7] =	ssyncset.done @!p3 $0x0  }
0x53: {  	[sflag:s7] =	ssyncadd.s32 @!p3 $0xFFFFC000;
	s7 =	sadd.s32 @!p3 $0x10000, s8;
	s8 =	simm.s32 @!p3 $0x0  }
0x54: {  	[hbm4b:s7+s8] =	stream.linear.scatter @!p3 [tilespmem:s9], [sflag:$0xB], $0x4000, $0x38;
	[tilespmem:$0x10200] =	vst v63  }
0x55: {  	s7 =	sadd.s32 @!p3 s17, s15  }
0x56: {  	s7 =	sadd.s32 @!p3 $0x10000, s7  }
0x57: {  	[hbm4b:s7+s8] =	stream.linear.scatter @!p3 [tilespmem:s10], [sflag:$0xC], $0x4000, $0x38;
	[tilespmem:$0x10200] =	vst v63  }
0x58: {  	p3 =	sgt.u32 @!p3 s6, $0x11  }
0x59: {  	p2 =	por @!p1 p3, p2  }
0x5a: {  	p2 =	por p2, p1  }
0x5b: {  	s7 =	sadd.s32 @!p2 s5, s13  }
0x5c: {  	s8 =	simm.s32 @!p2 $0x0;
	s9 =	simm.s32 @!p2 $0x8100;
	s7 =	sadd.s32 @!p2 $0x600, s7  }
0x5d: {  	[tilespmem:s9], [sflag:$0x7] =	stream.linear.gather @!p2 [hbm4b:s7+s8], $0x80, $0x38;
	[tilespmem:$0x10200] =	vst v63  }
0x5e: {  	s7 =	sadd.s32 @!p2 s5, s14  }
0x5f: {  	s9 =	simm.s32 @!p2 $0x8180;
	s5 =	sadd.s32 @!p1 $0x400, s5;
	s7 =	sadd.s32 @!p2 $0x600, s7  }
0x60: {  	[tilespmem:s9], [sflag:$0x8] =	stream.linear.gather @!p2 [hbm4b:s7+s8], $0x80, $0x38;
	[tilespmem:$0x10200] =	vst v63  }
0x61: {  	p2 =	sne.s32 @!p1 s5, $0x5000  }
0x62: {  	p2 =	por p1, !p2  }
.Ltmp0:
0x63: {  	_ = 	snop;
	(pc) =	sbr.rel @!p2 .LBB2_2-.Ltmp0, $3  }
0x64: {  	_ =	sdelay $0x1  }
0x65: {  	s19 =	sadd.s32 @!p1 $0x2, s19  }
0x66: {  	s16 =	sadd.s32 @!p1 $0x20000, s16;
	s17 =	sadd.s32 @!p1 $0x20000, s17;
	s6 =	sadd.s32 @!p1 $0x1, s6  }
0x67: {  	_ =	swait.ge [sflag:s28], $0x4000  }
0x68: {  	[sflag:s28] =	ssyncset.done $0x0  }
0x69: {  	[sflag:s28] =	ssyncadd.s32 $0xFFFFC000  }
0x6a: {  	_ =	swait.ge [sflag:s29], $0x4000  }
0x6b: {  	[sflag:s29] =	ssyncset.done $0x0  }
0x6c: {  	[sflag:s29] =	ssyncadd.s32 $0xFFFFC000  }
0x6d: {  	_ =	swait.ge [sflag:s30], $0x4000  }
0x6e: {  	[sflag:s30] =	ssyncset.done $0x0  }
0x6f: {  	[sflag:s30] =	ssyncadd.s32 $0xFFFFC000  }
0x70: {  	_ =	swait.ge [sflag:s31], $0x4000  }
0x71: {  	[sflag:s31] =	ssyncset.done $0x0  }
0x72: {  	s5 =	simm.s32 @!p0 $0x0;
	s6 =	rddreg [dreg:$0x7];
	[sflag:s31] =	ssyncadd.s32 $0xFFFFC000  }
0x73: {  	[tilespmem:s5], [sflag:$0xD] =	stream.linear.gather @!p0 [hbm4b:s6+s5], $0x80, $0x38;
	[tilespmem:$0x10200] =	vst v63  }
0x74: {  	s6 =	simm.s32 @!p0 $0xD  }
0x75: {  	_ =	swait.ge @!p0 [sflag:s6], $0x80  }
0x76: {  	[sflag:s6] =	ssyncset.done @!p0 $0x0  }
0x77: {  	s7 =	simm.s32 @!p0 $0x80;
	s8 =	rddreg [dreg:$0x8];
	[sflag:s6] =	ssyncadd.s32 @!p0 $0xFFFFFF80  }
0x78: {  	[tilespmem:s7], [sflag:$0xD] =	stream.linear.gather @!p0 [hbm4b:s8+s5], $0x80, $0x38;
	[tilespmem:$0x10200] =	vst v63  }
0x79: {  	_ =	swait.ge @!p0 [sflag:s6], $0x80  }
0x7a: {  	[sflag:s6] =	ssyncset.done @!p0 $0x0  }
0x7b: {  	s8 =	simm.s32 @!p0 $0x100;
	[sflag:s6] =	ssyncadd.s32 @!p0 $0xFFFFFF80  }
0x7c: {  	[tilespmem:s8], [sflag:$0xD] =	stream.indirect.gather @!p0 [hbm4b:s1+s7], $0x80, s5, s7, $0xb8;
	[tilespmem:$0x10200] =	vst v63  }
0x7d: {  	_ =	swait.ge @!p0 [sflag:s6], $0x4000  }
0x7e: {  	[sflag:s6] =	ssyncset.done @!p0 $0x0  }
0x7f: {  	s9 =	simm.s32 @!p0 $0x4100;
	[sflag:s6] =	ssyncadd.s32 @!p0 $0xFFFFC000  }
0x80: {  	[tilespmem:s9], [sflag:$0xD] =	stream.indirect.gather @!p0 [hbm4b:s3+s7], $0x80, s7, s7, $0xb8;
	[tilespmem:$0x10200] =	vst v63  }
0x81: {  	_ =	swait.ge @!p0 [sflag:s6], $0x4000  }
0x82: {  	[sflag:s6] =	ssyncset.done @!p0 $0x0  }
0x83: {  	s7 =	rddreg [dreg:$0x9];
	[sflag:s6] =	ssyncadd.s32 @!p0 $0xFFFFC000  }
0x84: {  	[hbm4b:s7+s5] =	stream.linear.scatter @!p0 [tilespmem:s8], [sflag:$0xD], $0x4000, $0x38;
	[tilespmem:$0x10200] =	vst v63  }
0x85: {  	s0 =	sadd.s32 $0x1, s0;
	_ =	swait.ge @!p0 [sflag:s6], $0x4000  }
0x86: {  	p1 =	sne.s32 s0, s12;
	[sflag:s6] =	ssyncset.done @!p0 $0x0  }
.Ltmp1:
0x87: {  	[sflag:s6] =	ssyncadd.s32 @!p0 $0xFFFFC000;
	(pc) =	sbr.rel @p1 .LBB2_1-.Ltmp1, $4  }
0x88: {  	[hbm4b:s11+s5] =	stream.linear.scatter @!p0 [tilespmem:s9], [sflag:$0xD], $0x4000, $0x38;
	[tilespmem:$0x10200] =	vst v63  }
0x89: {  	_ =	swait.ge @!p0 [sflag:s6], $0x4000  }
0x8a: {  	[sflag:s6] =	ssyncset.done @!p0 $0x0  }
0x8b: {  	[sflag:s6] =	ssyncadd.s32 @!p0 $0xFFFFC000  }
0x8c: {  	_ =	sfence.sel $0x180000  }
0x8d: {  	[bflag:$0x0] =	sbarrier.arrive $0xFFFF  }
0x8e: {  	_ =	strace $0x90000047  }
0x8f: {  	[bflag:$0x2] =	sbarrier.arrive $0xFFFF  }
0x90: {  	s0 =	rddreg [dreg:$0x2]  }
0x91: {  	s0 =	sadd.s32 @!p0 $0x100000, s0  }
0x92: {  	[sflag:s0] =	ssyncadd.tile.s32 @!p0 $0x1;
	_ =	shalt  }
.Lfunc_end2:
_tile_overlayer_lowered:
.L_overlay_start_2:
0x93: {  	(tag) =	ssettag $0x2  }
0x94: {  	s0 =	rddreg [dreg:$0x0];
	s2 =	stileid.u32  }
0x95: {  	s1 =	rddreg [dreg:$0x1];
	p0 =	sne.s32 s2, $0x0  }
0x96: {  	s3 =	rddreg [dreg:$0x2];
	[bflag:$0x3] =	sbarrier.arrive $0xFFFF;
	s2 =	simm.s32 @!p0 $0x1C0D  }
0x97: {  	[timem:s3], [sflag:s2] =	dma.local @!p0 [hbm:s0], s1  }
0x98: {  	s0 =	simm.s32 @!p0 $0xD  }
0x99: {  	_ =	swait.ge @!p0 [sflag:s0], s1  }
0x9a: {  	s1 =	ssub.s32 @!p0 $0x0, s1;
	[sflag:s0] =	ssyncset.done @!p0 $0x0  }
0x9b: {  	[sflag:s0] =	ssyncadd.s32 @!p0 s1  }
0x9c: {  	[bflag:$0x3] =	sbarrier.arrive $0xFFFF  }
0x9d: {  	_ =	shalt  }

// kernel: kernel.21.cloned.1.call-start
scs
__scs_entry_jumppad:
0x0: {  	(pc) =	sbr.rel $0x88, $3  }
0x1: {  	(tag) =	ssettag $0x0;
	lr =	simm.s32 $0x1  }
0x2: {  	[smem:$0x3F96] =	sst lr;
	_ =	strace $0xD0000000  }
0x3: {  	_ = 	snop  }
0x4: {  	_ = 	snop  }
0x5: {  	_ = 	snop  }
0x6: {  	_ = 	snop  }
0x7: {  	_ = 	snop  }
__scs_overlays_trampoline_lowered:
0x8: {  	[smem:$0x3FA5] =	sst s0  }
0x9: {  	[smem:$0x3FA6] =	sst s1  }
0xa: {  	[smem:$0x3FA7] =	sst s2  }
0xb: {  	[smem:$0x3FA8] =	sst s3  }
0xc: {  	[smem:$0x3FA9] =	sst s4  }
0xd: {  	[smem:$0x3FAA] =	sst s5  }
0xe: {  	[smem:$0x3FAB] =	sst s6  }
0xf: {  	[smem:$0x3FAC] =	sst s7  }
0x10: {  	[smem:$0x3FAD] =	sst s8  }
0x11: {  	[smem:$0x3FAE] =	sst s9;
	s0 =	simm.s32 @!p0 $0x0  }
0x12: {  	s1 =	sld [smem:$0x3F94];
	s0 =	simm.s32 @p0 $0x1  }
0x13: {  	[smem:$0x3FAF] =	sst s0;
	s0 =	simm.s32 @!p1 $0x0  }
0x14: {  	s2 =	sld [smem:$0x3F93];
	s0 =	simm.s32 @p1 $0x1  }
0x15: {  	[smem:$0x3FB0] =	sst s0;
	s0 =	simm.s32 @!p2 $0x0  }
0x16: {  	s3 =	sld [smem:$0x3FDB];
	s0 =	simm.s32 @p2 $0x1  }
0x17: {  	s4 =	simm.s32 $0x1BF5;
	[smem:$0x3FB2] =	sst s0  }
0x18: {  	s0 =	sld [smem:$0x3F95];
	_ =	swait.ge [sflag:s4], $0x0  }
0x19: {  	s7 =	sld [smem:$0x3F96]  }
0x1a: {  	s8 =	sadd.s32 $0xFFFFE003, lr  }
0x1b: {  	s9 =	sadd.s32 $0xFFFFFEF7, lr;
	s5 =	simm.s32 $0xFFFFFFFF;
	p2 =	slt.u32 s8, $0xFFFFF086  }
0x1c: {  	p1 =	slt.u32 s9, $0xF7A;
	s5 =	simm.s32 @!p2 $0x0  }
0x1d: {  	s5 =	simm.s32 @p1 $0x1;
	p0 =	seq.s32 s7, s2  }
0x1e: {  	s7 =	smul.u32 @!p0 $0xF7A, s2;
	p2 =	seq.s32 @!p0 s5, $0x0  }
0x1f: {  	s9 =	smul.u32 $0xF7A, s1;
	s8 =	simm.s32 @!p0 $0x1BF5;
	p2 =	por !p2, p0  }
0x20: {  	[sflag:s8] =	ssyncset.s32 @!p0 $0xFFFFF086;
	s6 =	sadd.s32 @!p0 s3, s7;
	s7 =	simm.s32 @!p0 $0x108  }
0x21: {  	s3 =	sadd.s32 s3, s9;
	s6 =	sadd.s32 @!p0 $0x88, s6;
	s7 =	simm.s32 @p2 $0x1082  }
0x22: {  	[simem:s7], [sflag:s8] =	dma.local @!p0 [hbm:s6], $0xF7A  }
0x23: {  	s9 =	sor.u32 $0xD0000000, s2;
	s6 =	simm.s32 $0x108;
	_ =	swait.ge @!p0 [sflag:s8], $0x0  }
0x24: {  	s3 =	sadd.s32 $0x88, s3;
	s6 =	simm.s32 @!p1 $0x1082;
	[sflag:s4] =	ssyncset.s32 $0xFFFFF086  }
0x25: {  	[simem:s6], [sflag:s4] =	dma.local [hbm:s3], $0xF7A  }
0x26: {  	[smem:$0x3F96] =	sst s1;
	(tag) =	ssettag s2;
	_ =	strace s9  }
0x27: {  	s1 =	sld [smem:$0x3FA6]  }
0x28: {  	s2 =	sld [smem:$0x3FA7]  }
0x29: {  	s4 =	sld [smem:$0x3FA9]  }
0x2a: {  	p0 =	seq.s32 s5, $0x0;
	s5 =	sld [smem:$0x3FAA]  }
0x2b: {  	s6 =	sld [smem:$0x3FAB]  }
0x2c: {  	s7 =	sld [smem:$0x3FAC]  }
0x2d: {  	s3 =	simm.s32 $0x108;
	s8 =	sld [smem:$0x3FAD]  }
0x2e: {  	s3 =	simm.s32 @!p0 $0x1082;
	s9 =	sld [smem:$0x3FAE]  }
0x2f: {  	lr =	sadd.s32 s0, s3;
	s0 =	sld [smem:$0x3FA5]  }
0x30: {  	s3 =	sld [smem:$0x3FA8]  }
0x31: {  	[smem:$0x3FB1] =	sst s10  }
0x32: {  	s10 =	sld [smem:$0x3FAF];
	_ =	sdelay $0x3  }
0x33: {  	p0 =	seq.s32 s10, $0x1;
	s10 =	sld [smem:$0x3FB1];
	_ =	sdelay $0x3  }
0x34: {  	[smem:$0x3FB1] =	sst s10  }
0x35: {  	s10 =	sld [smem:$0x3FB0];
	_ =	sdelay $0x3  }
0x36: {  	p1 =	seq.s32 s10, $0x1;
	s10 =	sld [smem:$0x3FB1];
	_ =	sdelay $0x3  }
0x37: {  	[smem:$0x3FB1] =	sst s10  }
0x38: {  	s10 =	sld [smem:$0x3FB2]  }
0x39: {  	_ = 	snop;
	(pc) =	sbr.ind lr, $3  }
0x3a: {  	_ = 	snop  }
0x3b: {  	_ = 	snop  }
0x3c: {  	p2 =	seq.s32 s10, $0x1;
	s10 =	sld [smem:$0x3FB1]  }
0x3d: {  	_ =	shalt  }
0x3e: {  	_ =	shalt  }
0x3f: {  	_ =	shalt  }
0x40: {  	_ =	shalt  }
0x41: {  	_ =	shalt  }
0x42: {  	_ =	shalt  }
0x43: {  	_ =	shalt  }
0x44: {  	_ =	shalt  }
0x45: {  	_ =	shalt  }
0x46: {  	_ =	shalt  }
0x47: {  	_ =	shalt  }
0x48: {  	_ =	shalt  }
0x49: {  	_ =	shalt  }
0x4a: {  	_ =	shalt  }
0x4b: {  	_ =	shalt  }
0x4c: {  	_ =	shalt  }
0x4d: {  	_ =	shalt  }
0x4e: {  	_ =	shalt  }
0x4f: {  	_ =	shalt  }
0x50: {  	_ =	shalt  }
0x51: {  	_ =	shalt  }
0x52: {  	_ =	shalt  }
0x53: {  	_ =	shalt  }
0x54: {  	_ =	shalt  }
0x55: {  	_ =	shalt  }
0x56: {  	_ =	shalt  }
0x57: {  	_ =	shalt  }
0x58: {  	_ =	shalt  }
0x59: {  	_ =	shalt  }
0x5a: {  	_ =	shalt  }
0x5b: {  	_ =	shalt  }
0x5c: {  	_ =	shalt  }
0x5d: {  	_ =	shalt  }
0x5e: {  	_ =	shalt  }
0x5f: {  	_ =	shalt  }
0x60: {  	_ =	shalt  }
0x61: {  	_ =	shalt  }
0x62: {  	_ =	shalt  }
0x63: {  	_ =	shalt  }
0x64: {  	_ =	shalt  }
0x65: {  	_ =	shalt  }
0x66: {  	_ =	shalt  }
0x67: {  	_ =	shalt  }
0x68: {  	_ =	shalt  }
0x69: {  	_ =	shalt  }
0x6a: {  	_ =	shalt  }
0x6b: {  	_ =	shalt  }
0x6c: {  	_ =	shalt  }
0x6d: {  	_ =	shalt  }
0x6e: {  	_ =	shalt  }
0x6f: {  	_ =	shalt  }
0x70: {  	_ =	shalt  }
0x71: {  	_ =	shalt  }
0x72: {  	_ =	shalt  }
0x73: {  	_ =	shalt  }
0x74: {  	_ =	shalt  }
0x75: {  	_ =	shalt  }
0x76: {  	_ =	shalt  }
0x77: {  	_ =	shalt  }
0x78: {  	_ =	shalt  }
0x79: {  	_ =	shalt  }
0x7a: {  	_ =	shalt  }
0x7b: {  	_ =	shalt  }
0x7c: {  	_ =	shalt  }
0x7d: {  	_ =	shalt  }
0x7e: {  	_ =	shalt  }
0x7f: {  	_ =	shalt  }
0x80: {  	_ =	shalt  }
0x81: {  	_ =	shalt  }
0x82: {  	_ =	shalt  }
0x83: {  	_ =	shalt  }
0x84: {  	_ =	shalt  }
0x85: {  	_ =	shalt  }
0x86: {  	_ =	shalt  }
0x87: {  	_ =	shalt  }
.Lfunc_end0:
.L_simem_size_0:
called_computation.1_lowered:
.L_overlay_start_0:
0x88: {  	s2 =	sld [smem:$0x3FD9]  }
0x89: {  	s3 =	sld [smem:$0x3FFE];
	_ =	sdelay $0x1  }
0x8a: {  	s1 =	srdreg.scid  }
0x8b: {  	s0 =	sand.u32 $0x1, s1  }
0x8c: {  	s17 =	sshll.u32 s0, $0xA;
	s2 =	sadd.s32 s3, s2  }
0x8d: {  	s2 =	sadd.s32 s2, s17  }
0x8e: {  	[smem:$0x3FBD] =	sst s2  }
0x8f: {  	_ = 	snop  }
0x90: {  	(tm) =	ssettm $0x1  }
0x91: {  	s18 =	sld [smem:$0x3FFB];
	_ =	sdelay $0x3  }
0x92: {  	_ =	strace s18  }
0x93: {  	s2 =	sld [smem:$0x3FFC];
	_ =	sdelay $0x3  }
0x94: {  	_ =	strace s2  }
0x95: {  	s2 =	sld [smem:$0x3FFD];
	_ =	sdelay $0x3  }
0x96: {  	_ =	strace s2  }
0x97: {  	_ =	strace $0x8FFFFFFF  }
0x98: {  	s19 =	sld [smem:$0x3FDB];
	_ =	sdelay $0x1  }
0x99: {  	s20 =	simm.s32 $_scs_section_size  }
0x9a: {  	s4 =	simm.s32 $_size__tile_overlayer_lowered;
	s5 =	simm.s32 $_tile_overlayer_lowered  }
0x9b: {  	s6 =	simm.s32 $0x1BFF;
	s21 =	sshll.u32 s5, $0x1;
	s3 =	sadd.s32 s20, s19  }
0x9c: {  	s22 =	simm.s32 $0x0;
	s4 =	sshll.u32 s4, $0x1;
	s5 =	sadd.s32 s21, s3  }
0x9d: {  	[timem:s22], [sflag:s6] =	dma.local [hbm:s5], s4  }
0x9e: {  	_ =	swait.ge [sflag:s6], s4  }
0x9f: {  	s4 =	ssub.s32 $0x0, s4;
	[sflag:s6] =	ssyncset.done $0x0  }
0xa0: {  	[sflag:s6] =	ssyncadd.s32 s4;
	_ =	sdelay $0x1  }
0xa1: {  	s23 =	simm.s32 $0x1B8B  }
0xa2: {  	_ =	swait.ge [sflag:s23], $0x1  }
0xa3: {  	[sflag:s23] =	ssyncset.done $0x0  }
0xa4: {  	[sflag:s23] =	ssyncadd.s32 $0xFFFFFFFF  }
0xa5: {  	s4 =	sld [smem:$0x0]  }
0xa6: {  	s5 =	sand.u32 $0xFFFFFFFE, s1  }
0xa7: {  	p0 =	sne.s32 s1, s5  }
0xa8: {  	s5 =	sshll.u32 @p0 s5, $0xE  }
0xa9: {  	s5 =	sadd.s32 @p0 $0x11B8D, s5;
	s6 =	sshll.u32 @p0 s4, $0x11  }
0xaa: {  	s5 =	sor.u32 @p0 s6, s5  }
0xab: {  	[sflag:s5] =	ssyncadd.remote.s32 @p0 $0x1;
	_ =	sdelay $0x1  }
0xac: {  	s5 =	simm.s32 @p0 $0x1B8D  }
0xad: {  	_ =	swait.eq @p0 [sflag:s5], $0x1  }
0xae: {  	[sflag:s5] =	ssyncadd.s32 @p0 $0xFFFFFFFF  }
0xaf: {  	s6 =	sshll.u32 @!p0 s1, $0xE  }
0xb0: {  	s6 =	sor.u32 @!p0 $0x4000, s6;
	s5 =	simm.s32 @!p0 $0x1B8D  }
0xb1: {  	s4 =	sshll.u32 @!p0 s4, $0x11;
	s6 =	sadd.s32 @!p0 $0x11B8D, s6;
	_ =	swait.eq @!p0 [sflag:s5], $0x1  }
0xb2: {  	s4 =	sor.u32 @!p0 s4, s6;
	[sflag:s5] =	ssyncadd.s32 @!p0 $0xFFFFFFFF  }
0xb3: {  	s25 =	simm.s32 $0x1B8E;
	s24 =	sld [smem:$0x3FFE];
	[sflag:s4] =	ssyncadd.remote.s32 @!p0 $0x1  }
0xb4: {  	s26 =	simm.s32 $execute0_lowered;
	[smem:$0x3FD2] =	sst s25  }
0xb5: {  	s5 =	sshll.u32 s26, $0x1;
	_ =	strace $0x8000004C;
	[dreg:$0x1] =	wrdreg $0xFFFFFFFF  }
0xb6: {  	s28 =	simm.s32 $_size_execute0_lowered;
	s3 =	sadd.s32 s3, s5;
	[dreg:$0x0] =	wrdreg $0x0  }
0xb7: {  	s5 =	sshll.u32 s28, $0x1;
	[dreg:$0x2] =	wrdreg s3  }
0xb8: {  	[dreg:$0x3] =	wrdreg s5  }
0xb9: {  	[dreg:$0x4] =	wrdreg $0xC0  }
0xba: {  	_ =	task [dreg:s22], $0x5FFFF  }
0xbb: {  	[dreg:$0x1] =	wrdreg $0xFFFFFFFF  }
0xbc: {  	[dreg:$0x0] =	wrdreg $0x60  }
0xbd: {  	[dreg:$0x2] =	wrdreg s24  }
0xbe: {  	[dreg:$0x3] =	wrdreg $0x0  }
0xbf: {  	[dreg:$0x4] =	wrdreg $0x9  }
0xc0: {  	_ =	task.clear_ibuf [dreg:s22], $0x5FFFF;
	_ =	strace $0x9000004C  }
0xc1: {  	s29 =	simm.s32 $0x9;
	_ =	strace $0x8000004E  }
0xc2: {  	_ =	swait.ge [sflag:s29], $0x1  }
0xc3: {  	[sflag:s29] =	ssyncadd.s32 $0xFFFFFFFF  }
0xc4: {  	_ =	strace $0x9000004E  }
0xc5: {  	_ =	sfence  }
0xc6: {  	s30 =	sld [smem:$0x0];
	_ =	sdelay $0x2  }
0xc7: {  	s31 =	sshll.u32 s1, $0xD;
	s1 =	sshrl.u32 s1, $0x2  }
0xc8: {  	s4 =	sand.u32 $0x4000, s31;
	s1 =	sadd.s32 s1, s30  }
0xc9: {  	s0 =	sor.u32 s4, s0;
	s1 =	sshll.u32 s1, $0x11  }
0xca: {  	s0 =	sor.u32 s1, s0  }
0xcb: {  	s0 =	sadd.s32 $0x8F2B, s0  }
0xcc: {  	[sflag:s0] =	ssyncadd.remote.s32 $0x1  }
0xcd: {  	_ =	sfence.sel $0xFFFF  }
0xce: {  	[dreg:$0x0] =	wrdreg $0xFFFFFFFF;
	(pc) =	sbr.abs _section_cstart, $3  }
0xcf: {  	[dreg:$0x1] =	wrdreg $0xFFFFFFFF  }
0xd0: {  	_ =	task.clear_ibuf [dreg:s22], $0x2FFFF;
	_ =	strace $0x9FFFFFFF  }
0xd1: {  	(tm) =	ssettm $0x7FFFFFFF  }
tec
execute0_lowered:
.L_overlay_start_1:
0x0: {  	(tag) =	ssettag $0x1  }
0x1: {  	s0 =	rddreg [dreg:$0x0]  }
0x2: {  	s1 =	rddreg [dreg:$0x1]  }
0x3: {  	s2 =	simm.s32 $0x0;
	s3 =	stileid.u32;
	s4 =	srdreg.scid  }
0x4: {  	s28 =	simm.s32 $0x2;
	s29 =	simm.s32 $0x80;
	s30 =	simm.s32 $0x3  }
0x5: {  	s31 =	simm.s32 $0x4;
	[smem:$0x7FF] =	sst s2;
	s10 =	smul.u32 $0x2700, s3  }
0x6: {  	s6 =	sand.u32 $0x1, s4;
	s8 =	sadd.s32 $0xEEAA00, s0;
	s4 =	sadd.s32 $0x13000, s0  }
0x7: {  	s9 =	smul.u32 $0x4E000, s3;
	s11 =	sshll.u32 s3, $0x1;
	s14 =	sshll.u32 s3, $0x6  }
0x8: {  	s15 =	sadd.s32 $0x138000, s1;
	s25 =	sshll.u32 s3, $0x8;
	p0 =	sne.s32 s3, $0x0  }
0x9: {  	_ =	strace $0x8000004D;
	s5 =	smul.u32 $0x27100, s6;
	[dreg:$0x5] =	wrdreg s15  }
0xa: {  	s7 =	ssub.s32 $0x2, s6;
	s13 =	sor.u32 s6, s11;
	[dreg:$0x3] =	wrdreg s10  }
0xb: {  	s10 =	sadd.s32 s10, s0;
	s26 =	sshrl.u32 s7, $0x1;
	s12 =	sshrl.u32 s9, $0x2  }
0xc: {  	s18 =	sshll.u32 s13, $0x4;
	s19 =	sshll.u32 s13, $0xB;
	s16 =	sadd.s32 s5, s0  }
0xd: {  	s17 =	ssub.s32 s7, s26;
	s5 =	sadd.s32 s12, s1;
	s10 =	sadd.s32 $0x44000, s10  }
0xe: {  	s7 =	sor.u32 $0x1C05, s14;
	s0 =	sadd.s32 $0x6B000, s0;
	s12 =	sshll.u32 s13, $0x7  }
0xf: {  	s11 =	sadd.s32 s8, s19;
	s26 =	sshll.u32 s6, $0x7;
	[dreg:$0x4] =	wrdreg s10  }
0x10: {  	s6 =	sshll.u32 s6, $0xB;
	[dreg:$0x6] =	wrdreg s0;
	s0 =	sadd.s32 s4, s18  }
0x11: {  	s20 =	sor.u32 $0x1000, s12;
	s15 =	sor.u32 $0x27000, s12;
	s16 =	sadd.s32 $0x6B200, s16  }
0x12: {  	s18 =	sshll.u32 s3, $0xC;
	s17 =	smax.u32 s17, $0x1;
	[dreg:$0x7] =	wrdreg s0  }
0x13: {  	s21 =	sshrl.u32 s20, $0x3;
	s22 =	sshll.u32 s20, $0x4;
	s23 =	sshrl.u32 s15, $0x3  }
0x14: {  	s24 =	sshll.u32 s15, $0x4;
	s0 =	sor.u32 s26, s25;
	s25 =	simm.s32 $0x17980  }
0x15: {  	s26 =	simm.s32 $0x1;
	s12 =	sadd.s32 s4, s21;
	s13 =	sadd.s32 s8, s22  }
.Ltmp0:
0x16: {  	s14 =	sadd.s32 s4, s23;
	s15 =	sadd.s32 s8, s24;
	(pc) =	sbr.rel .LBB2_1-.Ltmp0, $4  }
0x17: {  	s8 =	sadd.s32 s18, s8;
	s9 =	sor.u32 $0x3000, s0;
	s21 =	simm.s32 $0x5  }
0x18: {  	s22 =	simm.s32 $0x13880;
	s23 =	simm.s32 $0x13900;
	s6 =	sadd.s32 s6, s8  }
0x19: {  	s24 =	simm.s32 $0x17900;
	s9 =	sshrl.u32 s9, $0x3;
	s8 =	sadd.s32 $0x30000, s6  }
0x1a: {  	s19 =	sadd.s32 s9, s4;
	s6 =	sor.u32 $0x2000, s0;
	s0 =	simm.s32 $0x0  }
.LBB2_4:
0x1b: {  	_ =	swait.ge [sflag:s26], $0x80  }
0x1c: {  	[sflag:s26] =	ssyncset.done $0x0  }
0x1d: {  	[sflag:s26] =	ssyncadd.s32 $0xFFFFFF80  }
0x1e: {  	_ =	swait.ge [sflag:s28], $0x4000  }
0x1f: {  	[sflag:s28] =	ssyncset.done $0x0  }
0x20: {  	[sflag:s28] =	ssyncadd.s32 $0xFFFFC000  }
0x21: {  	[spmem:s1] =	stream.indirect.scatter.add.f32 [tilespmem:s23], [sflag:$0x5], $0x80, s22, s29, $0xb8;
	[tilespmem:$0x1B980] =	vst v63  }
0x22: {  	_ =	swait.ge [sflag:s21], $0x4000  }
0x23: {  	[sflag:s21] =	ssyncset.done $0x0  }
0x24: {  	[sflag:s21] =	ssyncadd.s32 $0xFFFFC000  }
0x25: {  	[bflag:$0x0] =	sbarrier.arrive @p0 $0xFFFF  }
0x26: {  	s9 =	rddreg [dreg:$0x3]  }
0x27: {  	s10 =	sshrl.u32 @p0 s5, $0x3;
	s9 =	sadd.s32 @p0 s9, s16  }
0x28: {  	[hbm:s9], [sflag:s7] =	dma.local @p0 [spmem:s10], $0x2700  }
0x29: {  	s9 =	simm.s32 @p0 $0x5  }
0x2a: {  	_ =	swait.ge @p0 [sflag:s9], $0x2700  }
0x2b: {  	s18 =	simm.s32 @!p0 $0x5;
	[sflag:s9] =	ssyncset.done @p0 $0x0  }
0x2c: {  	s10 =	simm.s32 @!p0 $0x13880;
	[sflag:s9] =	ssyncadd.s32 @p0 $0xFFFFD900;
	s9 =	simm.s32 @!p0 $0x0  }
0x2d: {  	[tilespmem:s10], [sflag:$0x5] =	stream.linear.gather @!p0 [hbm4b:s14+s9], $0x80, $0x38;
	[tilespmem:$0x1B980] =	vst v63  }
0x2e: {  	_ =	swait.ge @!p0 [sflag:s18], $0x80  }
0x2f: {  	[sflag:s18] =	ssyncset.done @!p0 $0x0  }
0x30: {  	s20 =	simm.s32 @!p0 $0x13900;
	[sflag:s18] =	ssyncadd.s32 @!p0 $0xFFFFFF80  }
0x31: {  	[tilespmem:s20], [sflag:$0x5] =	stream.linear.gather @!p0 [hbm4b:s15+s9], $0x4000, $0x38;
	[tilespmem:$0x1B980] =	vst v63  }
0x32: {  	_ =	swait.ge @!p0 [sflag:s18], $0x4000  }
0x33: {  	[sflag:s18] =	ssyncset.done @!p0 $0x0  }
0x34: {  	s9 =	simm.s32 @!p0 $0x80;
	[sflag:s18] =	ssyncadd.s32 @!p0 $0xFFFFC000  }
0x35: {  	[spmem:s1] =	stream.indirect.scatter.add.f32 @!p0 [tilespmem:s20], [sflag:$0x5], $0x80, s10, s9, $0xb8;
	[tilespmem:$0x1B980] =	vst v63  }
0x36: {  	_ =	swait.ge @!p0 [sflag:s18], $0x4000  }
0x37: {  	[sflag:s18] =	ssyncset.done @!p0 $0x0  }
0x38: {  	[sflag:s18] =	ssyncadd.s32 @!p0 $0xFFFFC000  }
0x39: {  	s9 =	sshrl.u32 @!p0 s5, $0x3;
	[bflag:$0x0] =	sbarrier.arrive @!p0 $0xFFFF  }
0x3a: {  	[hbm:s16], [sflag:s7] =	dma.local @!p0 [spmem:s9], $0x2700  }
0x3b: {  	s0 =	sadd.s32 $0x1, s0;
	_ =	swait.ge @!p0 [sflag:s18], $0x2700  }
0x3c: {  	p1 =	sne.s32 s0, s17;
	[sflag:s18] =	ssyncset.done @!p0 $0x0  }
.Ltmp1:
0x3d: {  	s9 =	sadd.s32 @!p0 $0x27000, s16;
	[sflag:s18] =	ssyncadd.s32 @!p0 $0xFFFFD900;
	(pc) =	sbr.rel @!p1 .LBB2_5-.Ltmp1, $4  }
0x3e: {  	[hbm:s9], [sflag:s7] =	dma.local @!p0 [spmem:s3], $0x100  }
0x3f: {  	_ =	swait.ge @!p0 [sflag:s18], $0x100  }
0x40: {  	[sflag:s18] =	ssyncset.done @!p0 $0x0  }
0x41: {  	[sflag:s18] =	ssyncadd.s32 @!p0 $0xFFFFFF00  }
.LBB2_1:
0x42: {  	s3 =	sshrl.u32 s5, $0x3;
	s9 =	rddreg [dreg:$0x4]  }
0x43: {  	[spmem:s3], [sflag:s7] =	dma.local [hbm:s9], $0x2700  }
0x44: {  	_ =	swait.ge [sflag:s21], $0x2700  }
0x45: {  	[sflag:s21] =	ssyncset.done $0x0;
	s3 =	rddreg [dreg:$0x5]  }
0x46: {  	s9 =	rddreg [dreg:$0x6];
	[sflag:s21] =	ssyncadd.s32 $0xFFFFD900;
	s3 =	sshrl.u32 @!p0 s3, $0x3  }
0x47: {  	[spmem:s3], [sflag:s7] =	dma.local @!p0 [hbm:s9], $0x100  }
0x48: {  	s9 =	simm.s32 @!p0 $0x5  }
0x49: {  	_ =	swait.ge @!p0 [sflag:s9], $0x100  }
0x4a: {  	[sflag:s9] =	ssyncset.done @!p0 $0x0  }
0x4b: {  	[sflag:s9] =	ssyncadd.s32 @!p0 $0xFFFFFF00  }
0x4c: {  	[bflag:$0x0] =	sbarrier.arrive $0xFFFF  }
0x4d: {  	s20 =	rddreg [dreg:$0x7]  }
0x4e: {  	[tilespmem:s22], [sflag:$0x1] =	stream.linear.gather [hbm4b:s20+s2], $0x80, $0x38;
	[tilespmem:$0x1B980] =	vst v63  }
0x4f: {  	_ = 	snop  }
0x50: {  	[tilespmem:s23], [sflag:$0x2] =	stream.linear.gather [hbm4b:s11+s2], $0x4000, $0x38;
	[tilespmem:$0x1B980] =	vst v63  }
0x51: {  	_ = 	snop  }
0x52: {  	[tilespmem:s24], [sflag:$0x3] =	stream.linear.gather [hbm4b:s12+s2], $0x80, $0x38;
	[tilespmem:$0x1B980] =	vst v63  }
0x53: {  	s18 =	smov.u32 s8;
	s9 =	simm.s32 $0x0;
	s20 =	smov.u32 s6  }
0x54: {  	[tilespmem:s25], [sflag:$0x4] =	stream.linear.gather [hbm4b:s13+s2], $0x4000, $0x38;
	[tilespmem:$0x1B980] =	vst v63  }
.LBB2_2:
0x55: {  	_ =	swait.ge [sflag:s26], $0x80  }
0x56: {  	[sflag:s26] =	ssyncset.done $0x0  }
0x57: {  	[sflag:s26] =	ssyncadd.s32 $0xFFFFFF80  }
0x58: {  	_ =	swait.ge [sflag:s28], $0x4000  }
0x59: {  	[sflag:s28] =	ssyncset.done $0x0  }
0x5a: {  	[sflag:s28] =	ssyncadd.s32 $0xFFFFC000  }
0x5b: {  	[spmem:s1] =	stream.indirect.scatter.add.f32 [tilespmem:s23], [sflag:$0x5], $0x80, s22, s29, $0xb8;
	[tilespmem:$0x1B980] =	vst v63  }
0x5c: {  	_ =	swait.ge [sflag:s21], $0x4000  }
0x5d: {  	s10 =	sshrl.u32 s20, $0x3;
	[sflag:s21] =	ssyncset.done $0x0  }
0x5e: {  	s10 =	sadd.s32 s4, s10;
	[sflag:s21] =	ssyncadd.s32 $0xFFFFC000  }
0x5f: {  	[tilespmem:s22], [sflag:$0x1] =	stream.linear.gather [hbm4b:s10+s2], $0x80, $0x38;
	[tilespmem:$0x1B980] =	vst v63  }
0x60: {  	s10 =	sadd.s32 $0xFFFF0000, s18  }
0x61: {  	[tilespmem:s23], [sflag:$0x2] =	stream.linear.gather [hbm4b:s10+s2], $0x4000, $0x38;
	[tilespmem:$0x1B980] =	vst v63  }
0x62: {  	_ =	swait.ge [sflag:s30], $0x80  }
0x63: {  	[sflag:s30] =	ssyncset.done $0x0  }
0x64: {  	[sflag:s30] =	ssyncadd.s32 $0xFFFFFF80  }
0x65: {  	_ =	swait.ge [sflag:s31], $0x4000  }
0x66: {  	p1 =	seq.s32 s9, $0x4800;
	[sflag:s31] =	ssyncset.done $0x0  }
.Ltmp2:
0x67: {  	[sflag:s31] =	ssyncadd.s32 $0xFFFFC000;
	(pc) =	sbr.rel @p1 .LBB2_4-.Ltmp2, $4  }
0x68: {  	[spmem:s1] =	stream.indirect.scatter.add.f32 [tilespmem:s25], [sflag:$0x5], $0x80, s24, s29, $0xb8;
	[tilespmem:$0x1B980] =	vst v63  }
0x69: {  	_ =	swait.ge [sflag:s21], $0x4000  }
0x6a: {  	[sflag:s21] =	ssyncset.done $0x0  }
0x6b: {  	[sflag:s21] =	ssyncadd.s32 $0xFFFFC000  }
.Ltmp3:
0x6c: {  	s10 =	sadd.s32 s9, s19;
	(pc) =	sbr.rel .LBB2_2-.Ltmp3, $4  }
0x6d: {  	[tilespmem:s24], [sflag:$0x3] =	stream.linear.gather [hbm4b:s10+s2], $0x80, $0x38;
	[tilespmem:$0x1B980] =	vst v63  }
0x6e: {  	_ = 	snop  }
0x6f: {  	[tilespmem:s25], [sflag:$0x4] =	stream.linear.gather [hbm4b:s18+s2], $0x4000, $0x38;
	[tilespmem:$0x1B980] =	vst v63  }
0x70: {  	s9 =	sadd.s32 $0x400, s9;
	s20 =	sadd.s32 $0x2000, s20;
	s18 =	sadd.s32 $0x20000, s18  }
.LBB2_5:
0x71: {  	_ =	sfence.sel $0x180000  }
0x72: {  	[bflag:$0x0] =	sbarrier.arrive $0xFFFF  }
0x73: {  	_ =	strace $0x9000004D  }
0x74: {  	[bflag:$0x2] =	sbarrier.arrive $0xFFFF  }
0x75: {  	s0 =	rddreg [dreg:$0x2]  }
0x76: {  	s0 =	sadd.s32 @!p0 $0x100000, s0  }
0x77: {  	[sflag:s0] =	ssyncadd.tile.s32 @!p0 $0x1;
	_ =	shalt  }
.Lfunc_end2:
_tile_overlayer_lowered:
.L_overlay_start_2:
0x78: {  	(tag) =	ssettag $0x2  }
0x79: {  	s0 =	rddreg [dreg:$0x0];
	s2 =	stileid.u32  }
0x7a: {  	s1 =	rddreg [dreg:$0x1];
	p0 =	sne.s32 s2, $0x0  }
0x7b: {  	s3 =	rddreg [dreg:$0x2];
	[bflag:$0x3] =	sbarrier.arrive $0xFFFF;
	s2 =	simm.s32 @!p0 $0x1C05  }
0x7c: {  	[timem:s3], [sflag:s2] =	dma.local @!p0 [hbm:s0], s1  }
0x7d: {  	s0 =	simm.s32 @!p0 $0x5  }
0x7e: {  	_ =	swait.ge @!p0 [sflag:s0], s1  }
0x7f: {  	s1 =	ssub.s32 @!p0 $0x0, s1;
	[sflag:s0] =	ssyncset.done @!p0 $0x0  }
0x80: {  	[sflag:s0] =	ssyncadd.s32 @!p0 s1  }
0x81: {  	[bflag:$0x3] =	sbarrier.arrive $0xFFFF  }
0x82: {  	_ =	shalt  }

// kernel: kernel.24.cloned.1.call-start
scs
__scs_entry_jumppad:
0x0: {  	(pc) =	sbr.rel $0x88, $3  }
0x1: {  	(tag) =	ssettag $0x0;
	lr =	simm.s32 $0x1  }
0x2: {  	[smem:$0x3F96] =	sst lr;
	_ =	strace $0xD0000000  }
0x3: {  	_ = 	snop  }
0x4: {  	_ = 	snop  }
0x5: {  	_ = 	snop  }
0x6: {  	_ = 	snop  }
0x7: {  	_ = 	snop  }
__scs_overlays_trampoline_lowered:
0x8: {  	[smem:$0x3FA5] =	sst s0  }
0x9: {  	[smem:$0x3FA6] =	sst s1  }
0xa: {  	[smem:$0x3FA7] =	sst s2  }
0xb: {  	[smem:$0x3FA8] =	sst s3  }
0xc: {  	[smem:$0x3FA9] =	sst s4  }
0xd: {  	[smem:$0x3FAA] =	sst s5  }
0xe: {  	[smem:$0x3FAB] =	sst s6  }
0xf: {  	[smem:$0x3FAC] =	sst s7  }
0x10: {  	[smem:$0x3FAD] =	sst s8  }
0x11: {  	[smem:$0x3FAE] =	sst s9;
	s0 =	simm.s32 @!p0 $0x0  }
0x12: {  	s1 =	sld [smem:$0x3F94];
	s0 =	simm.s32 @p0 $0x1  }
0x13: {  	[smem:$0x3FAF] =	sst s0;
	s0 =	simm.s32 @!p1 $0x0  }
0x14: {  	s2 =	sld [smem:$0x3F93];
	s0 =	simm.s32 @p1 $0x1  }
0x15: {  	[smem:$0x3FB0] =	sst s0;
	s0 =	simm.s32 @!p2 $0x0  }
0x16: {  	s3 =	sld [smem:$0x3FDB];
	s0 =	simm.s32 @p2 $0x1  }
0x17: {  	s4 =	simm.s32 $0x1BF5;
	[smem:$0x3FB2] =	sst s0  }
0x18: {  	s0 =	sld [smem:$0x3F95];
	_ =	swait.ge [sflag:s4], $0x0  }
0x19: {  	s7 =	sld [smem:$0x3F96]  }
0x1a: {  	s8 =	sadd.s32 $0xFFFFE003, lr  }
0x1b: {  	s9 =	sadd.s32 $0xFFFFFEF7, lr;
	s5 =	simm.s32 $0xFFFFFFFF;
	p2 =	slt.u32 s8, $0xFFFFF086  }
0x1c: {  	p1 =	slt.u32 s9, $0xF7A;
	s5 =	simm.s32 @!p2 $0x0  }
0x1d: {  	s5 =	simm.s32 @p1 $0x1;
	p0 =	seq.s32 s7, s2  }
0x1e: {  	s7 =	smul.u32 @!p0 $0xF7A, s2;
	p2 =	seq.s32 @!p0 s5, $0x0  }
0x1f: {  	s9 =	smul.u32 $0xF7A, s1;
	s8 =	simm.s32 @!p0 $0x1BF5;
	p2 =	por !p2, p0  }
0x20: {  	[sflag:s8] =	ssyncset.s32 @!p0 $0xFFFFF086;
	s6 =	sadd.s32 @!p0 s3, s7;
	s7 =	simm.s32 @!p0 $0x108  }
0x21: {  	s3 =	sadd.s32 s3, s9;
	s6 =	sadd.s32 @!p0 $0x88, s6;
	s7 =	simm.s32 @p2 $0x1082  }
0x22: {  	[simem:s7], [sflag:s8] =	dma.local @!p0 [hbm:s6], $0xF7A  }
0x23: {  	s9 =	sor.u32 $0xD0000000, s2;
	s6 =	simm.s32 $0x108;
	_ =	swait.ge @!p0 [sflag:s8], $0x0  }
0x24: {  	s3 =	sadd.s32 $0x88, s3;
	s6 =	simm.s32 @!p1 $0x1082;
	[sflag:s4] =	ssyncset.s32 $0xFFFFF086  }
0x25: {  	[simem:s6], [sflag:s4] =	dma.local [hbm:s3], $0xF7A  }
0x26: {  	[smem:$0x3F96] =	sst s1;
	(tag) =	ssettag s2;
	_ =	strace s9  }
0x27: {  	s1 =	sld [smem:$0x3FA6]  }
0x28: {  	s2 =	sld [smem:$0x3FA7]  }
0x29: {  	s4 =	sld [smem:$0x3FA9]  }
0x2a: {  	p0 =	seq.s32 s5, $0x0;
	s5 =	sld [smem:$0x3FAA]  }
0x2b: {  	s6 =	sld [smem:$0x3FAB]  }
0x2c: {  	s7 =	sld [smem:$0x3FAC]  }
0x2d: {  	s3 =	simm.s32 $0x108;
	s8 =	sld [smem:$0x3FAD]  }
0x2e: {  	s3 =	simm.s32 @!p0 $0x1082;
	s9 =	sld [smem:$0x3FAE]  }
0x2f: {  	lr =	sadd.s32 s0, s3;
	s0 =	sld [smem:$0x3FA5]  }
0x30: {  	s3 =	sld [smem:$0x3FA8]  }
0x31: {  	[smem:$0x3FB1] =	sst s10  }
0x32: {  	s10 =	sld [smem:$0x3FAF];
	_ =	sdelay $0x3  }
0x33: {  	p0 =	seq.s32 s10, $0x1;
	s10 =	sld [smem:$0x3FB1];
	_ =	sdelay $0x3  }
0x34: {  	[smem:$0x3FB1] =	sst s10  }
0x35: {  	s10 =	sld [smem:$0x3FB0];
	_ =	sdelay $0x3  }
0x36: {  	p1 =	seq.s32 s10, $0x1;
	s10 =	sld [smem:$0x3FB1];
	_ =	sdelay $0x3  }
0x37: {  	[smem:$0x3FB1] =	sst s10  }
0x38: {  	s10 =	sld [smem:$0x3FB2]  }
0x39: {  	_ = 	snop;
	(pc) =	sbr.ind lr, $3  }
0x3a: {  	_ = 	snop  }
0x3b: {  	_ = 	snop  }
0x3c: {  	p2 =	seq.s32 s10, $0x1;
	s10 =	sld [smem:$0x3FB1]  }
0x3d: {  	_ =	shalt  }
0x3e: {  	_ =	shalt  }
0x3f: {  	_ =	shalt  }
0x40: {  	_ =	shalt  }
0x41: {  	_ =	shalt  }
0x42: {  	_ =	shalt  }
0x43: {  	_ =	shalt  }
0x44: {  	_ =	shalt  }
0x45: {  	_ =	shalt  }
0x46: {  	_ =	shalt  }
0x47: {  	_ =	shalt  }
0x48: {  	_ =	shalt  }
0x49: {  	_ =	shalt  }
0x4a: {  	_ =	shalt  }
0x4b: {  	_ =	shalt  }
0x4c: {  	_ =	shalt  }
0x4d: {  	_ =	shalt  }
0x4e: {  	_ =	shalt  }
0x4f: {  	_ =	shalt  }
0x50: {  	_ =	shalt  }
0x51: {  	_ =	shalt  }
0x52: {  	_ =	shalt  }
0x53: {  	_ =	shalt  }
0x54: {  	_ =	shalt  }
0x55: {  	_ =	shalt  }
0x56: {  	_ =	shalt  }
0x57: {  	_ =	shalt  }
0x58: {  	_ =	shalt  }
0x59: {  	_ =	shalt  }
0x5a: {  	_ =	shalt  }
0x5b: {  	_ =	shalt  }
0x5c: {  	_ =	shalt  }
0x5d: {  	_ =	shalt  }
0x5e: {  	_ =	shalt  }
0x5f: {  	_ =	shalt  }
0x60: {  	_ =	shalt  }
0x61: {  	_ =	shalt  }
0x62: {  	_ =	shalt  }
0x63: {  	_ =	shalt  }
0x64: {  	_ =	shalt  }
0x65: {  	_ =	shalt  }
0x66: {  	_ =	shalt  }
0x67: {  	_ =	shalt  }
0x68: {  	_ =	shalt  }
0x69: {  	_ =	shalt  }
0x6a: {  	_ =	shalt  }
0x6b: {  	_ =	shalt  }
0x6c: {  	_ =	shalt  }
0x6d: {  	_ =	shalt  }
0x6e: {  	_ =	shalt  }
0x6f: {  	_ =	shalt  }
0x70: {  	_ =	shalt  }
0x71: {  	_ =	shalt  }
0x72: {  	_ =	shalt  }
0x73: {  	_ =	shalt  }
0x74: {  	_ =	shalt  }
0x75: {  	_ =	shalt  }
0x76: {  	_ =	shalt  }
0x77: {  	_ =	shalt  }
0x78: {  	_ =	shalt  }
0x79: {  	_ =	shalt  }
0x7a: {  	_ =	shalt  }
0x7b: {  	_ =	shalt  }
0x7c: {  	_ =	shalt  }
0x7d: {  	_ =	shalt  }
0x7e: {  	_ =	shalt  }
0x7f: {  	_ =	shalt  }
0x80: {  	_ =	shalt  }
0x81: {  	_ =	shalt  }
0x82: {  	_ =	shalt  }
0x83: {  	_ =	shalt  }
0x84: {  	_ =	shalt  }
0x85: {  	_ =	shalt  }
0x86: {  	_ =	shalt  }
0x87: {  	_ =	shalt  }
.Lfunc_end0:
.L_simem_size_0:
called_computation.2_lowered:
.L_overlay_start_0:
0x88: {  	s2 =	sld [smem:$0x3FD9]  }
0x89: {  	s3 =	sld [smem:$0x3FFE];
	_ =	sdelay $0x1  }
0x8a: {  	s1 =	srdreg.scid  }
0x8b: {  	s0 =	sand.u32 $0x1, s1  }
0x8c: {  	s17 =	sshll.u32 s0, $0xA;
	s2 =	sadd.s32 s3, s2  }
0x8d: {  	s2 =	sadd.s32 s2, s17  }
0x8e: {  	[smem:$0x3FBD] =	sst s2  }
0x8f: {  	_ = 	snop  }
0x90: {  	s18 =	sld [smem:$0x3FD0];
	(tm) =	ssettm $0x1  }
0x91: {  	s19 =	sld [smem:$0x3FFB];
	_ =	sdelay $0x3  }
0x92: {  	_ =	strace s19  }
0x93: {  	s2 =	sld [smem:$0x3FFC];
	_ =	sdelay $0x3  }
0x94: {  	_ =	strace s2  }
0x95: {  	s2 =	sld [smem:$0x3FFD];
	_ =	sdelay $0x3  }
0x96: {  	_ =	strace s2  }
0x97: {  	_ =	strace $0x8FFFFFFF  }
0x98: {  	s20 =	sld [smem:$0x3FDB];
	_ =	sdelay $0x1  }
0x99: {  	s4 =	simm.s32 $_scs_section_size  }
0x9a: {  	s5 =	simm.s32 $_size__tile_overlayer_lowered;
	s6 =	simm.s32 $_tile_overlayer_lowered  }
0x9b: {  	s7 =	simm.s32 $0x1BFF;
	s21 =	sshll.u32 s6, $0x1;
	s4 =	sadd.s32 s4, s20  }
0x9c: {  	s22 =	simm.s32 $0x0;
	s5 =	sshll.u32 s5, $0x1;
	s6 =	sadd.s32 s21, s4  }
0x9d: {  	[timem:s22], [sflag:s7] =	dma.local [hbm:s6], s5  }
0x9e: {  	_ =	swait.ge [sflag:s7], s5  }
0x9f: {  	s5 =	ssub.s32 $0x0, s5;
	[sflag:s7] =	ssyncset.done $0x0  }
0xa0: {  	[sflag:s7] =	ssyncadd.s32 s5;
	_ =	sdelay $0x1  }
0xa1: {  	s23 =	simm.s32 $0x1B8B  }
0xa2: {  	_ =	swait.ge [sflag:s23], $0x1  }
0xa3: {  	[sflag:s23] =	ssyncset.done $0x0  }
0xa4: {  	[sflag:s23] =	ssyncadd.s32 $0xFFFFFFFF  }
0xa5: {  	s5 =	sld [smem:$0x0]  }
0xa6: {  	s6 =	sand.u32 $0xFFFFFFFE, s1  }
0xa7: {  	p0 =	sne.s32 s1, s6  }
0xa8: {  	s6 =	sshll.u32 @p0 s6, $0xE  }
0xa9: {  	s6 =	sadd.s32 @p0 $0x11B8D, s6;
	s7 =	sshll.u32 @p0 s5, $0x11  }
0xaa: {  	s6 =	sor.u32 @p0 s7, s6  }
0xab: {  	[sflag:s6] =	ssyncadd.remote.s32 @p0 $0x1;
	_ =	sdelay $0x1  }
0xac: {  	s6 =	simm.s32 @p0 $0x1B8D  }
0xad: {  	_ =	swait.eq @p0 [sflag:s6], $0x1  }
0xae: {  	[sflag:s6] =	ssyncadd.s32 @p0 $0xFFFFFFFF  }
0xaf: {  	s7 =	sshll.u32 @!p0 s1, $0xE  }
0xb0: {  	s7 =	sor.u32 @!p0 $0x4000, s7;
	s6 =	simm.s32 @!p0 $0x1B8D  }
0xb1: {  	s5 =	sshll.u32 @!p0 s5, $0x11;
	s7 =	sadd.s32 @!p0 $0x11B8D, s7;
	_ =	swait.eq @!p0 [sflag:s6], $0x1  }
0xb2: {  	s5 =	sor.u32 @!p0 s5, s7;
	[sflag:s6] =	ssyncadd.s32 @!p0 $0xFFFFFFFF  }
0xb3: {  	s25 =	simm.s32 $0x1B8E;
	s24 =	sld [smem:$0x3FFE];
	[sflag:s5] =	ssyncadd.remote.s32 @!p0 $0x1  }
0xb4: {  	s26 =	simm.s32 $execute0_lowered;
	[smem:$0x3FD2] =	sst s25  }
0xb5: {  	s6 =	sshll.u32 s26, $0x1;
	_ =	strace $0x80000049;
	[dreg:$0x1] =	wrdreg $0xFFFFFFFF  }
0xb6: {  	s28 =	simm.s32 $_size_execute0_lowered;
	s4 =	sadd.s32 s4, s6;
	[dreg:$0x0] =	wrdreg $0x0  }
0xb7: {  	s6 =	sshll.u32 s28, $0x1;
	[dreg:$0x2] =	wrdreg s4  }
0xb8: {  	[dreg:$0x3] =	wrdreg s6  }
0xb9: {  	[dreg:$0x4] =	wrdreg $0xC0  }
0xba: {  	_ =	task [dreg:s22], $0x5FFFF  }
0xbb: {  	[dreg:$0x1] =	wrdreg $0xFFFFFFFF  }
0xbc: {  	[dreg:$0x0] =	wrdreg $0x60  }
0xbd: {  	[dreg:$0x2] =	wrdreg s18  }
0xbe: {  	[dreg:$0x3] =	wrdreg s24  }
0xbf: {  	[dreg:$0x4] =	wrdreg $0xA  }
0xc0: {  	_ =	task.clear_ibuf [dreg:s22], $0x5FFFF;
	_ =	strace $0x90000049  }
0xc1: {  	s29 =	simm.s32 $0xA;
	_ =	strace $0x8000004B  }
0xc2: {  	_ =	swait.ge [sflag:s29], $0x1  }
0xc3: {  	[sflag:s29] =	ssyncadd.s32 $0xFFFFFFFF  }
0xc4: {  	_ =	strace $0x9000004B  }
0xc5: {  	_ =	sfence  }
0xc6: {  	s30 =	sld [smem:$0x0];
	_ =	sdelay $0x2  }
0xc7: {  	s31 =	sshll.u32 s1, $0xD;
	s1 =	sshrl.u32 s1, $0x2  }
0xc8: {  	s4 =	sand.u32 $0x4000, s31;
	s1 =	sadd.s32 s1, s30  }
0xc9: {  	s0 =	sor.u32 s4, s0;
	s1 =	sshll.u32 s1, $0x11  }
0xca: {  	s0 =	sor.u32 s1, s0  }
0xcb: {  	s0 =	sadd.s32 $0x8F2B, s0  }
0xcc: {  	[sflag:s0] =	ssyncadd.remote.s32 $0x1  }
0xcd: {  	_ =	sfence.sel $0xFFFF  }
0xce: {  	[dreg:$0x0] =	wrdreg $0xFFFFFFFF;
	(pc) =	sbr.abs _section_cstart, $3  }
0xcf: {  	[dreg:$0x1] =	wrdreg $0xFFFFFFFF  }
0xd0: {  	_ =	task.clear_ibuf [dreg:s22], $0x2FFFF;
	_ =	strace $0x9FFFFFFF  }
0xd1: {  	(tm) =	ssettm $0x7FFFFFFF  }
tec
execute0_lowered:
.L_overlay_start_1:
0x0: {  	(tag) =	ssettag $0x1  }
0x1: {  	s1 =	rddreg [dreg:$0x0]  }
0x2: {  	s0 =	rddreg [dreg:$0x1];
	s2 =	simm.s32 $0x0  }
0x3: {  	s3 =	srdreg.scid;
	s5 =	stileid.u32;
	s28 =	simm.s32 $0xB  }
0x4: {  	s29 =	simm.s32 $0xC;
	s30 =	simm.s32 $0x5;
	s31 =	simm.s32 $0x6  }
0x5: {  	[smem:$0x7FF] =	sst s2;
	s4 =	sand.u32 $0x1, s3;
	s6 =	sshll.u32 s5, $0x8  }
0x6: {  	s3 =	sadd.s32 $0x1CE00, s0;
	s14 =	sadd.s32 $0x9200, s0;
	s15 =	sadd.s32 $0x13000, s0  }
0x7: {  	s16 =	sadd.s32 $0x526000, s0;
	s0 =	sadd.s32 $0x797000, s0;
	s23 =	sshll.u32 s5, $0x5  }
0x8: {  	p0 =	sne.s32 s5, $0x0;
	_ =	strace $0x8000004A;
	s7 =	sshll.u32 s4, $0x7  }
0x9: {  	s26 =	ssub.s32 $0x2, s4;
	s17 =	sshll.u32 s4, $0x4;
	s24 =	sadd.s32 s23, s14  }
0xa: {  	s25 =	sadd.s32 s23, s15;
	s23 =	simm.s32 $0x100;
	s6 =	sor.u32 s7, s6  }
0xb: {  	s8 =	sshrl.u32 s26, $0x1;
	s7 =	sshll.u32 s4, $0xB;
	s6 =	sshrl.u32 s6, $0x3  }
0xc: {  	s13 =	ssub.s32 s26, s8;
	s20 =	sor.u32 $0x270000, s7;
	s26 =	sshll.u32 s5, $0xC  }
0xd: {  	s9 =	sadd.s32 $0x4E20, s6;
	s6 =	sadd.s32 $0x5020, s6;
	s22 =	sadd.s32 s16, s20  }
0xe: {  	s13 =	smax.u32 s13, $0x1;
	s10 =	sadd.s32 s14, s9;
	[dreg:$0x9] =	wrdreg s22  }
0xf: {  	s4 =	sadd.s32 s26, s16;
	s11 =	sadd.s32 s15, s9;
	[dreg:$0x3] =	wrdreg s10  }
0x10: {  	s12 =	sadd.s32 s14, s6;
	s18 =	sadd.s32 s15, s6;
	[dreg:$0x4] =	wrdreg s11  }
0x11: {  	s22 =	simm.s32 $0x2;
	[dreg:$0x5] =	wrdreg s12;
	s10 =	sor.u32 $0x9C20, s17  }
0x12: {  	[dreg:$0x6] =	wrdreg s18;
	s12 =	sadd.s32 s0, s20;
	s20 =	sadd.s32 s26, s0  }
0x13: {  	s18 =	simm.s32 $0x80;
	s26 =	simm.s32 $0x4;
	s0 =	simm.s32 $0x0  }
0x14: {  	s19 =	sadd.s32 s14, s10;
	s21 =	sadd.s32 s15, s10;
	s14 =	sadd.s32 s17, s24  }
0x15: {  	s15 =	sadd.s32 s17, s25;
	s24 =	simm.s32 $0x4100;
	[dreg:$0x7] =	wrdreg s19  }
0x16: {  	s25 =	simm.s32 $0x3;
	[dreg:$0x8] =	wrdreg s21;
	s21 =	simm.s32 $0x1  }
.LBB2_1:
0x17: {  	s5 =	rddreg [dreg:$0x3]  }
0x18: {  	s11 =	rddreg [dreg:$0x4]  }
0x19: {  	[tilespmem:s2], [sflag:$0x1] =	stream.linear.gather [hbm4b:s5+s2], $0x80, $0x38;
	[tilespmem:$0x10200] =	vst v63  }
0x1a: {  	s16 =	rddreg [dreg:$0x5]  }
0x1b: {  	[tilespmem:s18], [sflag:$0x2] =	stream.linear.gather [hbm4b:s11+s2], $0x80, $0x38;
	[tilespmem:$0x10200] =	vst v63  }
0x1c: {  	s6 =	simm.s32 $0x8100;
	s17 =	rddreg [dreg:$0x6]  }
0x1d: {  	[tilespmem:s6], [sflag:$0x7] =	stream.linear.gather [hbm4b:s16+s2], $0x80, $0x38;
	[tilespmem:$0x10200] =	vst v63  }
0x1e: {  	s19 =	simm.s32 $0x8180;
	s5 =	simm.s32 $0x0;
	s16 =	smov.u32 s4  }
0x1f: {  	[tilespmem:s19], [sflag:$0x8] =	stream.linear.gather [hbm4b:s17+s2], $0x80, $0x38;
	[tilespmem:$0x10200] =	vst v63  }
0x20: {  	s6 =	simm.s32 $0x0;
	s19 =	simm.s32 $0x1;
	s17 =	smov.u32 s20  }
.LBB2_2:
0x21: {  	_ =	swait.ge [sflag:s21], $0x80  }
0x22: {  	[sflag:s21] =	ssyncset.done $0x0  }
0x23: {  	[sflag:s21] =	ssyncadd.s32 $0xFFFFFF80  }
0x24: {  	_ =	swait.ge [sflag:s22], $0x80  }
0x25: {  	p1 =	seq.s32 s5, $0x0;
	[sflag:s22] =	ssyncset.done $0x0  }
0x26: {  	s8 =	simm.s32 @!p1 $0x5;
	[sflag:s22] =	ssyncadd.s32 $0xFFFFFF80  }
0x27: {  	_ =	swait.ge @!p1 [sflag:s8], $0x4000  }
0x28: {  	[sflag:s8] =	ssyncset.done @!p1 $0x0  }
0x29: {  	[sflag:s8] =	ssyncadd.s32 @!p1 $0xFFFFC000;
	s8 =	simm.s32 @!p1 $0x6  }
0x2a: {  	_ =	swait.ge @!p1 [sflag:s8], $0x4000  }
0x2b: {  	[sflag:s8] =	ssyncset.done @!p1 $0x0  }
0x2c: {  	[sflag:s8] =	ssyncadd.s32 @!p1 $0xFFFFC000  }
0x2d: {  	[tilespmem:s23], [sflag:$0x3] =	stream.indirect.gather [hbm4b:s1+s18], $0x80, s2, s18, $0xb8;
	[tilespmem:$0x10200] =	vst v63  }
0x2e: {  	_ = 	snop  }
0x2f: {  	[tilespmem:s24], [sflag:$0x4] =	stream.indirect.gather [hbm4b:s3+s18], $0x80, s18, s18, $0xb8;
	[tilespmem:$0x10200] =	vst v63  }
0x30: {  	_ =	swait.ge [sflag:s25], $0x4000  }
0x31: {  	[sflag:s25] =	ssyncset.done $0x0  }
0x32: {  	[sflag:s25] =	ssyncadd.s32 $0xFFFFC000  }
0x33: {  	_ =	swait.ge [sflag:s26], $0x4000  }
0x34: {  	[sflag:s26] =	ssyncset.done $0x0  }
0x35: {  	s10 =	sadd.s32 s16, s7;
	p1 =	seq.s32 s5, $0x4C00;
	[sflag:s26] =	ssyncadd.s32 $0xFFFFC000  }
0x36: {  	[hbm4b:s10+s2] =	stream.linear.scatter [tilespmem:s23], [sflag:$0x5], $0x4000, $0x38;
	[tilespmem:$0x10200] =	vst v63  }
0x37: {  	s11 =	sadd.s32 s17, s7;
	s8 =	sadd.s32 @!p1 s5, s14  }
0x38: {  	[hbm4b:s11+s2] =	stream.linear.scatter [tilespmem:s24], [sflag:$0x6], $0x4000, $0x38;
	[tilespmem:$0x10200] =	vst v63  }
0x39: {  	s9 =	simm.s32 @!p1 $0x0;
	s8 =	sadd.s32 @!p1 $0x5220, s8  }
0x3a: {  	[tilespmem:s9], [sflag:$0x1] =	stream.linear.gather @!p1 [hbm4b:s8+s9], $0x80, $0x38;
	[tilespmem:$0x10200] =	vst v63  }
0x3b: {  	p2 =	sgt.u32 @!p1 s19, $0x26;
	s8 =	sadd.s32 @!p1 s5, s15  }
0x3c: {  	p3 =	por p2, p1;
	s10 =	simm.s32 @!p1 $0x80;
	s8 =	sadd.s32 @!p1 $0x5220, s8  }
0x3d: {  	[tilespmem:s10], [sflag:$0x2] =	stream.linear.gather @!p1 [hbm4b:s8+s9], $0x80, $0x38;
	[tilespmem:$0x10200] =	vst v63  }
0x3e: {  	s8 =	simm.s32 @!p3 $0x7  }
0x3f: {  	_ =	swait.ge @!p3 [sflag:s8], $0x80  }
0x40: {  	[sflag:s8] =	ssyncset.done @!p3 $0x0  }
0x41: {  	p4 =	seq.s32 @!p3 s5, $0x0;
	[sflag:s8] =	ssyncadd.s32 @!p3 $0xFFFFFF80;
	s8 =	simm.s32 @!p3 $0x8  }
0x42: {  	p4 =	por @!p1 p4, p2;
	_ =	swait.ge @!p3 [sflag:s8], $0x80  }
0x43: {  	p4 =	por p4, p1;
	[sflag:s8] =	ssyncset.done @!p3 $0x0  }
0x44: {  	[sflag:s8] =	ssyncadd.s32 @!p3 $0xFFFFFF80;
	s8 =	simm.s32 @!p4 $0xB  }
0x45: {  	_ =	swait.ge @!p4 [sflag:s8], $0x4000  }
0x46: {  	[sflag:s8] =	ssyncset.done @!p4 $0x0  }
0x47: {  	[sflag:s8] =	ssyncadd.s32 @!p4 $0xFFFFC000;
	s8 =	simm.s32 @!p4 $0xC  }
0x48: {  	_ =	swait.ge @!p4 [sflag:s8], $0x4000  }
0x49: {  	s9 =	simm.s32 @!p3 $0x8100;
	[sflag:s8] =	ssyncset.done @!p4 $0x0  }
0x4a: {  	s10 =	simm.s32 @!p3 $0x8200;
	[sflag:s8] =	ssyncadd.s32 @!p4 $0xFFFFC000;
	s8 =	simm.s32 @!p3 $0x80  }
0x4b: {  	[tilespmem:s10], [sflag:$0x9] =	stream.indirect.gather @!p3 [hbm4b:s1+s8], $0x80, s9, s8, $0xb8;
	[tilespmem:$0x10200] =	vst v63  }
0x4c: {  	s11 =	simm.s32 @!p3 $0xC200;
	s9 =	simm.s32 @!p3 $0x8180  }
0x4d: {  	[tilespmem:s11], [sflag:$0xA] =	stream.indirect.gather @!p3 [hbm4b:s3+s8], $0x80, s9, s8, $0xb8;
	[tilespmem:$0x10200] =	vst v63  }
0x4e: {  	s8 =	simm.s32 @!p3 $0x9  }
0x4f: {  	_ =	swait.ge @!p3 [sflag:s8], $0x4000  }
0x50: {  	[sflag:s8] =	ssyncset.done @!p3 $0x0  }
0x51: {  	[sflag:s8] =	ssyncadd.s32 @!p3 $0xFFFFC000;
	s8 =	simm.s32 @!p3 $0xA  }
0x52: {  	_ =	swait.ge @!p3 [sflag:s8], $0x4000  }
0x53: {  	s9 =	sadd.s32 @!p3 s16, s7;
	[sflag:s8] =	ssyncset.done @!p3 $0x0  }
0x54: {  	[sflag:s8] =	ssyncadd.s32 @!p3 $0xFFFFC000;
	s8 =	sadd.s32 @!p3 $0x10000, s9;
	s9 =	simm.s32 @!p3 $0x0  }
0x55: {  	[hbm4b:s8+s9] =	stream.linear.scatter @!p3 [tilespmem:s10], [sflag:$0xB], $0x4000, $0x38;
	[tilespmem:$0x10200] =	vst v63  }
0x56: {  	s8 =	sadd.s32 @!p3 s17, s7  }
0x57: {  	s8 =	sadd.s32 @!p3 $0x10000, s8  }
0x58: {  	[hbm4b:s8+s9] =	stream.linear.scatter @!p3 [tilespmem:s11], [sflag:$0xC], $0x4000, $0x38;
	[tilespmem:$0x10200] =	vst v63  }
0x59: {  	p3 =	sgt.u32 @!p3 s6, $0x11  }
0x5a: {  	p2 =	por @!p1 p3, p2  }
0x5b: {  	p2 =	por p2, p1  }
0x5c: {  	s8 =	sadd.s32 @!p2 s5, s14  }
0x5d: {  	s9 =	simm.s32 @!p2 $0x0;
	s10 =	simm.s32 @!p2 $0x8100;
	s8 =	sadd.s32 @!p2 $0x5420, s8  }
0x5e: {  	[tilespmem:s10], [sflag:$0x7] =	stream.linear.gather @!p2 [hbm4b:s8+s9], $0x80, $0x38;
	[tilespmem:$0x10200] =	vst v63  }
0x5f: {  	s8 =	sadd.s32 @!p2 s5, s15  }
0x60: {  	s10 =	simm.s32 @!p2 $0x8180;
	s5 =	sadd.s32 @!p1 $0x400, s5;
	s8 =	sadd.s32 @!p2 $0x5420, s8  }
0x61: {  	[tilespmem:s10], [sflag:$0x8] =	stream.linear.gather @!p2 [hbm4b:s8+s9], $0x80, $0x38;
	[tilespmem:$0x10200] =	vst v63  }
0x62: {  	p2 =	sne.s32 @!p1 s5, $0x5000  }
0x63: {  	p2 =	por p1, !p2  }
.Ltmp0:
0x64: {  	_ = 	snop;
	(pc) =	sbr.rel @!p2 .LBB2_2-.Ltmp0, $3  }
0x65: {  	_ =	sdelay $0x1  }
0x66: {  	s19 =	sadd.s32 @!p1 $0x2, s19  }
0x67: {  	s16 =	sadd.s32 @!p1 $0x20000, s16;
	s17 =	sadd.s32 @!p1 $0x20000, s17;
	s6 =	sadd.s32 @!p1 $0x1, s6  }
0x68: {  	_ =	swait.ge [sflag:s28], $0x4000  }
0x69: {  	[sflag:s28] =	ssyncset.done $0x0  }
0x6a: {  	[sflag:s28] =	ssyncadd.s32 $0xFFFFC000  }
0x6b: {  	_ =	swait.ge [sflag:s29], $0x4000  }
0x6c: {  	[sflag:s29] =	ssyncset.done $0x0  }
0x6d: {  	[sflag:s29] =	ssyncadd.s32 $0xFFFFC000  }
0x6e: {  	_ =	swait.ge [sflag:s30], $0x4000  }
0x6f: {  	[sflag:s30] =	ssyncset.done $0x0  }
0x70: {  	[sflag:s30] =	ssyncadd.s32 $0xFFFFC000  }
0x71: {  	_ =	swait.ge [sflag:s31], $0x4000  }
0x72: {  	[sflag:s31] =	ssyncset.done $0x0  }
0x73: {  	s5 =	simm.s32 @!p0 $0x0;
	s6 =	rddreg [dreg:$0x7];
	[sflag:s31] =	ssyncadd.s32 $0xFFFFC000  }
0x74: {  	[tilespmem:s5], [sflag:$0xD] =	stream.linear.gather @!p0 [hbm4b:s6+s5], $0x80, $0x38;
	[tilespmem:$0x10200] =	vst v63  }
0x75: {  	s6 =	simm.s32 @!p0 $0xD  }
0x76: {  	_ =	swait.ge @!p0 [sflag:s6], $0x80  }
0x77: {  	[sflag:s6] =	ssyncset.done @!p0 $0x0  }
0x78: {  	s8 =	simm.s32 @!p0 $0x80;
	s9 =	rddreg [dreg:$0x8];
	[sflag:s6] =	ssyncadd.s32 @!p0 $0xFFFFFF80  }
0x79: {  	[tilespmem:s8], [sflag:$0xD] =	stream.linear.gather @!p0 [hbm4b:s9+s5], $0x80, $0x38;
	[tilespmem:$0x10200] =	vst v63  }
0x7a: {  	_ =	swait.ge @!p0 [sflag:s6], $0x80  }
0x7b: {  	[sflag:s6] =	ssyncset.done @!p0 $0x0  }
0x7c: {  	s9 =	simm.s32 @!p0 $0x100;
	[sflag:s6] =	ssyncadd.s32 @!p0 $0xFFFFFF80  }
0x7d: {  	[tilespmem:s9], [sflag:$0xD] =	stream.indirect.gather @!p0 [hbm4b:s1+s8], $0x80, s5, s8, $0xb8;
	[tilespmem:$0x10200] =	vst v63  }
0x7e: {  	_ =	swait.ge @!p0 [sflag:s6], $0x4000  }
0x7f: {  	[sflag:s6] =	ssyncset.done @!p0 $0x0  }
0x80: {  	s10 =	simm.s32 @!p0 $0x4100;
	[sflag:s6] =	ssyncadd.s32 @!p0 $0xFFFFC000  }
0x81: {  	[tilespmem:s10], [sflag:$0xD] =	stream.indirect.gather @!p0 [hbm4b:s3+s8], $0x80, s8, s8, $0xb8;
	[tilespmem:$0x10200] =	vst v63  }
0x82: {  	_ =	swait.ge @!p0 [sflag:s6], $0x4000  }
0x83: {  	[sflag:s6] =	ssyncset.done @!p0 $0x0  }
0x84: {  	s8 =	rddreg [dreg:$0x9];
	[sflag:s6] =	ssyncadd.s32 @!p0 $0xFFFFC000  }
0x85: {  	[hbm4b:s8+s5] =	stream.linear.scatter @!p0 [tilespmem:s9], [sflag:$0xD], $0x4000, $0x38;
	[tilespmem:$0x10200] =	vst v63  }
0x86: {  	s0 =	sadd.s32 $0x1, s0;
	_ =	swait.ge @!p0 [sflag:s6], $0x4000  }
0x87: {  	p1 =	sne.s32 s0, s13;
	[sflag:s6] =	ssyncset.done @!p0 $0x0  }
.Ltmp1:
0x88: {  	[sflag:s6] =	ssyncadd.s32 @!p0 $0xFFFFC000;
	(pc) =	sbr.rel @p1 .LBB2_1-.Ltmp1, $4  }
0x89: {  	[hbm4b:s12+s5] =	stream.linear.scatter @!p0 [tilespmem:s10], [sflag:$0xD], $0x4000, $0x38;
	[tilespmem:$0x10200] =	vst v63  }
0x8a: {  	_ =	swait.ge @!p0 [sflag:s6], $0x4000  }
0x8b: {  	[sflag:s6] =	ssyncset.done @!p0 $0x0  }
0x8c: {  	[sflag:s6] =	ssyncadd.s32 @!p0 $0xFFFFC000  }
0x8d: {  	_ =	sfence.sel $0x180000  }
0x8e: {  	[bflag:$0x0] =	sbarrier.arrive $0xFFFF  }
0x8f: {  	_ =	strace $0x9000004A  }
0x90: {  	[bflag:$0x2] =	sbarrier.arrive $0xFFFF  }
0x91: {  	s0 =	rddreg [dreg:$0x2]  }
0x92: {  	s0 =	sadd.s32 @!p0 $0x100000, s0  }
0x93: {  	[sflag:s0] =	ssyncadd.tile.s32 @!p0 $0x1;
	_ =	shalt  }
.Lfunc_end2:
_tile_overlayer_lowered:
.L_overlay_start_2:
0x94: {  	(tag) =	ssettag $0x2  }
0x95: {  	s0 =	rddreg [dreg:$0x0];
	s2 =	stileid.u32  }
0x96: {  	s1 =	rddreg [dreg:$0x1];
	p0 =	sne.s32 s2, $0x0  }
0x97: {  	s3 =	rddreg [dreg:$0x2];
	[bflag:$0x3] =	sbarrier.arrive $0xFFFF;
	s2 =	simm.s32 @!p0 $0x1C0D  }
0x98: {  	[timem:s3], [sflag:s2] =	dma.local @!p0 [hbm:s0], s1  }
0x99: {  	s0 =	simm.s32 @!p0 $0xD  }
0x9a: {  	_ =	swait.ge @!p0 [sflag:s0], s1  }
0x9b: {  	s1 =	ssub.s32 @!p0 $0x0, s1;
	[sflag:s0] =	ssyncset.done @!p0 $0x0  }
0x9c: {  	[sflag:s0] =	ssyncadd.s32 @!p0 s1  }
0x9d: {  	[bflag:$0x3] =	sbarrier.arrive $0xFFFF  }
0x9e: {  	_ =	shalt  }

// kernel: kernel.27.cloned.1.call-start
scs
__scs_entry_jumppad:
0x0: {  	(pc) =	sbr.rel $0x88, $3  }
0x1: {  	(tag) =	ssettag $0x0;
	lr =	simm.s32 $0x1  }
0x2: {  	[smem:$0x3F96] =	sst lr;
	_ =	strace $0xD0000000  }
0x3: {  	_ = 	snop  }
0x4: {  	_ = 	snop  }
0x5: {  	_ = 	snop  }
0x6: {  	_ = 	snop  }
0x7: {  	_ = 	snop  }
__scs_overlays_trampoline_lowered:
0x8: {  	[smem:$0x3FA5] =	sst s0  }
0x9: {  	[smem:$0x3FA6] =	sst s1  }
0xa: {  	[smem:$0x3FA7] =	sst s2  }
0xb: {  	[smem:$0x3FA8] =	sst s3  }
0xc: {  	[smem:$0x3FA9] =	sst s4  }
0xd: {  	[smem:$0x3FAA] =	sst s5  }
0xe: {  	[smem:$0x3FAB] =	sst s6  }
0xf: {  	[smem:$0x3FAC] =	sst s7  }
0x10: {  	[smem:$0x3FAD] =	sst s8  }
0x11: {  	[smem:$0x3FAE] =	sst s9;
	s0 =	simm.s32 @!p0 $0x0  }
0x12: {  	s1 =	sld [smem:$0x3F94];
	s0 =	simm.s32 @p0 $0x1  }
0x13: {  	[smem:$0x3FAF] =	sst s0;
	s0 =	simm.s32 @!p1 $0x0  }
0x14: {  	s2 =	sld [smem:$0x3F93];
	s0 =	simm.s32 @p1 $0x1  }
0x15: {  	[smem:$0x3FB0] =	sst s0;
	s0 =	simm.s32 @!p2 $0x0  }
0x16: {  	s3 =	sld [smem:$0x3FDB];
	s0 =	simm.s32 @p2 $0x1  }
0x17: {  	s4 =	simm.s32 $0x1BF5;
	[smem:$0x3FB2] =	sst s0  }
0x18: {  	s0 =	sld [smem:$0x3F95];
	_ =	swait.ge [sflag:s4], $0x0  }
0x19: {  	s7 =	sld [smem:$0x3F96]  }
0x1a: {  	s8 =	sadd.s32 $0xFFFFE003, lr  }
0x1b: {  	s9 =	sadd.s32 $0xFFFFFEF7, lr;
	s5 =	simm.s32 $0xFFFFFFFF;
	p2 =	slt.u32 s8, $0xFFFFF086  }
0x1c: {  	p1 =	slt.u32 s9, $0xF7A;
	s5 =	simm.s32 @!p2 $0x0  }
0x1d: {  	s5 =	simm.s32 @p1 $0x1;
	p0 =	seq.s32 s7, s2  }
0x1e: {  	s7 =	smul.u32 @!p0 $0xF7A, s2;
	p2 =	seq.s32 @!p0 s5, $0x0  }
0x1f: {  	s9 =	smul.u32 $0xF7A, s1;
	s8 =	simm.s32 @!p0 $0x1BF5;
	p2 =	por !p2, p0  }
0x20: {  	[sflag:s8] =	ssyncset.s32 @!p0 $0xFFFFF086;
	s6 =	sadd.s32 @!p0 s3, s7;
	s7 =	simm.s32 @!p0 $0x108  }
0x21: {  	s3 =	sadd.s32 s3, s9;
	s6 =	sadd.s32 @!p0 $0x88, s6;
	s7 =	simm.s32 @p2 $0x1082  }
0x22: {  	[simem:s7], [sflag:s8] =	dma.local @!p0 [hbm:s6], $0xF7A  }
0x23: {  	s9 =	sor.u32 $0xD0000000, s2;
	s6 =	simm.s32 $0x108;
	_ =	swait.ge @!p0 [sflag:s8], $0x0  }
0x24: {  	s3 =	sadd.s32 $0x88, s3;
	s6 =	simm.s32 @!p1 $0x1082;
	[sflag:s4] =	ssyncset.s32 $0xFFFFF086  }
0x25: {  	[simem:s6], [sflag:s4] =	dma.local [hbm:s3], $0xF7A  }
0x26: {  	[smem:$0x3F96] =	sst s1;
	(tag) =	ssettag s2;
	_ =	strace s9  }
0x27: {  	s1 =	sld [smem:$0x3FA6]  }
0x28: {  	s2 =	sld [smem:$0x3FA7]  }
0x29: {  	s4 =	sld [smem:$0x3FA9]  }
0x2a: {  	p0 =	seq.s32 s5, $0x0;
	s5 =	sld [smem:$0x3FAA]  }
0x2b: {  	s6 =	sld [smem:$0x3FAB]  }
0x2c: {  	s7 =	sld [smem:$0x3FAC]  }
0x2d: {  	s3 =	simm.s32 $0x108;
	s8 =	sld [smem:$0x3FAD]  }
0x2e: {  	s3 =	simm.s32 @!p0 $0x1082;
	s9 =	sld [smem:$0x3FAE]  }
0x2f: {  	lr =	sadd.s32 s0, s3;
	s0 =	sld [smem:$0x3FA5]  }
0x30: {  	s3 =	sld [smem:$0x3FA8]  }
0x31: {  	[smem:$0x3FB1] =	sst s10  }
0x32: {  	s10 =	sld [smem:$0x3FAF];
	_ =	sdelay $0x3  }
0x33: {  	p0 =	seq.s32 s10, $0x1;
	s10 =	sld [smem:$0x3FB1];
	_ =	sdelay $0x3  }
0x34: {  	[smem:$0x3FB1] =	sst s10  }
0x35: {  	s10 =	sld [smem:$0x3FB0];
	_ =	sdelay $0x3  }
0x36: {  	p1 =	seq.s32 s10, $0x1;
	s10 =	sld [smem:$0x3FB1];
	_ =	sdelay $0x3  }
0x37: {  	[smem:$0x3FB1] =	sst s10  }
0x38: {  	s10 =	sld [smem:$0x3FB2]  }
0x39: {  	_ = 	snop;
	(pc) =	sbr.ind lr, $3  }
0x3a: {  	_ = 	snop  }
0x3b: {  	_ = 	snop  }
0x3c: {  	p2 =	seq.s32 s10, $0x1;
	s10 =	sld [smem:$0x3FB1]  }
0x3d: {  	_ =	shalt  }
0x3e: {  	_ =	shalt  }
0x3f: {  	_ =	shalt  }
0x40: {  	_ =	shalt  }
0x41: {  	_ =	shalt  }
0x42: {  	_ =	shalt  }
0x43: {  	_ =	shalt  }
0x44: {  	_ =	shalt  }
0x45: {  	_ =	shalt  }
0x46: {  	_ =	shalt  }
0x47: {  	_ =	shalt  }
0x48: {  	_ =	shalt  }
0x49: {  	_ =	shalt  }
0x4a: {  	_ =	shalt  }
0x4b: {  	_ =	shalt  }
0x4c: {  	_ =	shalt  }
0x4d: {  	_ =	shalt  }
0x4e: {  	_ =	shalt  }
0x4f: {  	_ =	shalt  }
0x50: {  	_ =	shalt  }
0x51: {  	_ =	shalt  }
0x52: {  	_ =	shalt  }
0x53: {  	_ =	shalt  }
0x54: {  	_ =	shalt  }
0x55: {  	_ =	shalt  }
0x56: {  	_ =	shalt  }
0x57: {  	_ =	shalt  }
0x58: {  	_ =	shalt  }
0x59: {  	_ =	shalt  }
0x5a: {  	_ =	shalt  }
0x5b: {  	_ =	shalt  }
0x5c: {  	_ =	shalt  }
0x5d: {  	_ =	shalt  }
0x5e: {  	_ =	shalt  }
0x5f: {  	_ =	shalt  }
0x60: {  	_ =	shalt  }
0x61: {  	_ =	shalt  }
0x62: {  	_ =	shalt  }
0x63: {  	_ =	shalt  }
0x64: {  	_ =	shalt  }
0x65: {  	_ =	shalt  }
0x66: {  	_ =	shalt  }
0x67: {  	_ =	shalt  }
0x68: {  	_ =	shalt  }
0x69: {  	_ =	shalt  }
0x6a: {  	_ =	shalt  }
0x6b: {  	_ =	shalt  }
0x6c: {  	_ =	shalt  }
0x6d: {  	_ =	shalt  }
0x6e: {  	_ =	shalt  }
0x6f: {  	_ =	shalt  }
0x70: {  	_ =	shalt  }
0x71: {  	_ =	shalt  }
0x72: {  	_ =	shalt  }
0x73: {  	_ =	shalt  }
0x74: {  	_ =	shalt  }
0x75: {  	_ =	shalt  }
0x76: {  	_ =	shalt  }
0x77: {  	_ =	shalt  }
0x78: {  	_ =	shalt  }
0x79: {  	_ =	shalt  }
0x7a: {  	_ =	shalt  }
0x7b: {  	_ =	shalt  }
0x7c: {  	_ =	shalt  }
0x7d: {  	_ =	shalt  }
0x7e: {  	_ =	shalt  }
0x7f: {  	_ =	shalt  }
0x80: {  	_ =	shalt  }
0x81: {  	_ =	shalt  }
0x82: {  	_ =	shalt  }
0x83: {  	_ =	shalt  }
0x84: {  	_ =	shalt  }
0x85: {  	_ =	shalt  }
0x86: {  	_ =	shalt  }
0x87: {  	_ =	shalt  }
.Lfunc_end0:
.L_simem_size_0:
called_computation.3_lowered:
.L_overlay_start_0:
0x88: {  	s2 =	sld [smem:$0x3FD9]  }
0x89: {  	s3 =	sld [smem:$0x3FFE];
	_ =	sdelay $0x1  }
0x8a: {  	s1 =	srdreg.scid  }
0x8b: {  	s0 =	sand.u32 $0x1, s1  }
0x8c: {  	s17 =	sshll.u32 s0, $0xA;
	s2 =	sadd.s32 s3, s2  }
0x8d: {  	s2 =	sadd.s32 s2, s17  }
0x8e: {  	[smem:$0x3FBD] =	sst s2  }
0x8f: {  	_ = 	snop  }
0x90: {  	(tm) =	ssettm $0x1  }
0x91: {  	s18 =	sld [smem:$0x3FFB];
	_ =	sdelay $0x3  }
0x92: {  	_ =	strace s18  }
0x93: {  	s2 =	sld [smem:$0x3FFC];
	_ =	sdelay $0x3  }
0x94: {  	_ =	strace s2  }
0x95: {  	s2 =	sld [smem:$0x3FFD];
	_ =	sdelay $0x3  }
0x96: {  	_ =	strace s2  }
0x97: {  	_ =	strace $0x8FFFFFFF  }
0x98: {  	s19 =	sld [smem:$0x3FDB];
	_ =	sdelay $0x1  }
0x99: {  	s20 =	simm.s32 $_scs_section_size  }
0x9a: {  	s4 =	simm.s32 $_size__tile_overlayer_lowered;
	s5 =	simm.s32 $_tile_overlayer_lowered  }
0x9b: {  	s6 =	simm.s32 $0x1BFF;
	s21 =	sshll.u32 s5, $0x1;
	s3 =	sadd.s32 s20, s19  }
0x9c: {  	s22 =	simm.s32 $0x0;
	s4 =	sshll.u32 s4, $0x1;
	s5 =	sadd.s32 s21, s3  }
0x9d: {  	[timem:s22], [sflag:s6] =	dma.local [hbm:s5], s4  }
0x9e: {  	_ =	swait.ge [sflag:s6], s4  }
0x9f: {  	s4 =	ssub.s32 $0x0, s4;
	[sflag:s6] =	ssyncset.done $0x0  }
0xa0: {  	[sflag:s6] =	ssyncadd.s32 s4;
	_ =	sdelay $0x1  }
0xa1: {  	s23 =	simm.s32 $0x1B8B  }
0xa2: {  	_ =	swait.ge [sflag:s23], $0x1  }
0xa3: {  	[sflag:s23] =	ssyncset.done $0x0  }
0xa4: {  	[sflag:s23] =	ssyncadd.s32 $0xFFFFFFFF  }
0xa5: {  	s4 =	sld [smem:$0x0]  }
0xa6: {  	s5 =	sand.u32 $0xFFFFFFFE, s1  }
0xa7: {  	p0 =	sne.s32 s1, s5  }
0xa8: {  	s5 =	sshll.u32 @p0 s5, $0xE  }
0xa9: {  	s5 =	sadd.s32 @p0 $0x11B8D, s5;
	s6 =	sshll.u32 @p0 s4, $0x11  }
0xaa: {  	s5 =	sor.u32 @p0 s6, s5  }
0xab: {  	[sflag:s5] =	ssyncadd.remote.s32 @p0 $0x1;
	_ =	sdelay $0x1  }
0xac: {  	s5 =	simm.s32 @p0 $0x1B8D  }
0xad: {  	_ =	swait.eq @p0 [sflag:s5], $0x1  }
0xae: {  	[sflag:s5] =	ssyncadd.s32 @p0 $0xFFFFFFFF  }
0xaf: {  	s6 =	sshll.u32 @!p0 s1, $0xE  }
0xb0: {  	s6 =	sor.u32 @!p0 $0x4000, s6;
	s5 =	simm.s32 @!p0 $0x1B8D  }
0xb1: {  	s4 =	sshll.u32 @!p0 s4, $0x11;
	s6 =	sadd.s32 @!p0 $0x11B8D, s6;
	_ =	swait.eq @!p0 [sflag:s5], $0x1  }
0xb2: {  	s4 =	sor.u32 @!p0 s4, s6;
	[sflag:s5] =	ssyncadd.s32 @!p0 $0xFFFFFFFF  }
0xb3: {  	s25 =	simm.s32 $0x1B8E;
	s24 =	sld [smem:$0x3FFE];
	[sflag:s4] =	ssyncadd.remote.s32 @!p0 $0x1  }
0xb4: {  	s26 =	simm.s32 $execute0_lowered;
	[smem:$0x3FD2] =	sst s25  }
0xb5: {  	s5 =	sshll.u32 s26, $0x1;
	_ =	strace $0x8000004F;
	[dreg:$0x1] =	wrdreg $0xFFFFFFFF  }
0xb6: {  	s28 =	simm.s32 $_size_execute0_lowered;
	s3 =	sadd.s32 s3, s5;
	[dreg:$0x0] =	wrdreg $0x0  }
0xb7: {  	s5 =	sshll.u32 s28, $0x1;
	[dreg:$0x2] =	wrdreg s3  }
0xb8: {  	[dreg:$0x3] =	wrdreg s5  }
0xb9: {  	[dreg:$0x4] =	wrdreg $0xC0  }
0xba: {  	_ =	task [dreg:s22], $0x5FFFF  }
0xbb: {  	[dreg:$0x1] =	wrdreg $0xFFFFFFFF  }
0xbc: {  	[dreg:$0x0] =	wrdreg $0x60  }
0xbd: {  	[dreg:$0x2] =	wrdreg s24  }
0xbe: {  	[dreg:$0x3] =	wrdreg $0x0  }
0xbf: {  	[dreg:$0x4] =	wrdreg $0xA  }
0xc0: {  	_ =	task.clear_ibuf [dreg:s22], $0x5FFFF;
	_ =	strace $0x9000004F  }
0xc1: {  	s29 =	simm.s32 $0xA;
	_ =	strace $0x80000051  }
0xc2: {  	_ =	swait.ge [sflag:s29], $0x1  }
0xc3: {  	[sflag:s29] =	ssyncadd.s32 $0xFFFFFFFF  }
0xc4: {  	_ =	strace $0x90000051  }
0xc5: {  	_ =	sfence  }
0xc6: {  	s30 =	sld [smem:$0x0];
	_ =	sdelay $0x2  }
0xc7: {  	s31 =	sshll.u32 s1, $0xD;
	s1 =	sshrl.u32 s1, $0x2  }
0xc8: {  	s4 =	sand.u32 $0x4000, s31;
	s1 =	sadd.s32 s1, s30  }
0xc9: {  	s0 =	sor.u32 s4, s0;
	s1 =	sshll.u32 s1, $0x11  }
0xca: {  	s0 =	sor.u32 s1, s0  }
0xcb: {  	s0 =	sadd.s32 $0x8F2B, s0  }
0xcc: {  	[sflag:s0] =	ssyncadd.remote.s32 $0x1  }
0xcd: {  	_ =	sfence.sel $0xFFFF  }
0xce: {  	[dreg:$0x0] =	wrdreg $0xFFFFFFFF;
	(pc) =	sbr.abs _section_cstart, $3  }
0xcf: {  	[dreg:$0x1] =	wrdreg $0xFFFFFFFF  }
0xd0: {  	_ =	task.clear_ibuf [dreg:s22], $0x2FFFF;
	_ =	strace $0x9FFFFFFF  }
0xd1: {  	(tm) =	ssettm $0x7FFFFFFF  }
tec
execute0_lowered:
.L_overlay_start_1:
0x0: {  	(tag) =	ssettag $0x1  }
0x1: {  	s0 =	rddreg [dreg:$0x0]  }
0x2: {  	s1 =	rddreg [dreg:$0x1];
	s2 =	simm.s32 $0x0;
	s3 =	stileid.u32  }
0x3: {  	s4 =	srdreg.scid;
	s28 =	simm.s32 $0x2;
	s29 =	simm.s32 $0x80  }
0x4: {  	s30 =	simm.s32 $0x3;
	s31 =	simm.s32 $0x4;
	[smem:$0x7FF] =	sst s2  }
0x5: {  	s8 =	smul.u32 $0x2700, s3;
	s5 =	sand.u32 $0x1, s4;
	s7 =	sadd.s32 $0xB9400, s0  }
0x6: {  	s17 =	sadd.s32 $0x13000, s0;
	s6 =	smul.u32 $0x4E000, s3;
	s10 =	sshll.u32 s3, $0x1  }
0x7: {  	s14 =	sshll.u32 s3, $0x6;
	s19 =	sadd.s32 $0x138000, s1;
	s23 =	sshll.u32 s3, $0x8  }
0x8: {  	p0 =	sne.s32 s3, $0x0;
	_ =	strace $0x80000050;
	s4 =	smul.u32 $0x27100, s5  }
0x9: {  	s12 =	ssub.s32 $0x2, s5;
	s10 =	sor.u32 s5, s10;
	[dreg:$0x5] =	wrdreg s19  }
0xa: {  	s22 =	sshll.u32 s5, $0xB;
	[dreg:$0x3] =	wrdreg s8;
	s8 =	sadd.s32 s8, s0  }
0xb: {  	s9 =	sshrl.u32 s12, $0x1;
	s6 =	sshrl.u32 s6, $0x2;
	s18 =	sshll.u32 s10, $0x4  }
0xc: {  	s21 =	sshll.u32 s10, $0xB;
	s15 =	sadd.s32 s4, s0;
	s16 =	ssub.s32 s12, s9  }
0xd: {  	s4 =	sadd.s32 s6, s1;
	s13 =	sadd.s32 $0x44000, s8;
	s6 =	sor.u32 $0x1C05, s14  }
0xe: {  	s11 =	sadd.s32 s17, s18;
	s0 =	sadd.s32 $0x6B000, s0;
	s10 =	sadd.s32 s7, s21  }
0xf: {  	s12 =	sshll.u32 s5, $0x4;
	s5 =	sshll.u32 s5, $0x7;
	[dreg:$0x4] =	wrdreg s13  }
0x10: {  	s18 =	sshll.u32 s3, $0xC;
	s21 =	simm.s32 $0x5;
	[dreg:$0x6] =	wrdreg s0  }
0x11: {  	s20 =	sadd.s32 $0x4E20, s11;
	s11 =	sadd.s32 $0x5020, s11;
	s13 =	sadd.s32 s12, s17  }
0x12: {  	s0 =	sadd.s32 s22, s7;
	s12 =	sadd.s32 $0x10000, s10;
	s15 =	sadd.s32 $0xA08400, s15  }
0x13: {  	s16 =	smax.u32 s16, $0x1;
	s5 =	sor.u32 s5, s23;
	s22 =	simm.s32 $0x13880  }
0x14: {  	s23 =	simm.s32 $0x13900;
	[dreg:$0x7] =	wrdreg s20;
	s13 =	sadd.s32 $0x9C20, s13  }
.Ltmp0:
0x15: {  	s14 =	sadd.s32 $0x270000, s0;
	s0 =	sadd.s32 s18, s0;
	(pc) =	sbr.rel .LBB2_1-.Ltmp0, $4  }
0x16: {  	s7 =	sadd.s32 $0x2A100, s5;
	s24 =	sadd.s32 $0x29100, s5;
	s20 =	sshrl.u32 s4, $0x3  }
0x17: {  	s5 =	sadd.s32 $0x30000, s0;
	s25 =	sshrl.u32 s7, $0x3;
	s26 =	sshrl.u32 s24, $0x3  }
0x18: {  	s24 =	simm.s32 $0x17900;
	s0 =	simm.s32 $0x0;
	s18 =	sadd.s32 s25, s17  }
0x19: {  	s19 =	sadd.s32 s26, s17;
	s25 =	simm.s32 $0x17980;
	s26 =	simm.s32 $0x1  }
.LBB2_4:
0x1a: {  	_ =	swait.ge [sflag:s26], $0x80  }
0x1b: {  	[sflag:s26] =	ssyncset.done $0x0  }
0x1c: {  	[sflag:s26] =	ssyncadd.s32 $0xFFFFFF80  }
0x1d: {  	_ =	swait.ge [sflag:s28], $0x4000  }
0x1e: {  	[sflag:s28] =	ssyncset.done $0x0  }
0x1f: {  	[sflag:s28] =	ssyncadd.s32 $0xFFFFC000  }
0x20: {  	[spmem:s1] =	stream.indirect.scatter.add.f32 [tilespmem:s23], [sflag:$0x5], $0x80, s22, s29, $0xb8;
	[tilespmem:$0x1B980] =	vst v63  }
0x21: {  	_ =	swait.ge [sflag:s21], $0x4000  }
0x22: {  	[sflag:s21] =	ssyncset.done $0x0  }
0x23: {  	[sflag:s21] =	ssyncadd.s32 $0xFFFFC000  }
0x24: {  	[bflag:$0x0] =	sbarrier.arrive @p0 $0xFFFF  }
0x25: {  	s7 =	rddreg [dreg:$0x3]  }
0x26: {  	s8 =	sshrl.u32 @p0 s4, $0x3;
	s7 =	sadd.s32 @p0 s7, s15  }
0x27: {  	[hbm:s7], [sflag:s6] =	dma.local @p0 [spmem:s8], $0x2700  }
0x28: {  	s7 =	simm.s32 @p0 $0x5  }
0x29: {  	_ =	swait.ge @p0 [sflag:s7], $0x2700  }
0x2a: {  	s17 =	simm.s32 @!p0 $0x5;
	[sflag:s7] =	ssyncset.done @p0 $0x0  }
0x2b: {  	s8 =	simm.s32 @!p0 $0x13880;
	[sflag:s7] =	ssyncadd.s32 @p0 $0xFFFFD900;
	s7 =	simm.s32 @!p0 $0x0  }
0x2c: {  	[tilespmem:s8], [sflag:$0x5] =	stream.linear.gather @!p0 [hbm4b:s13+s7], $0x80, $0x38;
	[tilespmem:$0x1B980] =	vst v63  }
0x2d: {  	_ =	swait.ge @!p0 [sflag:s17], $0x80  }
0x2e: {  	[sflag:s17] =	ssyncset.done @!p0 $0x0  }
0x2f: {  	s9 =	simm.s32 @!p0 $0x13900;
	[sflag:s17] =	ssyncadd.s32 @!p0 $0xFFFFFF80  }
0x30: {  	[tilespmem:s9], [sflag:$0x5] =	stream.linear.gather @!p0 [hbm4b:s14+s7], $0x4000, $0x38;
	[tilespmem:$0x1B980] =	vst v63  }
0x31: {  	_ =	swait.ge @!p0 [sflag:s17], $0x4000  }
0x32: {  	[sflag:s17] =	ssyncset.done @!p0 $0x0  }
0x33: {  	s7 =	simm.s32 @!p0 $0x80;
	[sflag:s17] =	ssyncadd.s32 @!p0 $0xFFFFC000  }
0x34: {  	[spmem:s1] =	stream.indirect.scatter.add.f32 @!p0 [tilespmem:s9], [sflag:$0x5], $0x80, s8, s7, $0xb8;
	[tilespmem:$0x1B980] =	vst v63  }
0x35: {  	_ =	swait.ge @!p0 [sflag:s17], $0x4000  }
0x36: {  	[sflag:s17] =	ssyncset.done @!p0 $0x0  }
0x37: {  	[sflag:s17] =	ssyncadd.s32 @!p0 $0xFFFFC000  }
0x38: {  	s7 =	sshrl.u32 @!p0 s4, $0x3;
	[bflag:$0x0] =	sbarrier.arrive @!p0 $0xFFFF  }
0x39: {  	[hbm:s15], [sflag:s6] =	dma.local @!p0 [spmem:s7], $0x2700  }
0x3a: {  	s0 =	sadd.s32 $0x1, s0;
	_ =	swait.ge @!p0 [sflag:s17], $0x2700  }
0x3b: {  	p1 =	sne.s32 s0, s16;
	[sflag:s17] =	ssyncset.done @!p0 $0x0  }
.Ltmp1:
0x3c: {  	s7 =	sadd.s32 @!p0 $0x27000, s15;
	[sflag:s17] =	ssyncadd.s32 @!p0 $0xFFFFD900;
	(pc) =	sbr.rel @!p1 .LBB2_5-.Ltmp1, $4  }
0x3d: {  	[hbm:s7], [sflag:s6] =	dma.local @!p0 [spmem:s3], $0x100  }
0x3e: {  	_ =	swait.ge @!p0 [sflag:s17], $0x100  }
0x3f: {  	[sflag:s17] =	ssyncset.done @!p0 $0x0  }
0x40: {  	[sflag:s17] =	ssyncadd.s32 @!p0 $0xFFFFFF00  }
.LBB2_1:
0x41: {  	s3 =	rddreg [dreg:$0x4]  }
0x42: {  	[spmem:s20], [sflag:s6] =	dma.local [hbm:s3], $0x2700  }
0x43: {  	_ =	swait.ge [sflag:s21], $0x2700  }
0x44: {  	[sflag:s21] =	ssyncset.done $0x0;
	s3 =	rddreg [dreg:$0x5]  }
0x45: {  	s7 =	rddreg [dreg:$0x6];
	[sflag:s21] =	ssyncadd.s32 $0xFFFFD900;
	s3 =	sshrl.u32 @!p0 s3, $0x3  }
0x46: {  	[spmem:s3], [sflag:s6] =	dma.local @!p0 [hbm:s7], $0x100  }
0x47: {  	s7 =	simm.s32 @!p0 $0x5  }
0x48: {  	_ =	swait.ge @!p0 [sflag:s7], $0x100  }
0x49: {  	[sflag:s7] =	ssyncset.done @!p0 $0x0  }
0x4a: {  	[sflag:s7] =	ssyncadd.s32 @!p0 $0xFFFFFF00  }
0x4b: {  	[bflag:$0x0] =	sbarrier.arrive $0xFFFF  }
0x4c: {  	s17 =	rddreg [dreg:$0x7]  }
0x4d: {  	[tilespmem:s22], [sflag:$0x1] =	stream.linear.gather [hbm4b:s17+s2], $0x80, $0x38;
	[tilespmem:$0x1B980] =	vst v63  }
0x4e: {  	_ = 	snop  }
0x4f: {  	[tilespmem:s23], [sflag:$0x2] =	stream.linear.gather [hbm4b:s10+s2], $0x4000, $0x38;
	[tilespmem:$0x1B980] =	vst v63  }
0x50: {  	_ = 	snop  }
0x51: {  	[tilespmem:s24], [sflag:$0x3] =	stream.linear.gather [hbm4b:s11+s2], $0x80, $0x38;
	[tilespmem:$0x1B980] =	vst v63  }
0x52: {  	s7 =	simm.s32 $0x0;
	s17 =	smov.u32 s5  }
0x53: {  	[tilespmem:s25], [sflag:$0x4] =	stream.linear.gather [hbm4b:s12+s2], $0x4000, $0x38;
	[tilespmem:$0x1B980] =	vst v63  }
.LBB2_2:
0x54: {  	_ =	swait.ge [sflag:s26], $0x80  }
0x55: {  	[sflag:s26] =	ssyncset.done $0x0  }
0x56: {  	[sflag:s26] =	ssyncadd.s32 $0xFFFFFF80  }
0x57: {  	_ =	swait.ge [sflag:s28], $0x4000  }
0x58: {  	[sflag:s28] =	ssyncset.done $0x0  }
0x59: {  	[sflag:s28] =	ssyncadd.s32 $0xFFFFC000  }
0x5a: {  	[spmem:s1] =	stream.indirect.scatter.add.f32 [tilespmem:s23], [sflag:$0x5], $0x80, s22, s29, $0xb8;
	[tilespmem:$0x1B980] =	vst v63  }
0x5b: {  	_ =	swait.ge [sflag:s21], $0x4000  }
0x5c: {  	[sflag:s21] =	ssyncset.done $0x0  }
0x5d: {  	s8 =	sadd.s32 s7, s19;
	[sflag:s21] =	ssyncadd.s32 $0xFFFFC000  }
0x5e: {  	[tilespmem:s22], [sflag:$0x1] =	stream.linear.gather [hbm4b:s8+s2], $0x80, $0x38;
	[tilespmem:$0x1B980] =	vst v63  }
0x5f: {  	s9 =	sadd.s32 $0xFFFF0000, s17  }
0x60: {  	[tilespmem:s23], [sflag:$0x2] =	stream.linear.gather [hbm4b:s9+s2], $0x4000, $0x38;
	[tilespmem:$0x1B980] =	vst v63  }
0x61: {  	_ =	swait.ge [sflag:s30], $0x80  }
0x62: {  	[sflag:s30] =	ssyncset.done $0x0  }
0x63: {  	[sflag:s30] =	ssyncadd.s32 $0xFFFFFF80  }
0x64: {  	_ =	swait.ge [sflag:s31], $0x4000  }
0x65: {  	p1 =	seq.s32 s7, $0x4800;
	[sflag:s31] =	ssyncset.done $0x0  }
.Ltmp2:
0x66: {  	[sflag:s31] =	ssyncadd.s32 $0xFFFFC000;
	(pc) =	sbr.rel @p1 .LBB2_4-.Ltmp2, $4  }
0x67: {  	[spmem:s1] =	stream.indirect.scatter.add.f32 [tilespmem:s25], [sflag:$0x5], $0x80, s24, s29, $0xb8;
	[tilespmem:$0x1B980] =	vst v63  }
0x68: {  	_ =	swait.ge [sflag:s21], $0x4000  }
0x69: {  	[sflag:s21] =	ssyncset.done $0x0  }
0x6a: {  	[sflag:s21] =	ssyncadd.s32 $0xFFFFC000  }
.Ltmp3:
0x6b: {  	s8 =	sadd.s32 s7, s18;
	(pc) =	sbr.rel .LBB2_2-.Ltmp3, $4  }
0x6c: {  	[tilespmem:s24], [sflag:$0x3] =	stream.linear.gather [hbm4b:s8+s2], $0x80, $0x38;
	[tilespmem:$0x1B980] =	vst v63  }
0x6d: {  	_ = 	snop  }
0x6e: {  	[tilespmem:s25], [sflag:$0x4] =	stream.linear.gather [hbm4b:s17+s2], $0x4000, $0x38;
	[tilespmem:$0x1B980] =	vst v63  }
0x6f: {  	s7 =	sadd.s32 $0x400, s7;
	s17 =	sadd.s32 $0x20000, s17  }
.LBB2_5:
0x70: {  	_ =	sfence.sel $0x180000  }
0x71: {  	[bflag:$0x0] =	sbarrier.arrive $0xFFFF  }
0x72: {  	_ =	strace $0x90000050  }
0x73: {  	[bflag:$0x2] =	sbarrier.arrive $0xFFFF  }
0x74: {  	s0 =	rddreg [dreg:$0x2]  }
0x75: {  	s0 =	sadd.s32 @!p0 $0x100000, s0  }
0x76: {  	[sflag:s0] =	ssyncadd.tile.s32 @!p0 $0x1;
	_ =	shalt  }
.Lfunc_end2:
_tile_overlayer_lowered:
.L_overlay_start_2:
0x77: {  	(tag) =	ssettag $0x2  }
0x78: {  	s0 =	rddreg [dreg:$0x0];
	s2 =	stileid.u32  }
0x79: {  	s1 =	rddreg [dreg:$0x1];
	p0 =	sne.s32 s2, $0x0  }
0x7a: {  	s3 =	rddreg [dreg:$0x2];
	[bflag:$0x3] =	sbarrier.arrive $0xFFFF;
	s2 =	simm.s32 @!p0 $0x1C05  }
0x7b: {  	[timem:s3], [sflag:s2] =	dma.local @!p0 [hbm:s0], s1  }
0x7c: {  	s0 =	simm.s32 @!p0 $0x5  }
0x7d: {  	_ =	swait.ge @!p0 [sflag:s0], s1  }
0x7e: {  	s1 =	ssub.s32 @!p0 $0x0, s1;
	[sflag:s0] =	ssyncset.done @!p0 $0x0  }
0x7f: {  	[sflag:s0] =	ssyncadd.s32 @!p0 s1  }
0x80: {  	[bflag:$0x3] =	sbarrier.arrive $0xFFFF  }
0x81: {  	_ =	shalt  }

// kernel: kernel.30.cloned.1.call-start
scs
__scs_entry_jumppad:
0x0: {  	(pc) =	sbr.rel $0x88, $3  }
0x1: {  	(tag) =	ssettag $0x0;
	lr =	simm.s32 $0x1  }
0x2: {  	[smem:$0x3F96] =	sst lr;
	_ =	strace $0xD0000000  }
0x3: {  	_ = 	snop  }
0x4: {  	_ = 	snop  }
0x5: {  	_ = 	snop  }
0x6: {  	_ = 	snop  }
0x7: {  	_ = 	snop  }
__scs_overlays_trampoline_lowered:
0x8: {  	[smem:$0x3FA5] =	sst s0  }
0x9: {  	[smem:$0x3FA6] =	sst s1  }
0xa: {  	[smem:$0x3FA7] =	sst s2  }
0xb: {  	[smem:$0x3FA8] =	sst s3  }
0xc: {  	[smem:$0x3FA9] =	sst s4  }
0xd: {  	[smem:$0x3FAA] =	sst s5  }
0xe: {  	[smem:$0x3FAB] =	sst s6  }
0xf: {  	[smem:$0x3FAC] =	sst s7  }
0x10: {  	[smem:$0x3FAD] =	sst s8  }
0x11: {  	[smem:$0x3FAE] =	sst s9;
	s0 =	simm.s32 @!p0 $0x0  }
0x12: {  	s1 =	sld [smem:$0x3F94];
	s0 =	simm.s32 @p0 $0x1  }
0x13: {  	[smem:$0x3FAF] =	sst s0;
	s0 =	simm.s32 @!p1 $0x0  }
0x14: {  	s2 =	sld [smem:$0x3F93];
	s0 =	simm.s32 @p1 $0x1  }
0x15: {  	[smem:$0x3FB0] =	sst s0;
	s0 =	simm.s32 @!p2 $0x0  }
0x16: {  	s3 =	sld [smem:$0x3FDB];
	s0 =	simm.s32 @p2 $0x1  }
0x17: {  	s4 =	simm.s32 $0x1BF5;
	[smem:$0x3FB2] =	sst s0  }
0x18: {  	s0 =	sld [smem:$0x3F95];
	_ =	swait.ge [sflag:s4], $0x0  }
0x19: {  	s7 =	sld [smem:$0x3F96]  }
0x1a: {  	s8 =	sadd.s32 $0xFFFFE003, lr  }
0x1b: {  	s9 =	sadd.s32 $0xFFFFFEF7, lr;
	s5 =	simm.s32 $0xFFFFFFFF;
	p2 =	slt.u32 s8, $0xFFFFF086  }
0x1c: {  	p1 =	slt.u32 s9, $0xF7A;
	s5 =	simm.s32 @!p2 $0x0  }
0x1d: {  	s5 =	simm.s32 @p1 $0x1;
	p0 =	seq.s32 s7, s2  }
0x1e: {  	s7 =	smul.u32 @!p0 $0xF7A, s2;
	p2 =	seq.s32 @!p0 s5, $0x0  }
0x1f: {  	s9 =	smul.u32 $0xF7A, s1;
	s8 =	simm.s32 @!p0 $0x1BF5;
	p2 =	por !p2, p0  }
0x20: {  	[sflag:s8] =	ssyncset.s32 @!p0 $0xFFFFF086;
	s6 =	sadd.s32 @!p0 s3, s7;
	s7 =	simm.s32 @!p0 $0x108  }
0x21: {  	s3 =	sadd.s32 s3, s9;
	s6 =	sadd.s32 @!p0 $0x88, s6;
	s7 =	simm.s32 @p2 $0x1082  }
0x22: {  	[simem:s7], [sflag:s8] =	dma.local @!p0 [hbm:s6], $0xF7A  }
0x23: {  	s9 =	sor.u32 $0xD0000000, s2;
	s6 =	simm.s32 $0x108;
	_ =	swait.ge @!p0 [sflag:s8], $0x0  }
0x24: {  	s3 =	sadd.s32 $0x88, s3;
	s6 =	simm.s32 @!p1 $0x1082;
	[sflag:s4] =	ssyncset.s32 $0xFFFFF086  }
0x25: {  	[simem:s6], [sflag:s4] =	dma.local [hbm:s3], $0xF7A  }
0x26: {  	[smem:$0x3F96] =	sst s1;
	(tag) =	ssettag s2;
	_ =	strace s9  }
0x27: {  	s1 =	sld [smem:$0x3FA6]  }
0x28: {  	s2 =	sld [smem:$0x3FA7]  }
0x29: {  	s4 =	sld [smem:$0x3FA9]  }
0x2a: {  	p0 =	seq.s32 s5, $0x0;
	s5 =	sld [smem:$0x3FAA]  }
0x2b: {  	s6 =	sld [smem:$0x3FAB]  }
0x2c: {  	s7 =	sld [smem:$0x3FAC]  }
0x2d: {  	s3 =	simm.s32 $0x108;
	s8 =	sld [smem:$0x3FAD]  }
0x2e: {  	s3 =	simm.s32 @!p0 $0x1082;
	s9 =	sld [smem:$0x3FAE]  }
0x2f: {  	lr =	sadd.s32 s0, s3;
	s0 =	sld [smem:$0x3FA5]  }
0x30: {  	s3 =	sld [smem:$0x3FA8]  }
0x31: {  	[smem:$0x3FB1] =	sst s10  }
0x32: {  	s10 =	sld [smem:$0x3FAF];
	_ =	sdelay $0x3  }
0x33: {  	p0 =	seq.s32 s10, $0x1;
	s10 =	sld [smem:$0x3FB1];
	_ =	sdelay $0x3  }
0x34: {  	[smem:$0x3FB1] =	sst s10  }
0x35: {  	s10 =	sld [smem:$0x3FB0];
	_ =	sdelay $0x3  }
0x36: {  	p1 =	seq.s32 s10, $0x1;
	s10 =	sld [smem:$0x3FB1];
	_ =	sdelay $0x3  }
0x37: {  	[smem:$0x3FB1] =	sst s10  }
0x38: {  	s10 =	sld [smem:$0x3FB2]  }
0x39: {  	_ = 	snop;
	(pc) =	sbr.ind lr, $3  }
0x3a: {  	_ = 	snop  }
0x3b: {  	_ = 	snop  }
0x3c: {  	p2 =	seq.s32 s10, $0x1;
	s10 =	sld [smem:$0x3FB1]  }
0x3d: {  	_ =	shalt  }
0x3e: {  	_ =	shalt  }
0x3f: {  	_ =	shalt  }
0x40: {  	_ =	shalt  }
0x41: {  	_ =	shalt  }
0x42: {  	_ =	shalt  }
0x43: {  	_ =	shalt  }
0x44: {  	_ =	shalt  }
0x45: {  	_ =	shalt  }
0x46: {  	_ =	shalt  }
0x47: {  	_ =	shalt  }
0x48: {  	_ =	shalt  }
0x49: {  	_ =	shalt  }
0x4a: {  	_ =	shalt  }
0x4b: {  	_ =	shalt  }
0x4c: {  	_ =	shalt  }
0x4d: {  	_ =	shalt  }
0x4e: {  	_ =	shalt  }
0x4f: {  	_ =	shalt  }
0x50: {  	_ =	shalt  }
0x51: {  	_ =	shalt  }
0x52: {  	_ =	shalt  }
0x53: {  	_ =	shalt  }
0x54: {  	_ =	shalt  }
0x55: {  	_ =	shalt  }
0x56: {  	_ =	shalt  }
0x57: {  	_ =	shalt  }
0x58: {  	_ =	shalt  }
0x59: {  	_ =	shalt  }
0x5a: {  	_ =	shalt  }
0x5b: {  	_ =	shalt  }
0x5c: {  	_ =	shalt  }
0x5d: {  	_ =	shalt  }
0x5e: {  	_ =	shalt  }
0x5f: {  	_ =	shalt  }
0x60: {  	_ =	shalt  }
0x61: {  	_ =	shalt  }
0x62: {  	_ =	shalt  }
0x63: {  	_ =	shalt  }
0x64: {  	_ =	shalt  }
0x65: {  	_ =	shalt  }
0x66: {  	_ =	shalt  }
0x67: {  	_ =	shalt  }
0x68: {  	_ =	shalt  }
0x69: {  	_ =	shalt  }
0x6a: {  	_ =	shalt  }
0x6b: {  	_ =	shalt  }
0x6c: {  	_ =	shalt  }
0x6d: {  	_ =	shalt  }
0x6e: {  	_ =	shalt  }
0x6f: {  	_ =	shalt  }
0x70: {  	_ =	shalt  }
0x71: {  	_ =	shalt  }
0x72: {  	_ =	shalt  }
0x73: {  	_ =	shalt  }
0x74: {  	_ =	shalt  }
0x75: {  	_ =	shalt  }
0x76: {  	_ =	shalt  }
0x77: {  	_ =	shalt  }
0x78: {  	_ =	shalt  }
0x79: {  	_ =	shalt  }
0x7a: {  	_ =	shalt  }
0x7b: {  	_ =	shalt  }
0x7c: {  	_ =	shalt  }
0x7d: {  	_ =	shalt  }
0x7e: {  	_ =	shalt  }
0x7f: {  	_ =	shalt  }
0x80: {  	_ =	shalt  }
0x81: {  	_ =	shalt  }
0x82: {  	_ =	shalt  }
0x83: {  	_ =	shalt  }
0x84: {  	_ =	shalt  }
0x85: {  	_ =	shalt  }
0x86: {  	_ =	shalt  }
0x87: {  	_ =	shalt  }
.Lfunc_end0:
.L_simem_size_0:
called_computation.4_lowered:
.L_overlay_start_0:
0x88: {  	s2 =	sld [smem:$0x3FD9]  }
0x89: {  	s3 =	sld [smem:$0x3FFE];
	_ =	sdelay $0x1  }
0x8a: {  	s1 =	srdreg.scid  }
0x8b: {  	s0 =	sand.u32 $0x1, s1  }
0x8c: {  	s17 =	sshll.u32 s0, $0xA;
	s2 =	sadd.s32 s3, s2  }
0x8d: {  	s2 =	sadd.s32 s2, s17  }
0x8e: {  	[smem:$0x3FBD] =	sst s2  }
0x8f: {  	_ = 	snop  }
0x90: {  	(tm) =	ssettm $0x1  }
0x91: {  	s18 =	sld [smem:$0x3FFB];
	_ =	sdelay $0x3  }
0x92: {  	_ =	strace s18  }
0x93: {  	s2 =	sld [smem:$0x3FFC];
	_ =	sdelay $0x3  }
0x94: {  	_ =	strace s2  }
0x95: {  	s2 =	sld [smem:$0x3FFD];
	_ =	sdelay $0x3  }
0x96: {  	_ =	strace s2  }
0x97: {  	_ =	strace $0x8FFFFFFF  }
0x98: {  	s19 =	sld [smem:$0x3FDB];
	_ =	sdelay $0x1  }
0x99: {  	s20 =	simm.s32 $_scs_section_size  }
0x9a: {  	s4 =	simm.s32 $_size__tile_overlayer_lowered;
	s5 =	simm.s32 $_tile_overlayer_lowered  }
0x9b: {  	s6 =	simm.s32 $0x1BFF;
	s21 =	sshll.u32 s5, $0x1;
	s3 =	sadd.s32 s20, s19  }
0x9c: {  	s22 =	simm.s32 $0x0;
	s4 =	sshll.u32 s4, $0x1;
	s5 =	sadd.s32 s21, s3  }
0x9d: {  	[timem:s22], [sflag:s6] =	dma.local [hbm:s5], s4  }
0x9e: {  	_ =	swait.ge [sflag:s6], s4  }
0x9f: {  	s4 =	ssub.s32 $0x0, s4;
	[sflag:s6] =	ssyncset.done $0x0  }
0xa0: {  	[sflag:s6] =	ssyncadd.s32 s4;
	_ =	sdelay $0x1  }
0xa1: {  	s23 =	simm.s32 $0x1B8B  }
0xa2: {  	_ =	swait.ge [sflag:s23], $0x1  }
0xa3: {  	[sflag:s23] =	ssyncset.done $0x0  }
0xa4: {  	[sflag:s23] =	ssyncadd.s32 $0xFFFFFFFF  }
0xa5: {  	s4 =	sld [smem:$0x0]  }
0xa6: {  	s5 =	sand.u32 $0xFFFFFFFE, s1  }
0xa7: {  	p0 =	sne.s32 s1, s5  }
0xa8: {  	s5 =	sshll.u32 @p0 s5, $0xE  }
0xa9: {  	s5 =	sadd.s32 @p0 $0x11B8D, s5;
	s6 =	sshll.u32 @p0 s4, $0x11  }
0xaa: {  	s5 =	sor.u32 @p0 s6, s5  }
0xab: {  	[sflag:s5] =	ssyncadd.remote.s32 @p0 $0x1;
	_ =	sdelay $0x1  }
0xac: {  	s5 =	simm.s32 @p0 $0x1B8D  }
0xad: {  	_ =	swait.eq @p0 [sflag:s5], $0x1  }
0xae: {  	[sflag:s5] =	ssyncadd.s32 @p0 $0xFFFFFFFF  }
0xaf: {  	s6 =	sshll.u32 @!p0 s1, $0xE  }
0xb0: {  	s6 =	sor.u32 @!p0 $0x4000, s6;
	s5 =	simm.s32 @!p0 $0x1B8D  }
0xb1: {  	s4 =	sshll.u32 @!p0 s4, $0x11;
	s6 =	sadd.s32 @!p0 $0x11B8D, s6;
	_ =	swait.eq @!p0 [sflag:s5], $0x1  }
0xb2: {  	s4 =	sor.u32 @!p0 s4, s6;
	[sflag:s5] =	ssyncadd.s32 @!p0 $0xFFFFFFFF  }
0xb3: {  	s25 =	simm.s32 $0x1B8E;
	s24 =	sld [smem:$0x3FFE];
	[sflag:s4] =	ssyncadd.remote.s32 @!p0 $0x1  }
0xb4: {  	s26 =	simm.s32 $execute0_lowered;
	[smem:$0x3FD2] =	sst s25  }
0xb5: {  	s5 =	sshll.u32 s26, $0x1;
	_ =	strace $0x80000055;
	[dreg:$0x1] =	wrdreg $0xFFFFFFFF  }
0xb6: {  	s28 =	simm.s32 $_size_execute0_lowered;
	s3 =	sadd.s32 s3, s5;
	[dreg:$0x0] =	wrdreg $0x0  }
0xb7: {  	s5 =	sshll.u32 s28, $0x1;
	[dreg:$0x2] =	wrdreg s3  }
0xb8: {  	[dreg:$0x3] =	wrdreg s5  }
0xb9: {  	[dreg:$0x4] =	wrdreg $0xC0  }
0xba: {  	_ =	task [dreg:s22], $0x5FFFF  }
0xbb: {  	[dreg:$0x1] =	wrdreg $0xFFFFFFFF  }
0xbc: {  	[dreg:$0x0] =	wrdreg $0x60  }
0xbd: {  	[dreg:$0x2] =	wrdreg s24  }
0xbe: {  	[dreg:$0x3] =	wrdreg $0x9  }
0xbf: {  	_ =	task.clear_ibuf [dreg:s22], $0x4FFFF;
	_ =	strace $0x90000055  }
0xc0: {  	s29 =	simm.s32 $0x9;
	_ =	strace $0x80000057  }
0xc1: {  	_ =	swait.ge [sflag:s29], $0x1  }
0xc2: {  	[sflag:s29] =	ssyncadd.s32 $0xFFFFFFFF  }
0xc3: {  	_ =	strace $0x90000057  }
0xc4: {  	_ =	sfence  }
0xc5: {  	s30 =	sld [smem:$0x0];
	_ =	sdelay $0x2  }
0xc6: {  	s31 =	sshll.u32 s1, $0xD;
	s1 =	sshrl.u32 s1, $0x2  }
0xc7: {  	s4 =	sand.u32 $0x4000, s31;
	s1 =	sadd.s32 s1, s30  }
0xc8: {  	s0 =	sor.u32 s4, s0;
	s1 =	sshll.u32 s1, $0x11  }
0xc9: {  	s0 =	sor.u32 s1, s0  }
0xca: {  	s0 =	sadd.s32 $0x8F2B, s0  }
0xcb: {  	[sflag:s0] =	ssyncadd.remote.s32 $0x1  }
0xcc: {  	_ =	sfence.sel $0xFFFF  }
0xcd: {  	[dreg:$0x0] =	wrdreg $0xFFFFFFFF;
	(pc) =	sbr.abs _section_cstart, $3  }
0xce: {  	[dreg:$0x1] =	wrdreg $0xFFFFFFFF  }
0xcf: {  	_ =	task.clear_ibuf [dreg:s22], $0x2FFFF;
	_ =	strace $0x9FFFFFFF  }
0xd0: {  	(tm) =	ssettm $0x7FFFFFFF  }
0xd1: {  	_ =	shalt  }
tec
execute0_lowered:
.L_overlay_start_1:
0x0: {  	(tag) =	ssettag $0x1  }
0x1: {  	s0 =	rddreg [dreg:$0x0]  }
0x2: {  	s1 =	simm.s32 $0x0;
	s5 =	srdreg.scid;
	s17 =	stileid.u32  }
0x3: {  	s28 =	simm.s32 $0xB;
	s29 =	simm.s32 $0xC;
	s30 =	simm.s32 $0x5  }
0x4: {  	s31 =	simm.s32 $0x6;
	[smem:$0x7FF] =	sst s1;
	s2 =	sadd.s32 $0x6B200, s0  }
0x5: {  	s3 =	sadd.s32 $0xA08400, s0;
	s4 =	sadd.s32 $0x9200, s0;
	s6 =	sadd.s32 $0x13000, s0  }
0x6: {  	s16 =	sadd.s32 $0x59B400, s0;
	s5 =	sand.u32 $0x1, s5;
	s0 =	sadd.s32 $0x115BA00, s0  }
0x7: {  	s13 =	sshll.u32 s17, $0x5;
	s26 =	sshll.u32 s17, $0xC;
	p0 =	sne.s32 s17, $0x0  }
0x8: {  	_ =	strace $0x80000056;
	s7 =	ssub.s32 $0x2, s5;
	s14 =	sshll.u32 s5, $0x4  }
0x9: {  	s19 =	sshll.u32 s5, $0x7;
	s8 =	sshrl.u32 s7, $0x1;
	s18 =	sor.u32 s14, s13  }
0xa: {  	s10 =	sor.u32 $0x27000, s19;
	s12 =	ssub.s32 s7, s8;
	s9 =	sadd.s32 s4, s18  }
0xb: {  	s20 =	sor.u32 $0x200, s18;
	s7 =	sadd.s32 s6, s18;
	s11 =	sshrl.u32 s10, $0x3  }
0xc: {  	s15 =	sshll.u32 s10, $0x4;
	s18 =	simm.s32 $0x80;
	[dreg:$0x2] =	wrdreg s9  }
0xd: {  	[dreg:$0x3] =	wrdreg s7;
	s21 =	sadd.s32 s4, s20;
	s22 =	sadd.s32 s6, s20  }
0xe: {  	s23 =	sadd.s32 s4, s11;
	s24 =	sadd.s32 s6, s11;
	[dreg:$0x4] =	wrdreg s21  }
0xf: {  	s25 =	sadd.s32 s16, s15;
	s11 =	sadd.s32 s0, s15;
	[dreg:$0x5] =	wrdreg s22  }
0x10: {  	s12 =	smax.u32 s12, $0x1;
	s4 =	sadd.s32 s13, s4;
	[dreg:$0x6] =	wrdreg s23  }
0x11: {  	s6 =	sadd.s32 s13, s6;
	s15 =	sshll.u32 s5, $0xB;
	[dreg:$0x7] =	wrdreg s24  }
0x12: {  	s20 =	sadd.s32 s26, s0;
	s0 =	simm.s32 $0x0;
	[dreg:$0x8] =	wrdreg s25  }
0x13: {  	s13 =	sadd.s32 s14, s4;
	s14 =	sadd.s32 s14, s6;
	s4 =	sadd.s32 s26, s16  }
0x14: {  	s21 =	simm.s32 $0x1;
	s22 =	simm.s32 $0x2;
	s23 =	simm.s32 $0x100  }
0x15: {  	s24 =	simm.s32 $0x4100;
	s25 =	simm.s32 $0x3;
	s26 =	simm.s32 $0x4  }
.LBB2_1:
0x16: {  	s5 =	rddreg [dreg:$0x2]  }
0x17: {  	s10 =	rddreg [dreg:$0x3]  }
0x18: {  	[tilespmem:s1], [sflag:$0x1] =	stream.linear.gather [hbm4b:s5+s1], $0x80, $0x38;
	[tilespmem:$0x10200] =	vst v63  }
0x19: {  	s16 =	rddreg [dreg:$0x4]  }
0x1a: {  	[tilespmem:s18], [sflag:$0x2] =	stream.linear.gather [hbm4b:s10+s1], $0x80, $0x38;
	[tilespmem:$0x10200] =	vst v63  }
0x1b: {  	s6 =	simm.s32 $0x8100;
	s17 =	rddreg [dreg:$0x5]  }
0x1c: {  	[tilespmem:s6], [sflag:$0x7] =	stream.linear.gather [hbm4b:s16+s1], $0x80, $0x38;
	[tilespmem:$0x10200] =	vst v63  }
0x1d: {  	s19 =	simm.s32 $0x8180;
	s5 =	simm.s32 $0x0;
	s16 =	smov.u32 s4  }
0x1e: {  	[tilespmem:s19], [sflag:$0x8] =	stream.linear.gather [hbm4b:s17+s1], $0x80, $0x38;
	[tilespmem:$0x10200] =	vst v63  }
0x1f: {  	s6 =	simm.s32 $0x0;
	s19 =	simm.s32 $0x1;
	s17 =	smov.u32 s20  }
.LBB2_2:
0x20: {  	_ =	swait.ge [sflag:s21], $0x80  }
0x21: {  	[sflag:s21] =	ssyncset.done $0x0  }
0x22: {  	[sflag:s21] =	ssyncadd.s32 $0xFFFFFF80  }
0x23: {  	_ =	swait.ge [sflag:s22], $0x80  }
0x24: {  	p1 =	seq.s32 s5, $0x0;
	[sflag:s22] =	ssyncset.done $0x0  }
0x25: {  	s7 =	simm.s32 @!p1 $0x5;
	[sflag:s22] =	ssyncadd.s32 $0xFFFFFF80  }
0x26: {  	_ =	swait.ge @!p1 [sflag:s7], $0x4000  }
0x27: {  	[sflag:s7] =	ssyncset.done @!p1 $0x0  }
0x28: {  	[sflag:s7] =	ssyncadd.s32 @!p1 $0xFFFFC000;
	s7 =	simm.s32 @!p1 $0x6  }
0x29: {  	_ =	swait.ge @!p1 [sflag:s7], $0x4000  }
0x2a: {  	[sflag:s7] =	ssyncset.done @!p1 $0x0  }
0x2b: {  	[sflag:s7] =	ssyncadd.s32 @!p1 $0xFFFFC000  }
0x2c: {  	[tilespmem:s23], [sflag:$0x3] =	stream.indirect.gather [hbm4b:s2+s18], $0x80, s1, s18, $0xb8;
	[tilespmem:$0x10200] =	vst v63  }
0x2d: {  	_ = 	snop  }
0x2e: {  	[tilespmem:s24], [sflag:$0x4] =	stream.indirect.gather [hbm4b:s3+s18], $0x80, s18, s18, $0xb8;
	[tilespmem:$0x10200] =	vst v63  }
0x2f: {  	_ =	swait.ge [sflag:s25], $0x4000  }
0x30: {  	[sflag:s25] =	ssyncset.done $0x0  }
0x31: {  	[sflag:s25] =	ssyncadd.s32 $0xFFFFC000  }
0x32: {  	_ =	swait.ge [sflag:s26], $0x4000  }
0x33: {  	[sflag:s26] =	ssyncset.done $0x0  }
0x34: {  	s9 =	sadd.s32 s16, s15;
	p1 =	seq.s32 s5, $0x4C00;
	[sflag:s26] =	ssyncadd.s32 $0xFFFFC000  }
0x35: {  	[hbm4b:s9+s1] =	stream.linear.scatter [tilespmem:s23], [sflag:$0x5], $0x4000, $0x38;
	[tilespmem:$0x10200] =	vst v63  }
0x36: {  	s10 =	sadd.s32 s17, s15;
	s7 =	sadd.s32 @!p1 s5, s13  }
0x37: {  	[hbm4b:s10+s1] =	stream.linear.scatter [tilespmem:s24], [sflag:$0x6], $0x4000, $0x38;
	[tilespmem:$0x10200] =	vst v63  }
0x38: {  	s8 =	simm.s32 @!p1 $0x0;
	s7 =	sadd.s32 @!p1 $0x400, s7  }
0x39: {  	[tilespmem:s8], [sflag:$0x1] =	stream.linear.gather @!p1 [hbm4b:s7+s8], $0x80, $0x38;
	[tilespmem:$0x10200] =	vst v63  }
0x3a: {  	p2 =	sgt.u32 @!p1 s19, $0x26;
	s7 =	sadd.s32 @!p1 s5, s14  }
0x3b: {  	p3 =	por p2, p1;
	s9 =	simm.s32 @!p1 $0x80;
	s7 =	sadd.s32 @!p1 $0x400, s7  }
0x3c: {  	[tilespmem:s9], [sflag:$0x2] =	stream.linear.gather @!p1 [hbm4b:s7+s8], $0x80, $0x38;
	[tilespmem:$0x10200] =	vst v63  }
0x3d: {  	s7 =	simm.s32 @!p3 $0x7  }
0x3e: {  	_ =	swait.ge @!p3 [sflag:s7], $0x80  }
0x3f: {  	[sflag:s7] =	ssyncset.done @!p3 $0x0  }
0x40: {  	p4 =	seq.s32 @!p3 s5, $0x0;
	[sflag:s7] =	ssyncadd.s32 @!p3 $0xFFFFFF80;
	s7 =	simm.s32 @!p3 $0x8  }
0x41: {  	p4 =	por @!p1 p4, p2;
	_ =	swait.ge @!p3 [sflag:s7], $0x80  }
0x42: {  	p4 =	por p4, p1;
	[sflag:s7] =	ssyncset.done @!p3 $0x0  }
0x43: {  	[sflag:s7] =	ssyncadd.s32 @!p3 $0xFFFFFF80;
	s7 =	simm.s32 @!p4 $0xB  }
0x44: {  	_ =	swait.ge @!p4 [sflag:s7], $0x4000  }
0x45: {  	[sflag:s7] =	ssyncset.done @!p4 $0x0  }
0x46: {  	[sflag:s7] =	ssyncadd.s32 @!p4 $0xFFFFC000;
	s7 =	simm.s32 @!p4 $0xC  }
0x47: {  	_ =	swait.ge @!p4 [sflag:s7], $0x4000  }
0x48: {  	s8 =	simm.s32 @!p3 $0x8100;
	[sflag:s7] =	ssyncset.done @!p4 $0x0  }
0x49: {  	s9 =	simm.s32 @!p3 $0x8200;
	[sflag:s7] =	ssyncadd.s32 @!p4 $0xFFFFC000;
	s7 =	simm.s32 @!p3 $0x80  }
0x4a: {  	[tilespmem:s9], [sflag:$0x9] =	stream.indirect.gather @!p3 [hbm4b:s2+s7], $0x80, s8, s7, $0xb8;
	[tilespmem:$0x10200] =	vst v63  }
0x4b: {  	s10 =	simm.s32 @!p3 $0xC200;
	s8 =	simm.s32 @!p3 $0x8180  }
0x4c: {  	[tilespmem:s10], [sflag:$0xA] =	stream.indirect.gather @!p3 [hbm4b:s3+s7], $0x80, s8, s7, $0xb8;
	[tilespmem:$0x10200] =	vst v63  }
0x4d: {  	s7 =	simm.s32 @!p3 $0x9  }
0x4e: {  	_ =	swait.ge @!p3 [sflag:s7], $0x4000  }
0x4f: {  	[sflag:s7] =	ssyncset.done @!p3 $0x0  }
0x50: {  	[sflag:s7] =	ssyncadd.s32 @!p3 $0xFFFFC000;
	s7 =	simm.s32 @!p3 $0xA  }
0x51: {  	_ =	swait.ge @!p3 [sflag:s7], $0x4000  }
0x52: {  	s8 =	sadd.s32 @!p3 s16, s15;
	[sflag:s7] =	ssyncset.done @!p3 $0x0  }
0x53: {  	[sflag:s7] =	ssyncadd.s32 @!p3 $0xFFFFC000;
	s7 =	sadd.s32 @!p3 $0x10000, s8;
	s8 =	simm.s32 @!p3 $0x0  }
0x54: {  	[hbm4b:s7+s8] =	stream.linear.scatter @!p3 [tilespmem:s9], [sflag:$0xB], $0x4000, $0x38;
	[tilespmem:$0x10200] =	vst v63  }
0x55: {  	s7 =	sadd.s32 @!p3 s17, s15  }
0x56: {  	s7 =	sadd.s32 @!p3 $0x10000, s7  }
0x57: {  	[hbm4b:s7+s8] =	stream.linear.scatter @!p3 [tilespmem:s10], [sflag:$0xC], $0x4000, $0x38;
	[tilespmem:$0x10200] =	vst v63  }
0x58: {  	p3 =	sgt.u32 @!p3 s6, $0x11  }
0x59: {  	p2 =	por @!p1 p3, p2  }
0x5a: {  	p2 =	por p2, p1  }
0x5b: {  	s7 =	sadd.s32 @!p2 s5, s13  }
0x5c: {  	s8 =	simm.s32 @!p2 $0x0;
	s9 =	simm.s32 @!p2 $0x8100;
	s7 =	sadd.s32 @!p2 $0x600, s7  }
0x5d: {  	[tilespmem:s9], [sflag:$0x7] =	stream.linear.gather @!p2 [hbm4b:s7+s8], $0x80, $0x38;
	[tilespmem:$0x10200] =	vst v63  }
0x5e: {  	s7 =	sadd.s32 @!p2 s5, s14  }
0x5f: {  	s9 =	simm.s32 @!p2 $0x8180;
	s5 =	sadd.s32 @!p1 $0x400, s5;
	s7 =	sadd.s32 @!p2 $0x600, s7  }
0x60: {  	[tilespmem:s9], [sflag:$0x8] =	stream.linear.gather @!p2 [hbm4b:s7+s8], $0x80, $0x38;
	[tilespmem:$0x10200] =	vst v63  }
0x61: {  	p2 =	sne.s32 @!p1 s5, $0x5000  }
0x62: {  	p2 =	por p1, !p2  }
.Ltmp0:
0x63: {  	_ = 	snop;
	(pc) =	sbr.rel @!p2 .LBB2_2-.Ltmp0, $3  }
0x64: {  	_ =	sdelay $0x1  }
0x65: {  	s19 =	sadd.s32 @!p1 $0x2, s19  }
0x66: {  	s16 =	sadd.s32 @!p1 $0x20000, s16;
	s17 =	sadd.s32 @!p1 $0x20000, s17;
	s6 =	sadd.s32 @!p1 $0x1, s6  }
0x67: {  	_ =	swait.ge [sflag:s28], $0x4000  }
0x68: {  	[sflag:s28] =	ssyncset.done $0x0  }
0x69: {  	[sflag:s28] =	ssyncadd.s32 $0xFFFFC000  }
0x6a: {  	_ =	swait.ge [sflag:s29], $0x4000  }
0x6b: {  	[sflag:s29] =	ssyncset.done $0x0  }
0x6c: {  	[sflag:s29] =	ssyncadd.s32 $0xFFFFC000  }
0x6d: {  	_ =	swait.ge [sflag:s30], $0x4000  }
0x6e: {  	[sflag:s30] =	ssyncset.done $0x0  }
0x6f: {  	[sflag:s30] =	ssyncadd.s32 $0xFFFFC000  }
0x70: {  	_ =	swait.ge [sflag:s31], $0x4000  }
0x71: {  	[sflag:s31] =	ssyncset.done $0x0  }
0x72: {  	s5 =	simm.s32 @!p0 $0x0;
	s6 =	rddreg [dreg:$0x6];
	[sflag:s31] =	ssyncadd.s32 $0xFFFFC000  }
0x73: {  	[tilespmem:s5], [sflag:$0xD] =	stream.linear.gather @!p0 [hbm4b:s6+s5], $0x80, $0x38;
	[tilespmem:$0x10200] =	vst v63  }
0x74: {  	s6 =	simm.s32 @!p0 $0xD  }
0x75: {  	_ =	swait.ge @!p0 [sflag:s6], $0x80  }
0x76: {  	[sflag:s6] =	ssyncset.done @!p0 $0x0  }
0x77: {  	s7 =	simm.s32 @!p0 $0x80;
	s8 =	rddreg [dreg:$0x7];
	[sflag:s6] =	ssyncadd.s32 @!p0 $0xFFFFFF80  }
0x78: {  	[tilespmem:s7], [sflag:$0xD] =	stream.linear.gather @!p0 [hbm4b:s8+s5], $0x80, $0x38;
	[tilespmem:$0x10200] =	vst v63  }
0x79: {  	_ =	swait.ge @!p0 [sflag:s6], $0x80  }
0x7a: {  	[sflag:s6] =	ssyncset.done @!p0 $0x0  }
0x7b: {  	s8 =	simm.s32 @!p0 $0x100;
	[sflag:s6] =	ssyncadd.s32 @!p0 $0xFFFFFF80  }
0x7c: {  	[tilespmem:s8], [sflag:$0xD] =	stream.indirect.gather @!p0 [hbm4b:s2+s7], $0x80, s5, s7, $0xb8;
	[tilespmem:$0x10200] =	vst v63  }
0x7d: {  	_ =	swait.ge @!p0 [sflag:s6], $0x4000  }
0x7e: {  	[sflag:s6] =	ssyncset.done @!p0 $0x0  }
0x7f: {  	s9 =	simm.s32 @!p0 $0x4100;
	[sflag:s6] =	ssyncadd.s32 @!p0 $0xFFFFC000  }
0x80: {  	[tilespmem:s9], [sflag:$0xD] =	stream.indirect.gather @!p0 [hbm4b:s3+s7], $0x80, s7, s7, $0xb8;
	[tilespmem:$0x10200] =	vst v63  }
0x81: {  	_ =	swait.ge @!p0 [sflag:s6], $0x4000  }
0x82: {  	[sflag:s6] =	ssyncset.done @!p0 $0x0  }
0x83: {  	s7 =	rddreg [dreg:$0x8];
	[sflag:s6] =	ssyncadd.s32 @!p0 $0xFFFFC000  }
0x84: {  	[hbm4b:s7+s5] =	stream.linear.scatter @!p0 [tilespmem:s8], [sflag:$0xD], $0x4000, $0x38;
	[tilespmem:$0x10200] =	vst v63  }
0x85: {  	s0 =	sadd.s32 $0x1, s0;
	_ =	swait.ge @!p0 [sflag:s6], $0x4000  }
0x86: {  	p1 =	sne.s32 s0, s12;
	[sflag:s6] =	ssyncset.done @!p0 $0x0  }
.Ltmp1:
0x87: {  	[sflag:s6] =	ssyncadd.s32 @!p0 $0xFFFFC000;
	(pc) =	sbr.rel @p1 .LBB2_1-.Ltmp1, $4  }
0x88: {  	[hbm4b:s11+s5] =	stream.linear.scatter @!p0 [tilespmem:s9], [sflag:$0xD], $0x4000, $0x38;
	[tilespmem:$0x10200] =	vst v63  }
0x89: {  	_ =	swait.ge @!p0 [sflag:s6], $0x4000  }
0x8a: {  	[sflag:s6] =	ssyncset.done @!p0 $0x0  }
0x8b: {  	[sflag:s6] =	ssyncadd.s32 @!p0 $0xFFFFC000  }
0x8c: {  	_ =	sfence.sel $0x180000  }
0x8d: {  	[bflag:$0x0] =	sbarrier.arrive $0xFFFF  }
0x8e: {  	_ =	strace $0x90000056  }
0x8f: {  	[bflag:$0x2] =	sbarrier.arrive $0xFFFF  }
0x90: {  	s0 =	rddreg [dreg:$0x1]  }
0x91: {  	s0 =	sadd.s32 @!p0 $0x100000, s0  }
0x92: {  	[sflag:s0] =	ssyncadd.tile.s32 @!p0 $0x1;
	_ =	shalt  }
.Lfunc_end2:
_tile_overlayer_lowered:
.L_overlay_start_2:
0x93: {  	(tag) =	ssettag $0x2  }
0x94: {  	s0 =	rddreg [dreg:$0x0];
	s2 =	stileid.u32  }
0x95: {  	s1 =	rddreg [dreg:$0x1];
	p0 =	sne.s32 s2, $0x0  }
0x96: {  	s3 =	rddreg [dreg:$0x2];
	[bflag:$0x3] =	sbarrier.arrive $0xFFFF;
	s2 =	simm.s32 @!p0 $0x1C0D  }
0x97: {  	[timem:s3], [sflag:s2] =	dma.local @!p0 [hbm:s0], s1  }
0x98: {  	s0 =	simm.s32 @!p0 $0xD  }
0x99: {  	_ =	swait.ge @!p0 [sflag:s0], s1  }
0x9a: {  	s1 =	ssub.s32 @!p0 $0x0, s1;
	[sflag:s0] =	ssyncset.done @!p0 $0x0  }
0x9b: {  	[sflag:s0] =	ssyncadd.s32 @!p0 s1  }
0x9c: {  	[bflag:$0x3] =	sbarrier.arrive $0xFFFF  }
0x9d: {  	_ =	shalt  }

// kernel: kernel.33.cloned.1.call-start
scs
__scs_entry_jumppad:
0x0: {  	(pc) =	sbr.rel $0x88, $3  }
0x1: {  	(tag) =	ssettag $0x0;
	lr =	simm.s32 $0x1  }
0x2: {  	[smem:$0x3F96] =	sst lr;
	_ =	strace $0xD0000000  }
0x3: {  	_ = 	snop  }
0x4: {  	_ = 	snop  }
0x5: {  	_ = 	snop  }
0x6: {  	_ = 	snop  }
0x7: {  	_ = 	snop  }
__scs_overlays_trampoline_lowered:
0x8: {  	[smem:$0x3FA5] =	sst s0  }
0x9: {  	[smem:$0x3FA6] =	sst s1  }
0xa: {  	[smem:$0x3FA7] =	sst s2  }
0xb: {  	[smem:$0x3FA8] =	sst s3  }
0xc: {  	[smem:$0x3FA9] =	sst s4  }
0xd: {  	[smem:$0x3FAA] =	sst s5  }
0xe: {  	[smem:$0x3FAB] =	sst s6  }
0xf: {  	[smem:$0x3FAC] =	sst s7  }
0x10: {  	[smem:$0x3FAD] =	sst s8  }
0x11: {  	[smem:$0x3FAE] =	sst s9;
	s0 =	simm.s32 @!p0 $0x0  }
0x12: {  	s1 =	sld [smem:$0x3F94];
	s0 =	simm.s32 @p0 $0x1  }
0x13: {  	[smem:$0x3FAF] =	sst s0;
	s0 =	simm.s32 @!p1 $0x0  }
0x14: {  	s2 =	sld [smem:$0x3F93];
	s0 =	simm.s32 @p1 $0x1  }
0x15: {  	[smem:$0x3FB0] =	sst s0;
	s0 =	simm.s32 @!p2 $0x0  }
0x16: {  	s3 =	sld [smem:$0x3FDB];
	s0 =	simm.s32 @p2 $0x1  }
0x17: {  	s4 =	simm.s32 $0x1BF5;
	[smem:$0x3FB2] =	sst s0  }
0x18: {  	s0 =	sld [smem:$0x3F95];
	_ =	swait.ge [sflag:s4], $0x0  }
0x19: {  	s7 =	sld [smem:$0x3F96]  }
0x1a: {  	s8 =	sadd.s32 $0xFFFFE003, lr  }
0x1b: {  	s9 =	sadd.s32 $0xFFFFFEF7, lr;
	s5 =	simm.s32 $0xFFFFFFFF;
	p2 =	slt.u32 s8, $0xFFFFF086  }
0x1c: {  	p1 =	slt.u32 s9, $0xF7A;
	s5 =	simm.s32 @!p2 $0x0  }
0x1d: {  	s5 =	simm.s32 @p1 $0x1;
	p0 =	seq.s32 s7, s2  }
0x1e: {  	s7 =	smul.u32 @!p0 $0xF7A, s2;
	p2 =	seq.s32 @!p0 s5, $0x0  }
0x1f: {  	s9 =	smul.u32 $0xF7A, s1;
	s8 =	simm.s32 @!p0 $0x1BF5;
	p2 =	por !p2, p0  }
0x20: {  	[sflag:s8] =	ssyncset.s32 @!p0 $0xFFFFF086;
	s6 =	sadd.s32 @!p0 s3, s7;
	s7 =	simm.s32 @!p0 $0x108  }
0x21: {  	s3 =	sadd.s32 s3, s9;
	s6 =	sadd.s32 @!p0 $0x88, s6;
	s7 =	simm.s32 @p2 $0x1082  }
0x22: {  	[simem:s7], [sflag:s8] =	dma.local @!p0 [hbm:s6], $0xF7A  }
0x23: {  	s9 =	sor.u32 $0xD0000000, s2;
	s6 =	simm.s32 $0x108;
	_ =	swait.ge @!p0 [sflag:s8], $0x0  }
0x24: {  	s3 =	sadd.s32 $0x88, s3;
	s6 =	simm.s32 @!p1 $0x1082;
	[sflag:s4] =	ssyncset.s32 $0xFFFFF086  }
0x25: {  	[simem:s6], [sflag:s4] =	dma.local [hbm:s3], $0xF7A  }
0x26: {  	[smem:$0x3F96] =	sst s1;
	(tag) =	ssettag s2;
	_ =	strace s9  }
0x27: {  	s1 =	sld [smem:$0x3FA6]  }
0x28: {  	s2 =	sld [smem:$0x3FA7]  }
0x29: {  	s4 =	sld [smem:$0x3FA9]  }
0x2a: {  	p0 =	seq.s32 s5, $0x0;
	s5 =	sld [smem:$0x3FAA]  }
0x2b: {  	s6 =	sld [smem:$0x3FAB]  }
0x2c: {  	s7 =	sld [smem:$0x3FAC]  }
0x2d: {  	s3 =	simm.s32 $0x108;
	s8 =	sld [smem:$0x3FAD]  }
0x2e: {  	s3 =	simm.s32 @!p0 $0x1082;
	s9 =	sld [smem:$0x3FAE]  }
0x2f: {  	lr =	sadd.s32 s0, s3;
	s0 =	sld [smem:$0x3FA5]  }
0x30: {  	s3 =	sld [smem:$0x3FA8]  }
0x31: {  	[smem:$0x3FB1] =	sst s10  }
0x32: {  	s10 =	sld [smem:$0x3FAF];
	_ =	sdelay $0x3  }
0x33: {  	p0 =	seq.s32 s10, $0x1;
	s10 =	sld [smem:$0x3FB1];
	_ =	sdelay $0x3  }
0x34: {  	[smem:$0x3FB1] =	sst s10  }
0x35: {  	s10 =	sld [smem:$0x3FB0];
	_ =	sdelay $0x3  }
0x36: {  	p1 =	seq.s32 s10, $0x1;
	s10 =	sld [smem:$0x3FB1];
	_ =	sdelay $0x3  }
0x37: {  	[smem:$0x3FB1] =	sst s10  }
0x38: {  	s10 =	sld [smem:$0x3FB2]  }
0x39: {  	_ = 	snop;
	(pc) =	sbr.ind lr, $3  }
0x3a: {  	_ = 	snop  }
0x3b: {  	_ = 	snop  }
0x3c: {  	p2 =	seq.s32 s10, $0x1;
	s10 =	sld [smem:$0x3FB1]  }
0x3d: {  	_ =	shalt  }
0x3e: {  	_ =	shalt  }
0x3f: {  	_ =	shalt  }
0x40: {  	_ =	shalt  }
0x41: {  	_ =	shalt  }
0x42: {  	_ =	shalt  }
0x43: {  	_ =	shalt  }
0x44: {  	_ =	shalt  }
0x45: {  	_ =	shalt  }
0x46: {  	_ =	shalt  }
0x47: {  	_ =	shalt  }
0x48: {  	_ =	shalt  }
0x49: {  	_ =	shalt  }
0x4a: {  	_ =	shalt  }
0x4b: {  	_ =	shalt  }
0x4c: {  	_ =	shalt  }
0x4d: {  	_ =	shalt  }
0x4e: {  	_ =	shalt  }
0x4f: {  	_ =	shalt  }
0x50: {  	_ =	shalt  }
0x51: {  	_ =	shalt  }
0x52: {  	_ =	shalt  }
0x53: {  	_ =	shalt  }
0x54: {  	_ =	shalt  }
0x55: {  	_ =	shalt  }
0x56: {  	_ =	shalt  }
0x57: {  	_ =	shalt  }
0x58: {  	_ =	shalt  }
0x59: {  	_ =	shalt  }
0x5a: {  	_ =	shalt  }
0x5b: {  	_ =	shalt  }
0x5c: {  	_ =	shalt  }
0x5d: {  	_ =	shalt  }
0x5e: {  	_ =	shalt  }
0x5f: {  	_ =	shalt  }
0x60: {  	_ =	shalt  }
0x61: {  	_ =	shalt  }
0x62: {  	_ =	shalt  }
0x63: {  	_ =	shalt  }
0x64: {  	_ =	shalt  }
0x65: {  	_ =	shalt  }
0x66: {  	_ =	shalt  }
0x67: {  	_ =	shalt  }
0x68: {  	_ =	shalt  }
0x69: {  	_ =	shalt  }
0x6a: {  	_ =	shalt  }
0x6b: {  	_ =	shalt  }
0x6c: {  	_ =	shalt  }
0x6d: {  	_ =	shalt  }
0x6e: {  	_ =	shalt  }
0x6f: {  	_ =	shalt  }
0x70: {  	_ =	shalt  }
0x71: {  	_ =	shalt  }
0x72: {  	_ =	shalt  }
0x73: {  	_ =	shalt  }
0x74: {  	_ =	shalt  }
0x75: {  	_ =	shalt  }
0x76: {  	_ =	shalt  }
0x77: {  	_ =	shalt  }
0x78: {  	_ =	shalt  }
0x79: {  	_ =	shalt  }
0x7a: {  	_ =	shalt  }
0x7b: {  	_ =	shalt  }
0x7c: {  	_ =	shalt  }
0x7d: {  	_ =	shalt  }
0x7e: {  	_ =	shalt  }
0x7f: {  	_ =	shalt  }
0x80: {  	_ =	shalt  }
0x81: {  	_ =	shalt  }
0x82: {  	_ =	shalt  }
0x83: {  	_ =	shalt  }
0x84: {  	_ =	shalt  }
0x85: {  	_ =	shalt  }
0x86: {  	_ =	shalt  }
0x87: {  	_ =	shalt  }
.Lfunc_end0:
.L_simem_size_0:
called_computation.5_lowered:
.L_overlay_start_0:
0x88: {  	s2 =	sld [smem:$0x3FD9]  }
0x89: {  	s3 =	sld [smem:$0x3FFE];
	_ =	sdelay $0x1  }
0x8a: {  	s1 =	srdreg.scid  }
0x8b: {  	s0 =	sand.u32 $0x1, s1  }
0x8c: {  	s17 =	sshll.u32 s0, $0xA;
	s2 =	sadd.s32 s3, s2  }
0x8d: {  	s2 =	sadd.s32 s2, s17  }
0x8e: {  	[smem:$0x3FBD] =	sst s2  }
0x8f: {  	_ = 	snop  }
0x90: {  	(tm) =	ssettm $0x1  }
0x91: {  	s18 =	sld [smem:$0x3FFB];
	_ =	sdelay $0x3  }
0x92: {  	_ =	strace s18  }
0x93: {  	s2 =	sld [smem:$0x3FFC];
	_ =	sdelay $0x3  }
0x94: {  	_ =	strace s2  }
0x95: {  	s2 =	sld [smem:$0x3FFD];
	_ =	sdelay $0x3  }
0x96: {  	_ =	strace s2  }
0x97: {  	_ =	strace $0x8FFFFFFF  }
0x98: {  	s19 =	sld [smem:$0x3FDB];
	_ =	sdelay $0x1  }
0x99: {  	s20 =	simm.s32 $_scs_section_size  }
0x9a: {  	s4 =	simm.s32 $_size__tile_overlayer_lowered;
	s5 =	simm.s32 $_tile_overlayer_lowered  }
0x9b: {  	s6 =	simm.s32 $0x1BFF;
	s21 =	sshll.u32 s5, $0x1;
	s3 =	sadd.s32 s20, s19  }
0x9c: {  	s22 =	simm.s32 $0x0;
	s4 =	sshll.u32 s4, $0x1;
	s5 =	sadd.s32 s21, s3  }
0x9d: {  	[timem:s22], [sflag:s6] =	dma.local [hbm:s5], s4  }
0x9e: {  	_ =	swait.ge [sflag:s6], s4  }
0x9f: {  	s4 =	ssub.s32 $0x0, s4;
	[sflag:s6] =	ssyncset.done $0x0  }
0xa0: {  	[sflag:s6] =	ssyncadd.s32 s4;
	_ =	sdelay $0x1  }
0xa1: {  	s23 =	simm.s32 $0x1B8B  }
0xa2: {  	_ =	swait.ge [sflag:s23], $0x1  }
0xa3: {  	[sflag:s23] =	ssyncset.done $0x0  }
0xa4: {  	[sflag:s23] =	ssyncadd.s32 $0xFFFFFFFF  }
0xa5: {  	s4 =	sld [smem:$0x0]  }
0xa6: {  	s5 =	sand.u32 $0xFFFFFFFE, s1  }
0xa7: {  	p0 =	sne.s32 s1, s5  }
0xa8: {  	s5 =	sshll.u32 @p0 s5, $0xE  }
0xa9: {  	s5 =	sadd.s32 @p0 $0x11B8D, s5;
	s6 =	sshll.u32 @p0 s4, $0x11  }
0xaa: {  	s5 =	sor.u32 @p0 s6, s5  }
0xab: {  	[sflag:s5] =	ssyncadd.remote.s32 @p0 $0x1;
	_ =	sdelay $0x1  }
0xac: {  	s5 =	simm.s32 @p0 $0x1B8D  }
0xad: {  	_ =	swait.eq @p0 [sflag:s5], $0x1  }
0xae: {  	[sflag:s5] =	ssyncadd.s32 @p0 $0xFFFFFFFF  }
0xaf: {  	s6 =	sshll.u32 @!p0 s1, $0xE  }
0xb0: {  	s6 =	sor.u32 @!p0 $0x4000, s6;
	s5 =	simm.s32 @!p0 $0x1B8D  }
0xb1: {  	s4 =	sshll.u32 @!p0 s4, $0x11;
	s6 =	sadd.s32 @!p0 $0x11B8D, s6;
	_ =	swait.eq @!p0 [sflag:s5], $0x1  }
0xb2: {  	s4 =	sor.u32 @!p0 s4, s6;
	[sflag:s5] =	ssyncadd.s32 @!p0 $0xFFFFFFFF  }
0xb3: {  	s25 =	simm.s32 $0x1B8E;
	s24 =	sld [smem:$0x3FFE];
	[sflag:s4] =	ssyncadd.remote.s32 @!p0 $0x1  }
0xb4: {  	s26 =	simm.s32 $execute0_lowered;
	[smem:$0x3FD2] =	sst s25  }
0xb5: {  	s5 =	sshll.u32 s26, $0x1;
	_ =	strace $0x8000005B;
	[dreg:$0x1] =	wrdreg $0xFFFFFFFF  }
0xb6: {  	s28 =	simm.s32 $_size_execute0_lowered;
	s3 =	sadd.s32 s3, s5;
	[dreg:$0x0] =	wrdreg $0x0  }
0xb7: {  	s5 =	sshll.u32 s28, $0x1;
	[dreg:$0x2] =	wrdreg s3  }
0xb8: {  	[dreg:$0x3] =	wrdreg s5  }
0xb9: {  	[dreg:$0x4] =	wrdreg $0xC0  }
0xba: {  	_ =	task [dreg:s22], $0x5FFFF  }
0xbb: {  	[dreg:$0x1] =	wrdreg $0xFFFFFFFF  }
0xbc: {  	[dreg:$0x0] =	wrdreg $0x60  }
0xbd: {  	[dreg:$0x2] =	wrdreg s24  }
0xbe: {  	[dreg:$0x3] =	wrdreg $0x0  }
0xbf: {  	[dreg:$0x4] =	wrdreg $0x9  }
0xc0: {  	_ =	task.clear_ibuf [dreg:s22], $0x5FFFF;
	_ =	strace $0x9000005B  }
0xc1: {  	s29 =	simm.s32 $0x9;
	_ =	strace $0x8000005D  }
0xc2: {  	_ =	swait.ge [sflag:s29], $0x1  }
0xc3: {  	[sflag:s29] =	ssyncadd.s32 $0xFFFFFFFF  }
0xc4: {  	_ =	strace $0x9000005D  }
0xc5: {  	_ =	sfence  }
0xc6: {  	s30 =	sld [smem:$0x0];
	_ =	sdelay $0x2  }
0xc7: {  	s31 =	sshll.u32 s1, $0xD;
	s1 =	sshrl.u32 s1, $0x2  }
0xc8: {  	s4 =	sand.u32 $0x4000, s31;
	s1 =	sadd.s32 s1, s30  }
0xc9: {  	s0 =	sor.u32 s4, s0;
	s1 =	sshll.u32 s1, $0x11  }
0xca: {  	s0 =	sor.u32 s1, s0  }
0xcb: {  	s0 =	sadd.s32 $0x8F2B, s0  }
0xcc: {  	[sflag:s0] =	ssyncadd.remote.s32 $0x1  }
0xcd: {  	_ =	sfence.sel $0xFFFF  }
0xce: {  	[dreg:$0x0] =	wrdreg $0xFFFFFFFF;
	(pc) =	sbr.abs _section_cstart, $3  }
0xcf: {  	[dreg:$0x1] =	wrdreg $0xFFFFFFFF  }
0xd0: {  	_ =	task.clear_ibuf [dreg:s22], $0x2FFFF;
	_ =	strace $0x9FFFFFFF  }
0xd1: {  	(tm) =	ssettm $0x7FFFFFFF  }
tec
execute0_lowered:
.L_overlay_start_1:
0x0: {  	(tag) =	ssettag $0x1  }
0x1: {  	s0 =	rddreg [dreg:$0x0]  }
0x2: {  	s1 =	rddreg [dreg:$0x1]  }
0x3: {  	s2 =	simm.s32 $0x0;
	s3 =	stileid.u32;
	s4 =	srdreg.scid  }
0x4: {  	s28 =	simm.s32 $0x2;
	s29 =	simm.s32 $0x80;
	s30 =	simm.s32 $0x3  }
0x5: {  	s31 =	simm.s32 $0x4;
	[smem:$0x7FF] =	sst s2;
	s10 =	smul.u32 $0x2700, s3  }
0x6: {  	s6 =	sand.u32 $0x1, s4;
	s8 =	sadd.s32 $0x6B200, s0;
	s4 =	sadd.s32 $0x13000, s0  }
0x7: {  	s9 =	smul.u32 $0x4E000, s3;
	s11 =	sshll.u32 s3, $0x1;
	s14 =	sshll.u32 s3, $0x6  }
0x8: {  	s15 =	sadd.s32 $0x138000, s1;
	s25 =	sshll.u32 s3, $0x8;
	p0 =	sne.s32 s3, $0x0  }
0x9: {  	_ =	strace $0x8000005C;
	s5 =	smul.u32 $0x27100, s6;
	[dreg:$0x5] =	wrdreg s15  }
0xa: {  	s7 =	ssub.s32 $0x2, s6;
	s13 =	sor.u32 s6, s11;
	[dreg:$0x3] =	wrdreg s10  }
0xb: {  	s10 =	sadd.s32 s10, s0;
	s26 =	sshrl.u32 s7, $0x1;
	s12 =	sshrl.u32 s9, $0x2  }
0xc: {  	s18 =	sshll.u32 s13, $0x4;
	s19 =	sshll.u32 s13, $0xB;
	s16 =	sadd.s32 s5, s0  }
0xd: {  	s17 =	ssub.s32 s7, s26;
	s5 =	sadd.s32 s12, s1;
	s10 =	sadd.s32 $0x44000, s10  }
0xe: {  	s7 =	sor.u32 $0x1C05, s14;
	s0 =	sadd.s32 $0x6B000, s0;
	s12 =	sshll.u32 s13, $0x7  }
0xf: {  	s11 =	sadd.s32 s8, s19;
	s26 =	sshll.u32 s6, $0x7;
	[dreg:$0x4] =	wrdreg s10  }
0x10: {  	s6 =	sshll.u32 s6, $0xB;
	[dreg:$0x6] =	wrdreg s0;
	s0 =	sadd.s32 s4, s18  }
0x11: {  	s20 =	sor.u32 $0x1000, s12;
	s15 =	sor.u32 $0x27000, s12;
	s16 =	sadd.s32 $0x2DC200, s16  }
0x12: {  	s18 =	sshll.u32 s3, $0xC;
	s17 =	smax.u32 s17, $0x1;
	[dreg:$0x7] =	wrdreg s0  }
0x13: {  	s21 =	sshrl.u32 s20, $0x3;
	s22 =	sshll.u32 s20, $0x4;
	s23 =	sshrl.u32 s15, $0x3  }
0x14: {  	s24 =	sshll.u32 s15, $0x4;
	s0 =	sor.u32 s26, s25;
	s25 =	simm.s32 $0x17980  }
0x15: {  	s26 =	simm.s32 $0x1;
	s12 =	sadd.s32 s4, s21;
	s13 =	sadd.s32 s8, s22  }
.Ltmp0:
0x16: {  	s14 =	sadd.s32 s4, s23;
	s15 =	sadd.s32 s8, s24;
	(pc) =	sbr.rel .LBB2_1-.Ltmp0, $4  }
0x17: {  	s8 =	sadd.s32 s18, s8;
	s9 =	sor.u32 $0x3000, s0;
	s21 =	simm.s32 $0x5  }
0x18: {  	s22 =	simm.s32 $0x13880;
	s23 =	simm.s32 $0x13900;
	s6 =	sadd.s32 s6, s8  }
0x19: {  	s24 =	simm.s32 $0x17900;
	s9 =	sshrl.u32 s9, $0x3;
	s8 =	sadd.s32 $0x30000, s6  }
0x1a: {  	s19 =	sadd.s32 s9, s4;
	s6 =	sor.u32 $0x2000, s0;
	s0 =	simm.s32 $0x0  }
.LBB2_4:
0x1b: {  	_ =	swait.ge [sflag:s26], $0x80  }
0x1c: {  	[sflag:s26] =	ssyncset.done $0x0  }
0x1d: {  	[sflag:s26] =	ssyncadd.s32 $0xFFFFFF80  }
0x1e: {  	_ =	swait.ge [sflag:s28], $0x4000  }
0x1f: {  	[sflag:s28] =	ssyncset.done $0x0  }
0x20: {  	[sflag:s28] =	ssyncadd.s32 $0xFFFFC000  }
0x21: {  	[spmem:s1] =	stream.indirect.scatter.add.f32 [tilespmem:s23], [sflag:$0x5], $0x80, s22, s29, $0xb8;
	[tilespmem:$0x1B980] =	vst v63  }
0x22: {  	_ =	swait.ge [sflag:s21], $0x4000  }
0x23: {  	[sflag:s21] =	ssyncset.done $0x0  }
0x24: {  	[sflag:s21] =	ssyncadd.s32 $0xFFFFC000  }
0x25: {  	[bflag:$0x0] =	sbarrier.arrive @p0 $0xFFFF  }
0x26: {  	s9 =	rddreg [dreg:$0x3]  }
0x27: {  	s10 =	sshrl.u32 @p0 s5, $0x3;
	s9 =	sadd.s32 @p0 s9, s16  }
0x28: {  	[hbm:s9], [sflag:s7] =	dma.local @p0 [spmem:s10], $0x2700  }
0x29: {  	s9 =	simm.s32 @p0 $0x5  }
0x2a: {  	_ =	swait.ge @p0 [sflag:s9], $0x2700  }
0x2b: {  	s18 =	simm.s32 @!p0 $0x5;
	[sflag:s9] =	ssyncset.done @p0 $0x0  }
0x2c: {  	s10 =	simm.s32 @!p0 $0x13880;
	[sflag:s9] =	ssyncadd.s32 @p0 $0xFFFFD900;
	s9 =	simm.s32 @!p0 $0x0  }
0x2d: {  	[tilespmem:s10], [sflag:$0x5] =	stream.linear.gather @!p0 [hbm4b:s14+s9], $0x80, $0x38;
	[tilespmem:$0x1B980] =	vst v63  }
0x2e: {  	_ =	swait.ge @!p0 [sflag:s18], $0x80  }
0x2f: {  	[sflag:s18] =	ssyncset.done @!p0 $0x0  }
0x30: {  	s20 =	simm.s32 @!p0 $0x13900;
	[sflag:s18] =	ssyncadd.s32 @!p0 $0xFFFFFF80  }
0x31: {  	[tilespmem:s20], [sflag:$0x5] =	stream.linear.gather @!p0 [hbm4b:s15+s9], $0x4000, $0x38;
	[tilespmem:$0x1B980] =	vst v63  }
0x32: {  	_ =	swait.ge @!p0 [sflag:s18], $0x4000  }
0x33: {  	[sflag:s18] =	ssyncset.done @!p0 $0x0  }
0x34: {  	s9 =	simm.s32 @!p0 $0x80;
	[sflag:s18] =	ssyncadd.s32 @!p0 $0xFFFFC000  }
0x35: {  	[spmem:s1] =	stream.indirect.scatter.add.f32 @!p0 [tilespmem:s20], [sflag:$0x5], $0x80, s10, s9, $0xb8;
	[tilespmem:$0x1B980] =	vst v63  }
0x36: {  	_ =	swait.ge @!p0 [sflag:s18], $0x4000  }
0x37: {  	[sflag:s18] =	ssyncset.done @!p0 $0x0  }
0x38: {  	[sflag:s18] =	ssyncadd.s32 @!p0 $0xFFFFC000  }
0x39: {  	s9 =	sshrl.u32 @!p0 s5, $0x3;
	[bflag:$0x0] =	sbarrier.arrive @!p0 $0xFFFF  }
0x3a: {  	[hbm:s16], [sflag:s7] =	dma.local @!p0 [spmem:s9], $0x2700  }
0x3b: {  	s0 =	sadd.s32 $0x1, s0;
	_ =	swait.ge @!p0 [sflag:s18], $0x2700  }
0x3c: {  	p1 =	sne.s32 s0, s17;
	[sflag:s18] =	ssyncset.done @!p0 $0x0  }
.Ltmp1:
0x3d: {  	s9 =	sadd.s32 @!p0 $0x27000, s16;
	[sflag:s18] =	ssyncadd.s32 @!p0 $0xFFFFD900;
	(pc) =	sbr.rel @!p1 .LBB2_5-.Ltmp1, $4  }
0x3e: {  	[hbm:s9], [sflag:s7] =	dma.local @!p0 [spmem:s3], $0x100  }
0x3f: {  	_ =	swait.ge @!p0 [sflag:s18], $0x100  }
0x40: {  	[sflag:s18] =	ssyncset.done @!p0 $0x0  }
0x41: {  	[sflag:s18] =	ssyncadd.s32 @!p0 $0xFFFFFF00  }
.LBB2_1:
0x42: {  	s3 =	sshrl.u32 s5, $0x3;
	s9 =	rddreg [dreg:$0x4]  }
0x43: {  	[spmem:s3], [sflag:s7] =	dma.local [hbm:s9], $0x2700  }
0x44: {  	_ =	swait.ge [sflag:s21], $0x2700  }
0x45: {  	[sflag:s21] =	ssyncset.done $0x0;
	s3 =	rddreg [dreg:$0x5]  }
0x46: {  	s9 =	rddreg [dreg:$0x6];
	[sflag:s21] =	ssyncadd.s32 $0xFFFFD900;
	s3 =	sshrl.u32 @!p0 s3, $0x3  }
0x47: {  	[spmem:s3], [sflag:s7] =	dma.local @!p0 [hbm:s9], $0x100  }
0x48: {  	s9 =	simm.s32 @!p0 $0x5  }
0x49: {  	_ =	swait.ge @!p0 [sflag:s9], $0x100  }
0x4a: {  	[sflag:s9] =	ssyncset.done @!p0 $0x0  }
0x4b: {  	[sflag:s9] =	ssyncadd.s32 @!p0 $0xFFFFFF00  }
0x4c: {  	[bflag:$0x0] =	sbarrier.arrive $0xFFFF  }
0x4d: {  	s20 =	rddreg [dreg:$0x7]  }
0x4e: {  	[tilespmem:s22], [sflag:$0x1] =	stream.linear.gather [hbm4b:s20+s2], $0x80, $0x38;
	[tilespmem:$0x1B980] =	vst v63  }
0x4f: {  	_ = 	snop  }
0x50: {  	[tilespmem:s23], [sflag:$0x2] =	stream.linear.gather [hbm4b:s11+s2], $0x4000, $0x38;
	[tilespmem:$0x1B980] =	vst v63  }
0x51: {  	_ = 	snop  }
0x52: {  	[tilespmem:s24], [sflag:$0x3] =	stream.linear.gather [hbm4b:s12+s2], $0x80, $0x38;
	[tilespmem:$0x1B980] =	vst v63  }
0x53: {  	s18 =	smov.u32 s8;
	s9 =	simm.s32 $0x0;
	s20 =	smov.u32 s6  }
0x54: {  	[tilespmem:s25], [sflag:$0x4] =	stream.linear.gather [hbm4b:s13+s2], $0x4000, $0x38;
	[tilespmem:$0x1B980] =	vst v63  }
.LBB2_2:
0x55: {  	_ =	swait.ge [sflag:s26], $0x80  }
0x56: {  	[sflag:s26] =	ssyncset.done $0x0  }
0x57: {  	[sflag:s26] =	ssyncadd.s32 $0xFFFFFF80  }
0x58: {  	_ =	swait.ge [sflag:s28], $0x4000  }
0x59: {  	[sflag:s28] =	ssyncset.done $0x0  }
0x5a: {  	[sflag:s28] =	ssyncadd.s32 $0xFFFFC000  }
0x5b: {  	[spmem:s1] =	stream.indirect.scatter.add.f32 [tilespmem:s23], [sflag:$0x5], $0x80, s22, s29, $0xb8;
	[tilespmem:$0x1B980] =	vst v63  }
0x5c: {  	_ =	swait.ge [sflag:s21], $0x4000  }
0x5d: {  	s10 =	sshrl.u32 s20, $0x3;
	[sflag:s21] =	ssyncset.done $0x0  }
0x5e: {  	s10 =	sadd.s32 s4, s10;
	[sflag:s21] =	ssyncadd.s32 $0xFFFFC000  }
0x5f: {  	[tilespmem:s22], [sflag:$0x1] =	stream.linear.gather [hbm4b:s10+s2], $0x80, $0x38;
	[tilespmem:$0x1B980] =	vst v63  }
0x60: {  	s10 =	sadd.s32 $0xFFFF0000, s18  }
0x61: {  	[tilespmem:s23], [sflag:$0x2] =	stream.linear.gather [hbm4b:s10+s2], $0x4000, $0x38;
	[tilespmem:$0x1B980] =	vst v63  }
0x62: {  	_ =	swait.ge [sflag:s30], $0x80  }
0x63: {  	[sflag:s30] =	ssyncset.done $0x0  }
0x64: {  	[sflag:s30] =	ssyncadd.s32 $0xFFFFFF80  }
0x65: {  	_ =	swait.ge [sflag:s31], $0x4000  }
0x66: {  	p1 =	seq.s32 s9, $0x4800;
	[sflag:s31] =	ssyncset.done $0x0  }
.Ltmp2:
0x67: {  	[sflag:s31] =	ssyncadd.s32 $0xFFFFC000;
	(pc) =	sbr.rel @p1 .LBB2_4-.Ltmp2, $4  }
0x68: {  	[spmem:s1] =	stream.indirect.scatter.add.f32 [tilespmem:s25], [sflag:$0x5], $0x80, s24, s29, $0xb8;
	[tilespmem:$0x1B980] =	vst v63  }
0x69: {  	_ =	swait.ge [sflag:s21], $0x4000  }
0x6a: {  	[sflag:s21] =	ssyncset.done $0x0  }
0x6b: {  	[sflag:s21] =	ssyncadd.s32 $0xFFFFC000  }
.Ltmp3:
0x6c: {  	s10 =	sadd.s32 s9, s19;
	(pc) =	sbr.rel .LBB2_2-.Ltmp3, $4  }
0x6d: {  	[tilespmem:s24], [sflag:$0x3] =	stream.linear.gather [hbm4b:s10+s2], $0x80, $0x38;
	[tilespmem:$0x1B980] =	vst v63  }
0x6e: {  	_ = 	snop  }
0x6f: {  	[tilespmem:s25], [sflag:$0x4] =	stream.linear.gather [hbm4b:s18+s2], $0x4000, $0x38;
	[tilespmem:$0x1B980] =	vst v63  }
0x70: {  	s9 =	sadd.s32 $0x400, s9;
	s20 =	sadd.s32 $0x2000, s20;
	s18 =	sadd.s32 $0x20000, s18  }
.LBB2_5:
0x71: {  	_ =	sfence.sel $0x180000  }
0x72: {  	[bflag:$0x0] =	sbarrier.arrive $0xFFFF  }
0x73: {  	_ =	strace $0x9000005C  }
0x74: {  	[bflag:$0x2] =	sbarrier.arrive $0xFFFF  }
0x75: {  	s0 =	rddreg [dreg:$0x2]  }
0x76: {  	s0 =	sadd.s32 @!p0 $0x100000, s0  }
0x77: {  	[sflag:s0] =	ssyncadd.tile.s32 @!p0 $0x1;
	_ =	shalt  }
.Lfunc_end2:
_tile_overlayer_lowered:
.L_overlay_start_2:
0x78: {  	(tag) =	ssettag $0x2  }
0x79: {  	s0 =	rddreg [dreg:$0x0];
	s2 =	stileid.u32  }
0x7a: {  	s1 =	rddreg [dreg:$0x1];
	p0 =	sne.s32 s2, $0x0  }
0x7b: {  	s3 =	rddreg [dreg:$0x2];
	[bflag:$0x3] =	sbarrier.arrive $0xFFFF;
	s2 =	simm.s32 @!p0 $0x1C05  }
0x7c: {  	[timem:s3], [sflag:s2] =	dma.local @!p0 [hbm:s0], s1  }
0x7d: {  	s0 =	simm.s32 @!p0 $0x5  }
0x7e: {  	_ =	swait.ge @!p0 [sflag:s0], s1  }
0x7f: {  	s1 =	ssub.s32 @!p0 $0x0, s1;
	[sflag:s0] =	ssyncset.done @!p0 $0x0  }
0x80: {  	[sflag:s0] =	ssyncadd.s32 @!p0 s1  }
0x81: {  	[bflag:$0x3] =	sbarrier.arrive $0xFFFF  }
0x82: {  	_ =	shalt  }

// kernel: kernel.36.cloned.1.call-start
scs
__scs_entry_jumppad:
0x0: {  	(pc) =	sbr.rel $0x88, $3  }
0x1: {  	(tag) =	ssettag $0x0;
	lr =	simm.s32 $0x1  }
0x2: {  	[smem:$0x3F96] =	sst lr;
	_ =	strace $0xD0000000  }
0x3: {  	_ = 	snop  }
0x4: {  	_ = 	snop  }
0x5: {  	_ = 	snop  }
0x6: {  	_ = 	snop  }
0x7: {  	_ = 	snop  }
__scs_overlays_trampoline_lowered:
0x8: {  	[smem:$0x3FA5] =	sst s0  }
0x9: {  	[smem:$0x3FA6] =	sst s1  }
0xa: {  	[smem:$0x3FA7] =	sst s2  }
0xb: {  	[smem:$0x3FA8] =	sst s3  }
0xc: {  	[smem:$0x3FA9] =	sst s4  }
0xd: {  	[smem:$0x3FAA] =	sst s5  }
0xe: {  	[smem:$0x3FAB] =	sst s6  }
0xf: {  	[smem:$0x3FAC] =	sst s7  }
0x10: {  	[smem:$0x3FAD] =	sst s8  }
0x11: {  	[smem:$0x3FAE] =	sst s9;
	s0 =	simm.s32 @!p0 $0x0  }
0x12: {  	s1 =	sld [smem:$0x3F94];
	s0 =	simm.s32 @p0 $0x1  }
0x13: {  	[smem:$0x3FAF] =	sst s0;
	s0 =	simm.s32 @!p1 $0x0  }
0x14: {  	s2 =	sld [smem:$0x3F93];
	s0 =	simm.s32 @p1 $0x1  }
0x15: {  	[smem:$0x3FB0] =	sst s0;
	s0 =	simm.s32 @!p2 $0x0  }
0x16: {  	s3 =	sld [smem:$0x3FDB];
	s0 =	simm.s32 @p2 $0x1  }
0x17: {  	s4 =	simm.s32 $0x1BF5;
	[smem:$0x3FB2] =	sst s0  }
0x18: {  	s0 =	sld [smem:$0x3F95];
	_ =	swait.ge [sflag:s4], $0x0  }
0x19: {  	s7 =	sld [smem:$0x3F96]  }
0x1a: {  	s8 =	sadd.s32 $0xFFFFE003, lr  }
0x1b: {  	s9 =	sadd.s32 $0xFFFFFEF7, lr;
	s5 =	simm.s32 $0xFFFFFFFF;
	p2 =	slt.u32 s8, $0xFFFFF086  }
0x1c: {  	p1 =	slt.u32 s9, $0xF7A;
	s5 =	simm.s32 @!p2 $0x0  }
0x1d: {  	s5 =	simm.s32 @p1 $0x1;
	p0 =	seq.s32 s7, s2  }
0x1e: {  	s7 =	smul.u32 @!p0 $0xF7A, s2;
	p2 =	seq.s32 @!p0 s5, $0x0  }
0x1f: {  	s9 =	smul.u32 $0xF7A, s1;
	s8 =	simm.s32 @!p0 $0x1BF5;
	p2 =	por !p2, p0  }
0x20: {  	[sflag:s8] =	ssyncset.s32 @!p0 $0xFFFFF086;
	s6 =	sadd.s32 @!p0 s3, s7;
	s7 =	simm.s32 @!p0 $0x108  }
0x21: {  	s3 =	sadd.s32 s3, s9;
	s6 =	sadd.s32 @!p0 $0x88, s6;
	s7 =	simm.s32 @p2 $0x1082  }
0x22: {  	[simem:s7], [sflag:s8] =	dma.local @!p0 [hbm:s6], $0xF7A  }
0x23: {  	s9 =	sor.u32 $0xD0000000, s2;
	s6 =	simm.s32 $0x108;
	_ =	swait.ge @!p0 [sflag:s8], $0x0  }
0x24: {  	s3 =	sadd.s32 $0x88, s3;
	s6 =	simm.s32 @!p1 $0x1082;
	[sflag:s4] =	ssyncset.s32 $0xFFFFF086  }
0x25: {  	[simem:s6], [sflag:s4] =	dma.local [hbm:s3], $0xF7A  }
0x26: {  	[smem:$0x3F96] =	sst s1;
	(tag) =	ssettag s2;
	_ =	strace s9  }
0x27: {  	s1 =	sld [smem:$0x3FA6]  }
0x28: {  	s2 =	sld [smem:$0x3FA7]  }
0x29: {  	s4 =	sld [smem:$0x3FA9]  }
0x2a: {  	p0 =	seq.s32 s5, $0x0;
	s5 =	sld [smem:$0x3FAA]  }
0x2b: {  	s6 =	sld [smem:$0x3FAB]  }
0x2c: {  	s7 =	sld [smem:$0x3FAC]  }
0x2d: {  	s3 =	simm.s32 $0x108;
	s8 =	sld [smem:$0x3FAD]  }
0x2e: {  	s3 =	simm.s32 @!p0 $0x1082;
	s9 =	sld [smem:$0x3FAE]  }
0x2f: {  	lr =	sadd.s32 s0, s3;
	s0 =	sld [smem:$0x3FA5]  }
0x30: {  	s3 =	sld [smem:$0x3FA8]  }
0x31: {  	[smem:$0x3FB1] =	sst s10  }
0x32: {  	s10 =	sld [smem:$0x3FAF];
	_ =	sdelay $0x3  }
0x33: {  	p0 =	seq.s32 s10, $0x1;
	s10 =	sld [smem:$0x3FB1];
	_ =	sdelay $0x3  }
0x34: {  	[smem:$0x3FB1] =	sst s10  }
0x35: {  	s10 =	sld [smem:$0x3FB0];
	_ =	sdelay $0x3  }
0x36: {  	p1 =	seq.s32 s10, $0x1;
	s10 =	sld [smem:$0x3FB1];
	_ =	sdelay $0x3  }
0x37: {  	[smem:$0x3FB1] =	sst s10  }
0x38: {  	s10 =	sld [smem:$0x3FB2]  }
0x39: {  	_ = 	snop;
	(pc) =	sbr.ind lr, $3  }
0x3a: {  	_ = 	snop  }
0x3b: {  	_ = 	snop  }
0x3c: {  	p2 =	seq.s32 s10, $0x1;
	s10 =	sld [smem:$0x3FB1]  }
0x3d: {  	_ =	shalt  }
0x3e: {  	_ =	shalt  }
0x3f: {  	_ =	shalt  }
0x40: {  	_ =	shalt  }
0x41: {  	_ =	shalt  }
0x42: {  	_ =	shalt  }
0x43: {  	_ =	shalt  }
0x44: {  	_ =	shalt  }
0x45: {  	_ =	shalt  }
0x46: {  	_ =	shalt  }
0x47: {  	_ =	shalt  }
0x48: {  	_ =	shalt  }
0x49: {  	_ =	shalt  }
0x4a: {  	_ =	shalt  }
0x4b: {  	_ =	shalt  }
0x4c: {  	_ =	shalt  }
0x4d: {  	_ =	shalt  }
0x4e: {  	_ =	shalt  }
0x4f: {  	_ =	shalt  }
0x50: {  	_ =	shalt  }
0x51: {  	_ =	shalt  }
0x52: {  	_ =	shalt  }
0x53: {  	_ =	shalt  }
0x54: {  	_ =	shalt  }
0x55: {  	_ =	shalt  }
0x56: {  	_ =	shalt  }
0x57: {  	_ =	shalt  }
0x58: {  	_ =	shalt  }
0x59: {  	_ =	shalt  }
0x5a: {  	_ =	shalt  }
0x5b: {  	_ =	shalt  }
0x5c: {  	_ =	shalt  }
0x5d: {  	_ =	shalt  }
0x5e: {  	_ =	shalt  }
0x5f: {  	_ =	shalt  }
0x60: {  	_ =	shalt  }
0x61: {  	_ =	shalt  }
0x62: {  	_ =	shalt  }
0x63: {  	_ =	shalt  }
0x64: {  	_ =	shalt  }
0x65: {  	_ =	shalt  }
0x66: {  	_ =	shalt  }
0x67: {  	_ =	shalt  }
0x68: {  	_ =	shalt  }
0x69: {  	_ =	shalt  }
0x6a: {  	_ =	shalt  }
0x6b: {  	_ =	shalt  }
0x6c: {  	_ =	shalt  }
0x6d: {  	_ =	shalt  }
0x6e: {  	_ =	shalt  }
0x6f: {  	_ =	shalt  }
0x70: {  	_ =	shalt  }
0x71: {  	_ =	shalt  }
0x72: {  	_ =	shalt  }
0x73: {  	_ =	shalt  }
0x74: {  	_ =	shalt  }
0x75: {  	_ =	shalt  }
0x76: {  	_ =	shalt  }
0x77: {  	_ =	shalt  }
0x78: {  	_ =	shalt  }
0x79: {  	_ =	shalt  }
0x7a: {  	_ =	shalt  }
0x7b: {  	_ =	shalt  }
0x7c: {  	_ =	shalt  }
0x7d: {  	_ =	shalt  }
0x7e: {  	_ =	shalt  }
0x7f: {  	_ =	shalt  }
0x80: {  	_ =	shalt  }
0x81: {  	_ =	shalt  }
0x82: {  	_ =	shalt  }
0x83: {  	_ =	shalt  }
0x84: {  	_ =	shalt  }
0x85: {  	_ =	shalt  }
0x86: {  	_ =	shalt  }
0x87: {  	_ =	shalt  }
.Lfunc_end0:
.L_simem_size_0:
called_computation.6_lowered:
.L_overlay_start_0:
0x88: {  	s2 =	sld [smem:$0x3FD9]  }
0x89: {  	s3 =	sld [smem:$0x3FFE];
	_ =	sdelay $0x1  }
0x8a: {  	s1 =	srdreg.scid  }
0x8b: {  	s0 =	sand.u32 $0x1, s1  }
0x8c: {  	s16 =	sshll.u32 s0, $0xA;
	s2 =	sadd.s32 s3, s2  }
0x8d: {  	s2 =	sadd.s32 s2, s16  }
0x8e: {  	[smem:$0x3FBD] =	sst s2  }
0x8f: {  	_ = 	snop  }
0x90: {  	(tm) =	ssettm $0x1  }
0x91: {  	s17 =	sld [smem:$0x3FFB];
	_ =	sdelay $0x3  }
0x92: {  	_ =	strace s17  }
0x93: {  	s2 =	sld [smem:$0x3FFC];
	_ =	sdelay $0x3  }
0x94: {  	_ =	strace s2  }
0x95: {  	s2 =	sld [smem:$0x3FFD];
	_ =	sdelay $0x3  }
0x96: {  	_ =	strace s2  }
0x97: {  	_ =	strace $0x8FFFFFFF  }
0x98: {  	s18 =	sld [smem:$0x3FDB];
	_ =	sdelay $0x1  }
0x99: {  	s19 =	simm.s32 $_scs_section_size  }
0x9a: {  	s4 =	simm.s32 $_size__tile_overlayer_lowered;
	s5 =	simm.s32 $_tile_overlayer_lowered  }
0x9b: {  	s22 =	simm.s32 $0x1BFF;
	s21 =	sshll.u32 s5, $0x1;
	s2 =	sadd.s32 s19, s18  }
0x9c: {  	s6 =	simm.s32 $0x0;
	s20 =	sshll.u32 s4, $0x1;
	s4 =	sadd.s32 s21, s2  }
0x9d: {  	[timem:s6], [sflag:s22] =	dma.local [hbm:s4], s20  }
0x9e: {  	_ =	swait.ge [sflag:s22], s20  }
0x9f: {  	s3 =	ssub.s32 $0x0, s20;
	[sflag:s22] =	ssyncset.done $0x0  }
0xa0: {  	[sflag:s22] =	ssyncadd.s32 s3;
	_ =	sdelay $0x1  }
0xa1: {  	s23 =	simm.s32 $0x1B8B  }
0xa2: {  	_ =	swait.ge [sflag:s23], $0x1  }
0xa3: {  	[sflag:s23] =	ssyncset.done $0x0  }
0xa4: {  	s25 =	simm.s32 $0x1B8E;
	s24 =	sld [smem:$0x3FFE];
	[sflag:s23] =	ssyncadd.s32 $0xFFFFFFFF  }
0xa5: {  	s26 =	simm.s32 $execute0_lowered;
	[smem:$0x3FD2] =	sst s25  }
0xa6: {  	s4 =	sshll.u32 s26, $0x1;
	_ =	strace $0x80000052;
	[dreg:$0x1] =	wrdreg $0xFFFFFFFF  }
0xa7: {  	s28 =	simm.s32 $_size_execute0_lowered;
	s2 =	sadd.s32 s2, s4;
	[dreg:$0x0] =	wrdreg $0x0  }
0xa8: {  	s4 =	sshll.u32 s28, $0x1;
	[dreg:$0x2] =	wrdreg s2  }
0xa9: {  	[dreg:$0x3] =	wrdreg s4  }
0xaa: {  	[dreg:$0x4] =	wrdreg $0xC0  }
0xab: {  	_ =	task [dreg:s6], $0x5FFFF  }
0xac: {  	[dreg:$0x1] =	wrdreg $0xFFFFFFFF  }
0xad: {  	[dreg:$0x0] =	wrdreg $0x60  }
0xae: {  	[dreg:$0x2] =	wrdreg s24  }
0xaf: {  	[dreg:$0x3] =	wrdreg $0xA  }
0xb0: {  	_ =	task.clear_ibuf [dreg:s6], $0x4FFFF;
	_ =	strace $0x90000052  }
0xb1: {  	s29 =	simm.s32 $0xA;
	_ =	strace $0x80000054  }
0xb2: {  	_ =	swait.ge [sflag:s29], $0x1  }
0xb3: {  	[sflag:s29] =	ssyncadd.s32 $0xFFFFFFFF  }
0xb4: {  	_ =	strace $0x90000054  }
0xb5: {  	_ =	sfence  }
0xb6: {  	s30 =	sld [smem:$0x0];
	_ =	sdelay $0x2  }
0xb7: {  	s31 =	sshll.u32 s1, $0xD;
	s1 =	sshrl.u32 s1, $0x2  }
0xb8: {  	s3 =	sand.u32 $0x4000, s31;
	s1 =	sadd.s32 s1, s30  }
0xb9: {  	s0 =	sor.u32 s3, s0;
	s1 =	sshll.u32 s1, $0x11  }
0xba: {  	s0 =	sor.u32 s1, s0  }
0xbb: {  	s0 =	sadd.s32 $0x8F2B, s0  }
0xbc: {  	[sflag:s0] =	ssyncadd.remote.s32 $0x1  }
0xbd: {  	_ =	sfence.sel $0xFFFF  }
0xbe: {  	[dreg:$0x0] =	wrdreg $0xFFFFFFFF;
	(pc) =	sbr.abs _section_cstart, $3  }
0xbf: {  	[dreg:$0x1] =	wrdreg $0xFFFFFFFF  }
0xc0: {  	_ =	task.clear_ibuf [dreg:s6], $0x2FFFF;
	_ =	strace $0x9FFFFFFF  }
0xc1: {  	(tm) =	ssettm $0x7FFFFFFF  }
tec
execute0_lowered:
.L_overlay_start_1:
0x0: {  	(tag) =	ssettag $0x1  }
0x1: {  	s0 =	rddreg [dreg:$0x0];
	s1 =	simm.s32 $0x0;
	s2 =	srdreg.scid  }
0x2: {  	s5 =	stileid.u32;
	s28 =	simm.s32 $0xB;
	s29 =	simm.s32 $0xC  }
0x3: {  	s30 =	simm.s32 $0x5;
	s31 =	simm.s32 $0x6;
	[smem:$0x7FF] =	sst s1  }
0x4: {  	s4 =	sand.u32 $0x1, s2;
	s2 =	sadd.s32 $0x6B200, s0;
	s6 =	sshll.u32 s5, $0x8  }
0x5: {  	s3 =	sadd.s32 $0xA08400, s0;
	s14 =	sadd.s32 $0x9200, s0;
	s15 =	sadd.s32 $0x13000, s0  }
0x6: {  	s16 =	sadd.s32 $0xA2F600, s0;
	s0 =	sadd.s32 $0x32A400, s0;
	s23 =	sshll.u32 s5, $0x5  }
0x7: {  	p0 =	sne.s32 s5, $0x0;
	_ =	strace $0x80000053;
	s7 =	sshll.u32 s4, $0x7  }
0x8: {  	s26 =	ssub.s32 $0x2, s4;
	s17 =	sshll.u32 s4, $0x4;
	s24 =	sadd.s32 s23, s14  }
0x9: {  	s25 =	sadd.s32 s23, s15;
	s23 =	simm.s32 $0x100;
	s6 =	sor.u32 s7, s6  }
0xa: {  	s8 =	sshrl.u32 s26, $0x1;
	s7 =	sshll.u32 s4, $0xB;
	s6 =	sshrl.u32 s6, $0x3  }
0xb: {  	s13 =	ssub.s32 s26, s8;
	s20 =	sor.u32 $0x270000, s7;
	s26 =	sshll.u32 s5, $0xC  }
0xc: {  	s9 =	sadd.s32 $0x4E20, s6;
	s6 =	sadd.s32 $0x5020, s6;
	s22 =	sadd.s32 s16, s20  }
0xd: {  	s13 =	smax.u32 s13, $0x1;
	s10 =	sadd.s32 s14, s9;
	[dreg:$0x8] =	wrdreg s22  }
0xe: {  	s4 =	sadd.s32 s26, s16;
	s11 =	sadd.s32 s15, s9;
	[dreg:$0x2] =	wrdreg s10  }
0xf: {  	s12 =	sadd.s32 s14, s6;
	s18 =	sadd.s32 s15, s6;
	[dreg:$0x3] =	wrdreg s11  }
0x10: {  	s22 =	simm.s32 $0x2;
	[dreg:$0x4] =	wrdreg s12;
	s10 =	sor.u32 $0x9C20, s17  }
0x11: {  	[dreg:$0x5] =	wrdreg s18;
	s12 =	sadd.s32 s0, s20;
	s20 =	sadd.s32 s26, s0  }
0x12: {  	s18 =	simm.s32 $0x80;
	s26 =	simm.s32 $0x4;
	s0 =	simm.s32 $0x0  }
0x13: {  	s19 =	sadd.s32 s14, s10;
	s21 =	sadd.s32 s15, s10;
	s14 =	sadd.s32 s17, s24  }
0x14: {  	s15 =	sadd.s32 s17, s25;
	s24 =	simm.s32 $0x4100;
	[dreg:$0x6] =	wrdreg s19  }
0x15: {  	s25 =	simm.s32 $0x3;
	[dreg:$0x7] =	wrdreg s21;
	s21 =	simm.s32 $0x1  }
.LBB2_1:
0x16: {  	s5 =	rddreg [dreg:$0x2]  }
0x17: {  	s11 =	rddreg [dreg:$0x3]  }
0x18: {  	[tilespmem:s1], [sflag:$0x1] =	stream.linear.gather [hbm4b:s5+s1], $0x80, $0x38;
	[tilespmem:$0x10200] =	vst v63  }
0x19: {  	s16 =	rddreg [dreg:$0x4]  }
0x1a: {  	[tilespmem:s18], [sflag:$0x2] =	stream.linear.gather [hbm4b:s11+s1], $0x80, $0x38;
	[tilespmem:$0x10200] =	vst v63  }
0x1b: {  	s6 =	simm.s32 $0x8100;
	s17 =	rddreg [dreg:$0x5]  }
0x1c: {  	[tilespmem:s6], [sflag:$0x7] =	stream.linear.gather [hbm4b:s16+s1], $0x80, $0x38;
	[tilespmem:$0x10200] =	vst v63  }
0x1d: {  	s19 =	simm.s32 $0x8180;
	s5 =	simm.s32 $0x0;
	s16 =	smov.u32 s4  }
0x1e: {  	[tilespmem:s19], [sflag:$0x8] =	stream.linear.gather [hbm4b:s17+s1], $0x80, $0x38;
	[tilespmem:$0x10200] =	vst v63  }
0x1f: {  	s6 =	simm.s32 $0x0;
	s19 =	simm.s32 $0x1;
	s17 =	smov.u32 s20  }
.LBB2_2:
0x20: {  	_ =	swait.ge [sflag:s21], $0x80  }
0x21: {  	[sflag:s21] =	ssyncset.done $0x0  }
0x22: {  	[sflag:s21] =	ssyncadd.s32 $0xFFFFFF80  }
0x23: {  	_ =	swait.ge [sflag:s22], $0x80  }
0x24: {  	p1 =	seq.s32 s5, $0x0;
	[sflag:s22] =	ssyncset.done $0x0  }
0x25: {  	s8 =	simm.s32 @!p1 $0x5;
	[sflag:s22] =	ssyncadd.s32 $0xFFFFFF80  }
0x26: {  	_ =	swait.ge @!p1 [sflag:s8], $0x4000  }
0x27: {  	[sflag:s8] =	ssyncset.done @!p1 $0x0  }
0x28: {  	[sflag:s8] =	ssyncadd.s32 @!p1 $0xFFFFC000;
	s8 =	simm.s32 @!p1 $0x6  }
0x29: {  	_ =	swait.ge @!p1 [sflag:s8], $0x4000  }
0x2a: {  	[sflag:s8] =	ssyncset.done @!p1 $0x0  }
0x2b: {  	[sflag:s8] =	ssyncadd.s32 @!p1 $0xFFFFC000  }
0x2c: {  	[tilespmem:s23], [sflag:$0x3] =	stream.indirect.gather [hbm4b:s2+s18], $0x80, s1, s18, $0xb8;
	[tilespmem:$0x10200] =	vst v63  }
0x2d: {  	_ = 	snop  }
0x2e: {  	[tilespmem:s24], [sflag:$0x4] =	stream.indirect.gather [hbm4b:s3+s18], $0x80, s18, s18, $0xb8;
	[tilespmem:$0x10200] =	vst v63  }
0x2f: {  	_ =	swait.ge [sflag:s25], $0x4000  }
0x30: {  	[sflag:s25] =	ssyncset.done $0x0  }
0x31: {  	[sflag:s25] =	ssyncadd.s32 $0xFFFFC000  }
0x32: {  	_ =	swait.ge [sflag:s26], $0x4000  }
0x33: {  	[sflag:s26] =	ssyncset.done $0x0  }
0x34: {  	s10 =	sadd.s32 s16, s7;
	p1 =	seq.s32 s5, $0x4C00;
	[sflag:s26] =	ssyncadd.s32 $0xFFFFC000  }
0x35: {  	[hbm4b:s10+s1] =	stream.linear.scatter [tilespmem:s23], [sflag:$0x5], $0x4000, $0x38;
	[tilespmem:$0x10200] =	vst v63  }
0x36: {  	s11 =	sadd.s32 s17, s7;
	s8 =	sadd.s32 @!p1 s5, s14  }
0x37: {  	[hbm4b:s11+s1] =	stream.linear.scatter [tilespmem:s24], [sflag:$0x6], $0x4000, $0x38;
	[tilespmem:$0x10200] =	vst v63  }
0x38: {  	s9 =	simm.s32 @!p1 $0x0;
	s8 =	sadd.s32 @!p1 $0x5220, s8  }
0x39: {  	[tilespmem:s9], [sflag:$0x1] =	stream.linear.gather @!p1 [hbm4b:s8+s9], $0x80, $0x38;
	[tilespmem:$0x10200] =	vst v63  }
0x3a: {  	p2 =	sgt.u32 @!p1 s19, $0x26;
	s8 =	sadd.s32 @!p1 s5, s15  }
0x3b: {  	p3 =	por p2, p1;
	s10 =	simm.s32 @!p1 $0x80;
	s8 =	sadd.s32 @!p1 $0x5220, s8  }
0x3c: {  	[tilespmem:s10], [sflag:$0x2] =	stream.linear.gather @!p1 [hbm4b:s8+s9], $0x80, $0x38;
	[tilespmem:$0x10200] =	vst v63  }
0x3d: {  	s8 =	simm.s32 @!p3 $0x7  }
0x3e: {  	_ =	swait.ge @!p3 [sflag:s8], $0x80  }
0x3f: {  	[sflag:s8] =	ssyncset.done @!p3 $0x0  }
0x40: {  	p4 =	seq.s32 @!p3 s5, $0x0;
	[sflag:s8] =	ssyncadd.s32 @!p3 $0xFFFFFF80;
	s8 =	simm.s32 @!p3 $0x8  }
0x41: {  	p4 =	por @!p1 p4, p2;
	_ =	swait.ge @!p3 [sflag:s8], $0x80  }
0x42: {  	p4 =	por p4, p1;
	[sflag:s8] =	ssyncset.done @!p3 $0x0  }
0x43: {  	[sflag:s8] =	ssyncadd.s32 @!p3 $0xFFFFFF80;
	s8 =	simm.s32 @!p4 $0xB  }
0x44: {  	_ =	swait.ge @!p4 [sflag:s8], $0x4000  }
0x45: {  	[sflag:s8] =	ssyncset.done @!p4 $0x0  }
0x46: {  	[sflag:s8] =	ssyncadd.s32 @!p4 $0xFFFFC000;
	s8 =	simm.s32 @!p4 $0xC  }
0x47: {  	_ =	swait.ge @!p4 [sflag:s8], $0x4000  }
0x48: {  	s9 =	simm.s32 @!p3 $0x8100;
	[sflag:s8] =	ssyncset.done @!p4 $0x0  }
0x49: {  	s10 =	simm.s32 @!p3 $0x8200;
	[sflag:s8] =	ssyncadd.s32 @!p4 $0xFFFFC000;
	s8 =	simm.s32 @!p3 $0x80  }
0x4a: {  	[tilespmem:s10], [sflag:$0x9] =	stream.indirect.gather @!p3 [hbm4b:s2+s8], $0x80, s9, s8, $0xb8;
	[tilespmem:$0x10200] =	vst v63  }
0x4b: {  	s11 =	simm.s32 @!p3 $0xC200;
	s9 =	simm.s32 @!p3 $0x8180  }
0x4c: {  	[tilespmem:s11], [sflag:$0xA] =	stream.indirect.gather @!p3 [hbm4b:s3+s8], $0x80, s9, s8, $0xb8;
	[tilespmem:$0x10200] =	vst v63  }
0x4d: {  	s8 =	simm.s32 @!p3 $0x9  }
0x4e: {  	_ =	swait.ge @!p3 [sflag:s8], $0x4000  }
0x4f: {  	[sflag:s8] =	ssyncset.done @!p3 $0x0  }
0x50: {  	[sflag:s8] =	ssyncadd.s32 @!p3 $0xFFFFC000;
	s8 =	simm.s32 @!p3 $0xA  }
0x51: {  	_ =	swait.ge @!p3 [sflag:s8], $0x4000  }
0x52: {  	s9 =	sadd.s32 @!p3 s16, s7;
	[sflag:s8] =	ssyncset.done @!p3 $0x0  }
0x53: {  	[sflag:s8] =	ssyncadd.s32 @!p3 $0xFFFFC000;
	s8 =	sadd.s32 @!p3 $0x10000, s9;
	s9 =	simm.s32 @!p3 $0x0  }
0x54: {  	[hbm4b:s8+s9] =	stream.linear.scatter @!p3 [tilespmem:s10], [sflag:$0xB], $0x4000, $0x38;
	[tilespmem:$0x10200] =	vst v63  }
0x55: {  	s8 =	sadd.s32 @!p3 s17, s7  }
0x56: {  	s8 =	sadd.s32 @!p3 $0x10000, s8  }
0x57: {  	[hbm4b:s8+s9] =	stream.linear.scatter @!p3 [tilespmem:s11], [sflag:$0xC], $0x4000, $0x38;
	[tilespmem:$0x10200] =	vst v63  }
0x58: {  	p3 =	sgt.u32 @!p3 s6, $0x11  }
0x59: {  	p2 =	por @!p1 p3, p2  }
0x5a: {  	p2 =	por p2, p1  }
0x5b: {  	s8 =	sadd.s32 @!p2 s5, s14  }
0x5c: {  	s9 =	simm.s32 @!p2 $0x0;
	s10 =	simm.s32 @!p2 $0x8100;
	s8 =	sadd.s32 @!p2 $0x5420, s8  }
0x5d: {  	[tilespmem:s10], [sflag:$0x7] =	stream.linear.gather @!p2 [hbm4b:s8+s9], $0x80, $0x38;
	[tilespmem:$0x10200] =	vst v63  }
0x5e: {  	s8 =	sadd.s32 @!p2 s5, s15  }
0x5f: {  	s10 =	simm.s32 @!p2 $0x8180;
	s5 =	sadd.s32 @!p1 $0x400, s5;
	s8 =	sadd.s32 @!p2 $0x5420, s8  }
0x60: {  	[tilespmem:s10], [sflag:$0x8] =	stream.linear.gather @!p2 [hbm4b:s8+s9], $0x80, $0x38;
	[tilespmem:$0x10200] =	vst v63  }
0x61: {  	p2 =	sne.s32 @!p1 s5, $0x5000  }
0x62: {  	p2 =	por p1, !p2  }
.Ltmp0:
0x63: {  	_ = 	snop;
	(pc) =	sbr.rel @!p2 .LBB2_2-.Ltmp0, $3  }
0x64: {  	_ =	sdelay $0x1  }
0x65: {  	s19 =	sadd.s32 @!p1 $0x2, s19  }
0x66: {  	s16 =	sadd.s32 @!p1 $0x20000, s16;
	s17 =	sadd.s32 @!p1 $0x20000, s17;
	s6 =	sadd.s32 @!p1 $0x1, s6  }
0x67: {  	_ =	swait.ge [sflag:s28], $0x4000  }
0x68: {  	[sflag:s28] =	ssyncset.done $0x0  }
0x69: {  	[sflag:s28] =	ssyncadd.s32 $0xFFFFC000  }
0x6a: {  	_ =	swait.ge [sflag:s29], $0x4000  }
0x6b: {  	[sflag:s29] =	ssyncset.done $0x0  }
0x6c: {  	[sflag:s29] =	ssyncadd.s32 $0xFFFFC000  }
0x6d: {  	_ =	swait.ge [sflag:s30], $0x4000  }
0x6e: {  	[sflag:s30] =	ssyncset.done $0x0  }
0x6f: {  	[sflag:s30] =	ssyncadd.s32 $0xFFFFC000  }
0x70: {  	_ =	swait.ge [sflag:s31], $0x4000  }
0x71: {  	[sflag:s31] =	ssyncset.done $0x0  }
0x72: {  	s5 =	simm.s32 @!p0 $0x0;
	s6 =	rddreg [dreg:$0x6];
	[sflag:s31] =	ssyncadd.s32 $0xFFFFC000  }
0x73: {  	[tilespmem:s5], [sflag:$0xD] =	stream.linear.gather @!p0 [hbm4b:s6+s5], $0x80, $0x38;
	[tilespmem:$0x10200] =	vst v63  }
0x74: {  	s6 =	simm.s32 @!p0 $0xD  }
0x75: {  	_ =	swait.ge @!p0 [sflag:s6], $0x80  }
0x76: {  	[sflag:s6] =	ssyncset.done @!p0 $0x0  }
0x77: {  	s8 =	simm.s32 @!p0 $0x80;
	s9 =	rddreg [dreg:$0x7];
	[sflag:s6] =	ssyncadd.s32 @!p0 $0xFFFFFF80  }
0x78: {  	[tilespmem:s8], [sflag:$0xD] =	stream.linear.gather @!p0 [hbm4b:s9+s5], $0x80, $0x38;
	[tilespmem:$0x10200] =	vst v63  }
0x79: {  	_ =	swait.ge @!p0 [sflag:s6], $0x80  }
0x7a: {  	[sflag:s6] =	ssyncset.done @!p0 $0x0  }
0x7b: {  	s9 =	simm.s32 @!p0 $0x100;
	[sflag:s6] =	ssyncadd.s32 @!p0 $0xFFFFFF80  }
0x7c: {  	[tilespmem:s9], [sflag:$0xD] =	stream.indirect.gather @!p0 [hbm4b:s2+s8], $0x80, s5, s8, $0xb8;
	[tilespmem:$0x10200] =	vst v63  }
0x7d: {  	_ =	swait.ge @!p0 [sflag:s6], $0x4000  }
0x7e: {  	[sflag:s6] =	ssyncset.done @!p0 $0x0  }
0x7f: {  	s10 =	simm.s32 @!p0 $0x4100;
	[sflag:s6] =	ssyncadd.s32 @!p0 $0xFFFFC000  }
0x80: {  	[tilespmem:s10], [sflag:$0xD] =	stream.indirect.gather @!p0 [hbm4b:s3+s8], $0x80, s8, s8, $0xb8;
	[tilespmem:$0x10200] =	vst v63  }
0x81: {  	_ =	swait.ge @!p0 [sflag:s6], $0x4000  }
0x82: {  	[sflag:s6] =	ssyncset.done @!p0 $0x0  }
0x83: {  	s8 =	rddreg [dreg:$0x8];
	[sflag:s6] =	ssyncadd.s32 @!p0 $0xFFFFC000  }
0x84: {  	[hbm4b:s8+s5] =	stream.linear.scatter @!p0 [tilespmem:s9], [sflag:$0xD], $0x4000, $0x38;
	[tilespmem:$0x10200] =	vst v63  }
0x85: {  	s0 =	sadd.s32 $0x1, s0;
	_ =	swait.ge @!p0 [sflag:s6], $0x4000  }
0x86: {  	p1 =	sne.s32 s0, s13;
	[sflag:s6] =	ssyncset.done @!p0 $0x0  }
.Ltmp1:
0x87: {  	[sflag:s6] =	ssyncadd.s32 @!p0 $0xFFFFC000;
	(pc) =	sbr.rel @p1 .LBB2_1-.Ltmp1, $4  }
0x88: {  	[hbm4b:s12+s5] =	stream.linear.scatter @!p0 [tilespmem:s10], [sflag:$0xD], $0x4000, $0x38;
	[tilespmem:$0x10200] =	vst v63  }
0x89: {  	_ =	swait.ge @!p0 [sflag:s6], $0x4000  }
0x8a: {  	[sflag:s6] =	ssyncset.done @!p0 $0x0  }
0x8b: {  	[sflag:s6] =	ssyncadd.s32 @!p0 $0xFFFFC000  }
0x8c: {  	_ =	sfence.sel $0x180000  }
0x8d: {  	[bflag:$0x0] =	sbarrier.arrive $0xFFFF  }
0x8e: {  	_ =	strace $0x90000053  }
0x8f: {  	[bflag:$0x2] =	sbarrier.arrive $0xFFFF  }
0x90: {  	s0 =	rddreg [dreg:$0x1]  }
0x91: {  	s0 =	sadd.s32 @!p0 $0x100000, s0  }
0x92: {  	[sflag:s0] =	ssyncadd.tile.s32 @!p0 $0x1;
	_ =	shalt  }
.Lfunc_end2:
_tile_overlayer_lowered:
.L_overlay_start_2:
0x93: {  	(tag) =	ssettag $0x2  }
0x94: {  	s0 =	rddreg [dreg:$0x0];
	s2 =	stileid.u32  }
0x95: {  	s1 =	rddreg [dreg:$0x1];
	p0 =	sne.s32 s2, $0x0  }
0x96: {  	s3 =	rddreg [dreg:$0x2];
	[bflag:$0x3] =	sbarrier.arrive $0xFFFF;
	s2 =	simm.s32 @!p0 $0x1C0D  }
0x97: {  	[timem:s3], [sflag:s2] =	dma.local @!p0 [hbm:s0], s1  }
0x98: {  	s0 =	simm.s32 @!p0 $0xD  }
0x99: {  	_ =	swait.ge @!p0 [sflag:s0], s1  }
0x9a: {  	s1 =	ssub.s32 @!p0 $0x0, s1;
	[sflag:s0] =	ssyncset.done @!p0 $0x0  }
0x9b: {  	[sflag:s0] =	ssyncadd.s32 @!p0 s1  }
0x9c: {  	[bflag:$0x3] =	sbarrier.arrive $0xFFFF  }
0x9d: {  	_ =	shalt  }

// kernel: kernel.39.cloned.1.call-start
scs
__scs_entry_jumppad:
0x0: {  	(pc) =	sbr.rel $0x88, $3  }
0x1: {  	(tag) =	ssettag $0x0;
	lr =	simm.s32 $0x1  }
0x2: {  	[smem:$0x3F96] =	sst lr;
	_ =	strace $0xD0000000  }
0x3: {  	_ = 	snop  }
0x4: {  	_ = 	snop  }
0x5: {  	_ = 	snop  }
0x6: {  	_ = 	snop  }
0x7: {  	_ = 	snop  }
__scs_overlays_trampoline_lowered:
0x8: {  	[smem:$0x3FA5] =	sst s0  }
0x9: {  	[smem:$0x3FA6] =	sst s1  }
0xa: {  	[smem:$0x3FA7] =	sst s2  }
0xb: {  	[smem:$0x3FA8] =	sst s3  }
0xc: {  	[smem:$0x3FA9] =	sst s4  }
0xd: {  	[smem:$0x3FAA] =	sst s5  }
0xe: {  	[smem:$0x3FAB] =	sst s6  }
0xf: {  	[smem:$0x3FAC] =	sst s7  }
0x10: {  	[smem:$0x3FAD] =	sst s8  }
0x11: {  	[smem:$0x3FAE] =	sst s9;
	s0 =	simm.s32 @!p0 $0x0  }
0x12: {  	s1 =	sld [smem:$0x3F94];
	s0 =	simm.s32 @p0 $0x1  }
0x13: {  	[smem:$0x3FAF] =	sst s0;
	s0 =	simm.s32 @!p1 $0x0  }
0x14: {  	s2 =	sld [smem:$0x3F93];
	s0 =	simm.s32 @p1 $0x1  }
0x15: {  	[smem:$0x3FB0] =	sst s0;
	s0 =	simm.s32 @!p2 $0x0  }
0x16: {  	s3 =	sld [smem:$0x3FDB];
	s0 =	simm.s32 @p2 $0x1  }
0x17: {  	s4 =	simm.s32 $0x1BF5;
	[smem:$0x3FB2] =	sst s0  }
0x18: {  	s0 =	sld [smem:$0x3F95];
	_ =	swait.ge [sflag:s4], $0x0  }
0x19: {  	s7 =	sld [smem:$0x3F96]  }
0x1a: {  	s8 =	sadd.s32 $0xFFFFE003, lr  }
0x1b: {  	s9 =	sadd.s32 $0xFFFFFEF7, lr;
	s5 =	simm.s32 $0xFFFFFFFF;
	p2 =	slt.u32 s8, $0xFFFFF086  }
0x1c: {  	p1 =	slt.u32 s9, $0xF7A;
	s5 =	simm.s32 @!p2 $0x0  }
0x1d: {  	s5 =	simm.s32 @p1 $0x1;
	p0 =	seq.s32 s7, s2  }
0x1e: {  	s7 =	smul.u32 @!p0 $0xF7A, s2;
	p2 =	seq.s32 @!p0 s5, $0x0  }
0x1f: {  	s9 =	smul.u32 $0xF7A, s1;
	s8 =	simm.s32 @!p0 $0x1BF5;
	p2 =	por !p2, p0  }
0x20: {  	[sflag:s8] =	ssyncset.s32 @!p0 $0xFFFFF086;
	s6 =	sadd.s32 @!p0 s3, s7;
	s7 =	simm.s32 @!p0 $0x108  }
0x21: {  	s3 =	sadd.s32 s3, s9;
	s6 =	sadd.s32 @!p0 $0x88, s6;
	s7 =	simm.s32 @p2 $0x1082  }
0x22: {  	[simem:s7], [sflag:s8] =	dma.local @!p0 [hbm:s6], $0xF7A  }
0x23: {  	s9 =	sor.u32 $0xD0000000, s2;
	s6 =	simm.s32 $0x108;
	_ =	swait.ge @!p0 [sflag:s8], $0x0  }
0x24: {  	s3 =	sadd.s32 $0x88, s3;
	s6 =	simm.s32 @!p1 $0x1082;
	[sflag:s4] =	ssyncset.s32 $0xFFFFF086  }
0x25: {  	[simem:s6], [sflag:s4] =	dma.local [hbm:s3], $0xF7A  }
0x26: {  	[smem:$0x3F96] =	sst s1;
	(tag) =	ssettag s2;
	_ =	strace s9  }
0x27: {  	s1 =	sld [smem:$0x3FA6]  }
0x28: {  	s2 =	sld [smem:$0x3FA7]  }
0x29: {  	s4 =	sld [smem:$0x3FA9]  }
0x2a: {  	p0 =	seq.s32 s5, $0x0;
	s5 =	sld [smem:$0x3FAA]  }
0x2b: {  	s6 =	sld [smem:$0x3FAB]  }
0x2c: {  	s7 =	sld [smem:$0x3FAC]  }
0x2d: {  	s3 =	simm.s32 $0x108;
	s8 =	sld [smem:$0x3FAD]  }
0x2e: {  	s3 =	simm.s32 @!p0 $0x1082;
	s9 =	sld [smem:$0x3FAE]  }
0x2f: {  	lr =	sadd.s32 s0, s3;
	s0 =	sld [smem:$0x3FA5]  }
0x30: {  	s3 =	sld [smem:$0x3FA8]  }
0x31: {  	[smem:$0x3FB1] =	sst s10  }
0x32: {  	s10 =	sld [smem:$0x3FAF];
	_ =	sdelay $0x3  }
0x33: {  	p0 =	seq.s32 s10, $0x1;
	s10 =	sld [smem:$0x3FB1];
	_ =	sdelay $0x3  }
0x34: {  	[smem:$0x3FB1] =	sst s10  }
0x35: {  	s10 =	sld [smem:$0x3FB0];
	_ =	sdelay $0x3  }
0x36: {  	p1 =	seq.s32 s10, $0x1;
	s10 =	sld [smem:$0x3FB1];
	_ =	sdelay $0x3  }
0x37: {  	[smem:$0x3FB1] =	sst s10  }
0x38: {  	s10 =	sld [smem:$0x3FB2]  }
0x39: {  	_ = 	snop;
	(pc) =	sbr.ind lr, $3  }
0x3a: {  	_ = 	snop  }
0x3b: {  	_ = 	snop  }
0x3c: {  	p2 =	seq.s32 s10, $0x1;
	s10 =	sld [smem:$0x3FB1]  }
0x3d: {  	_ =	shalt  }
0x3e: {  	_ =	shalt  }
0x3f: {  	_ =	shalt  }
0x40: {  	_ =	shalt  }
0x41: {  	_ =	shalt  }
0x42: {  	_ =	shalt  }
0x43: {  	_ =	shalt  }
0x44: {  	_ =	shalt  }
0x45: {  	_ =	shalt  }
0x46: {  	_ =	shalt  }
0x47: {  	_ =	shalt  }
0x48: {  	_ =	shalt  }
0x49: {  	_ =	shalt  }
0x4a: {  	_ =	shalt  }
0x4b: {  	_ =	shalt  }
0x4c: {  	_ =	shalt  }
0x4d: {  	_ =	shalt  }
0x4e: {  	_ =	shalt  }
0x4f: {  	_ =	shalt  }
0x50: {  	_ =	shalt  }
0x51: {  	_ =	shalt  }
0x52: {  	_ =	shalt  }
0x53: {  	_ =	shalt  }
0x54: {  	_ =	shalt  }
0x55: {  	_ =	shalt  }
0x56: {  	_ =	shalt  }
0x57: {  	_ =	shalt  }
0x58: {  	_ =	shalt  }
0x59: {  	_ =	shalt  }
0x5a: {  	_ =	shalt  }
0x5b: {  	_ =	shalt  }
0x5c: {  	_ =	shalt  }
0x5d: {  	_ =	shalt  }
0x5e: {  	_ =	shalt  }
0x5f: {  	_ =	shalt  }
0x60: {  	_ =	shalt  }
0x61: {  	_ =	shalt  }
0x62: {  	_ =	shalt  }
0x63: {  	_ =	shalt  }
0x64: {  	_ =	shalt  }
0x65: {  	_ =	shalt  }
0x66: {  	_ =	shalt  }
0x67: {  	_ =	shalt  }
0x68: {  	_ =	shalt  }
0x69: {  	_ =	shalt  }
0x6a: {  	_ =	shalt  }
0x6b: {  	_ =	shalt  }
0x6c: {  	_ =	shalt  }
0x6d: {  	_ =	shalt  }
0x6e: {  	_ =	shalt  }
0x6f: {  	_ =	shalt  }
0x70: {  	_ =	shalt  }
0x71: {  	_ =	shalt  }
0x72: {  	_ =	shalt  }
0x73: {  	_ =	shalt  }
0x74: {  	_ =	shalt  }
0x75: {  	_ =	shalt  }
0x76: {  	_ =	shalt  }
0x77: {  	_ =	shalt  }
0x78: {  	_ =	shalt  }
0x79: {  	_ =	shalt  }
0x7a: {  	_ =	shalt  }
0x7b: {  	_ =	shalt  }
0x7c: {  	_ =	shalt  }
0x7d: {  	_ =	shalt  }
0x7e: {  	_ =	shalt  }
0x7f: {  	_ =	shalt  }
0x80: {  	_ =	shalt  }
0x81: {  	_ =	shalt  }
0x82: {  	_ =	shalt  }
0x83: {  	_ =	shalt  }
0x84: {  	_ =	shalt  }
0x85: {  	_ =	shalt  }
0x86: {  	_ =	shalt  }
0x87: {  	_ =	shalt  }
.Lfunc_end0:
.L_simem_size_0:
called_computation.7_lowered:
.L_overlay_start_0:
0x88: {  	s2 =	sld [smem:$0x3FD9]  }
0x89: {  	s3 =	sld [smem:$0x3FFE];
	_ =	sdelay $0x1  }
0x8a: {  	s1 =	srdreg.scid  }
0x8b: {  	s0 =	sand.u32 $0x1, s1  }
0x8c: {  	s17 =	sshll.u32 s0, $0xA;
	s2 =	sadd.s32 s3, s2  }
0x8d: {  	s2 =	sadd.s32 s2, s17  }
0x8e: {  	[smem:$0x3FBD] =	sst s2  }
0x8f: {  	_ = 	snop  }
0x90: {  	(tm) =	ssettm $0x1  }
0x91: {  	s18 =	sld [smem:$0x3FFB];
	_ =	sdelay $0x3  }
0x92: {  	_ =	strace s18  }
0x93: {  	s2 =	sld [smem:$0x3FFC];
	_ =	sdelay $0x3  }
0x94: {  	_ =	strace s2  }
0x95: {  	s2 =	sld [smem:$0x3FFD];
	_ =	sdelay $0x3  }
0x96: {  	_ =	strace s2  }
0x97: {  	_ =	strace $0x8FFFFFFF  }
0x98: {  	s19 =	sld [smem:$0x3FDB];
	_ =	sdelay $0x1  }
0x99: {  	s20 =	simm.s32 $_scs_section_size  }
0x9a: {  	s4 =	simm.s32 $_size__tile_overlayer_lowered;
	s5 =	simm.s32 $_tile_overlayer_lowered  }
0x9b: {  	s6 =	simm.s32 $0x1BFF;
	s21 =	sshll.u32 s5, $0x1;
	s3 =	sadd.s32 s20, s19  }
0x9c: {  	s22 =	simm.s32 $0x0;
	s4 =	sshll.u32 s4, $0x1;
	s5 =	sadd.s32 s21, s3  }
0x9d: {  	[timem:s22], [sflag:s6] =	dma.local [hbm:s5], s4  }
0x9e: {  	_ =	swait.ge [sflag:s6], s4  }
0x9f: {  	s4 =	ssub.s32 $0x0, s4;
	[sflag:s6] =	ssyncset.done $0x0  }
0xa0: {  	[sflag:s6] =	ssyncadd.s32 s4;
	_ =	sdelay $0x1  }
0xa1: {  	s23 =	simm.s32 $0x1B8B  }
0xa2: {  	_ =	swait.ge [sflag:s23], $0x1  }
0xa3: {  	[sflag:s23] =	ssyncset.done $0x0  }
0xa4: {  	[sflag:s23] =	ssyncadd.s32 $0xFFFFFFFF  }
0xa5: {  	s4 =	sld [smem:$0x0]  }
0xa6: {  	s5 =	sand.u32 $0xFFFFFFFE, s1  }
0xa7: {  	p0 =	sne.s32 s1, s5  }
0xa8: {  	s5 =	sshll.u32 @p0 s5, $0xE  }
0xa9: {  	s5 =	sadd.s32 @p0 $0x11B8D, s5;
	s6 =	sshll.u32 @p0 s4, $0x11  }
0xaa: {  	s5 =	sor.u32 @p0 s6, s5  }
0xab: {  	[sflag:s5] =	ssyncadd.remote.s32 @p0 $0x1;
	_ =	sdelay $0x1  }
0xac: {  	s5 =	simm.s32 @p0 $0x1B8D  }
0xad: {  	_ =	swait.eq @p0 [sflag:s5], $0x1  }
0xae: {  	[sflag:s5] =	ssyncadd.s32 @p0 $0xFFFFFFFF  }
0xaf: {  	s6 =	sshll.u32 @!p0 s1, $0xE  }
0xb0: {  	s6 =	sor.u32 @!p0 $0x4000, s6;
	s5 =	simm.s32 @!p0 $0x1B8D  }
0xb1: {  	s4 =	sshll.u32 @!p0 s4, $0x11;
	s6 =	sadd.s32 @!p0 $0x11B8D, s6;
	_ =	swait.eq @!p0 [sflag:s5], $0x1  }
0xb2: {  	s4 =	sor.u32 @!p0 s4, s6;
	[sflag:s5] =	ssyncadd.s32 @!p0 $0xFFFFFFFF  }
0xb3: {  	s25 =	simm.s32 $0x1B8E;
	s24 =	sld [smem:$0x3FFE];
	[sflag:s4] =	ssyncadd.remote.s32 @!p0 $0x1  }
0xb4: {  	s26 =	simm.s32 $execute0_lowered;
	[smem:$0x3FD2] =	sst s25  }
0xb5: {  	s5 =	sshll.u32 s26, $0x1;
	_ =	strace $0x80000058;
	[dreg:$0x1] =	wrdreg $0xFFFFFFFF  }
0xb6: {  	s28 =	simm.s32 $_size_execute0_lowered;
	s3 =	sadd.s32 s3, s5;
	[dreg:$0x0] =	wrdreg $0x0  }
0xb7: {  	s5 =	sshll.u32 s28, $0x1;
	[dreg:$0x2] =	wrdreg s3  }
0xb8: {  	[dreg:$0x3] =	wrdreg s5  }
0xb9: {  	[dreg:$0x4] =	wrdreg $0xC0  }
0xba: {  	_ =	task [dreg:s22], $0x5FFFF  }
0xbb: {  	[dreg:$0x1] =	wrdreg $0xFFFFFFFF  }
0xbc: {  	[dreg:$0x0] =	wrdreg $0x60  }
0xbd: {  	[dreg:$0x2] =	wrdreg s24  }
0xbe: {  	[dreg:$0x3] =	wrdreg $0x0  }
0xbf: {  	[dreg:$0x4] =	wrdreg $0xA  }
0xc0: {  	_ =	task.clear_ibuf [dreg:s22], $0x5FFFF;
	_ =	strace $0x90000058  }
0xc1: {  	s29 =	simm.s32 $0xA;
	_ =	strace $0x8000005A  }
0xc2: {  	_ =	swait.ge [sflag:s29], $0x1  }
0xc3: {  	[sflag:s29] =	ssyncadd.s32 $0xFFFFFFFF  }
0xc4: {  	_ =	strace $0x9000005A  }
0xc5: {  	_ =	sfence  }
0xc6: {  	s30 =	sld [smem:$0x0];
	_ =	sdelay $0x2  }
0xc7: {  	s31 =	sshll.u32 s1, $0xD;
	s1 =	sshrl.u32 s1, $0x2  }
0xc8: {  	s4 =	sand.u32 $0x4000, s31;
	s1 =	sadd.s32 s1, s30  }
0xc9: {  	s0 =	sor.u32 s4, s0;
	s1 =	sshll.u32 s1, $0x11  }
0xca: {  	s0 =	sor.u32 s1, s0  }
0xcb: {  	s0 =	sadd.s32 $0x8F2B, s0  }
0xcc: {  	[sflag:s0] =	ssyncadd.remote.s32 $0x1  }
0xcd: {  	_ =	sfence.sel $0xFFFF  }
0xce: {  	[dreg:$0x0] =	wrdreg $0xFFFFFFFF;
	(pc) =	sbr.abs _section_cstart, $3  }
0xcf: {  	[dreg:$0x1] =	wrdreg $0xFFFFFFFF  }
0xd0: {  	_ =	task.clear_ibuf [dreg:s22], $0x2FFFF;
	_ =	strace $0x9FFFFFFF  }
0xd1: {  	(tm) =	ssettm $0x7FFFFFFF  }
tec
execute0_lowered:
.L_overlay_start_1:
0x0: {  	(tag) =	ssettag $0x1  }
0x1: {  	s0 =	rddreg [dreg:$0x0]  }
0x2: {  	s1 =	rddreg [dreg:$0x1];
	s2 =	simm.s32 $0x0;
	s3 =	stileid.u32  }
0x3: {  	s4 =	srdreg.scid;
	s28 =	simm.s32 $0x2;
	s29 =	simm.s32 $0x80  }
0x4: {  	s30 =	simm.s32 $0x3;
	s31 =	simm.s32 $0x4;
	[smem:$0x7FF] =	sst s2  }
0x5: {  	s8 =	smul.u32 $0x2700, s3;
	s5 =	sand.u32 $0x1, s4;
	s7 =	sadd.s32 $0x13CCA00, s0  }
0x6: {  	s17 =	sadd.s32 $0x13000, s0;
	s6 =	smul.u32 $0x4E000, s3;
	s10 =	sshll.u32 s3, $0x1  }
0x7: {  	s14 =	sshll.u32 s3, $0x6;
	s19 =	sadd.s32 $0x138000, s1;
	s23 =	sshll.u32 s3, $0x8  }
0x8: {  	p0 =	sne.s32 s3, $0x0;
	_ =	strace $0x80000059;
	s4 =	smul.u32 $0x27100, s5  }
0x9: {  	s12 =	ssub.s32 $0x2, s5;
	s10 =	sor.u32 s5, s10;
	[dreg:$0x5] =	wrdreg s19  }
0xa: {  	s22 =	sshll.u32 s5, $0xB;
	[dreg:$0x3] =	wrdreg s8;
	s8 =	sadd.s32 s8, s0  }
0xb: {  	s9 =	sshrl.u32 s12, $0x1;
	s6 =	sshrl.u32 s6, $0x2;
	s18 =	sshll.u32 s10, $0x4  }
0xc: {  	s21 =	sshll.u32 s10, $0xB;
	s15 =	sadd.s32 s4, s0;
	s16 =	ssub.s32 s12, s9  }
0xd: {  	s4 =	sadd.s32 s6, s1;
	s13 =	sadd.s32 $0x44000, s8;
	s6 =	sor.u32 $0x1C05, s14  }
0xe: {  	s11 =	sadd.s32 s17, s18;
	s0 =	sadd.s32 $0x6B000, s0;
	s10 =	sadd.s32 s7, s21  }
0xf: {  	s12 =	sshll.u32 s5, $0x4;
	s5 =	sshll.u32 s5, $0x7;
	[dreg:$0x4] =	wrdreg s13  }
0x10: {  	s18 =	sshll.u32 s3, $0xC;
	s21 =	simm.s32 $0x5;
	[dreg:$0x6] =	wrdreg s0  }
0x11: {  	s20 =	sadd.s32 $0x4E20, s11;
	s11 =	sadd.s32 $0x5020, s11;
	s13 =	sadd.s32 s12, s17  }
0x12: {  	s0 =	sadd.s32 s22, s7;
	s12 =	sadd.s32 $0x10000, s10;
	s15 =	sadd.s32 $0x80C400, s15  }
0x13: {  	s16 =	smax.u32 s16, $0x1;
	s5 =	sor.u32 s5, s23;
	s22 =	simm.s32 $0x13880  }
0x14: {  	s23 =	simm.s32 $0x13900;
	[dreg:$0x7] =	wrdreg s20;
	s13 =	sadd.s32 $0x9C20, s13  }
.Ltmp0:
0x15: {  	s14 =	sadd.s32 $0x270000, s0;
	s0 =	sadd.s32 s18, s0;
	(pc) =	sbr.rel .LBB2_1-.Ltmp0, $4  }
0x16: {  	s7 =	sadd.s32 $0x2A100, s5;
	s24 =	sadd.s32 $0x29100, s5;
	s20 =	sshrl.u32 s4, $0x3  }
0x17: {  	s5 =	sadd.s32 $0x30000, s0;
	s25 =	sshrl.u32 s7, $0x3;
	s26 =	sshrl.u32 s24, $0x3  }
0x18: {  	s24 =	simm.s32 $0x17900;
	s0 =	simm.s32 $0x0;
	s18 =	sadd.s32 s25, s17  }
0x19: {  	s19 =	sadd.s32 s26, s17;
	s25 =	simm.s32 $0x17980;
	s26 =	simm.s32 $0x1  }
.LBB2_4:
0x1a: {  	_ =	swait.ge [sflag:s26], $0x80  }
0x1b: {  	[sflag:s26] =	ssyncset.done $0x0  }
0x1c: {  	[sflag:s26] =	ssyncadd.s32 $0xFFFFFF80  }
0x1d: {  	_ =	swait.ge [sflag:s28], $0x4000  }
0x1e: {  	[sflag:s28] =	ssyncset.done $0x0  }
0x1f: {  	[sflag:s28] =	ssyncadd.s32 $0xFFFFC000  }
0x20: {  	[spmem:s1] =	stream.indirect.scatter.add.f32 [tilespmem:s23], [sflag:$0x5], $0x80, s22, s29, $0xb8;
	[tilespmem:$0x1B980] =	vst v63  }
0x21: {  	_ =	swait.ge [sflag:s21], $0x4000  }
0x22: {  	[sflag:s21] =	ssyncset.done $0x0  }
0x23: {  	[sflag:s21] =	ssyncadd.s32 $0xFFFFC000  }
0x24: {  	[bflag:$0x0] =	sbarrier.arrive @p0 $0xFFFF  }
0x25: {  	s7 =	rddreg [dreg:$0x3]  }
0x26: {  	s8 =	sshrl.u32 @p0 s4, $0x3;
	s7 =	sadd.s32 @p0 s7, s15  }
0x27: {  	[hbm:s7], [sflag:s6] =	dma.local @p0 [spmem:s8], $0x2700  }
0x28: {  	s7 =	simm.s32 @p0 $0x5  }
0x29: {  	_ =	swait.ge @p0 [sflag:s7], $0x2700  }
0x2a: {  	s17 =	simm.s32 @!p0 $0x5;
	[sflag:s7] =	ssyncset.done @p0 $0x0  }
0x2b: {  	s8 =	simm.s32 @!p0 $0x13880;
	[sflag:s7] =	ssyncadd.s32 @p0 $0xFFFFD900;
	s7 =	simm.s32 @!p0 $0x0  }
0x2c: {  	[tilespmem:s8], [sflag:$0x5] =	stream.linear.gather @!p0 [hbm4b:s13+s7], $0x80, $0x38;
	[tilespmem:$0x1B980] =	vst v63  }
0x2d: {  	_ =	swait.ge @!p0 [sflag:s17], $0x80  }
0x2e: {  	[sflag:s17] =	ssyncset.done @!p0 $0x0  }
0x2f: {  	s9 =	simm.s32 @!p0 $0x13900;
	[sflag:s17] =	ssyncadd.s32 @!p0 $0xFFFFFF80  }
0x30: {  	[tilespmem:s9], [sflag:$0x5] =	stream.linear.gather @!p0 [hbm4b:s14+s7], $0x4000, $0x38;
	[tilespmem:$0x1B980] =	vst v63  }
0x31: {  	_ =	swait.ge @!p0 [sflag:s17], $0x4000  }
0x32: {  	[sflag:s17] =	ssyncset.done @!p0 $0x0  }
0x33: {  	s7 =	simm.s32 @!p0 $0x80;
	[sflag:s17] =	ssyncadd.s32 @!p0 $0xFFFFC000  }
0x34: {  	[spmem:s1] =	stream.indirect.scatter.add.f32 @!p0 [tilespmem:s9], [sflag:$0x5], $0x80, s8, s7, $0xb8;
	[tilespmem:$0x1B980] =	vst v63  }
0x35: {  	_ =	swait.ge @!p0 [sflag:s17], $0x4000  }
0x36: {  	[sflag:s17] =	ssyncset.done @!p0 $0x0  }
0x37: {  	[sflag:s17] =	ssyncadd.s32 @!p0 $0xFFFFC000  }
0x38: {  	s7 =	sshrl.u32 @!p0 s4, $0x3;
	[bflag:$0x0] =	sbarrier.arrive @!p0 $0xFFFF  }
0x39: {  	[hbm:s15], [sflag:s6] =	dma.local @!p0 [spmem:s7], $0x2700  }
0x3a: {  	s0 =	sadd.s32 $0x1, s0;
	_ =	swait.ge @!p0 [sflag:s17], $0x2700  }
0x3b: {  	p1 =	sne.s32 s0, s16;
	[sflag:s17] =	ssyncset.done @!p0 $0x0  }
.Ltmp1:
0x3c: {  	s7 =	sadd.s32 @!p0 $0x27000, s15;
	[sflag:s17] =	ssyncadd.s32 @!p0 $0xFFFFD900;
	(pc) =	sbr.rel @!p1 .LBB2_5-.Ltmp1, $4  }
0x3d: {  	[hbm:s7], [sflag:s6] =	dma.local @!p0 [spmem:s3], $0x100  }
0x3e: {  	_ =	swait.ge @!p0 [sflag:s17], $0x100  }
0x3f: {  	[sflag:s17] =	ssyncset.done @!p0 $0x0  }
0x40: {  	[sflag:s17] =	ssyncadd.s32 @!p0 $0xFFFFFF00  }
.LBB2_1:
0x41: {  	s3 =	rddreg [dreg:$0x4]  }
0x42: {  	[spmem:s20], [sflag:s6] =	dma.local [hbm:s3], $0x2700  }
0x43: {  	_ =	swait.ge [sflag:s21], $0x2700  }
0x44: {  	[sflag:s21] =	ssyncset.done $0x0;
	s3 =	rddreg [dreg:$0x5]  }
0x45: {  	s7 =	rddreg [dreg:$0x6];
	[sflag:s21] =	ssyncadd.s32 $0xFFFFD900;
	s3 =	sshrl.u32 @!p0 s3, $0x3  }
0x46: {  	[spmem:s3], [sflag:s6] =	dma.local @!p0 [hbm:s7], $0x100  }
0x47: {  	s7 =	simm.s32 @!p0 $0x5  }
0x48: {  	_ =	swait.ge @!p0 [sflag:s7], $0x100  }
0x49: {  	[sflag:s7] =	ssyncset.done @!p0 $0x0  }
0x4a: {  	[sflag:s7] =	ssyncadd.s32 @!p0 $0xFFFFFF00  }
0x4b: {  	[bflag:$0x0] =	sbarrier.arrive $0xFFFF  }
0x4c: {  	s17 =	rddreg [dreg:$0x7]  }
0x4d: {  	[tilespmem:s22], [sflag:$0x1] =	stream.linear.gather [hbm4b:s17+s2], $0x80, $0x38;
	[tilespmem:$0x1B980] =	vst v63  }
0x4e: {  	_ = 	snop  }
0x4f: {  	[tilespmem:s23], [sflag:$0x2] =	stream.linear.gather [hbm4b:s10+s2], $0x4000, $0x38;
	[tilespmem:$0x1B980] =	vst v63  }
0x50: {  	_ = 	snop  }
0x51: {  	[tilespmem:s24], [sflag:$0x3] =	stream.linear.gather [hbm4b:s11+s2], $0x80, $0x38;
	[tilespmem:$0x1B980] =	vst v63  }
0x52: {  	s7 =	simm.s32 $0x0;
	s17 =	smov.u32 s5  }
0x53: {  	[tilespmem:s25], [sflag:$0x4] =	stream.linear.gather [hbm4b:s12+s2], $0x4000, $0x38;
	[tilespmem:$0x1B980] =	vst v63  }
.LBB2_2:
0x54: {  	_ =	swait.ge [sflag:s26], $0x80  }
0x55: {  	[sflag:s26] =	ssyncset.done $0x0  }
0x56: {  	[sflag:s26] =	ssyncadd.s32 $0xFFFFFF80  }
0x57: {  	_ =	swait.ge [sflag:s28], $0x4000  }
0x58: {  	[sflag:s28] =	ssyncset.done $0x0  }
0x59: {  	[sflag:s28] =	ssyncadd.s32 $0xFFFFC000  }
0x5a: {  	[spmem:s1] =	stream.indirect.scatter.add.f32 [tilespmem:s23], [sflag:$0x5], $0x80, s22, s29, $0xb8;
	[tilespmem:$0x1B980] =	vst v63  }
0x5b: {  	_ =	swait.ge [sflag:s21], $0x4000  }
0x5c: {  	[sflag:s21] =	ssyncset.done $0x0  }
0x5d: {  	s8 =	sadd.s32 s7, s19;
	[sflag:s21] =	ssyncadd.s32 $0xFFFFC000  }
0x5e: {  	[tilespmem:s22], [sflag:$0x1] =	stream.linear.gather [hbm4b:s8+s2], $0x80, $0x38;
	[tilespmem:$0x1B980] =	vst v63  }
0x5f: {  	s9 =	sadd.s32 $0xFFFF0000, s17  }
0x60: {  	[tilespmem:s23], [sflag:$0x2] =	stream.linear.gather [hbm4b:s9+s2], $0x4000, $0x38;
	[tilespmem:$0x1B980] =	vst v63  }
0x61: {  	_ =	swait.ge [sflag:s30], $0x80  }
0x62: {  	[sflag:s30] =	ssyncset.done $0x0  }
0x63: {  	[sflag:s30] =	ssyncadd.s32 $0xFFFFFF80  }
0x64: {  	_ =	swait.ge [sflag:s31], $0x4000  }
0x65: {  	p1 =	seq.s32 s7, $0x4800;
	[sflag:s31] =	ssyncset.done $0x0  }
.Ltmp2:
0x66: {  	[sflag:s31] =	ssyncadd.s32 $0xFFFFC000;
	(pc) =	sbr.rel @p1 .LBB2_4-.Ltmp2, $4  }
0x67: {  	[spmem:s1] =	stream.indirect.scatter.add.f32 [tilespmem:s25], [sflag:$0x5], $0x80, s24, s29, $0xb8;
	[tilespmem:$0x1B980] =	vst v63  }
0x68: {  	_ =	swait.ge [sflag:s21], $0x4000  }
0x69: {  	[sflag:s21] =	ssyncset.done $0x0  }
0x6a: {  	[sflag:s21] =	ssyncadd.s32 $0xFFFFC000  }
.Ltmp3:
0x6b: {  	s8 =	sadd.s32 s7, s18;
	(pc) =	sbr.rel .LBB2_2-.Ltmp3, $4  }
0x6c: {  	[tilespmem:s24], [sflag:$0x3] =	stream.linear.gather [hbm4b:s8+s2], $0x80, $0x38;
	[tilespmem:$0x1B980] =	vst v63  }
0x6d: {  	_ = 	snop  }
0x6e: {  	[tilespmem:s25], [sflag:$0x4] =	stream.linear.gather [hbm4b:s17+s2], $0x4000, $0x38;
	[tilespmem:$0x1B980] =	vst v63  }
0x6f: {  	s7 =	sadd.s32 $0x400, s7;
	s17 =	sadd.s32 $0x20000, s17  }
.LBB2_5:
0x70: {  	_ =	sfence.sel $0x180000  }
0x71: {  	[bflag:$0x0] =	sbarrier.arrive $0xFFFF  }
0x72: {  	_ =	strace $0x90000059  }
0x73: {  	[bflag:$0x2] =	sbarrier.arrive $0xFFFF  }
0x74: {  	s0 =	rddreg [dreg:$0x2]  }
0x75: {  	s0 =	sadd.s32 @!p0 $0x100000, s0  }
0x76: {  	[sflag:s0] =	ssyncadd.tile.s32 @!p0 $0x1;
	_ =	shalt  }
.Lfunc_end2:
_tile_overlayer_lowered:
.L_overlay_start_2:
0x77: {  	(tag) =	ssettag $0x2  }
0x78: {  	s0 =	rddreg [dreg:$0x0];
	s2 =	stileid.u32  }
0x79: {  	s1 =	rddreg [dreg:$0x1];
	p0 =	sne.s32 s2, $0x0  }
0x7a: {  	s3 =	rddreg [dreg:$0x2];
	[bflag:$0x3] =	sbarrier.arrive $0xFFFF;
	s2 =	simm.s32 @!p0 $0x1C05  }
0x7b: {  	[timem:s3], [sflag:s2] =	dma.local @!p0 [hbm:s0], s1  }
0x7c: {  	s0 =	simm.s32 @!p0 $0x5  }
0x7d: {  	_ =	swait.ge @!p0 [sflag:s0], s1  }
0x7e: {  	s1 =	ssub.s32 @!p0 $0x0, s1;
	[sflag:s0] =	ssyncset.done @!p0 $0x0  }
0x7f: {  	[sflag:s0] =	ssyncadd.s32 @!p0 s1  }
0x80: {  	[bflag:$0x3] =	sbarrier.arrive $0xFFFF  }
0x81: {  	_ =	shalt  }

</sc_bundles>
